<compile_context>
chip_gen: v7x
topology: tpu7x:2x2x1
jax: 0.10.2.dev20260603
libtpu: 0.0.44.dev20260713+nightly
codegen_flags: <defaults>
</compile_context>

<pallas_src>
import functools

import numpy as np
import jax
import jax.numpy as jnp
from jax import lax
from jax.experimental import pallas as pl
from jax.experimental.pallas import tpu as pltpu
from jax.experimental.pallas import tpu_sc as plsc

_VOCAB = 1000000
_EMB = 64
_CTX = 2048
_B = 4
_S = 2048
_SCALE = 8.0

_NC = 2
_NS = 16
_NW = _NC * _NS
_N = _B * _S
_CHUNK = _N // _NW
_LANES = 16
_NBUF = 8


def _pos_encoding() -> np.ndarray:
    half = _EMB // 2
    positions = np.arange(_CTX)[:, np.newaxis]
    depths = np.arange(half)[np.newaxis, :] / half
    angle_rads = positions * (1.0 / (10000.0 ** depths))
    pe = np.concatenate([np.sin(angle_rads), np.cos(angle_rads)], axis=-1)
    pe = np.tile(pe.astype(np.float32), (_B, 1))
    return np.ascontiguousarray(pe.reshape(_NW, _CHUNK, _EMB))


_PE = _pos_encoding()


def _sc_embed(x_flat, table_t, pe):
    mesh = plsc.VectorSubcoreMesh(core_axis_name="c", subcore_axis_name="s")

    @functools.partial(
        pl.kernel,
        mesh=mesh,
        compiler_params=pltpu.CompilerParams(needs_layout_passes=False),
        out_type=jax.ShapeDtypeStruct((_B, _EMB, _S), jnp.float32),
        scratch_types=[
            pltpu.VMEM((_CHUNK,), jnp.int32),
            pltpu.VMEM((_EMB, _CHUNK), jnp.float32),
            pltpu.VMEM((_CHUNK // 2, _EMB), jnp.float32),
        ]
        + [pltpu.VMEM((_EMB, 128), jnp.float32) for _ in range(_NBUF)]
        + [pltpu.SemaphoreType.DMA for _ in range(_NBUF)],
    )
    def k(x_hbm, table_hbm, pe_hbm, out_hbm, idx_v, rows_v, pe_v,
          s0, s1, s2, s3, s4, s5, s6, s7, m0, m1, m2, m3, m4, m5, m6, m7):
        slabs = (s0, s1, s2, s3, s4, s5, s6, s7)
        sems = (m0, m1, m2, m3, m4, m5, m6, m7)
        wid = lax.axis_index("s") * _NC + lax.axis_index("c")
        bb = wid >> 3
        ss = pl.multiple_of((wid & 7) * _CHUNK, _CHUNK)
        pltpu.sync_copy(x_hbm.at[bb, pl.ds(ss, _CHUNK)], idx_v)
        lanes = lax.iota(jnp.int32, _LANES)

        def fetch(xj, b):
            start = pl.multiple_of((xj >> 7) * 128, 128)
            pltpu.async_copy(
                table_hbm.at[:, pl.ds(start, 128)], slabs[b], sems[b]
            )

        v0 = idx_v[pl.ds(0, _LANES)]
        for t in range(_NBUF):
            fetch(v0[t], t)

        def make_group(half):
            def group(g, carry):
                v = idx_v[pl.ds(g * _LANES, _LANES)]
                for t in range(_LANES):
                    j = g * _LANES + t
                    pj = j - half * (_CHUNK // 2)
                    b = t % _NBUF
                    pltpu.make_async_copy(
                        table_hbm.at[:, pl.ds(0, 128)], slabs[b], sems[b]
                    ).wait()
                    xj = v[t]
                    lane = jnp.full((_LANES,), xj & 127, jnp.int32)
                    jv = jnp.full((_LANES,), j, jnp.int32)
                    for cc in range(_EMB // _LANES):
                        rowsel = lanes + (cc * _LANES)
                        col = plsc.load_gather(slabs[b], [rowsel, lane])
                        sl = pl.ds(cc * _LANES, _LANES)
                        plsc.store_scatter(
                            rows_v, [rowsel, jv], col * _SCALE + pe_v[pj, sl]
                        )
                    if t + _NBUF < _LANES:
                        fetch(v[t + _NBUF], b)
                    else:

                        @pl.when(g < _CHUNK // _LANES - 1)
                        def _():
                            vn = idx_v[pl.ds((g + 1) * _LANES, _LANES)]
                            fetch(vn[t + _NBUF - _LANES], b)

                return carry

            return group

        half_groups = _CHUNK // _LANES // 2
        for half in range(2):
            pltpu.sync_copy(
                pe_hbm.at[wid, pl.ds(half * (_CHUNK // 2), _CHUNK // 2)], pe_v
            )
            lax.fori_loop(
                half * half_groups, (half + 1) * half_groups, make_group(half), 0
            )
        pltpu.sync_copy(rows_v, out_hbm.at[bb, :, pl.ds(ss, _CHUNK)])

    return k(x_flat, table_t, pe)


def kernel(x, table):
    pe = jnp.asarray(_PE)
    out_t = _sc_embed(x.astype(jnp.int32), table.T, pe)
    return jnp.swapaxes(out_t, 1, 2)

# --- scband reference (transcript-rebuilt; emitter-appended) ---
"""Pipeline reference for scband-positional-embedding-71159018160461 (READ-ONLY COPY).

The authoritative reference and input builder live on the scoring server;
editing this copy changes nothing except your own understanding.
"""

import jax, jax.numpy as jnp
import numpy as np

VOCAB = 1000000
EMB = 64
CTX = 2048
B = 4
S = 2048


def positional_encoding(length, depth):
    half = depth // 2
    positions = np.arange(length)[:, np.newaxis]
    depths = np.arange(half)[np.newaxis, :] / half
    angle_rates = 1.0 / (10000.0 ** depths)
    angle_rads = positions * angle_rates
    pos_encoding = np.concatenate([np.sin(angle_rads), np.cos(angle_rads)], axis=-1)
    return jnp.asarray(pos_encoding, dtype=jnp.float32)


def setup_inputs(seed: int = 0):
    key = jax.random.key(seed)
    k1, k2 = jax.random.split(key)
    x = jax.random.randint(k1, (B, S), 0, VOCAB)
    table = jax.random.normal(k2, (VOCAB, EMB), dtype=jnp.float32) * 0.05
    return {"x": x, "table": table}


def reference(x, table):
    pe = positional_encoding(CTX, EMB)
    length = x.shape[1]
    emb = jnp.take(table, x, axis=0)
    emb = emb * jnp.sqrt(jnp.asarray(EMB, dtype=jnp.float32))
    out = emb + pe[jnp.newaxis, :length, :]
    return out

if __name__ == "__main__":
    import jax
    _d = setup_inputs()
    print(jax.jit(kernel)(*tuple(_d.values())))

</pallas_src>

<mosaic_0001>
#map = affine_map<(d0, d1) -> (0, 0)>
#map1 = affine_map<(d0, d1) -> (0, 0, 0)>
module attributes {stable_mosaic.version = 14 : i64} {
  func.func @k(%arg0: i32, %arg1: i32, %arg2: memref<4x2048xi32, #tpu.memory_space<hbm>>, %arg3: memref<64x1000000xf32, #tpu.memory_space<hbm>>, %arg4: memref<32x256x64xf32, #tpu.memory_space<hbm>>, %arg5: memref<4x64x2048xf32, #tpu.memory_space<hbm>>, %arg6: memref<256xi32, #tpu.memory_space<vmem>>, %arg7: memref<64x256xf32, #tpu.memory_space<vmem>>, %arg8: memref<128x64xf32, #tpu.memory_space<vmem>>, %arg9: memref<64x128xf32, #tpu.memory_space<vmem>>, %arg10: memref<64x128xf32, #tpu.memory_space<vmem>>, %arg11: memref<64x128xf32, #tpu.memory_space<vmem>>, %arg12: memref<64x128xf32, #tpu.memory_space<vmem>>, %arg13: memref<64x128xf32, #tpu.memory_space<vmem>>, %arg14: memref<64x128xf32, #tpu.memory_space<vmem>>, %arg15: memref<64x128xf32, #tpu.memory_space<vmem>>, %arg16: memref<64x128xf32, #tpu.memory_space<vmem>>, %arg17: memref<!tpu.dma_semaphore, #tpu.memory_space<semaphore_mem>>, %arg18: memref<!tpu.dma_semaphore, #tpu.memory_space<semaphore_mem>>, %arg19: memref<!tpu.dma_semaphore, #tpu.memory_space<semaphore_mem>>, %arg20: memref<!tpu.dma_semaphore, #tpu.memory_space<semaphore_mem>>, %arg21: memref<!tpu.dma_semaphore, #tpu.memory_space<semaphore_mem>>, %arg22: memref<!tpu.dma_semaphore, #tpu.memory_space<semaphore_mem>>, %arg23: memref<!tpu.dma_semaphore, #tpu.memory_space<semaphore_mem>>, %arg24: memref<!tpu.dma_semaphore, #tpu.memory_space<semaphore_mem>>) attributes {dimension_semantics = [#tpu.dimension_semantics<core_parallel>, #tpu.dimension_semantics<subcore_parallel>], iteration_bounds = array<i64: 2, 16>, scalar_prefetch = 0 : i64, scratch_operands = 19 : i64, tpu.core_type = #tpu.core_type<sc_vector_subcore>, window_params = [{transform_indices = #map}, {transform_indices = #map}, {transform_indices = #map1}, {transform_indices = #map1}]} {
    %mul3A = arith.constant 2 : i32
    %mul3A_0 = arith.muli %arg1, %mul3A : i32
    %add3A = arith.addi %mul3A_0, %arg0 : i32
    %shift_right_arithmetic3A = arith.constant 3 : i32
    %shift_right_arithmetic3A_1 = arith.shrsi %add3A, %shift_right_arithmetic3A : i32
    %and3A = arith.constant 7 : i32
    %and3A_2 = arith.andi %add3A, %and3A : i32
    %mul3A_3 = arith.constant 256 : i32
    %mul3A_4 = arith.muli %and3A_2, %mul3A_3 : i32
    %multiple_of3A = tpu.assume_multiple %mul3A_4, 256 : i32
    "tpu.region"() ({
      %run_scoped3A = tpu.sem_alloc : memref<!tpu.dma_semaphore, #tpu.memory_space<semaphore_mem>>
      %dma_start3A_102 = tpu.memref_slice %arg2[%shift_right_arithmetic3A_1, %multiple_of3A] : memref<4x2048xi32, #tpu.memory_space<hbm>> -> memref<1x256xi32, #tpu.memory_space<hbm>>
      %dma_start3A_103 = tpu.memref_squeeze %dma_start3A_102 : memref<1x256xi32, #tpu.memory_space<hbm>> -> memref<256xi32, #tpu.memory_space<hbm>>
      %dma_start3A_104 = tpu.memref_slice %arg2[%shift_right_arithmetic3A_1, %multiple_of3A] : memref<4x2048xi32, #tpu.memory_space<hbm>> -> memref<1x256xi32, #tpu.memory_space<hbm>>
      %dma_start3A_105 = tpu.memref_squeeze %dma_start3A_104 : memref<1x256xi32, #tpu.memory_space<hbm>> -> memref<256xi32, #tpu.memory_space<hbm>>
      tpu.enqueue_dma source(%dma_start3A_105 : memref<256xi32, #tpu.memory_space<hbm>>) target(%arg6 : memref<256xi32, #tpu.memory_space<vmem>>) target_semaphore(%run_scoped3A : memref<!tpu.dma_semaphore, #tpu.memory_space<semaphore_mem>>)
      %dma_wait3A = tpu.memref_slice %arg2[%shift_right_arithmetic3A_1, %multiple_of3A] : memref<4x2048xi32, #tpu.memory_space<hbm>> -> memref<1x256xi32, #tpu.memory_space<hbm>>
      %dma_wait3A_106 = tpu.memref_squeeze %dma_wait3A : memref<1x256xi32, #tpu.memory_space<hbm>> -> memref<256xi32, #tpu.memory_space<hbm>>
      %dma_wait3A_107 = tpu.memref_slice %arg2[%shift_right_arithmetic3A_1, %multiple_of3A] : memref<4x2048xi32, #tpu.memory_space<hbm>> -> memref<1x256xi32, #tpu.memory_space<hbm>>
      %dma_wait3A_108 = tpu.memref_squeeze %dma_wait3A_107 : memref<1x256xi32, #tpu.memory_space<hbm>> -> memref<256xi32, #tpu.memory_space<hbm>>
      tpu.wait_dma2 semaphore(%run_scoped3A : memref<!tpu.dma_semaphore, #tpu.memory_space<semaphore_mem>>) src(%dma_wait3A_108 : memref<256xi32, #tpu.memory_space<hbm>>) dst(%arg6 : memref<256xi32, #tpu.memory_space<vmem>>)
      tpu.yield
    }) : () -> ()
    %iota3A = tpu.iota {dimensions = array<i32: 0>} : vector<16xi32>
    %get3A = arith.constant 0 : index
    %get3A_5 = tpu.vector_load %arg6[%get3A] {strides = array<i32>} : memref<256xi32, #tpu.memory_space<vmem>>, vector<16xi32>,
    %slice3A = vector.extract_strided_slice %get3A_5 {offsets = [0], sizes = [1], strides = [1]} : vector<16xi32> to vector<1xi32>
    %squeeze3A = vector.extract %slice3A[0] : i32 from vector<1xi32>
    %shift_right_arithmetic3A_6 = arith.constant 7 : i32
    %shift_right_arithmetic3A_7 = arith.shrsi %squeeze3A, %shift_right_arithmetic3A_6 : i32
    %mul3A_8 = arith.constant 128 : i32
    %mul3A_9 = arith.muli %shift_right_arithmetic3A_7, %mul3A_8 : i32
    %multiple_of3A_10 = tpu.assume_multiple %mul3A_9, 128 : i32
    %dma_start3A = arith.constant 0 : i32
    %dma_start3A_11 = tpu.memref_slice %arg3[%dma_start3A, %multiple_of3A_10] : memref<64x1000000xf32, #tpu.memory_space<hbm>> -> memref<64x128xf32, #tpu.memory_space<hbm>>
    %dma_start3A_12 = arith.constant 0 : i32
    %dma_start3A_13 = tpu.memref_slice %arg3[%dma_start3A_12, %multiple_of3A_10] : memref<64x1000000xf32, #tpu.memory_space<hbm>> -> memref<64x128xf32, #tpu.memory_space<hbm>>
    tpu.enqueue_dma source(%dma_start3A_13 : memref<64x128xf32, #tpu.memory_space<hbm>>) target(%arg9 : memref<64x128xf32, #tpu.memory_space<vmem>>) target_semaphore(%arg17 : memref<!tpu.dma_semaphore, #tpu.memory_space<semaphore_mem>>)
    %slice3A_14 = vector.extract_strided_slice %get3A_5 {offsets = [1], sizes = [1], strides = [1]} : vector<16xi32> to vector<1xi32>
    %squeeze3A_15 = vector.extract %slice3A_14[0] : i32 from vector<1xi32>
    %shift_right_arithmetic3A_16 = arith.constant 7 : i32
    %shift_right_arithmetic3A_17 = arith.shrsi %squeeze3A_15, %shift_right_arithmetic3A_16 : i32
    %mul3A_18 = arith.constant 128 : i32
    %mul3A_19 = arith.muli %shift_right_arithmetic3A_17, %mul3A_18 : i32
    %multiple_of3A_20 = tpu.assume_multiple %mul3A_19, 128 : i32
    %dma_start3A_21 = arith.constant 0 : i32
    %dma_start3A_22 = tpu.memref_slice %arg3[%dma_start3A_21, %multiple_of3A_20] : memref<64x1000000xf32, #tpu.memory_space<hbm>> -> memref<64x128xf32, #tpu.memory_space<hbm>>
    %dma_start3A_23 = arith.constant 0 : i32
    %dma_start3A_24 = tpu.memref_slice %arg3[%dma_start3A_23, %multiple_of3A_20] : memref<64x1000000xf32, #tpu.memory_space<hbm>> -> memref<64x128xf32, #tpu.memory_space<hbm>>
    tpu.enqueue_dma source(%dma_start3A_24 : memref<64x128xf32, #tpu.memory_space<hbm>>) target(%arg10 : memref<64x128xf32, #tpu.memory_space<vmem>>) target_semaphore(%arg18 : memref<!tpu.dma_semaphore, #tpu.memory_space<semaphore_mem>>)
    %slice3A_25 = vector.extract_strided_slice %get3A_5 {offsets = [2], sizes = [1], strides = [1]} : vector<16xi32> to vector<1xi32>
    %squeeze3A_26 = vector.extract %slice3A_25[0] : i32 from vector<1xi32>
    %shift_right_arithmetic3A_27 = arith.constant 7 : i32
    %shift_right_arithmetic3A_28 = arith.shrsi %squeeze3A_26, %shift_right_arithmetic3A_27 : i32
    %mul3A_29 = arith.constant 128 : i32
    %mul3A_30 = arith.muli %shift_right_arithmetic3A_28, %mul3A_29 : i32
    %multiple_of3A_31 = tpu.assume_multiple %mul3A_30, 128 : i32
    %dma_start3A_32 = arith.constant 0 : i32
    %dma_start3A_33 = tpu.memref_slice %arg3[%dma_start3A_32, %multiple_of3A_31] : memref<64x1000000xf32, #tpu.memory_space<hbm>> -> memref<64x128xf32, #tpu.memory_space<hbm>>
    %dma_start3A_34 = arith.constant 0 : i32
    %dma_start3A_35 = tpu.memref_slice %arg3[%dma_start3A_34, %multiple_of3A_31] : memref<64x1000000xf32, #tpu.memory_space<hbm>> -> memref<64x128xf32, #tpu.memory_space<hbm>>
    tpu.enqueue_dma source(%dma_start3A_35 : memref<64x128xf32, #tpu.memory_space<hbm>>) target(%arg11 : memref<64x128xf32, #tpu.memory_space<vmem>>) target_semaphore(%arg19 : memref<!tpu.dma_semaphore, #tpu.memory_space<semaphore_mem>>)
    %slice3A_36 = vector.extract_strided_slice %get3A_5 {offsets = [3], sizes = [1], strides = [1]} : vector<16xi32> to vector<1xi32>
    %squeeze3A_37 = vector.extract %slice3A_36[0] : i32 from vector<1xi32>
    %shift_right_arithmetic3A_38 = arith.constant 7 : i32
    %shift_right_arithmetic3A_39 = arith.shrsi %squeeze3A_37, %shift_right_arithmetic3A_38 : i32
    %mul3A_40 = arith.constant 128 : i32
    %mul3A_41 = arith.muli %shift_right_arithmetic3A_39, %mul3A_40 : i32
    %multiple_of3A_42 = tpu.assume_multiple %mul3A_41, 128 : i32
    %dma_start3A_43 = arith.constant 0 : i32
    %dma_start3A_44 = tpu.memref_slice %arg3[%dma_start3A_43, %multiple_of3A_42] : memref<64x1000000xf32, #tpu.memory_space<hbm>> -> memref<64x128xf32, #tpu.memory_space<hbm>>
    %dma_start3A_45 = arith.constant 0 : i32
    %dma_start3A_46 = tpu.memref_slice %arg3[%dma_start3A_45, %multiple_of3A_42] : memref<64x1000000xf32, #tpu.memory_space<hbm>> -> memref<64x128xf32, #tpu.memory_space<hbm>>
    tpu.enqueue_dma source(%dma_start3A_46 : memref<64x128xf32, #tpu.memory_space<hbm>>) target(%arg12 : memref<64x128xf32, #tpu.memory_space<vmem>>) target_semaphore(%arg20 : memref<!tpu.dma_semaphore, #tpu.memory_space<semaphore_mem>>)
    %slice3A_47 = vector.extract_strided_slice %get3A_5 {offsets = [4], sizes = [1], strides = [1]} : vector<16xi32> to vector<1xi32>
    %squeeze3A_48 = vector.extract %slice3A_47[0] : i32 from vector<1xi32>
    %shift_right_arithmetic3A_49 = arith.constant 7 : i32
    %shift_right_arithmetic3A_50 = arith.shrsi %squeeze3A_48, %shift_right_arithmetic3A_49 : i32
    %mul3A_51 = arith.constant 128 : i32
    %mul3A_52 = arith.muli %shift_right_arithmetic3A_50, %mul3A_51 : i32
    %multiple_of3A_53 = tpu.assume_multiple %mul3A_52, 128 : i32
    %dma_start3A_54 = arith.constant 0 : i32
    %dma_start3A_55 = tpu.memref_slice %arg3[%dma_start3A_54, %multiple_of3A_53] : memref<64x1000000xf32, #tpu.memory_space<hbm>> -> memref<64x128xf32, #tpu.memory_space<hbm>>
    %dma_start3A_56 = arith.constant 0 : i32
    %dma_start3A_57 = tpu.memref_slice %arg3[%dma_start3A_56, %multiple_of3A_53] : memref<64x1000000xf32, #tpu.memory_space<hbm>> -> memref<64x128xf32, #tpu.memory_space<hbm>>
    tpu.enqueue_dma source(%dma_start3A_57 : memref<64x128xf32, #tpu.memory_space<hbm>>) target(%arg13 : memref<64x128xf32, #tpu.memory_space<vmem>>) target_semaphore(%arg21 : memref<!tpu.dma_semaphore, #tpu.memory_space<semaphore_mem>>)
    %slice3A_58 = vector.extract_strided_slice %get3A_5 {offsets = [5], sizes = [1], strides = [1]} : vector<16xi32> to vector<1xi32>
    %squeeze3A_59 = vector.extract %slice3A_58[0] : i32 from vector<1xi32>
    %shift_right_arithmetic3A_60 = arith.constant 7 : i32
    %shift_right_arithmetic3A_61 = arith.shrsi %squeeze3A_59, %shift_right_arithmetic3A_60 : i32
    %mul3A_62 = arith.constant 128 : i32
    %mul3A_63 = arith.muli %shift_right_arithmetic3A_61, %mul3A_62 : i32
    %multiple_of3A_64 = tpu.assume_multiple %mul3A_63, 128 : i32
    %dma_start3A_65 = arith.constant 0 : i32
    %dma_start3A_66 = tpu.memref_slice %arg3[%dma_start3A_65, %multiple_of3A_64] : memref<64x1000000xf32, #tpu.memory_space<hbm>> -> memref<64x128xf32, #tpu.memory_space<hbm>>
    %dma_start3A_67 = arith.constant 0 : i32
    %dma_start3A_68 = tpu.memref_slice %arg3[%dma_start3A_67, %multiple_of3A_64] : memref<64x1000000xf32, #tpu.memory_space<hbm>> -> memref<64x128xf32, #tpu.memory_space<hbm>>
    tpu.enqueue_dma source(%dma_start3A_68 : memref<64x128xf32, #tpu.memory_space<hbm>>) target(%arg14 : memref<64x128xf32, #tpu.memory_space<vmem>>) target_semaphore(%arg22 : memref<!tpu.dma_semaphore, #tpu.memory_space<semaphore_mem>>)
    %slice3A_69 = vector.extract_strided_slice %get3A_5 {offsets = [6], sizes = [1], strides = [1]} : vector<16xi32> to vector<1xi32>
    %squeeze3A_70 = vector.extract %slice3A_69[0] : i32 from vector<1xi32>
    %shift_right_arithmetic3A_71 = arith.constant 7 : i32
    %shift_right_arithmetic3A_72 = arith.shrsi %squeeze3A_70, %shift_right_arithmetic3A_71 : i32
    %mul3A_73 = arith.constant 128 : i32
    %mul3A_74 = arith.muli %shift_right_arithmetic3A_72, %mul3A_73 : i32
    %multiple_of3A_75 = tpu.assume_multiple %mul3A_74, 128 : i32
    %dma_start3A_76 = arith.constant 0 : i32
    %dma_start3A_77 = tpu.memref_slice %arg3[%dma_start3A_76, %multiple_of3A_75] : memref<64x1000000xf32, #tpu.memory_space<hbm>> -> memref<64x128xf32, #tpu.memory_space<hbm>>
    %dma_start3A_78 = arith.constant 0 : i32
    %dma_start3A_79 = tpu.memref_slice %arg3[%dma_start3A_78, %multiple_of3A_75] : memref<64x1000000xf32, #tpu.memory_space<hbm>> -> memref<64x128xf32, #tpu.memory_space<hbm>>
    tpu.enqueue_dma source(%dma_start3A_79 : memref<64x128xf32, #tpu.memory_space<hbm>>) target(%arg15 : memref<64x128xf32, #tpu.memory_space<vmem>>) target_semaphore(%arg23 : memref<!tpu.dma_semaphore, #tpu.memory_space<semaphore_mem>>)
    %slice3A_80 = vector.extract_strided_slice %get3A_5 {offsets = [7], sizes = [1], strides = [1]} : vector<16xi32> to vector<1xi32>
    %squeeze3A_81 = vector.extract %slice3A_80[0] : i32 from vector<1xi32>
    %shift_right_arithmetic3A_82 = arith.constant 7 : i32
    %shift_right_arithmetic3A_83 = arith.shrsi %squeeze3A_81, %shift_right_arithmetic3A_82 : i32
    %mul3A_84 = arith.constant 128 : i32
    %mul3A_85 = arith.muli %shift_right_arithmetic3A_83, %mul3A_84 : i32
    %multiple_of3A_86 = tpu.assume_multiple %mul3A_85, 128 : i32
    %dma_start3A_87 = arith.constant 0 : i32
    %dma_start3A_88 = tpu.memref_slice %arg3[%dma_start3A_87, %multiple_of3A_86] : memref<64x1000000xf32, #tpu.memory_space<hbm>> -> memref<64x128xf32, #tpu.memory_space<hbm>>
    %dma_start3A_89 = arith.constant 0 : i32
    %dma_start3A_90 = tpu.memref_slice %arg3[%dma_start3A_89, %multiple_of3A_86] : memref<64x1000000xf32, #tpu.memory_space<hbm>> -> memref<64x128xf32, #tpu.memory_space<hbm>>
    tpu.enqueue_dma source(%dma_start3A_90 : memref<64x128xf32, #tpu.memory_space<hbm>>) target(%arg16 : memref<64x128xf32, #tpu.memory_space<vmem>>) target_semaphore(%arg24 : memref<!tpu.dma_semaphore, #tpu.memory_space<semaphore_mem>>)
    "tpu.region"() ({
      %run_scoped3A = tpu.sem_alloc : memref<!tpu.dma_semaphore, #tpu.memory_space<semaphore_mem>>
      %dma_start3A_102 = arith.constant 0 : i32
      %dma_start3A_103 = arith.constant 0 : i32
      %dma_start3A_104 = tpu.memref_slice %arg4[%add3A, %dma_start3A_102, %dma_start3A_103] : memref<32x256x64xf32, #tpu.memory_space<hbm>> -> memref<1x128x64xf32, #tpu.memory_space<hbm>>
      %dma_start3A_105 = tpu.memref_squeeze %dma_start3A_104 : memref<1x128x64xf32, #tpu.memory_space<hbm>> -> memref<128x64xf32, #tpu.memory_space<hbm>>
      %dma_start3A_106 = arith.constant 0 : i32
      %dma_start3A_107 = arith.constant 0 : i32
      %dma_start3A_108 = tpu.memref_slice %arg4[%add3A, %dma_start3A_106, %dma_start3A_107] : memref<32x256x64xf32, #tpu.memory_space<hbm>> -> memref<1x128x64xf32, #tpu.memory_space<hbm>>
      %dma_start3A_109 = tpu.memref_squeeze %dma_start3A_108 : memref<1x128x64xf32, #tpu.memory_space<hbm>> -> memref<128x64xf32, #tpu.memory_space<hbm>>
      tpu.enqueue_dma source(%dma_start3A_109 : memref<128x64xf32, #tpu.memory_space<hbm>>) target(%arg8 : memref<128x64xf32, #tpu.memory_space<vmem>>) target_semaphore(%run_scoped3A : memref<!tpu.dma_semaphore, #tpu.memory_space<semaphore_mem>>)
      %dma_wait3A = arith.constant 0 : i32
      %dma_wait3A_110 = arith.constant 0 : i32
      %dma_wait3A_111 = tpu.memref_slice %arg4[%add3A, %dma_wait3A, %dma_wait3A_110] : memref<32x256x64xf32, #tpu.memory_space<hbm>> -> memref<1x128x64xf32, #tpu.memory_space<hbm>>
      %dma_wait3A_112 = tpu.memref_squeeze %dma_wait3A_111 : memref<1x128x64xf32, #tpu.memory_space<hbm>> -> memref<128x64xf32, #tpu.memory_space<hbm>>
      %dma_wait3A_113 = arith.constant 0 : i32
      %dma_wait3A_114 = arith.constant 0 : i32
      %dma_wait3A_115 = tpu.memref_slice %arg4[%add3A, %dma_wait3A_113, %dma_wait3A_114] : memref<32x256x64xf32, #tpu.memory_space<hbm>> -> memref<1x128x64xf32, #tpu.memory_space<hbm>>
      %dma_wait3A_116 = tpu.memref_squeeze %dma_wait3A_115 : memref<1x128x64xf32, #tpu.memory_space<hbm>> -> memref<128x64xf32, #tpu.memory_space<hbm>>
      tpu.wait_dma2 semaphore(%run_scoped3A : memref<!tpu.dma_semaphore, #tpu.memory_space<semaphore_mem>>) src(%dma_wait3A_116 : memref<128x64xf32, #tpu.memory_space<hbm>>) dst(%arg8 : memref<128x64xf32, #tpu.memory_space<vmem>>)
      tpu.yield
    }) : () -> ()
    %scan3A = arith.constant 0 : i32
    %scan3A_91 = arith.constant 0 : i32
    %scan3A_92 = arith.constant 8 : i32
    %scan3A_93 = arith.addi %scan3A_91, %scan3A_92 : i32
    %scan3A_94 = arith.constant 1 : i32
    scf.for %scan3A_102 = %scan3A_91 to %scan3A_93 step %scan3A_94  : i32 {
      %mul3A_103 = arith.constant 16 : i32
      %mul3A_104 = arith.muli %scan3A_102, %mul3A_103 : i32
      %get3A_105 = arith.index_cast %mul3A_104 : i32 to index
      %get3A_106 = tpu.vector_load %arg6[%get3A_105] {strides = array<i32>} : memref<256xi32, #tpu.memory_space<vmem>>, vector<16xi32>,
      %mul3A_107 = arith.constant 16 : i32
      %mul3A_108 = arith.muli %scan3A_102, %mul3A_107 : i32
      %add3A_109 = arith.constant 0 : i32
      %add3A_110 = arith.addi %mul3A_108, %add3A_109 : i32
      %sub3A = arith.constant 0 : i32
      %sub3A_111 = arith.subi %add3A_110, %sub3A : i32
      %dma_wait3A = arith.constant 0 : i32
      %dma_wait3A_112 = arith.constant 0 : i32
      %dma_wait3A_113 = tpu.memref_slice %arg3[%dma_wait3A, %dma_wait3A_112] : memref<64x1000000xf32, #tpu.memory_space<hbm>> -> memref<64x128xf32, #tpu.memory_space<hbm>>
      %dma_wait3A_114 = arith.constant 0 : i32
      %dma_wait3A_115 = arith.constant 0 : i32
      %dma_wait3A_116 = tpu.memref_slice %arg3[%dma_wait3A_114, %dma_wait3A_115] : memref<64x1000000xf32, #tpu.memory_space<hbm>> -> memref<64x128xf32, #tpu.memory_space<hbm>>
      tpu.wait_dma2 semaphore(%arg17 : memref<!tpu.dma_semaphore, #tpu.memory_space<semaphore_mem>>) src(%dma_wait3A_116 : memref<64x128xf32, #tpu.memory_space<hbm>>) dst(%arg9 : memref<64x128xf32, #tpu.memory_space<vmem>>)
      %slice3A_117 = vector.extract_strided_slice %get3A_106 {offsets = [0], sizes = [1], strides = [1]} : vector<16xi32> to vector<1xi32>
      %squeeze3A_118 = vector.extract %slice3A_117[0] : i32 from vector<1xi32>
      %and3A_119 = arith.constant 127 : i32
      %and3A_120 = arith.andi %squeeze3A_118, %and3A_119 : i32
      %broadcast_in_dim3A = vector.broadcast %and3A_120 : i32 to vector<16xi32>
      %broadcast_in_dim3A_121 = vector.broadcast %add3A_110 : i32 to vector<16xi32>
      %add3A_122 = arith.constant 0 : i32
      %add3A_123 = vector.broadcast %add3A_122 : i32 to vector<16xi32>
      %add3A_124 = arith.addi %iota3A, %add3A_123 : vector<16xi32>
      %gather3A = tpu.vector_load_idx %arg9[%add3A_124, %broadcast_in_dim3A] : memref<64x128xf32, #tpu.memory_space<vmem>>[vector<16xi32>, vector<16xi32>], vector<16xf32>,
      %mul3A_125 = arith.constant 8.000000e+00 : f32
      %mul3A_126 = vector.broadcast %mul3A_125 : f32 to vector<16xf32>
      %mul3A_127 = arith.mulf %gather3A, %mul3A_126 : vector<16xf32>
      %get3A_128 = arith.index_cast %sub3A_111 : i32 to index
      %get3A_129 = arith.constant 0 : index
      %get3A_130 = tpu.vector_load %arg8[%get3A_128, %get3A_129] {strides = array<i32>} : memref<128x64xf32, #tpu.memory_space<vmem>>, vector<16xf32>,
      %add3A_131 = arith.addf %mul3A_127, %get3A_130 : vector<16xf32>
      tpu.vector_store_idx %arg7[%add3A_124, %broadcast_in_dim3A_121], %add3A_131 : memref<64x256xf32, #tpu.memory_space<vmem>>[vector<16xi32>, vector<16xi32>], vector<16xf32>,
      %add3A_132 = arith.constant 16 : i32
      %add3A_133 = vector.broadcast %add3A_132 : i32 to vector<16xi32>
      %add3A_134 = arith.addi %iota3A, %add3A_133 : vector<16xi32>
      %gather3A_135 = tpu.vector_load_idx %arg9[%add3A_134, %broadcast_in_dim3A] : memref<64x128xf32, #tpu.memory_space<vmem>>[vector<16xi32>, vector<16xi32>], vector<16xf32>,
      %mul3A_136 = arith.constant 8.000000e+00 : f32
      %mul3A_137 = vector.broadcast %mul3A_136 : f32 to vector<16xf32>
      %mul3A_138 = arith.mulf %gather3A_135, %mul3A_137 : vector<16xf32>
      %get3A_139 = arith.index_cast %sub3A_111 : i32 to index
      %get3A_140 = arith.constant 16 : index
      %get3A_141 = tpu.vector_load %arg8[%get3A_139, %get3A_140] {strides = array<i32>} : memref<128x64xf32, #tpu.memory_space<vmem>>, vector<16xf32>,
      %add3A_142 = arith.addf %mul3A_138, %get3A_141 : vector<16xf32>
      tpu.vector_store_idx %arg7[%add3A_134, %broadcast_in_dim3A_121], %add3A_142 : memref<64x256xf32, #tpu.memory_space<vmem>>[vector<16xi32>, vector<16xi32>], vector<16xf32>,
      %add3A_143 = arith.constant 32 : i32
      %add3A_144 = vector.broadcast %add3A_143 : i32 to vector<16xi32>
      %add3A_145 = arith.addi %iota3A, %add3A_144 : vector<16xi32>
      %gather3A_146 = tpu.vector_load_idx %arg9[%add3A_145, %broadcast_in_dim3A] : memref<64x128xf32, #tpu.memory_space<vmem>>[vector<16xi32>, vector<16xi32>], vector<16xf32>,
      %mul3A_147 = arith.constant 8.000000e+00 : f32
      %mul3A_148 = vector.broadcast %mul3A_147 : f32 to vector<16xf32>
      %mul3A_149 = arith.mulf %gather3A_146, %mul3A_148 : vector<16xf32>
      %get3A_150 = arith.index_cast %sub3A_111 : i32 to index
      %get3A_151 = arith.constant 32 : index
      %get3A_152 = tpu.vector_load %arg8[%get3A_150, %get3A_151] {strides = array<i32>} : memref<128x64xf32, #tpu.memory_space<vmem>>, vector<16xf32>,
      %add3A_153 = arith.addf %mul3A_149, %get3A_152 : vector<16xf32>
      tpu.vector_store_idx %arg7[%add3A_145, %broadcast_in_dim3A_121], %add3A_153 : memref<64x256xf32, #tpu.memory_space<vmem>>[vector<16xi32>, vector<16xi32>], vector<16xf32>,
      %add3A_154 = arith.constant 48 : i32
      %add3A_155 = vector.broadcast %add3A_154 : i32 to vector<16xi32>
      %add3A_156 = arith.addi %iota3A, %add3A_155 : vector<16xi32>
      %gather3A_157 = tpu.vector_load_idx %arg9[%add3A_156, %broadcast_in_dim3A] : memref<64x128xf32, #tpu.memory_space<vmem>>[vector<16xi32>, vector<16xi32>], vector<16xf32>,
      %mul3A_158 = arith.constant 8.000000e+00 : f32
      %mul3A_159 = vector.broadcast %mul3A_158 : f32 to vector<16xf32>
      %mul3A_160 = arith.mulf %gather3A_157, %mul3A_159 : vector<16xf32>
      %get3A_161 = arith.index_cast %sub3A_111 : i32 to index
      %get3A_162 = arith.constant 48 : index
      %get3A_163 = tpu.vector_load %arg8[%get3A_161, %get3A_162] {strides = array<i32>} : memref<128x64xf32, #tpu.memory_space<vmem>>, vector<16xf32>,
      %add3A_164 = arith.addf %mul3A_160, %get3A_163 : vector<16xf32>
      tpu.vector_store_idx %arg7[%add3A_156, %broadcast_in_dim3A_121], %add3A_164 : memref<64x256xf32, #tpu.memory_space<vmem>>[vector<16xi32>, vector<16xi32>], vector<16xf32>,
      %slice3A_165 = vector.extract_strided_slice %get3A_106 {offsets = [8], sizes = [1], strides = [1]} : vector<16xi32> to vector<1xi32>
      %squeeze3A_166 = vector.extract %slice3A_165[0] : i32 from vector<1xi32>
      %shift_right_arithmetic3A_167 = arith.constant 7 : i32
      %shift_right_arithmetic3A_168 = arith.shrsi %squeeze3A_166, %shift_right_arithmetic3A_167 : i32
      %mul3A_169 = arith.constant 128 : i32
      %mul3A_170 = arith.muli %shift_right_arithmetic3A_168, %mul3A_169 : i32
      %multiple_of3A_171 = tpu.assume_multiple %mul3A_170, 128 : i32
      %dma_start3A_172 = arith.constant 0 : i32
      %dma_start3A_173 = tpu.memref_slice %arg3[%dma_start3A_172, %multiple_of3A_171] : memref<64x1000000xf32, #tpu.memory_space<hbm>> -> memref<64x128xf32, #tpu.memory_space<hbm>>
      %dma_start3A_174 = arith.constant 0 : i32
      %dma_start3A_175 = tpu.memref_slice %arg3[%dma_start3A_174, %multiple_of3A_171] : memref<64x1000000xf32, #tpu.memory_space<hbm>> -> memref<64x128xf32, #tpu.memory_space<hbm>>
      tpu.enqueue_dma source(%dma_start3A_175 : memref<64x128xf32, #tpu.memory_space<hbm>>) target(%arg9 : memref<64x128xf32, #tpu.memory_space<vmem>>) target_semaphore(%arg17 : memref<!tpu.dma_semaphore, #tpu.memory_space<semaphore_mem>>)
      %mul3A_176 = arith.constant 16 : i32
      %mul3A_177 = arith.muli %scan3A_102, %mul3A_176 : i32
      %add3A_178 = arith.constant 1 : i32
      %add3A_179 = arith.addi %mul3A_177, %add3A_178 : i32
      %sub3A_180 = arith.constant 0 : i32
      %sub3A_181 = arith.subi %add3A_179, %sub3A_180 : i32
      %dma_wait3A_182 = arith.constant 0 : i32
      %dma_wait3A_183 = arith.constant 0 : i32
      %dma_wait3A_184 = tpu.memref_slice %arg3[%dma_wait3A_182, %dma_wait3A_183] : memref<64x1000000xf32, #tpu.memory_space<hbm>> -> memref<64x128xf32, #tpu.memory_space<hbm>>
      %dma_wait3A_185 = arith.constant 0 : i32
      %dma_wait3A_186 = arith.constant 0 : i32
      %dma_wait3A_187 = tpu.memref_slice %arg3[%dma_wait3A_185, %dma_wait3A_186] : memref<64x1000000xf32, #tpu.memory_space<hbm>> -> memref<64x128xf32, #tpu.memory_space<hbm>>
      tpu.wait_dma2 semaphore(%arg18 : memref<!tpu.dma_semaphore, #tpu.memory_space<semaphore_mem>>) src(%dma_wait3A_187 : memref<64x128xf32, #tpu.memory_space<hbm>>) dst(%arg10 : memref<64x128xf32, #tpu.memory_space<vmem>>)
      %slice3A_188 = vector.extract_strided_slice %get3A_106 {offsets = [1], sizes = [1], strides = [1]} : vector<16xi32> to vector<1xi32>
      %squeeze3A_189 = vector.extract %slice3A_188[0] : i32 from vector<1xi32>
      %and3A_190 = arith.constant 127 : i32
      %and3A_191 = arith.andi %squeeze3A_189, %and3A_190 : i32
      %broadcast_in_dim3A_192 = vector.broadcast %and3A_191 : i32 to vector<16xi32>
      %broadcast_in_dim3A_193 = vector.broadcast %add3A_179 : i32 to vector<16xi32>
      %add3A_194 = arith.constant 0 : i32
      %add3A_195 = vector.broadcast %add3A_194 : i32 to vector<16xi32>
      %add3A_196 = arith.addi %iota3A, %add3A_195 : vector<16xi32>
      %gather3A_197 = tpu.vector_load_idx %arg10[%add3A_196, %broadcast_in_dim3A_192] : memref<64x128xf32, #tpu.memory_space<vmem>>[vector<16xi32>, vector<16xi32>], vector<16xf32>,
      %mul3A_198 = arith.constant 8.000000e+00 : f32
      %mul3A_199 = vector.broadcast %mul3A_198 : f32 to vector<16xf32>
      %mul3A_200 = arith.mulf %gather3A_197, %mul3A_199 : vector<16xf32>
      %get3A_201 = arith.index_cast %sub3A_181 : i32 to index
      %get3A_202 = arith.constant 0 : index
      %get3A_203 = tpu.vector_load %arg8[%get3A_201, %get3A_202] {strides = array<i32>} : memref<128x64xf32, #tpu.memory_space<vmem>>, vector<16xf32>,
      %add3A_204 = arith.addf %mul3A_200, %get3A_203 : vector<16xf32>
      tpu.vector_store_idx %arg7[%add3A_196, %broadcast_in_dim3A_193], %add3A_204 : memref<64x256xf32, #tpu.memory_space<vmem>>[vector<16xi32>, vector<16xi32>], vector<16xf32>,
      %add3A_205 = arith.constant 16 : i32
      %add3A_206 = vector.broadcast %add3A_205 : i32 to vector<16xi32>
      %add3A_207 = arith.addi %iota3A, %add3A_206 : vector<16xi32>
      %gather3A_208 = tpu.vector_load_idx %arg10[%add3A_207, %broadcast_in_dim3A_192] : memref<64x128xf32, #tpu.memory_space<vmem>>[vector<16xi32>, vector<16xi32>], vector<16xf32>,
      %mul3A_209 = arith.constant 8.000000e+00 : f32
      %mul3A_210 = vector.broadcast %mul3A_209 : f32 to vector<16xf32>
      %mul3A_211 = arith.mulf %gather3A_208, %mul3A_210 : vector<16xf32>
      %get3A_212 = arith.index_cast %sub3A_181 : i32 to index
      %get3A_213 = arith.constant 16 : index
      %get3A_214 = tpu.vector_load %arg8[%get3A_212, %get3A_213] {strides = array<i32>} : memref<128x64xf32, #tpu.memory_space<vmem>>, vector<16xf32>,
      %add3A_215 = arith.addf %mul3A_211, %get3A_214 : vector<16xf32>
      tpu.vector_store_idx %arg7[%add3A_207, %broadcast_in_dim3A_193], %add3A_215 : memref<64x256xf32, #tpu.memory_space<vmem>>[vector<16xi32>, vector<16xi32>], vector<16xf32>,
      %add3A_216 = arith.constant 32 : i32
      %add3A_217 = vector.broadcast %add3A_216 : i32 to vector<16xi32>
      %add3A_218 = arith.addi %iota3A, %add3A_217 : vector<16xi32>
      %gather3A_219 = tpu.vector_load_idx %arg10[%add3A_218, %broadcast_in_dim3A_192] : memref<64x128xf32, #tpu.memory_space<vmem>>[vector<16xi32>, vector<16xi32>], vector<16xf32>,
      %mul3A_220 = arith.constant 8.000000e+00 : f32
      %mul3A_221 = vector.broadcast %mul3A_220 : f32 to vector<16xf32>
      %mul3A_222 = arith.mulf %gather3A_219, %mul3A_221 : vector<16xf32>
      %get3A_223 = arith.index_cast %sub3A_181 : i32 to index
      %get3A_224 = arith.constant 32 : index
      %get3A_225 = tpu.vector_load %arg8[%get3A_223, %get3A_224] {strides = array<i32>} : memref<128x64xf32, #tpu.memory_space<vmem>>, vector<16xf32>,
      %add3A_226 = arith.addf %mul3A_222, %get3A_225 : vector<16xf32>
      tpu.vector_store_idx %arg7[%add3A_218, %broadcast_in_dim3A_193], %add3A_226 : memref<64x256xf32, #tpu.memory_space<vmem>>[vector<16xi32>, vector<16xi32>], vector<16xf32>,
      %add3A_227 = arith.constant 48 : i32
      %add3A_228 = vector.broadcast %add3A_227 : i32 to vector<16xi32>
      %add3A_229 = arith.addi %iota3A, %add3A_228 : vector<16xi32>
      %gather3A_230 = tpu.vector_load_idx %arg10[%add3A_229, %broadcast_in_dim3A_192] : memref<64x128xf32, #tpu.memory_space<vmem>>[vector<16xi32>, vector<16xi32>], vector<16xf32>,
      %mul3A_231 = arith.constant 8.000000e+00 : f32
      %mul3A_232 = vector.broadcast %mul3A_231 : f32 to vector<16xf32>
      %mul3A_233 = arith.mulf %gather3A_230, %mul3A_232 : vector<16xf32>
      %get3A_234 = arith.index_cast %sub3A_181 : i32 to index
      %get3A_235 = arith.constant 48 : index
      %get3A_236 = tpu.vector_load %arg8[%get3A_234, %get3A_235] {strides = array<i32>} : memref<128x64xf32, #tpu.memory_space<vmem>>, vector<16xf32>,
      %add3A_237 = arith.addf %mul3A_233, %get3A_236 : vector<16xf32>
      tpu.vector_store_idx %arg7[%add3A_229, %broadcast_in_dim3A_193], %add3A_237 : memref<64x256xf32, #tpu.memory_space<vmem>>[vector<16xi32>, vector<16xi32>], vector<16xf32>,
      %slice3A_238 = vector.extract_strided_slice %get3A_106 {offsets = [9], sizes = [1], strides = [1]} : vector<16xi32> to vector<1xi32>
      %squeeze3A_239 = vector.extract %slice3A_238[0] : i32 from vector<1xi32>
      %shift_right_arithmetic3A_240 = arith.constant 7 : i32
      %shift_right_arithmetic3A_241 = arith.shrsi %squeeze3A_239, %shift_right_arithmetic3A_240 : i32
      %mul3A_242 = arith.constant 128 : i32
      %mul3A_243 = arith.muli %shift_right_arithmetic3A_241, %mul3A_242 : i32
      %multiple_of3A_244 = tpu.assume_multiple %mul3A_243, 128 : i32
      %dma_start3A_245 = arith.constant 0 : i32
      %dma_start3A_246 = tpu.memref_slice %arg3[%dma_start3A_245, %multiple_of3A_244] : memref<64x1000000xf32, #tpu.memory_space<hbm>> -> memref<64x128xf32, #tpu.memory_space<hbm>>
      %dma_start3A_247 = arith.constant 0 : i32
      %dma_start3A_248 = tpu.memref_slice %arg3[%dma_start3A_247, %multiple_of3A_244] : memref<64x1000000xf32, #tpu.memory_space<hbm>> -> memref<64x128xf32, #tpu.memory_space<hbm>>
      tpu.enqueue_dma source(%dma_start3A_248 : memref<64x128xf32, #tpu.memory_space<hbm>>) target(%arg10 : memref<64x128xf32, #tpu.memory_space<vmem>>) target_semaphore(%arg18 : memref<!tpu.dma_semaphore, #tpu.memory_space<semaphore_mem>>)
      %mul3A_249 = arith.constant 16 : i32
      %mul3A_250 = arith.muli %scan3A_102, %mul3A_249 : i32
      %add3A_251 = arith.constant 2 : i32
      %add3A_252 = arith.addi %mul3A_250, %add3A_251 : i32
      %sub3A_253 = arith.constant 0 : i32
      %sub3A_254 = arith.subi %add3A_252, %sub3A_253 : i32
      %dma_wait3A_255 = arith.constant 0 : i32
      %dma_wait3A_256 = arith.constant 0 : i32
      %dma_wait3A_257 = tpu.memref_slice %arg3[%dma_wait3A_255, %dma_wait3A_256] : memref<64x1000000xf32, #tpu.memory_space<hbm>> -> memref<64x128xf32, #tpu.memory_space<hbm>>
      %dma_wait3A_258 = arith.constant 0 : i32
      %dma_wait3A_259 = arith.constant 0 : i32
      %dma_wait3A_260 = tpu.memref_slice %arg3[%dma_wait3A_258, %dma_wait3A_259] : memref<64x1000000xf32, #tpu.memory_space<hbm>> -> memref<64x128xf32, #tpu.memory_space<hbm>>
      tpu.wait_dma2 semaphore(%arg19 : memref<!tpu.dma_semaphore, #tpu.memory_space<semaphore_mem>>) src(%dma_wait3A_260 : memref<64x128xf32, #tpu.memory_space<hbm>>) dst(%arg11 : memref<64x128xf32, #tpu.memory_space<vmem>>)
      %slice3A_261 = vector.extract_strided_slice %get3A_106 {offsets = [2], sizes = [1], strides = [1]} : vector<16xi32> to vector<1xi32>
      %squeeze3A_262 = vector.extract %slice3A_261[0] : i32 from vector<1xi32>
      %and3A_263 = arith.constant 127 : i32
      %and3A_264 = arith.andi %squeeze3A_262, %and3A_263 : i32
      %broadcast_in_dim3A_265 = vector.broadcast %and3A_264 : i32 to vector<16xi32>
      %broadcast_in_dim3A_266 = vector.broadcast %add3A_252 : i32 to vector<16xi32>
      %add3A_267 = arith.constant 0 : i32
      %add3A_268 = vector.broadcast %add3A_267 : i32 to vector<16xi32>
      %add3A_269 = arith.addi %iota3A, %add3A_268 : vector<16xi32>
      %gather3A_270 = tpu.vector_load_idx %arg11[%add3A_269, %broadcast_in_dim3A_265] : memref<64x128xf32, #tpu.memory_space<vmem>>[vector<16xi32>, vector<16xi32>], vector<16xf32>,
      %mul3A_271 = arith.constant 8.000000e+00 : f32
      %mul3A_272 = vector.broadcast %mul3A_271 : f32 to vector<16xf32>
      %mul3A_273 = arith.mulf %gather3A_270, %mul3A_272 : vector<16xf32>
      %get3A_274 = arith.index_cast %sub3A_254 : i32 to index
      %get3A_275 = arith.constant 0 : index
      %get3A_276 = tpu.vector_load %arg8[%get3A_274, %get3A_275] {strides = array<i32>} : memref<128x64xf32, #tpu.memory_space<vmem>>, vector<16xf32>,
      %add3A_277 = arith.addf %mul3A_273, %get3A_276 : vector<16xf32>
      tpu.vector_store_idx %arg7[%add3A_269, %broadcast_in_dim3A_266], %add3A_277 : memref<64x256xf32, #tpu.memory_space<vmem>>[vector<16xi32>, vector<16xi32>], vector<16xf32>,
      %add3A_278 = arith.constant 16 : i32
      %add3A_279 = vector.broadcast %add3A_278 : i32 to vector<16xi32>
      %add3A_280 = arith.addi %iota3A, %add3A_279 : vector<16xi32>
      %gather3A_281 = tpu.vector_load_idx %arg11[%add3A_280, %broadcast_in_dim3A_265] : memref<64x128xf32, #tpu.memory_space<vmem>>[vector<16xi32>, vector<16xi32>], vector<16xf32>,
      %mul3A_282 = arith.constant 8.000000e+00 : f32
      %mul3A_283 = vector.broadcast %mul3A_282 : f32 to vector<16xf32>
      %mul3A_284 = arith.mulf %gather3A_281, %mul3A_283 : vector<16xf32>
      %get3A_285 = arith.index_cast %sub3A_254 : i32 to index
      %get3A_286 = arith.constant 16 : index
      %get3A_287 = tpu.vector_load %arg8[%get3A_285, %get3A_286] {strides = array<i32>} : memref<128x64xf32, #tpu.memory_space<vmem>>, vector<16xf32>,
      %add3A_288 = arith.addf %mul3A_284, %get3A_287 : vector<16xf32>
      tpu.vector_store_idx %arg7[%add3A_280, %broadcast_in_dim3A_266], %add3A_288 : memref<64x256xf32, #tpu.memory_space<vmem>>[vector<16xi32>, vector<16xi32>], vector<16xf32>,
      %add3A_289 = arith.constant 32 : i32
      %add3A_290 = vector.broadcast %add3A_289 : i32 to vector<16xi32>
      %add3A_291 = arith.addi %iota3A, %add3A_290 : vector<16xi32>
      %gather3A_292 = tpu.vector_load_idx %arg11[%add3A_291, %broadcast_in_dim3A_265] : memref<64x128xf32, #tpu.memory_space<vmem>>[vector<16xi32>, vector<16xi32>], vector<16xf32>,
      %mul3A_293 = arith.constant 8.000000e+00 : f32
      %mul3A_294 = vector.broadcast %mul3A_293 : f32 to vector<16xf32>
      %mul3A_295 = arith.mulf %gather3A_292, %mul3A_294 : vector<16xf32>
      %get3A_296 = arith.index_cast %sub3A_254 : i32 to index
      %get3A_297 = arith.constant 32 : index
      %get3A_298 = tpu.vector_load %arg8[%get3A_296, %get3A_297] {strides = array<i32>} : memref<128x64xf32, #tpu.memory_space<vmem>>, vector<16xf32>,
      %add3A_299 = arith.addf %mul3A_295, %get3A_298 : vector<16xf32>
      tpu.vector_store_idx %arg7[%add3A_291, %broadcast_in_dim3A_266], %add3A_299 : memref<64x256xf32, #tpu.memory_space<vmem>>[vector<16xi32>, vector<16xi32>], vector<16xf32>,
      %add3A_300 = arith.constant 48 : i32
      %add3A_301 = vector.broadcast %add3A_300 : i32 to vector<16xi32>
      %add3A_302 = arith.addi %iota3A, %add3A_301 : vector<16xi32>
      %gather3A_303 = tpu.vector_load_idx %arg11[%add3A_302, %broadcast_in_dim3A_265] : memref<64x128xf32, #tpu.memory_space<vmem>>[vector<16xi32>, vector<16xi32>], vector<16xf32>,
      %mul3A_304 = arith.constant 8.000000e+00 : f32
      %mul3A_305 = vector.broadcast %mul3A_304 : f32 to vector<16xf32>
      %mul3A_306 = arith.mulf %gather3A_303, %mul3A_305 : vector<16xf32>
      %get3A_307 = arith.index_cast %sub3A_254 : i32 to index
      %get3A_308 = arith.constant 48 : index
      %get3A_309 = tpu.vector_load %arg8[%get3A_307, %get3A_308] {strides = array<i32>} : memref<128x64xf32, #tpu.memory_space<vmem>>, vector<16xf32>,
      %add3A_310 = arith.addf %mul3A_306, %get3A_309 : vector<16xf32>
      tpu.vector_store_idx %arg7[%add3A_302, %broadcast_in_dim3A_266], %add3A_310 : memref<64x256xf32, #tpu.memory_space<vmem>>[vector<16xi32>, vector<16xi32>], vector<16xf32>,
      %slice3A_311 = vector.extract_strided_slice %get3A_106 {offsets = [10], sizes = [1], strides = [1]} : vector<16xi32> to vector<1xi32>
      %squeeze3A_312 = vector.extract %slice3A_311[0] : i32 from vector<1xi32>
      %shift_right_arithmetic3A_313 = arith.constant 7 : i32
      %shift_right_arithmetic3A_314 = arith.shrsi %squeeze3A_312, %shift_right_arithmetic3A_313 : i32
      %mul3A_315 = arith.constant 128 : i32
      %mul3A_316 = arith.muli %shift_right_arithmetic3A_314, %mul3A_315 : i32
      %multiple_of3A_317 = tpu.assume_multiple %mul3A_316, 128 : i32
      %dma_start3A_318 = arith.constant 0 : i32
      %dma_start3A_319 = tpu.memref_slice %arg3[%dma_start3A_318, %multiple_of3A_317] : memref<64x1000000xf32, #tpu.memory_space<hbm>> -> memref<64x128xf32, #tpu.memory_space<hbm>>
      %dma_start3A_320 = arith.constant 0 : i32
      %dma_start3A_321 = tpu.memref_slice %arg3[%dma_start3A_320, %multiple_of3A_317] : memref<64x1000000xf32, #tpu.memory_space<hbm>> -> memref<64x128xf32, #tpu.memory_space<hbm>>
      tpu.enqueue_dma source(%dma_start3A_321 : memref<64x128xf32, #tpu.memory_space<hbm>>) target(%arg11 : memref<64x128xf32, #tpu.memory_space<vmem>>) target_semaphore(%arg19 : memref<!tpu.dma_semaphore, #tpu.memory_space<semaphore_mem>>)
      %mul3A_322 = arith.constant 16 : i32
      %mul3A_323 = arith.muli %scan3A_102, %mul3A_322 : i32
      %add3A_324 = arith.constant 3 : i32
      %add3A_325 = arith.addi %mul3A_323, %add3A_324 : i32
      %sub3A_326 = arith.constant 0 : i32
      %sub3A_327 = arith.subi %add3A_325, %sub3A_326 : i32
      %dma_wait3A_328 = arith.constant 0 : i32
      %dma_wait3A_329 = arith.constant 0 : i32
      %dma_wait3A_330 = tpu.memref_slice %arg3[%dma_wait3A_328, %dma_wait3A_329] : memref<64x1000000xf32, #tpu.memory_space<hbm>> -> memref<64x128xf32, #tpu.memory_space<hbm>>
      %dma_wait3A_331 = arith.constant 0 : i32
      %dma_wait3A_332 = arith.constant 0 : i32
      %dma_wait3A_333 = tpu.memref_slice %arg3[%dma_wait3A_331, %dma_wait3A_332] : memref<64x1000000xf32, #tpu.memory_space<hbm>> -> memref<64x128xf32, #tpu.memory_space<hbm>>
      tpu.wait_dma2 semaphore(%arg20 : memref<!tpu.dma_semaphore, #tpu.memory_space<semaphore_mem>>) src(%dma_wait3A_333 : memref<64x128xf32, #tpu.memory_space<hbm>>) dst(%arg12 : memref<64x128xf32, #tpu.memory_space<vmem>>)
      %slice3A_334 = vector.extract_strided_slice %get3A_106 {offsets = [3], sizes = [1], strides = [1]} : vector<16xi32> to vector<1xi32>
      %squeeze3A_335 = vector.extract %slice3A_334[0] : i32 from vector<1xi32>
      %and3A_336 = arith.constant 127 : i32
      %and3A_337 = arith.andi %squeeze3A_335, %and3A_336 : i32
      %broadcast_in_dim3A_338 = vector.broadcast %and3A_337 : i32 to vector<16xi32>
      %broadcast_in_dim3A_339 = vector.broadcast %add3A_325 : i32 to vector<16xi32>
      %add3A_340 = arith.constant 0 : i32
      %add3A_341 = vector.broadcast %add3A_340 : i32 to vector<16xi32>
      %add3A_342 = arith.addi %iota3A, %add3A_341 : vector<16xi32>
      %gather3A_343 = tpu.vector_load_idx %arg12[%add3A_342, %broadcast_in_dim3A_338] : memref<64x128xf32, #tpu.memory_space<vmem>>[vector<16xi32>, vector<16xi32>], vector<16xf32>,
      %mul3A_344 = arith.constant 8.000000e+00 : f32
      %mul3A_345 = vector.broadcast %mul3A_344 : f32 to vector<16xf32>
      %mul3A_346 = arith.mulf %gather3A_343, %mul3A_345 : vector<16xf32>
      %get3A_347 = arith.index_cast %sub3A_327 : i32 to index
      %get3A_348 = arith.constant 0 : index
      %get3A_349 = tpu.vector_load %arg8[%get3A_347, %get3A_348] {strides = array<i32>} : memref<128x64xf32, #tpu.memory_space<vmem>>, vector<16xf32>,
      %add3A_350 = arith.addf %mul3A_346, %get3A_349 : vector<16xf32>
      tpu.vector_store_idx %arg7[%add3A_342, %broadcast_in_dim3A_339], %add3A_350 : memref<64x256xf32, #tpu.memory_space<vmem>>[vector<16xi32>, vector<16xi32>], vector<16xf32>,
      %add3A_351 = arith.constant 16 : i32
      %add3A_352 = vector.broadcast %add3A_351 : i32 to vector<16xi32>
      %add3A_353 = arith.addi %iota3A, %add3A_352 : vector<16xi32>
      %gather3A_354 = tpu.vector_load_idx %arg12[%add3A_353, %broadcast_in_dim3A_338] : memref<64x128xf32, #tpu.memory_space<vmem>>[vector<16xi32>, vector<16xi32>], vector<16xf32>,
      %mul3A_355 = arith.constant 8.000000e+00 : f32
      %mul3A_356 = vector.broadcast %mul3A_355 : f32 to vector<16xf32>
      %mul3A_357 = arith.mulf %gather3A_354, %mul3A_356 : vector<16xf32>
      %get3A_358 = arith.index_cast %sub3A_327 : i32 to index
      %get3A_359 = arith.constant 16 : index
      %get3A_360 = tpu.vector_load %arg8[%get3A_358, %get3A_359] {strides = array<i32>} : memref<128x64xf32, #tpu.memory_space<vmem>>, vector<16xf32>,
      %add3A_361 = arith.addf %mul3A_357, %get3A_360 : vector<16xf32>
      tpu.vector_store_idx %arg7[%add3A_353, %broadcast_in_dim3A_339], %add3A_361 : memref<64x256xf32, #tpu.memory_space<vmem>>[vector<16xi32>, vector<16xi32>], vector<16xf32>,
      %add3A_362 = arith.constant 32 : i32
      %add3A_363 = vector.broadcast %add3A_362 : i32 to vector<16xi32>
      %add3A_364 = arith.addi %iota3A, %add3A_363 : vector<16xi32>
      %gather3A_365 = tpu.vector_load_idx %arg12[%add3A_364, %broadcast_in_dim3A_338] : memref<64x128xf32, #tpu.memory_space<vmem>>[vector<16xi32>, vector<16xi32>], vector<16xf32>,
      %mul3A_366 = arith.constant 8.000000e+00 : f32
      %mul3A_367 = vector.broadcast %mul3A_366 : f32 to vector<16xf32>
      %mul3A_368 = arith.mulf %gather3A_365, %mul3A_367 : vector<16xf32>
      %get3A_369 = arith.index_cast %sub3A_327 : i32 to index
      %get3A_370 = arith.constant 32 : index
      %get3A_371 = tpu.vector_load %arg8[%get3A_369, %get3A_370] {strides = array<i32>} : memref<128x64xf32, #tpu.memory_space<vmem>>, vector<16xf32>,
      %add3A_372 = arith.addf %mul3A_368, %get3A_371 : vector<16xf32>
      tpu.vector_store_idx %arg7[%add3A_364, %broadcast_in_dim3A_339], %add3A_372 : memref<64x256xf32, #tpu.memory_space<vmem>>[vector<16xi32>, vector<16xi32>], vector<16xf32>,
      %add3A_373 = arith.constant 48 : i32
      %add3A_374 = vector.broadcast %add3A_373 : i32 to vector<16xi32>
      %add3A_375 = arith.addi %iota3A, %add3A_374 : vector<16xi32>
      %gather3A_376 = tpu.vector_load_idx %arg12[%add3A_375, %broadcast_in_dim3A_338] : memref<64x128xf32, #tpu.memory_space<vmem>>[vector<16xi32>, vector<16xi32>], vector<16xf32>,
      %mul3A_377 = arith.constant 8.000000e+00 : f32
      %mul3A_378 = vector.broadcast %mul3A_377 : f32 to vector<16xf32>
      %mul3A_379 = arith.mulf %gather3A_376, %mul3A_378 : vector<16xf32>
      %get3A_380 = arith.index_cast %sub3A_327 : i32 to index
      %get3A_381 = arith.constant 48 : index
      %get3A_382 = tpu.vector_load %arg8[%get3A_380, %get3A_381] {strides = array<i32>} : memref<128x64xf32, #tpu.memory_space<vmem>>, vector<16xf32>,
      %add3A_383 = arith.addf %mul3A_379, %get3A_382 : vector<16xf32>
      tpu.vector_store_idx %arg7[%add3A_375, %broadcast_in_dim3A_339], %add3A_383 : memref<64x256xf32, #tpu.memory_space<vmem>>[vector<16xi32>, vector<16xi32>], vector<16xf32>,
      %slice3A_384 = vector.extract_strided_slice %get3A_106 {offsets = [11], sizes = [1], strides = [1]} : vector<16xi32> to vector<1xi32>
      %squeeze3A_385 = vector.extract %slice3A_384[0] : i32 from vector<1xi32>
      %shift_right_arithmetic3A_386 = arith.constant 7 : i32
      %shift_right_arithmetic3A_387 = arith.shrsi %squeeze3A_385, %shift_right_arithmetic3A_386 : i32
      %mul3A_388 = arith.constant 128 : i32
      %mul3A_389 = arith.muli %shift_right_arithmetic3A_387, %mul3A_388 : i32
      %multiple_of3A_390 = tpu.assume_multiple %mul3A_389, 128 : i32
      %dma_start3A_391 = arith.constant 0 : i32
      %dma_start3A_392 = tpu.memref_slice %arg3[%dma_start3A_391, %multiple_of3A_390] : memref<64x1000000xf32, #tpu.memory_space<hbm>> -> memref<64x128xf32, #tpu.memory_space<hbm>>
      %dma_start3A_393 = arith.constant 0 : i32
      %dma_start3A_394 = tpu.memref_slice %arg3[%dma_start3A_393, %multiple_of3A_390] : memref<64x1000000xf32, #tpu.memory_space<hbm>> -> memref<64x128xf32, #tpu.memory_space<hbm>>
      tpu.enqueue_dma source(%dma_start3A_394 : memref<64x128xf32, #tpu.memory_space<hbm>>) target(%arg12 : memref<64x128xf32, #tpu.memory_space<vmem>>) target_semaphore(%arg20 : memref<!tpu.dma_semaphore, #tpu.memory_space<semaphore_mem>>)
      %mul3A_395 = arith.constant 16 : i32
      %mul3A_396 = arith.muli %scan3A_102, %mul3A_395 : i32
      %add3A_397 = arith.constant 4 : i32
      %add3A_398 = arith.addi %mul3A_396, %add3A_397 : i32
      %sub3A_399 = arith.constant 0 : i32
      %sub3A_400 = arith.subi %add3A_398, %sub3A_399 : i32
      %dma_wait3A_401 = arith.constant 0 : i32
      %dma_wait3A_402 = arith.constant 0 : i32
      %dma_wait3A_403 = tpu.memref_slice %arg3[%dma_wait3A_401, %dma_wait3A_402] : memref<64x1000000xf32, #tpu.memory_space<hbm>> -> memref<64x128xf32, #tpu.memory_space<hbm>>
      %dma_wait3A_404 = arith.constant 0 : i32
      %dma_wait3A_405 = arith.constant 0 : i32
      %dma_wait3A_406 = tpu.memref_slice %arg3[%dma_wait3A_404, %dma_wait3A_405] : memref<64x1000000xf32, #tpu.memory_space<hbm>> -> memref<64x128xf32, #tpu.memory_space<hbm>>
      tpu.wait_dma2 semaphore(%arg21 : memref<!tpu.dma_semaphore, #tpu.memory_space<semaphore_mem>>) src(%dma_wait3A_406 : memref<64x128xf32, #tpu.memory_space<hbm>>) dst(%arg13 : memref<64x128xf32, #tpu.memory_space<vmem>>)
      %slice3A_407 = vector.extract_strided_slice %get3A_106 {offsets = [4], sizes = [1], strides = [1]} : vector<16xi32> to vector<1xi32>
      %squeeze3A_408 = vector.extract %slice3A_407[0] : i32 from vector<1xi32>
      %and3A_409 = arith.constant 127 : i32
      %and3A_410 = arith.andi %squeeze3A_408, %and3A_409 : i32
      %broadcast_in_dim3A_411 = vector.broadcast %and3A_410 : i32 to vector<16xi32>
      %broadcast_in_dim3A_412 = vector.broadcast %add3A_398 : i32 to vector<16xi32>
      %add3A_413 = arith.constant 0 : i32
      %add3A_414 = vector.broadcast %add3A_413 : i32 to vector<16xi32>
      %add3A_415 = arith.addi %iota3A, %add3A_414 : vector<16xi32>
      %gather3A_416 = tpu.vector_load_idx %arg13[%add3A_415, %broadcast_in_dim3A_411] : memref<64x128xf32, #tpu.memory_space<vmem>>[vector<16xi32>, vector<16xi32>], vector<16xf32>,
      %mul3A_417 = arith.constant 8.000000e+00 : f32
      %mul3A_418 = vector.broadcast %mul3A_417 : f32 to vector<16xf32>
      %mul3A_419 = arith.mulf %gather3A_416, %mul3A_418 : vector<16xf32>
      %get3A_420 = arith.index_cast %sub3A_400 : i32 to index
      %get3A_421 = arith.constant 0 : index
      %get3A_422 = tpu.vector_load %arg8[%get3A_420, %get3A_421] {strides = array<i32>} : memref<128x64xf32, #tpu.memory_space<vmem>>, vector<16xf32>,
      %add3A_423 = arith.addf %mul3A_419, %get3A_422 : vector<16xf32>
      tpu.vector_store_idx %arg7[%add3A_415, %broadcast_in_dim3A_412], %add3A_423 : memref<64x256xf32, #tpu.memory_space<vmem>>[vector<16xi32>, vector<16xi32>], vector<16xf32>,
      %add3A_424 = arith.constant 16 : i32
      %add3A_425 = vector.broadcast %add3A_424 : i32 to vector<16xi32>
      %add3A_426 = arith.addi %iota3A, %add3A_425 : vector<16xi32>
      %gather3A_427 = tpu.vector_load_idx %arg13[%add3A_426, %broadcast_in_dim3A_411] : memref<64x128xf32, #tpu.memory_space<vmem>>[vector<16xi32>, vector<16xi32>], vector<16xf32>,
      %mul3A_428 = arith.constant 8.000000e+00 : f32
      %mul3A_429 = vector.broadcast %mul3A_428 : f32 to vector<16xf32>
      %mul3A_430 = arith.mulf %gather3A_427, %mul3A_429 : vector<16xf32>
      %get3A_431 = arith.index_cast %sub3A_400 : i32 to index
      %get3A_432 = arith.constant 16 : index
      %get3A_433 = tpu.vector_load %arg8[%get3A_431, %get3A_432] {strides = array<i32>} : memref<128x64xf32, #tpu.memory_space<vmem>>, vector<16xf32>,
      %add3A_434 = arith.addf %mul3A_430, %get3A_433 : vector<16xf32>
      tpu.vector_store_idx %arg7[%add3A_426, %broadcast_in_dim3A_412], %add3A_434 : memref<64x256xf32, #tpu.memory_space<vmem>>[vector<16xi32>, vector<16xi32>], vector<16xf32>,
      %add3A_435 = arith.constant 32 : i32
      %add3A_436 = vector.broadcast %add3A_435 : i32 to vector<16xi32>
      %add3A_437 = arith.addi %iota3A, %add3A_436 : vector<16xi32>
      %gather3A_438 = tpu.vector_load_idx %arg13[%add3A_437, %broadcast_in_dim3A_411] : memref<64x128xf32, #tpu.memory_space<vmem>>[vector<16xi32>, vector<16xi32>], vector<16xf32>,
      %mul3A_439 = arith.constant 8.000000e+00 : f32
      %mul3A_440 = vector.broadcast %mul3A_439 : f32 to vector<16xf32>
      %mul3A_441 = arith.mulf %gather3A_438, %mul3A_440 : vector<16xf32>
      %get3A_442 = arith.index_cast %sub3A_400 : i32 to index
      %get3A_443 = arith.constant 32 : index
      %get3A_444 = tpu.vector_load %arg8[%get3A_442, %get3A_443] {strides = array<i32>} : memref<128x64xf32, #tpu.memory_space<vmem>>, vector<16xf32>,
      %add3A_445 = arith.addf %mul3A_441, %get3A_444 : vector<16xf32>
      tpu.vector_store_idx %arg7[%add3A_437, %broadcast_in_dim3A_412], %add3A_445 : memref<64x256xf32, #tpu.memory_space<vmem>>[vector<16xi32>, vector<16xi32>], vector<16xf32>,
      %add3A_446 = arith.constant 48 : i32
      %add3A_447 = vector.broadcast %add3A_446 : i32 to vector<16xi32>
      %add3A_448 = arith.addi %iota3A, %add3A_447 : vector<16xi32>
      %gather3A_449 = tpu.vector_load_idx %arg13[%add3A_448, %broadcast_in_dim3A_411] : memref<64x128xf32, #tpu.memory_space<vmem>>[vector<16xi32>, vector<16xi32>], vector<16xf32>,
      %mul3A_450 = arith.constant 8.000000e+00 : f32
      %mul3A_451 = vector.broadcast %mul3A_450 : f32 to vector<16xf32>
      %mul3A_452 = arith.mulf %gather3A_449, %mul3A_451 : vector<16xf32>
      %get3A_453 = arith.index_cast %sub3A_400 : i32 to index
      %get3A_454 = arith.constant 48 : index
      %get3A_455 = tpu.vector_load %arg8[%get3A_453, %get3A_454] {strides = array<i32>} : memref<128x64xf32, #tpu.memory_space<vmem>>, vector<16xf32>,
      %add3A_456 = arith.addf %mul3A_452, %get3A_455 : vector<16xf32>
      tpu.vector_store_idx %arg7[%add3A_448, %broadcast_in_dim3A_412], %add3A_456 : memref<64x256xf32, #tpu.memory_space<vmem>>[vector<16xi32>, vector<16xi32>], vector<16xf32>,
      %slice3A_457 = vector.extract_strided_slice %get3A_106 {offsets = [12], sizes = [1], strides = [1]} : vector<16xi32> to vector<1xi32>
      %squeeze3A_458 = vector.extract %slice3A_457[0] : i32 from vector<1xi32>
      %shift_right_arithmetic3A_459 = arith.constant 7 : i32
      %shift_right_arithmetic3A_460 = arith.shrsi %squeeze3A_458, %shift_right_arithmetic3A_459 : i32
      %mul3A_461 = arith.constant 128 : i32
      %mul3A_462 = arith.muli %shift_right_arithmetic3A_460, %mul3A_461 : i32
      %multiple_of3A_463 = tpu.assume_multiple %mul3A_462, 128 : i32
      %dma_start3A_464 = arith.constant 0 : i32
      %dma_start3A_465 = tpu.memref_slice %arg3[%dma_start3A_464, %multiple_of3A_463] : memref<64x1000000xf32, #tpu.memory_space<hbm>> -> memref<64x128xf32, #tpu.memory_space<hbm>>
      %dma_start3A_466 = arith.constant 0 : i32
      %dma_start3A_467 = tpu.memref_slice %arg3[%dma_start3A_466, %multiple_of3A_463] : memref<64x1000000xf32, #tpu.memory_space<hbm>> -> memref<64x128xf32, #tpu.memory_space<hbm>>
      tpu.enqueue_dma source(%dma_start3A_467 : memref<64x128xf32, #tpu.memory_space<hbm>>) target(%arg13 : memref<64x128xf32, #tpu.memory_space<vmem>>) target_semaphore(%arg21 : memref<!tpu.dma_semaphore, #tpu.memory_space<semaphore_mem>>)
      %mul3A_468 = arith.constant 16 : i32
      %mul3A_469 = arith.muli %scan3A_102, %mul3A_468 : i32
      %add3A_470 = arith.constant 5 : i32
      %add3A_471 = arith.addi %mul3A_469, %add3A_470 : i32
      %sub3A_472 = arith.constant 0 : i32
      %sub3A_473 = arith.subi %add3A_471, %sub3A_472 : i32
      %dma_wait3A_474 = arith.constant 0 : i32
      %dma_wait3A_475 = arith.constant 0 : i32
      %dma_wait3A_476 = tpu.memref_slice %arg3[%dma_wait3A_474, %dma_wait3A_475] : memref<64x1000000xf32, #tpu.memory_space<hbm>> -> memref<64x128xf32, #tpu.memory_space<hbm>>
      %dma_wait3A_477 = arith.constant 0 : i32
      %dma_wait3A_478 = arith.constant 0 : i32
      %dma_wait3A_479 = tpu.memref_slice %arg3[%dma_wait3A_477, %dma_wait3A_478] : memref<64x1000000xf32, #tpu.memory_space<hbm>> -> memref<64x128xf32, #tpu.memory_space<hbm>>
      tpu.wait_dma2 semaphore(%arg22 : memref<!tpu.dma_semaphore, #tpu.memory_space<semaphore_mem>>) src(%dma_wait3A_479 : memref<64x128xf32, #tpu.memory_space<hbm>>) dst(%arg14 : memref<64x128xf32, #tpu.memory_space<vmem>>)
      %slice3A_480 = vector.extract_strided_slice %get3A_106 {offsets = [5], sizes = [1], strides = [1]} : vector<16xi32> to vector<1xi32>
      %squeeze3A_481 = vector.extract %slice3A_480[0] : i32 from vector<1xi32>
      %and3A_482 = arith.constant 127 : i32
      %and3A_483 = arith.andi %squeeze3A_481, %and3A_482 : i32
      %broadcast_in_dim3A_484 = vector.broadcast %and3A_483 : i32 to vector<16xi32>
      %broadcast_in_dim3A_485 = vector.broadcast %add3A_471 : i32 to vector<16xi32>
      %add3A_486 = arith.constant 0 : i32
      %add3A_487 = vector.broadcast %add3A_486 : i32 to vector<16xi32>
      %add3A_488 = arith.addi %iota3A, %add3A_487 : vector<16xi32>
      %gather3A_489 = tpu.vector_load_idx %arg14[%add3A_488, %broadcast_in_dim3A_484] : memref<64x128xf32, #tpu.memory_space<vmem>>[vector<16xi32>, vector<16xi32>], vector<16xf32>,
      %mul3A_490 = arith.constant 8.000000e+00 : f32
      %mul3A_491 = vector.broadcast %mul3A_490 : f32 to vector<16xf32>
      %mul3A_492 = arith.mulf %gather3A_489, %mul3A_491 : vector<16xf32>
      %get3A_493 = arith.index_cast %sub3A_473 : i32 to index
      %get3A_494 = arith.constant 0 : index
      %get3A_495 = tpu.vector_load %arg8[%get3A_493, %get3A_494] {strides = array<i32>} : memref<128x64xf32, #tpu.memory_space<vmem>>, vector<16xf32>,
      %add3A_496 = arith.addf %mul3A_492, %get3A_495 : vector<16xf32>
      tpu.vector_store_idx %arg7[%add3A_488, %broadcast_in_dim3A_485], %add3A_496 : memref<64x256xf32, #tpu.memory_space<vmem>>[vector<16xi32>, vector<16xi32>], vector<16xf32>,
      %add3A_497 = arith.constant 16 : i32
      %add3A_498 = vector.broadcast %add3A_497 : i32 to vector<16xi32>
      %add3A_499 = arith.addi %iota3A, %add3A_498 : vector<16xi32>
      %gather3A_500 = tpu.vector_load_idx %arg14[%add3A_499, %broadcast_in_dim3A_484] : memref<64x128xf32, #tpu.memory_space<vmem>>[vector<16xi32>, vector<16xi32>], vector<16xf32>,
      %mul3A_501 = arith.constant 8.000000e+00 : f32
      %mul3A_502 = vector.broadcast %mul3A_501 : f32 to vector<16xf32>
      %mul3A_503 = arith.mulf %gather3A_500, %mul3A_502 : vector<16xf32>
      %get3A_504 = arith.index_cast %sub3A_473 : i32 to index
      %get3A_505 = arith.constant 16 : index
      %get3A_506 = tpu.vector_load %arg8[%get3A_504, %get3A_505] {strides = array<i32>} : memref<128x64xf32, #tpu.memory_space<vmem>>, vector<16xf32>,
      %add3A_507 = arith.addf %mul3A_503, %get3A_506 : vector<16xf32>
      tpu.vector_store_idx %arg7[%add3A_499, %broadcast_in_dim3A_485], %add3A_507 : memref<64x256xf32, #tpu.memory_space<vmem>>[vector<16xi32>, vector<16xi32>], vector<16xf32>,
      %add3A_508 = arith.constant 32 : i32
      %add3A_509 = vector.broadcast %add3A_508 : i32 to vector<16xi32>
      %add3A_510 = arith.addi %iota3A, %add3A_509 : vector<16xi32>
      %gather3A_511 = tpu.vector_load_idx %arg14[%add3A_510, %broadcast_in_dim3A_484] : memref<64x128xf32, #tpu.memory_space<vmem>>[vector<16xi32>, vector<16xi32>], vector<16xf32>,
      %mul3A_512 = arith.constant 8.000000e+00 : f32
      %mul3A_513 = vector.broadcast %mul3A_512 : f32 to vector<16xf32>
      %mul3A_514 = arith.mulf %gather3A_511, %mul3A_513 : vector<16xf32>
      %get3A_515 = arith.index_cast %sub3A_473 : i32 to index
      %get3A_516 = arith.constant 32 : index
      %get3A_517 = tpu.vector_load %arg8[%get3A_515, %get3A_516] {strides = array<i32>} : memref<128x64xf32, #tpu.memory_space<vmem>>, vector<16xf32>,
      %add3A_518 = arith.addf %mul3A_514, %get3A_517 : vector<16xf32>
      tpu.vector_store_idx %arg7[%add3A_510, %broadcast_in_dim3A_485], %add3A_518 : memref<64x256xf32, #tpu.memory_space<vmem>>[vector<16xi32>, vector<16xi32>], vector<16xf32>,
      %add3A_519 = arith.constant 48 : i32
      %add3A_520 = vector.broadcast %add3A_519 : i32 to vector<16xi32>
      %add3A_521 = arith.addi %iota3A, %add3A_520 : vector<16xi32>
      %gather3A_522 = tpu.vector_load_idx %arg14[%add3A_521, %broadcast_in_dim3A_484] : memref<64x128xf32, #tpu.memory_space<vmem>>[vector<16xi32>, vector<16xi32>], vector<16xf32>,
      %mul3A_523 = arith.constant 8.000000e+00 : f32
      %mul3A_524 = vector.broadcast %mul3A_523 : f32 to vector<16xf32>
      %mul3A_525 = arith.mulf %gather3A_522, %mul3A_524 : vector<16xf32>
      %get3A_526 = arith.index_cast %sub3A_473 : i32 to index
      %get3A_527 = arith.constant 48 : index
      %get3A_528 = tpu.vector_load %arg8[%get3A_526, %get3A_527] {strides = array<i32>} : memref<128x64xf32, #tpu.memory_space<vmem>>, vector<16xf32>,
      %add3A_529 = arith.addf %mul3A_525, %get3A_528 : vector<16xf32>
      tpu.vector_store_idx %arg7[%add3A_521, %broadcast_in_dim3A_485], %add3A_529 : memref<64x256xf32, #tpu.memory_space<vmem>>[vector<16xi32>, vector<16xi32>], vector<16xf32>,
      %slice3A_530 = vector.extract_strided_slice %get3A_106 {offsets = [13], sizes = [1], strides = [1]} : vector<16xi32> to vector<1xi32>
      %squeeze3A_531 = vector.extract %slice3A_530[0] : i32 from vector<1xi32>
      %shift_right_arithmetic3A_532 = arith.constant 7 : i32
      %shift_right_arithmetic3A_533 = arith.shrsi %squeeze3A_531, %shift_right_arithmetic3A_532 : i32
      %mul3A_534 = arith.constant 128 : i32
      %mul3A_535 = arith.muli %shift_right_arithmetic3A_533, %mul3A_534 : i32
      %multiple_of3A_536 = tpu.assume_multiple %mul3A_535, 128 : i32
      %dma_start3A_537 = arith.constant 0 : i32
      %dma_start3A_538 = tpu.memref_slice %arg3[%dma_start3A_537, %multiple_of3A_536] : memref<64x1000000xf32, #tpu.memory_space<hbm>> -> memref<64x128xf32, #tpu.memory_space<hbm>>
      %dma_start3A_539 = arith.constant 0 : i32
      %dma_start3A_540 = tpu.memref_slice %arg3[%dma_start3A_539, %multiple_of3A_536] : memref<64x1000000xf32, #tpu.memory_space<hbm>> -> memref<64x128xf32, #tpu.memory_space<hbm>>
      tpu.enqueue_dma source(%dma_start3A_540 : memref<64x128xf32, #tpu.memory_space<hbm>>) target(%arg14 : memref<64x128xf32, #tpu.memory_space<vmem>>) target_semaphore(%arg22 : memref<!tpu.dma_semaphore, #tpu.memory_space<semaphore_mem>>)
      %mul3A_541 = arith.constant 16 : i32
      %mul3A_542 = arith.muli %scan3A_102, %mul3A_541 : i32
      %add3A_543 = arith.constant 6 : i32
      %add3A_544 = arith.addi %mul3A_542, %add3A_543 : i32
      %sub3A_545 = arith.constant 0 : i32
      %sub3A_546 = arith.subi %add3A_544, %sub3A_545 : i32
      %dma_wait3A_547 = arith.constant 0 : i32
      %dma_wait3A_548 = arith.constant 0 : i32
      %dma_wait3A_549 = tpu.memref_slice %arg3[%dma_wait3A_547, %dma_wait3A_548] : memref<64x1000000xf32, #tpu.memory_space<hbm>> -> memref<64x128xf32, #tpu.memory_space<hbm>>
      %dma_wait3A_550 = arith.constant 0 : i32
      %dma_wait3A_551 = arith.constant 0 : i32
      %dma_wait3A_552 = tpu.memref_slice %arg3[%dma_wait3A_550, %dma_wait3A_551] : memref<64x1000000xf32, #tpu.memory_space<hbm>> -> memref<64x128xf32, #tpu.memory_space<hbm>>
      tpu.wait_dma2 semaphore(%arg23 : memref<!tpu.dma_semaphore, #tpu.memory_space<semaphore_mem>>) src(%dma_wait3A_552 : memref<64x128xf32, #tpu.memory_space<hbm>>) dst(%arg15 : memref<64x128xf32, #tpu.memory_space<vmem>>)
      %slice3A_553 = vector.extract_strided_slice %get3A_106 {offsets = [6], sizes = [1], strides = [1]} : vector<16xi32> to vector<1xi32>
      %squeeze3A_554 = vector.extract %slice3A_553[0] : i32 from vector<1xi32>
      %and3A_555 = arith.constant 127 : i32
      %and3A_556 = arith.andi %squeeze3A_554, %and3A_555 : i32
      %broadcast_in_dim3A_557 = vector.broadcast %and3A_556 : i32 to vector<16xi32>
      %broadcast_in_dim3A_558 = vector.broadcast %add3A_544 : i32 to vector<16xi32>
      %add3A_559 = arith.constant 0 : i32
      %add3A_560 = vector.broadcast %add3A_559 : i32 to vector<16xi32>
      %add3A_561 = arith.addi %iota3A, %add3A_560 : vector<16xi32>
      %gather3A_562 = tpu.vector_load_idx %arg15[%add3A_561, %broadcast_in_dim3A_557] : memref<64x128xf32, #tpu.memory_space<vmem>>[vector<16xi32>, vector<16xi32>], vector<16xf32>,
      %mul3A_563 = arith.constant 8.000000e+00 : f32
      %mul3A_564 = vector.broadcast %mul3A_563 : f32 to vector<16xf32>
      %mul3A_565 = arith.mulf %gather3A_562, %mul3A_564 : vector<16xf32>
      %get3A_566 = arith.index_cast %sub3A_546 : i32 to index
      %get3A_567 = arith.constant 0 : index
      %get3A_568 = tpu.vector_load %arg8[%get3A_566, %get3A_567] {strides = array<i32>} : memref<128x64xf32, #tpu.memory_space<vmem>>, vector<16xf32>,
      %add3A_569 = arith.addf %mul3A_565, %get3A_568 : vector<16xf32>
      tpu.vector_store_idx %arg7[%add3A_561, %broadcast_in_dim3A_558], %add3A_569 : memref<64x256xf32, #tpu.memory_space<vmem>>[vector<16xi32>, vector<16xi32>], vector<16xf32>,
      %add3A_570 = arith.constant 16 : i32
      %add3A_571 = vector.broadcast %add3A_570 : i32 to vector<16xi32>
      %add3A_572 = arith.addi %iota3A, %add3A_571 : vector<16xi32>
      %gather3A_573 = tpu.vector_load_idx %arg15[%add3A_572, %broadcast_in_dim3A_557] : memref<64x128xf32, #tpu.memory_space<vmem>>[vector<16xi32>, vector<16xi32>], vector<16xf32>,
      %mul3A_574 = arith.constant 8.000000e+00 : f32
      %mul3A_575 = vector.broadcast %mul3A_574 : f32 to vector<16xf32>
      %mul3A_576 = arith.mulf %gather3A_573, %mul3A_575 : vector<16xf32>
      %get3A_577 = arith.index_cast %sub3A_546 : i32 to index
      %get3A_578 = arith.constant 16 : index
      %get3A_579 = tpu.vector_load %arg8[%get3A_577, %get3A_578] {strides = array<i32>} : memref<128x64xf32, #tpu.memory_space<vmem>>, vector<16xf32>,
      %add3A_580 = arith.addf %mul3A_576, %get3A_579 : vector<16xf32>
      tpu.vector_store_idx %arg7[%add3A_572, %broadcast_in_dim3A_558], %add3A_580 : memref<64x256xf32, #tpu.memory_space<vmem>>[vector<16xi32>, vector<16xi32>], vector<16xf32>,
      %add3A_581 = arith.constant 32 : i32
      %add3A_582 = vector.broadcast %add3A_581 : i32 to vector<16xi32>
      %add3A_583 = arith.addi %iota3A, %add3A_582 : vector<16xi32>
      %gather3A_584 = tpu.vector_load_idx %arg15[%add3A_583, %broadcast_in_dim3A_557] : memref<64x128xf32, #tpu.memory_space<vmem>>[vector<16xi32>, vector<16xi32>], vector<16xf32>,
      %mul3A_585 = arith.constant 8.000000e+00 : f32
      %mul3A_586 = vector.broadcast %mul3A_585 : f32 to vector<16xf32>
      %mul3A_587 = arith.mulf %gather3A_584, %mul3A_586 : vector<16xf32>
      %get3A_588 = arith.index_cast %sub3A_546 : i32 to index
      %get3A_589 = arith.constant 32 : index
      %get3A_590 = tpu.vector_load %arg8[%get3A_588, %get3A_589] {strides = array<i32>} : memref<128x64xf32, #tpu.memory_space<vmem>>, vector<16xf32>,
      %add3A_591 = arith.addf %mul3A_587, %get3A_590 : vector<16xf32>
      tpu.vector_store_idx %arg7[%add3A_583, %broadcast_in_dim3A_558], %add3A_591 : memref<64x256xf32, #tpu.memory_space<vmem>>[vector<16xi32>, vector<16xi32>], vector<16xf32>,
      %add3A_592 = arith.constant 48 : i32
      %add3A_593 = vector.broadcast %add3A_592 : i32 to vector<16xi32>
      %add3A_594 = arith.addi %iota3A, %add3A_593 : vector<16xi32>
      %gather3A_595 = tpu.vector_load_idx %arg15[%add3A_594, %broadcast_in_dim3A_557] : memref<64x128xf32, #tpu.memory_space<vmem>>[vector<16xi32>, vector<16xi32>], vector<16xf32>,
      %mul3A_596 = arith.constant 8.000000e+00 : f32
      %mul3A_597 = vector.broadcast %mul3A_596 : f32 to vector<16xf32>
      %mul3A_598 = arith.mulf %gather3A_595, %mul3A_597 : vector<16xf32>
      %get3A_599 = arith.index_cast %sub3A_546 : i32 to index
      %get3A_600 = arith.constant 48 : index
      %get3A_601 = tpu.vector_load %arg8[%get3A_599, %get3A_600] {strides = array<i32>} : memref<128x64xf32, #tpu.memory_space<vmem>>, vector<16xf32>,
      %add3A_602 = arith.addf %mul3A_598, %get3A_601 : vector<16xf32>
      tpu.vector_store_idx %arg7[%add3A_594, %broadcast_in_dim3A_558], %add3A_602 : memref<64x256xf32, #tpu.memory_space<vmem>>[vector<16xi32>, vector<16xi32>], vector<16xf32>,
      %slice3A_603 = vector.extract_strided_slice %get3A_106 {offsets = [14], sizes = [1], strides = [1]} : vector<16xi32> to vector<1xi32>
      %squeeze3A_604 = vector.extract %slice3A_603[0] : i32 from vector<1xi32>
      %shift_right_arithmetic3A_605 = arith.constant 7 : i32
      %shift_right_arithmetic3A_606 = arith.shrsi %squeeze3A_604, %shift_right_arithmetic3A_605 : i32
      %mul3A_607 = arith.constant 128 : i32
      %mul3A_608 = arith.muli %shift_right_arithmetic3A_606, %mul3A_607 : i32
      %multiple_of3A_609 = tpu.assume_multiple %mul3A_608, 128 : i32
      %dma_start3A_610 = arith.constant 0 : i32
      %dma_start3A_611 = tpu.memref_slice %arg3[%dma_start3A_610, %multiple_of3A_609] : memref<64x1000000xf32, #tpu.memory_space<hbm>> -> memref<64x128xf32, #tpu.memory_space<hbm>>
      %dma_start3A_612 = arith.constant 0 : i32
      %dma_start3A_613 = tpu.memref_slice %arg3[%dma_start3A_612, %multiple_of3A_609] : memref<64x1000000xf32, #tpu.memory_space<hbm>> -> memref<64x128xf32, #tpu.memory_space<hbm>>
      tpu.enqueue_dma source(%dma_start3A_613 : memref<64x128xf32, #tpu.memory_space<hbm>>) target(%arg15 : memref<64x128xf32, #tpu.memory_space<vmem>>) target_semaphore(%arg23 : memref<!tpu.dma_semaphore, #tpu.memory_space<semaphore_mem>>)
      %mul3A_614 = arith.constant 16 : i32
      %mul3A_615 = arith.muli %scan3A_102, %mul3A_614 : i32
      %add3A_616 = arith.constant 7 : i32
      %add3A_617 = arith.addi %mul3A_615, %add3A_616 : i32
      %sub3A_618 = arith.constant 0 : i32
      %sub3A_619 = arith.subi %add3A_617, %sub3A_618 : i32
      %dma_wait3A_620 = arith.constant 0 : i32
      %dma_wait3A_621 = arith.constant 0 : i32
      %dma_wait3A_622 = tpu.memref_slice %arg3[%dma_wait3A_620, %dma_wait3A_621] : memref<64x1000000xf32, #tpu.memory_space<hbm>> -> memref<64x128xf32, #tpu.memory_space<hbm>>
      %dma_wait3A_623 = arith.constant 0 : i32
      %dma_wait3A_624 = arith.constant 0 : i32
      %dma_wait3A_625 = tpu.memref_slice %arg3[%dma_wait3A_623, %dma_wait3A_624] : memref<64x1000000xf32, #tpu.memory_space<hbm>> -> memref<64x128xf32, #tpu.memory_space<hbm>>
      tpu.wait_dma2 semaphore(%arg24 : memref<!tpu.dma_semaphore, #tpu.memory_space<semaphore_mem>>) src(%dma_wait3A_625 : memref<64x128xf32, #tpu.memory_space<hbm>>) dst(%arg16 : memref<64x128xf32, #tpu.memory_space<vmem>>)
      %slice3A_626 = vector.extract_strided_slice %get3A_106 {offsets = [7], sizes = [1], strides = [1]} : vector<16xi32> to vector<1xi32>
      %squeeze3A_627 = vector.extract %slice3A_626[0] : i32 from vector<1xi32>
      %and3A_628 = arith.constant 127 : i32
      %and3A_629 = arith.andi %squeeze3A_627, %and3A_628 : i32
      %broadcast_in_dim3A_630 = vector.broadcast %and3A_629 : i32 to vector<16xi32>
      %broadcast_in_dim3A_631 = vector.broadcast %add3A_617 : i32 to vector<16xi32>
      %add3A_632 = arith.constant 0 : i32
      %add3A_633 = vector.broadcast %add3A_632 : i32 to vector<16xi32>
      %add3A_634 = arith.addi %iota3A, %add3A_633 : vector<16xi32>
      %gather3A_635 = tpu.vector_load_idx %arg16[%add3A_634, %broadcast_in_dim3A_630] : memref<64x128xf32, #tpu.memory_space<vmem>>[vector<16xi32>, vector<16xi32>], vector<16xf32>,
      %mul3A_636 = arith.constant 8.000000e+00 : f32
      %mul3A_637 = vector.broadcast %mul3A_636 : f32 to vector<16xf32>
      %mul3A_638 = arith.mulf %gather3A_635, %mul3A_637 : vector<16xf32>
      %get3A_639 = arith.index_cast %sub3A_619 : i32 to index
      %get3A_640 = arith.constant 0 : index
      %get3A_641 = tpu.vector_load %arg8[%get3A_639, %get3A_640] {strides = array<i32>} : memref<128x64xf32, #tpu.memory_space<vmem>>, vector<16xf32>,
      %add3A_642 = arith.addf %mul3A_638, %get3A_641 : vector<16xf32>
      tpu.vector_store_idx %arg7[%add3A_634, %broadcast_in_dim3A_631], %add3A_642 : memref<64x256xf32, #tpu.memory_space<vmem>>[vector<16xi32>, vector<16xi32>], vector<16xf32>,
      %add3A_643 = arith.constant 16 : i32
      %add3A_644 = vector.broadcast %add3A_643 : i32 to vector<16xi32>
      %add3A_645 = arith.addi %iota3A, %add3A_644 : vector<16xi32>
      %gather3A_646 = tpu.vector_load_idx %arg16[%add3A_645, %broadcast_in_dim3A_630] : memref<64x128xf32, #tpu.memory_space<vmem>>[vector<16xi32>, vector<16xi32>], vector<16xf32>,
      %mul3A_647 = arith.constant 8.000000e+00 : f32
      %mul3A_648 = vector.broadcast %mul3A_647 : f32 to vector<16xf32>
      %mul3A_649 = arith.mulf %gather3A_646, %mul3A_648 : vector<16xf32>
      %get3A_650 = arith.index_cast %sub3A_619 : i32 to index
      %get3A_651 = arith.constant 16 : index
      %get3A_652 = tpu.vector_load %arg8[%get3A_650, %get3A_651] {strides = array<i32>} : memref<128x64xf32, #tpu.memory_space<vmem>>, vector<16xf32>,
      %add3A_653 = arith.addf %mul3A_649, %get3A_652 : vector<16xf32>
      tpu.vector_store_idx %arg7[%add3A_645, %broadcast_in_dim3A_631], %add3A_653 : memref<64x256xf32, #tpu.memory_space<vmem>>[vector<16xi32>, vector<16xi32>], vector<16xf32>,
      %add3A_654 = arith.constant 32 : i32
      %add3A_655 = vector.broadcast %add3A_654 : i32 to vector<16xi32>
      %add3A_656 = arith.addi %iota3A, %add3A_655 : vector<16xi32>
      %gather3A_657 = tpu.vector_load_idx %arg16[%add3A_656, %broadcast_in_dim3A_630] : memref<64x128xf32, #tpu.memory_space<vmem>>[vector<16xi32>, vector<16xi32>], vector<16xf32>,
      %mul3A_658 = arith.constant 8.000000e+00 : f32
      %mul3A_659 = vector.broadcast %mul3A_658 : f32 to vector<16xf32>
      %mul3A_660 = arith.mulf %gather3A_657, %mul3A_659 : vector<16xf32>
      %get3A_661 = arith.index_cast %sub3A_619 : i32 to index
      %get3A_662 = arith.constant 32 : index
      %get3A_663 = tpu.vector_load %arg8[%get3A_661, %get3A_662] {strides = array<i32>} : memref<128x64xf32, #tpu.memory_space<vmem>>, vector<16xf32>,
      %add3A_664 = arith.addf %mul3A_660, %get3A_663 : vector<16xf32>
      tpu.vector_store_idx %arg7[%add3A_656, %broadcast_in_dim3A_631], %add3A_664 : memref<64x256xf32, #tpu.memory_space<vmem>>[vector<16xi32>, vector<16xi32>], vector<16xf32>,
      %add3A_665 = arith.constant 48 : i32
      %add3A_666 = vector.broadcast %add3A_665 : i32 to vector<16xi32>
      %add3A_667 = arith.addi %iota3A, %add3A_666 : vector<16xi32>
      %gather3A_668 = tpu.vector_load_idx %arg16[%add3A_667, %broadcast_in_dim3A_630] : memref<64x128xf32, #tpu.memory_space<vmem>>[vector<16xi32>, vector<16xi32>], vector<16xf32>,
      %mul3A_669 = arith.constant 8.000000e+00 : f32
      %mul3A_670 = vector.broadcast %mul3A_669 : f32 to vector<16xf32>
      %mul3A_671 = arith.mulf %gather3A_668, %mul3A_670 : vector<16xf32>
      %get3A_672 = arith.index_cast %sub3A_619 : i32 to index
      %get3A_673 = arith.constant 48 : index
      %get3A_674 = tpu.vector_load %arg8[%get3A_672, %get3A_673] {strides = array<i32>} : memref<128x64xf32, #tpu.memory_space<vmem>>, vector<16xf32>,
      %add3A_675 = arith.addf %mul3A_671, %get3A_674 : vector<16xf32>
      tpu.vector_store_idx %arg7[%add3A_667, %broadcast_in_dim3A_631], %add3A_675 : memref<64x256xf32, #tpu.memory_space<vmem>>[vector<16xi32>, vector<16xi32>], vector<16xf32>,
      %slice3A_676 = vector.extract_strided_slice %get3A_106 {offsets = [15], sizes = [1], strides = [1]} : vector<16xi32> to vector<1xi32>
      %squeeze3A_677 = vector.extract %slice3A_676[0] : i32 from vector<1xi32>
      %shift_right_arithmetic3A_678 = arith.constant 7 : i32
      %shift_right_arithmetic3A_679 = arith.shrsi %squeeze3A_677, %shift_right_arithmetic3A_678 : i32
      %mul3A_680 = arith.constant 128 : i32
      %mul3A_681 = arith.muli %shift_right_arithmetic3A_679, %mul3A_680 : i32
      %multiple_of3A_682 = tpu.assume_multiple %mul3A_681, 128 : i32
      %dma_start3A_683 = arith.constant 0 : i32
      %dma_start3A_684 = tpu.memref_slice %arg3[%dma_start3A_683, %multiple_of3A_682] : memref<64x1000000xf32, #tpu.memory_space<hbm>> -> memref<64x128xf32, #tpu.memory_space<hbm>>
      %dma_start3A_685 = arith.constant 0 : i32
      %dma_start3A_686 = tpu.memref_slice %arg3[%dma_start3A_685, %multiple_of3A_682] : memref<64x1000000xf32, #tpu.memory_space<hbm>> -> memref<64x128xf32, #tpu.memory_space<hbm>>
      tpu.enqueue_dma source(%dma_start3A_686 : memref<64x128xf32, #tpu.memory_space<hbm>>) target(%arg16 : memref<64x128xf32, #tpu.memory_space<vmem>>) target_semaphore(%arg24 : memref<!tpu.dma_semaphore, #tpu.memory_space<semaphore_mem>>)
      %mul3A_687 = arith.constant 16 : i32
      %mul3A_688 = arith.muli %scan3A_102, %mul3A_687 : i32
      %add3A_689 = arith.constant 8 : i32
      %add3A_690 = arith.addi %mul3A_688, %add3A_689 : i32
      %sub3A_691 = arith.constant 0 : i32
      %sub3A_692 = arith.subi %add3A_690, %sub3A_691 : i32
      %dma_wait3A_693 = arith.constant 0 : i32
      %dma_wait3A_694 = arith.constant 0 : i32
      %dma_wait3A_695 = tpu.memref_slice %arg3[%dma_wait3A_693, %dma_wait3A_694] : memref<64x1000000xf32, #tpu.memory_space<hbm>> -> memref<64x128xf32, #tpu.memory_space<hbm>>
      %dma_wait3A_696 = arith.constant 0 : i32
      %dma_wait3A_697 = arith.constant 0 : i32
      %dma_wait3A_698 = tpu.memref_slice %arg3[%dma_wait3A_696, %dma_wait3A_697] : memref<64x1000000xf32, #tpu.memory_space<hbm>> -> memref<64x128xf32, #tpu.memory_space<hbm>>
      tpu.wait_dma2 semaphore(%arg17 : memref<!tpu.dma_semaphore, #tpu.memory_space<semaphore_mem>>) src(%dma_wait3A_698 : memref<64x128xf32, #tpu.memory_space<hbm>>) dst(%arg9 : memref<64x128xf32, #tpu.memory_space<vmem>>)
      %slice3A_699 = vector.extract_strided_slice %get3A_106 {offsets = [8], sizes = [1], strides = [1]} : vector<16xi32> to vector<1xi32>
      %squeeze3A_700 = vector.extract %slice3A_699[0] : i32 from vector<1xi32>
      %and3A_701 = arith.constant 127 : i32
      %and3A_702 = arith.andi %squeeze3A_700, %and3A_701 : i32
      %broadcast_in_dim3A_703 = vector.broadcast %and3A_702 : i32 to vector<16xi32>
      %broadcast_in_dim3A_704 = vector.broadcast %add3A_690 : i32 to vector<16xi32>
      %add3A_705 = arith.constant 0 : i32
      %add3A_706 = vector.broadcast %add3A_705 : i32 to vector<16xi32>
      %add3A_707 = arith.addi %iota3A, %add3A_706 : vector<16xi32>
      %gather3A_708 = tpu.vector_load_idx %arg9[%add3A_707, %broadcast_in_dim3A_703] : memref<64x128xf32, #tpu.memory_space<vmem>>[vector<16xi32>, vector<16xi32>], vector<16xf32>,
      %mul3A_709 = arith.constant 8.000000e+00 : f32
      %mul3A_710 = vector.broadcast %mul3A_709 : f32 to vector<16xf32>
      %mul3A_711 = arith.mulf %gather3A_708, %mul3A_710 : vector<16xf32>
      %get3A_712 = arith.index_cast %sub3A_692 : i32 to index
      %get3A_713 = arith.constant 0 : index
      %get3A_714 = tpu.vector_load %arg8[%get3A_712, %get3A_713] {strides = array<i32>} : memref<128x64xf32, #tpu.memory_space<vmem>>, vector<16xf32>,
      %add3A_715 = arith.addf %mul3A_711, %get3A_714 : vector<16xf32>
      tpu.vector_store_idx %arg7[%add3A_707, %broadcast_in_dim3A_704], %add3A_715 : memref<64x256xf32, #tpu.memory_space<vmem>>[vector<16xi32>, vector<16xi32>], vector<16xf32>,
      %add3A_716 = arith.constant 16 : i32
      %add3A_717 = vector.broadcast %add3A_716 : i32 to vector<16xi32>
      %add3A_718 = arith.addi %iota3A, %add3A_717 : vector<16xi32>
      %gather3A_719 = tpu.vector_load_idx %arg9[%add3A_718, %broadcast_in_dim3A_703] : memref<64x128xf32, #tpu.memory_space<vmem>>[vector<16xi32>, vector<16xi32>], vector<16xf32>,
      %mul3A_720 = arith.constant 8.000000e+00 : f32
      %mul3A_721 = vector.broadcast %mul3A_720 : f32 to vector<16xf32>
      %mul3A_722 = arith.mulf %gather3A_719, %mul3A_721 : vector<16xf32>
      %get3A_723 = arith.index_cast %sub3A_692 : i32 to index
      %get3A_724 = arith.constant 16 : index
      %get3A_725 = tpu.vector_load %arg8[%get3A_723, %get3A_724] {strides = array<i32>} : memref<128x64xf32, #tpu.memory_space<vmem>>, vector<16xf32>,
      %add3A_726 = arith.addf %mul3A_722, %get3A_725 : vector<16xf32>
      tpu.vector_store_idx %arg7[%add3A_718, %broadcast_in_dim3A_704], %add3A_726 : memref<64x256xf32, #tpu.memory_space<vmem>>[vector<16xi32>, vector<16xi32>], vector<16xf32>,
      %add3A_727 = arith.constant 32 : i32
      %add3A_728 = vector.broadcast %add3A_727 : i32 to vector<16xi32>
      %add3A_729 = arith.addi %iota3A, %add3A_728 : vector<16xi32>
      %gather3A_730 = tpu.vector_load_idx %arg9[%add3A_729, %broadcast_in_dim3A_703] : memref<64x128xf32, #tpu.memory_space<vmem>>[vector<16xi32>, vector<16xi32>], vector<16xf32>,
      %mul3A_731 = arith.constant 8.000000e+00 : f32
      %mul3A_732 = vector.broadcast %mul3A_731 : f32 to vector<16xf32>
      %mul3A_733 = arith.mulf %gather3A_730, %mul3A_732 : vector<16xf32>
      %get3A_734 = arith.index_cast %sub3A_692 : i32 to index
      %get3A_735 = arith.constant 32 : index
      %get3A_736 = tpu.vector_load %arg8[%get3A_734, %get3A_735] {strides = array<i32>} : memref<128x64xf32, #tpu.memory_space<vmem>>, vector<16xf32>,
      %add3A_737 = arith.addf %mul3A_733, %get3A_736 : vector<16xf32>
      tpu.vector_store_idx %arg7[%add3A_729, %broadcast_in_dim3A_704], %add3A_737 : memref<64x256xf32, #tpu.memory_space<vmem>>[vector<16xi32>, vector<16xi32>], vector<16xf32>,
      %add3A_738 = arith.constant 48 : i32
      %add3A_739 = vector.broadcast %add3A_738 : i32 to vector<16xi32>
      %add3A_740 = arith.addi %iota3A, %add3A_739 : vector<16xi32>
      %gather3A_741 = tpu.vector_load_idx %arg9[%add3A_740, %broadcast_in_dim3A_703] : memref<64x128xf32, #tpu.memory_space<vmem>>[vector<16xi32>, vector<16xi32>], vector<16xf32>,
      %mul3A_742 = arith.constant 8.000000e+00 : f32
      %mul3A_743 = vector.broadcast %mul3A_742 : f32 to vector<16xf32>
      %mul3A_744 = arith.mulf %gather3A_741, %mul3A_743 : vector<16xf32>
      %get3A_745 = arith.index_cast %sub3A_692 : i32 to index
      %get3A_746 = arith.constant 48 : index
      %get3A_747 = tpu.vector_load %arg8[%get3A_745, %get3A_746] {strides = array<i32>} : memref<128x64xf32, #tpu.memory_space<vmem>>, vector<16xf32>,
      %add3A_748 = arith.addf %mul3A_744, %get3A_747 : vector<16xf32>
      tpu.vector_store_idx %arg7[%add3A_740, %broadcast_in_dim3A_704], %add3A_748 : memref<64x256xf32, #tpu.memory_space<vmem>>[vector<16xi32>, vector<16xi32>], vector<16xf32>,
      %lt3A = arith.constant 15 : i32
      %lt3A_749 = arith.cmpi slt, %scan3A_102, %lt3A : i32
      %convert_element_type3A = arith.extui %lt3A_749 : i1 to i32
      %cond3A = arith.constant 0 : i32
      %cond3A_750 = arith.cmpi ne, %convert_element_type3A, %cond3A : i32
      scf.if %cond3A_750 {
        %add3A_1220 = arith.constant 1 : i32
        %add3A_1221 = arith.addi %scan3A_102, %add3A_1220 : i32
        %mul3A_1222 = arith.constant 16 : i32
        %mul3A_1223 = arith.muli %add3A_1221, %mul3A_1222 : i32
        %get3A_1224 = arith.index_cast %mul3A_1223 : i32 to index
        %get3A_1225 = tpu.vector_load %arg6[%get3A_1224] {strides = array<i32>} : memref<256xi32, #tpu.memory_space<vmem>>, vector<16xi32>,
        %slice3A_1226 = vector.extract_strided_slice %get3A_1225 {offsets = [0], sizes = [1], strides = [1]} : vector<16xi32> to vector<1xi32>
        %squeeze3A_1227 = vector.extract %slice3A_1226[0] : i32 from vector<1xi32>
        %shift_right_arithmetic3A_1228 = arith.constant 7 : i32
        %shift_right_arithmetic3A_1229 = arith.shrsi %squeeze3A_1227, %shift_right_arithmetic3A_1228 : i32
        %mul3A_1230 = arith.constant 128 : i32
        %mul3A_1231 = arith.muli %shift_right_arithmetic3A_1229, %mul3A_1230 : i32
        %multiple_of3A_1232 = tpu.assume_multiple %mul3A_1231, 128 : i32
        %dma_start3A_1233 = arith.constant 0 : i32
        %dma_start3A_1234 = tpu.memref_slice %arg3[%dma_start3A_1233, %multiple_of3A_1232] : memref<64x1000000xf32, #tpu.memory_space<hbm>> -> memref<64x128xf32, #tpu.memory_space<hbm>>
        %dma_start3A_1235 = arith.constant 0 : i32
        %dma_start3A_1236 = tpu.memref_slice %arg3[%dma_start3A_1235, %multiple_of3A_1232] : memref<64x1000000xf32, #tpu.memory_space<hbm>> -> memref<64x128xf32, #tpu.memory_space<hbm>>
        tpu.enqueue_dma source(%dma_start3A_1236 : memref<64x128xf32, #tpu.memory_space<hbm>>) target(%arg9 : memref<64x128xf32, #tpu.memory_space<vmem>>) target_semaphore(%arg17 : memref<!tpu.dma_semaphore, #tpu.memory_space<semaphore_mem>>)
      } else {
      }
      %mul3A_751 = arith.constant 16 : i32
      %mul3A_752 = arith.muli %scan3A_102, %mul3A_751 : i32
      %add3A_753 = arith.constant 9 : i32
      %add3A_754 = arith.addi %mul3A_752, %add3A_753 : i32
      %sub3A_755 = arith.constant 0 : i32
      %sub3A_756 = arith.subi %add3A_754, %sub3A_755 : i32
      %dma_wait3A_757 = arith.constant 0 : i32
      %dma_wait3A_758 = arith.constant 0 : i32
      %dma_wait3A_759 = tpu.memref_slice %arg3[%dma_wait3A_757, %dma_wait3A_758] : memref<64x1000000xf32, #tpu.memory_space<hbm>> -> memref<64x128xf32, #tpu.memory_space<hbm>>
      %dma_wait3A_760 = arith.constant 0 : i32
      %dma_wait3A_761 = arith.constant 0 : i32
      %dma_wait3A_762 = tpu.memref_slice %arg3[%dma_wait3A_760, %dma_wait3A_761] : memref<64x1000000xf32, #tpu.memory_space<hbm>> -> memref<64x128xf32, #tpu.memory_space<hbm>>
      tpu.wait_dma2 semaphore(%arg18 : memref<!tpu.dma_semaphore, #tpu.memory_space<semaphore_mem>>) src(%dma_wait3A_762 : memref<64x128xf32, #tpu.memory_space<hbm>>) dst(%arg10 : memref<64x128xf32, #tpu.memory_space<vmem>>)
      %slice3A_763 = vector.extract_strided_slice %get3A_106 {offsets = [9], sizes = [1], strides = [1]} : vector<16xi32> to vector<1xi32>
      %squeeze3A_764 = vector.extract %slice3A_763[0] : i32 from vector<1xi32>
      %and3A_765 = arith.constant 127 : i32
      %and3A_766 = arith.andi %squeeze3A_764, %and3A_765 : i32
      %broadcast_in_dim3A_767 = vector.broadcast %and3A_766 : i32 to vector<16xi32>
      %broadcast_in_dim3A_768 = vector.broadcast %add3A_754 : i32 to vector<16xi32>
      %add3A_769 = arith.constant 0 : i32
      %add3A_770 = vector.broadcast %add3A_769 : i32 to vector<16xi32>
      %add3A_771 = arith.addi %iota3A, %add3A_770 : vector<16xi32>
      %gather3A_772 = tpu.vector_load_idx %arg10[%add3A_771, %broadcast_in_dim3A_767] : memref<64x128xf32, #tpu.memory_space<vmem>>[vector<16xi32>, vector<16xi32>], vector<16xf32>,
      %mul3A_773 = arith.constant 8.000000e+00 : f32
      %mul3A_774 = vector.broadcast %mul3A_773 : f32 to vector<16xf32>
      %mul3A_775 = arith.mulf %gather3A_772, %mul3A_774 : vector<16xf32>
      %get3A_776 = arith.index_cast %sub3A_756 : i32 to index
      %get3A_777 = arith.constant 0 : index
      %get3A_778 = tpu.vector_load %arg8[%get3A_776, %get3A_777] {strides = array<i32>} : memref<128x64xf32, #tpu.memory_space<vmem>>, vector<16xf32>,
      %add3A_779 = arith.addf %mul3A_775, %get3A_778 : vector<16xf32>
      tpu.vector_store_idx %arg7[%add3A_771, %broadcast_in_dim3A_768], %add3A_779 : memref<64x256xf32, #tpu.memory_space<vmem>>[vector<16xi32>, vector<16xi32>], vector<16xf32>,
      %add3A_780 = arith.constant 16 : i32
      %add3A_781 = vector.broadcast %add3A_780 : i32 to vector<16xi32>
      %add3A_782 = arith.addi %iota3A, %add3A_781 : vector<16xi32>
      %gather3A_783 = tpu.vector_load_idx %arg10[%add3A_782, %broadcast_in_dim3A_767] : memref<64x128xf32, #tpu.memory_space<vmem>>[vector<16xi32>, vector<16xi32>], vector<16xf32>,
      %mul3A_784 = arith.constant 8.000000e+00 : f32
      %mul3A_785 = vector.broadcast %mul3A_784 : f32 to vector<16xf32>
      %mul3A_786 = arith.mulf %gather3A_783, %mul3A_785 : vector<16xf32>
      %get3A_787 = arith.index_cast %sub3A_756 : i32 to index
      %get3A_788 = arith.constant 16 : index
      %get3A_789 = tpu.vector_load %arg8[%get3A_787, %get3A_788] {strides = array<i32>} : memref<128x64xf32, #tpu.memory_space<vmem>>, vector<16xf32>,
      %add3A_790 = arith.addf %mul3A_786, %get3A_789 : vector<16xf32>
      tpu.vector_store_idx %arg7[%add3A_782, %broadcast_in_dim3A_768], %add3A_790 : memref<64x256xf32, #tpu.memory_space<vmem>>[vector<16xi32>, vector<16xi32>], vector<16xf32>,
      %add3A_791 = arith.constant 32 : i32
      %add3A_792 = vector.broadcast %add3A_791 : i32 to vector<16xi32>
      %add3A_793 = arith.addi %iota3A, %add3A_792 : vector<16xi32>
      %gather3A_794 = tpu.vector_load_idx %arg10[%add3A_793, %broadcast_in_dim3A_767] : memref<64x128xf32, #tpu.memory_space<vmem>>[vector<16xi32>, vector<16xi32>], vector<16xf32>,
      %mul3A_795 = arith.constant 8.000000e+00 : f32
      %mul3A_796 = vector.broadcast %mul3A_795 : f32 to vector<16xf32>
      %mul3A_797 = arith.mulf %gather3A_794, %mul3A_796 : vector<16xf32>
      %get3A_798 = arith.index_cast %sub3A_756 : i32 to index
      %get3A_799 = arith.constant 32 : index
      %get3A_800 = tpu.vector_load %arg8[%get3A_798, %get3A_799] {strides = array<i32>} : memref<128x64xf32, #tpu.memory_space<vmem>>, vector<16xf32>,
      %add3A_801 = arith.addf %mul3A_797, %get3A_800 : vector<16xf32>
      tpu.vector_store_idx %arg7[%add3A_793, %broadcast_in_dim3A_768], %add3A_801 : memref<64x256xf32, #tpu.memory_space<vmem>>[vector<16xi32>, vector<16xi32>], vector<16xf32>,
      %add3A_802 = arith.constant 48 : i32
      %add3A_803 = vector.broadcast %add3A_802 : i32 to vector<16xi32>
      %add3A_804 = arith.addi %iota3A, %add3A_803 : vector<16xi32>
      %gather3A_805 = tpu.vector_load_idx %arg10[%add3A_804, %broadcast_in_dim3A_767] : memref<64x128xf32, #tpu.memory_space<vmem>>[vector<16xi32>, vector<16xi32>], vector<16xf32>,
      %mul3A_806 = arith.constant 8.000000e+00 : f32
      %mul3A_807 = vector.broadcast %mul3A_806 : f32 to vector<16xf32>
      %mul3A_808 = arith.mulf %gather3A_805, %mul3A_807 : vector<16xf32>
      %get3A_809 = arith.index_cast %sub3A_756 : i32 to index
      %get3A_810 = arith.constant 48 : index
      %get3A_811 = tpu.vector_load %arg8[%get3A_809, %get3A_810] {strides = array<i32>} : memref<128x64xf32, #tpu.memory_space<vmem>>, vector<16xf32>,
      %add3A_812 = arith.addf %mul3A_808, %get3A_811 : vector<16xf32>
      tpu.vector_store_idx %arg7[%add3A_804, %broadcast_in_dim3A_768], %add3A_812 : memref<64x256xf32, #tpu.memory_space<vmem>>[vector<16xi32>, vector<16xi32>], vector<16xf32>,
      %lt3A_813 = arith.constant 15 : i32
      %lt3A_814 = arith.cmpi slt, %scan3A_102, %lt3A_813 : i32
      %convert_element_type3A_815 = arith.extui %lt3A_814 : i1 to i32
      %cond3A_816 = arith.constant 0 : i32
      %cond3A_817 = arith.cmpi ne, %convert_element_type3A_815, %cond3A_816 : i32
      scf.if %cond3A_817 {
        %add3A_1220 = arith.constant 1 : i32
        %add3A_1221 = arith.addi %scan3A_102, %add3A_1220 : i32
        %mul3A_1222 = arith.constant 16 : i32
        %mul3A_1223 = arith.muli %add3A_1221, %mul3A_1222 : i32
        %get3A_1224 = arith.index_cast %mul3A_1223 : i32 to index
        %get3A_1225 = tpu.vector_load %arg6[%get3A_1224] {strides = array<i32>} : memref<256xi32, #tpu.memory_space<vmem>>, vector<16xi32>,
        %slice3A_1226 = vector.extract_strided_slice %get3A_1225 {offsets = [1], sizes = [1], strides = [1]} : vector<16xi32> to vector<1xi32>
        %squeeze3A_1227 = vector.extract %slice3A_1226[0] : i32 from vector<1xi32>
        %shift_right_arithmetic3A_1228 = arith.constant 7 : i32
        %shift_right_arithmetic3A_1229 = arith.shrsi %squeeze3A_1227, %shift_right_arithmetic3A_1228 : i32
        %mul3A_1230 = arith.constant 128 : i32
        %mul3A_1231 = arith.muli %shift_right_arithmetic3A_1229, %mul3A_1230 : i32
        %multiple_of3A_1232 = tpu.assume_multiple %mul3A_1231, 128 : i32
        %dma_start3A_1233 = arith.constant 0 : i32
        %dma_start3A_1234 = tpu.memref_slice %arg3[%dma_start3A_1233, %multiple_of3A_1232] : memref<64x1000000xf32, #tpu.memory_space<hbm>> -> memref<64x128xf32, #tpu.memory_space<hbm>>
        %dma_start3A_1235 = arith.constant 0 : i32
        %dma_start3A_1236 = tpu.memref_slice %arg3[%dma_start3A_1235, %multiple_of3A_1232] : memref<64x1000000xf32, #tpu.memory_space<hbm>> -> memref<64x128xf32, #tpu.memory_space<hbm>>
        tpu.enqueue_dma source(%dma_start3A_1236 : memref<64x128xf32, #tpu.memory_space<hbm>>) target(%arg10 : memref<64x128xf32, #tpu.memory_space<vmem>>) target_semaphore(%arg18 : memref<!tpu.dma_semaphore, #tpu.memory_space<semaphore_mem>>)
      } else {
      }
      %mul3A_818 = arith.constant 16 : i32
      %mul3A_819 = arith.muli %scan3A_102, %mul3A_818 : i32
      %add3A_820 = arith.constant 10 : i32
      %add3A_821 = arith.addi %mul3A_819, %add3A_820 : i32
      %sub3A_822 = arith.constant 0 : i32
      %sub3A_823 = arith.subi %add3A_821, %sub3A_822 : i32
      %dma_wait3A_824 = arith.constant 0 : i32
      %dma_wait3A_825 = arith.constant 0 : i32
      %dma_wait3A_826 = tpu.memref_slice %arg3[%dma_wait3A_824, %dma_wait3A_825] : memref<64x1000000xf32, #tpu.memory_space<hbm>> -> memref<64x128xf32, #tpu.memory_space<hbm>>
      %dma_wait3A_827 = arith.constant 0 : i32
      %dma_wait3A_828 = arith.constant 0 : i32
      %dma_wait3A_829 = tpu.memref_slice %arg3[%dma_wait3A_827, %dma_wait3A_828] : memref<64x1000000xf32, #tpu.memory_space<hbm>> -> memref<64x128xf32, #tpu.memory_space<hbm>>
      tpu.wait_dma2 semaphore(%arg19 : memref<!tpu.dma_semaphore, #tpu.memory_space<semaphore_mem>>) src(%dma_wait3A_829 : memref<64x128xf32, #tpu.memory_space<hbm>>) dst(%arg11 : memref<64x128xf32, #tpu.memory_space<vmem>>)
      %slice3A_830 = vector.extract_strided_slice %get3A_106 {offsets = [10], sizes = [1], strides = [1]} : vector<16xi32> to vector<1xi32>
      %squeeze3A_831 = vector.extract %slice3A_830[0] : i32 from vector<1xi32>
      %and3A_832 = arith.constant 127 : i32
      %and3A_833 = arith.andi %squeeze3A_831, %and3A_832 : i32
      %broadcast_in_dim3A_834 = vector.broadcast %and3A_833 : i32 to vector<16xi32>
      %broadcast_in_dim3A_835 = vector.broadcast %add3A_821 : i32 to vector<16xi32>
      %add3A_836 = arith.constant 0 : i32
      %add3A_837 = vector.broadcast %add3A_836 : i32 to vector<16xi32>
      %add3A_838 = arith.addi %iota3A, %add3A_837 : vector<16xi32>
      %gather3A_839 = tpu.vector_load_idx %arg11[%add3A_838, %broadcast_in_dim3A_834] : memref<64x128xf32, #tpu.memory_space<vmem>>[vector<16xi32>, vector<16xi32>], vector<16xf32>,
      %mul3A_840 = arith.constant 8.000000e+00 : f32
      %mul3A_841 = vector.broadcast %mul3A_840 : f32 to vector<16xf32>
      %mul3A_842 = arith.mulf %gather3A_839, %mul3A_841 : vector<16xf32>
      %get3A_843 = arith.index_cast %sub3A_823 : i32 to index
      %get3A_844 = arith.constant 0 : index
      %get3A_845 = tpu.vector_load %arg8[%get3A_843, %get3A_844] {strides = array<i32>} : memref<128x64xf32, #tpu.memory_space<vmem>>, vector<16xf32>,
      %add3A_846 = arith.addf %mul3A_842, %get3A_845 : vector<16xf32>
      tpu.vector_store_idx %arg7[%add3A_838, %broadcast_in_dim3A_835], %add3A_846 : memref<64x256xf32, #tpu.memory_space<vmem>>[vector<16xi32>, vector<16xi32>], vector<16xf32>,
      %add3A_847 = arith.constant 16 : i32
      %add3A_848 = vector.broadcast %add3A_847 : i32 to vector<16xi32>
      %add3A_849 = arith.addi %iota3A, %add3A_848 : vector<16xi32>
      %gather3A_850 = tpu.vector_load_idx %arg11[%add3A_849, %broadcast_in_dim3A_834] : memref<64x128xf32, #tpu.memory_space<vmem>>[vector<16xi32>, vector<16xi32>], vector<16xf32>,
      %mul3A_851 = arith.constant 8.000000e+00 : f32
      %mul3A_852 = vector.broadcast %mul3A_851 : f32 to vector<16xf32>
      %mul3A_853 = arith.mulf %gather3A_850, %mul3A_852 : vector<16xf32>
      %get3A_854 = arith.index_cast %sub3A_823 : i32 to index
      %get3A_855 = arith.constant 16 : index
      %get3A_856 = tpu.vector_load %arg8[%get3A_854, %get3A_855] {strides = array<i32>} : memref<128x64xf32, #tpu.memory_space<vmem>>, vector<16xf32>,
      %add3A_857 = arith.addf %mul3A_853, %get3A_856 : vector<16xf32>
      tpu.vector_store_idx %arg7[%add3A_849, %broadcast_in_dim3A_835], %add3A_857 : memref<64x256xf32, #tpu.memory_space<vmem>>[vector<16xi32>, vector<16xi32>], vector<16xf32>,
      %add3A_858 = arith.constant 32 : i32
      %add3A_859 = vector.broadcast %add3A_858 : i32 to vector<16xi32>
      %add3A_860 = arith.addi %iota3A, %add3A_859 : vector<16xi32>
      %gather3A_861 = tpu.vector_load_idx %arg11[%add3A_860, %broadcast_in_dim3A_834] : memref<64x128xf32, #tpu.memory_space<vmem>>[vector<16xi32>, vector<16xi32>], vector<16xf32>,
      %mul3A_862 = arith.constant 8.000000e+00 : f32
      %mul3A_863 = vector.broadcast %mul3A_862 : f32 to vector<16xf32>
      %mul3A_864 = arith.mulf %gather3A_861, %mul3A_863 : vector<16xf32>
      %get3A_865 = arith.index_cast %sub3A_823 : i32 to index
      %get3A_866 = arith.constant 32 : index
      %get3A_867 = tpu.vector_load %arg8[%get3A_865, %get3A_866] {strides = array<i32>} : memref<128x64xf32, #tpu.memory_space<vmem>>, vector<16xf32>,
      %add3A_868 = arith.addf %mul3A_864, %get3A_867 : vector<16xf32>
      tpu.vector_store_idx %arg7[%add3A_860, %broadcast_in_dim3A_835], %add3A_868 : memref<64x256xf32, #tpu.memory_space<vmem>>[vector<16xi32>, vector<16xi32>], vector<16xf32>,
      %add3A_869 = arith.constant 48 : i32
      %add3A_870 = vector.broadcast %add3A_869 : i32 to vector<16xi32>
      %add3A_871 = arith.addi %iota3A, %add3A_870 : vector<16xi32>
      %gather3A_872 = tpu.vector_load_idx %arg11[%add3A_871, %broadcast_in_dim3A_834] : memref<64x128xf32, #tpu.memory_space<vmem>>[vector<16xi32>, vector<16xi32>], vector<16xf32>,
      %mul3A_873 = arith.constant 8.000000e+00 : f32
      %mul3A_874 = vector.broadcast %mul3A_873 : f32 to vector<16xf32>
      %mul3A_875 = arith.mulf %gather3A_872, %mul3A_874 : vector<16xf32>
      %get3A_876 = arith.index_cast %sub3A_823 : i32 to index
      %get3A_877 = arith.constant 48 : index
      %get3A_878 = tpu.vector_load %arg8[%get3A_876, %get3A_877] {strides = array<i32>} : memref<128x64xf32, #tpu.memory_space<vmem>>, vector<16xf32>,
      %add3A_879 = arith.addf %mul3A_875, %get3A_878 : vector<16xf32>
      tpu.vector_store_idx %arg7[%add3A_871, %broadcast_in_dim3A_835], %add3A_879 : memref<64x256xf32, #tpu.memory_space<vmem>>[vector<16xi32>, vector<16xi32>], vector<16xf32>,
      %lt3A_880 = arith.constant 15 : i32
      %lt3A_881 = arith.cmpi slt, %scan3A_102, %lt3A_880 : i32
      %convert_element_type3A_882 = arith.extui %lt3A_881 : i1 to i32
      %cond3A_883 = arith.constant 0 : i32
      %cond3A_884 = arith.cmpi ne, %convert_element_type3A_882, %cond3A_883 : i32
      scf.if %cond3A_884 {
        %add3A_1220 = arith.constant 1 : i32
        %add3A_1221 = arith.addi %scan3A_102, %add3A_1220 : i32
        %mul3A_1222 = arith.constant 16 : i32
        %mul3A_1223 = arith.muli %add3A_1221, %mul3A_1222 : i32
        %get3A_1224 = arith.index_cast %mul3A_1223 : i32 to index
        %get3A_1225 = tpu.vector_load %arg6[%get3A_1224] {strides = array<i32>} : memref<256xi32, #tpu.memory_space<vmem>>, vector<16xi32>,
        %slice3A_1226 = vector.extract_strided_slice %get3A_1225 {offsets = [2], sizes = [1], strides = [1]} : vector<16xi32> to vector<1xi32>
        %squeeze3A_1227 = vector.extract %slice3A_1226[0] : i32 from vector<1xi32>
        %shift_right_arithmetic3A_1228 = arith.constant 7 : i32
        %shift_right_arithmetic3A_1229 = arith.shrsi %squeeze3A_1227, %shift_right_arithmetic3A_1228 : i32
        %mul3A_1230 = arith.constant 128 : i32
        %mul3A_1231 = arith.muli %shift_right_arithmetic3A_1229, %mul3A_1230 : i32
        %multiple_of3A_1232 = tpu.assume_multiple %mul3A_1231, 128 : i32
        %dma_start3A_1233 = arith.constant 0 : i32
        %dma_start3A_1234 = tpu.memref_slice %arg3[%dma_start3A_1233, %multiple_of3A_1232] : memref<64x1000000xf32, #tpu.memory_space<hbm>> -> memref<64x128xf32, #tpu.memory_space<hbm>>
        %dma_start3A_1235 = arith.constant 0 : i32
        %dma_start3A_1236 = tpu.memref_slice %arg3[%dma_start3A_1235, %multiple_of3A_1232] : memref<64x1000000xf32, #tpu.memory_space<hbm>> -> memref<64x128xf32, #tpu.memory_space<hbm>>
        tpu.enqueue_dma source(%dma_start3A_1236 : memref<64x128xf32, #tpu.memory_space<hbm>>) target(%arg11 : memref<64x128xf32, #tpu.memory_space<vmem>>) target_semaphore(%arg19 : memref<!tpu.dma_semaphore, #tpu.memory_space<semaphore_mem>>)
      } else {
      }
      %mul3A_885 = arith.constant 16 : i32
      %mul3A_886 = arith.muli %scan3A_102, %mul3A_885 : i32
      %add3A_887 = arith.constant 11 : i32
      %add3A_888 = arith.addi %mul3A_886, %add3A_887 : i32
      %sub3A_889 = arith.constant 0 : i32
      %sub3A_890 = arith.subi %add3A_888, %sub3A_889 : i32
      %dma_wait3A_891 = arith.constant 0 : i32
      %dma_wait3A_892 = arith.constant 0 : i32
      %dma_wait3A_893 = tpu.memref_slice %arg3[%dma_wait3A_891, %dma_wait3A_892] : memref<64x1000000xf32, #tpu.memory_space<hbm>> -> memref<64x128xf32, #tpu.memory_space<hbm>>
      %dma_wait3A_894 = arith.constant 0 : i32
      %dma_wait3A_895 = arith.constant 0 : i32
      %dma_wait3A_896 = tpu.memref_slice %arg3[%dma_wait3A_894, %dma_wait3A_895] : memref<64x1000000xf32, #tpu.memory_space<hbm>> -> memref<64x128xf32, #tpu.memory_space<hbm>>
      tpu.wait_dma2 semaphore(%arg20 : memref<!tpu.dma_semaphore, #tpu.memory_space<semaphore_mem>>) src(%dma_wait3A_896 : memref<64x128xf32, #tpu.memory_space<hbm>>) dst(%arg12 : memref<64x128xf32, #tpu.memory_space<vmem>>)
      %slice3A_897 = vector.extract_strided_slice %get3A_106 {offsets = [11], sizes = [1], strides = [1]} : vector<16xi32> to vector<1xi32>
      %squeeze3A_898 = vector.extract %slice3A_897[0] : i32 from vector<1xi32>
      %and3A_899 = arith.constant 127 : i32
      %and3A_900 = arith.andi %squeeze3A_898, %and3A_899 : i32
      %broadcast_in_dim3A_901 = vector.broadcast %and3A_900 : i32 to vector<16xi32>
      %broadcast_in_dim3A_902 = vector.broadcast %add3A_888 : i32 to vector<16xi32>
      %add3A_903 = arith.constant 0 : i32
      %add3A_904 = vector.broadcast %add3A_903 : i32 to vector<16xi32>
      %add3A_905 = arith.addi %iota3A, %add3A_904 : vector<16xi32>
      %gather3A_906 = tpu.vector_load_idx %arg12[%add3A_905, %broadcast_in_dim3A_901] : memref<64x128xf32, #tpu.memory_space<vmem>>[vector<16xi32>, vector<16xi32>], vector<16xf32>,
      %mul3A_907 = arith.constant 8.000000e+00 : f32
      %mul3A_908 = vector.broadcast %mul3A_907 : f32 to vector<16xf32>
      %mul3A_909 = arith.mulf %gather3A_906, %mul3A_908 : vector<16xf32>
      %get3A_910 = arith.index_cast %sub3A_890 : i32 to index
      %get3A_911 = arith.constant 0 : index
      %get3A_912 = tpu.vector_load %arg8[%get3A_910, %get3A_911] {strides = array<i32>} : memref<128x64xf32, #tpu.memory_space<vmem>>, vector<16xf32>,
      %add3A_913 = arith.addf %mul3A_909, %get3A_912 : vector<16xf32>
      tpu.vector_store_idx %arg7[%add3A_905, %broadcast_in_dim3A_902], %add3A_913 : memref<64x256xf32, #tpu.memory_space<vmem>>[vector<16xi32>, vector<16xi32>], vector<16xf32>,
      %add3A_914 = arith.constant 16 : i32
      %add3A_915 = vector.broadcast %add3A_914 : i32 to vector<16xi32>
      %add3A_916 = arith.addi %iota3A, %add3A_915 : vector<16xi32>
      %gather3A_917 = tpu.vector_load_idx %arg12[%add3A_916, %broadcast_in_dim3A_901] : memref<64x128xf32, #tpu.memory_space<vmem>>[vector<16xi32>, vector<16xi32>], vector<16xf32>,
      %mul3A_918 = arith.constant 8.000000e+00 : f32
      %mul3A_919 = vector.broadcast %mul3A_918 : f32 to vector<16xf32>
      %mul3A_920 = arith.mulf %gather3A_917, %mul3A_919 : vector<16xf32>
      %get3A_921 = arith.index_cast %sub3A_890 : i32 to index
      %get3A_922 = arith.constant 16 : index
      %get3A_923 = tpu.vector_load %arg8[%get3A_921, %get3A_922] {strides = array<i32>} : memref<128x64xf32, #tpu.memory_space<vmem>>, vector<16xf32>,
      %add3A_924 = arith.addf %mul3A_920, %get3A_923 : vector<16xf32>
      tpu.vector_store_idx %arg7[%add3A_916, %broadcast_in_dim3A_902], %add3A_924 : memref<64x256xf32, #tpu.memory_space<vmem>>[vector<16xi32>, vector<16xi32>], vector<16xf32>,
      %add3A_925 = arith.constant 32 : i32
      %add3A_926 = vector.broadcast %add3A_925 : i32 to vector<16xi32>
      %add3A_927 = arith.addi %iota3A, %add3A_926 : vector<16xi32>
      %gather3A_928 = tpu.vector_load_idx %arg12[%add3A_927, %broadcast_in_dim3A_901] : memref<64x128xf32, #tpu.memory_space<vmem>>[vector<16xi32>, vector<16xi32>], vector<16xf32>,
      %mul3A_929 = arith.constant 8.000000e+00 : f32
      %mul3A_930 = vector.broadcast %mul3A_929 : f32 to vector<16xf32>
      %mul3A_931 = arith.mulf %gather3A_928, %mul3A_930 : vector<16xf32>
      %get3A_932 = arith.index_cast %sub3A_890 : i32 to index
      %get3A_933 = arith.constant 32 : index
      %get3A_934 = tpu.vector_load %arg8[%get3A_932, %get3A_933] {strides = array<i32>} : memref<128x64xf32, #tpu.memory_space<vmem>>, vector<16xf32>,
      %add3A_935 = arith.addf %mul3A_931, %get3A_934 : vector<16xf32>
      tpu.vector_store_idx %arg7[%add3A_927, %broadcast_in_dim3A_902], %add3A_935 : memref<64x256xf32, #tpu.memory_space<vmem>>[vector<16xi32>, vector<16xi32>], vector<16xf32>,
      %add3A_936 = arith.constant 48 : i32
      %add3A_937 = vector.broadcast %add3A_936 : i32 to vector<16xi32>
      %add3A_938 = arith.addi %iota3A, %add3A_937 : vector<16xi32>
      %gather3A_939 = tpu.vector_load_idx %arg12[%add3A_938, %broadcast_in_dim3A_901] : memref<64x128xf32, #tpu.memory_space<vmem>>[vector<16xi32>, vector<16xi32>], vector<16xf32>,
      %mul3A_940 = arith.constant 8.000000e+00 : f32
      %mul3A_941 = vector.broadcast %mul3A_940 : f32 to vector<16xf32>
      %mul3A_942 = arith.mulf %gather3A_939, %mul3A_941 : vector<16xf32>
      %get3A_943 = arith.index_cast %sub3A_890 : i32 to index
      %get3A_944 = arith.constant 48 : index
      %get3A_945 = tpu.vector_load %arg8[%get3A_943, %get3A_944] {strides = array<i32>} : memref<128x64xf32, #tpu.memory_space<vmem>>, vector<16xf32>,
      %add3A_946 = arith.addf %mul3A_942, %get3A_945 : vector<16xf32>
      tpu.vector_store_idx %arg7[%add3A_938, %broadcast_in_dim3A_902], %add3A_946 : memref<64x256xf32, #tpu.memory_space<vmem>>[vector<16xi32>, vector<16xi32>], vector<16xf32>,
      %lt3A_947 = arith.constant 15 : i32
      %lt3A_948 = arith.cmpi slt, %scan3A_102, %lt3A_947 : i32
      %convert_element_type3A_949 = arith.extui %lt3A_948 : i1 to i32
      %cond3A_950 = arith.constant 0 : i32
      %cond3A_951 = arith.cmpi ne, %convert_element_type3A_949, %cond3A_950 : i32
      scf.if %cond3A_951 {
        %add3A_1220 = arith.constant 1 : i32
        %add3A_1221 = arith.addi %scan3A_102, %add3A_1220 : i32
        %mul3A_1222 = arith.constant 16 : i32
        %mul3A_1223 = arith.muli %add3A_1221, %mul3A_1222 : i32
        %get3A_1224 = arith.index_cast %mul3A_1223 : i32 to index
        %get3A_1225 = tpu.vector_load %arg6[%get3A_1224] {strides = array<i32>} : memref<256xi32, #tpu.memory_space<vmem>>, vector<16xi32>,
        %slice3A_1226 = vector.extract_strided_slice %get3A_1225 {offsets = [3], sizes = [1], strides = [1]} : vector<16xi32> to vector<1xi32>
        %squeeze3A_1227 = vector.extract %slice3A_1226[0] : i32 from vector<1xi32>
        %shift_right_arithmetic3A_1228 = arith.constant 7 : i32
        %shift_right_arithmetic3A_1229 = arith.shrsi %squeeze3A_1227, %shift_right_arithmetic3A_1228 : i32
        %mul3A_1230 = arith.constant 128 : i32
        %mul3A_1231 = arith.muli %shift_right_arithmetic3A_1229, %mul3A_1230 : i32
        %multiple_of3A_1232 = tpu.assume_multiple %mul3A_1231, 128 : i32
        %dma_start3A_1233 = arith.constant 0 : i32
        %dma_start3A_1234 = tpu.memref_slice %arg3[%dma_start3A_1233, %multiple_of3A_1232] : memref<64x1000000xf32, #tpu.memory_space<hbm>> -> memref<64x128xf32, #tpu.memory_space<hbm>>
        %dma_start3A_1235 = arith.constant 0 : i32
        %dma_start3A_1236 = tpu.memref_slice %arg3[%dma_start3A_1235, %multiple_of3A_1232] : memref<64x1000000xf32, #tpu.memory_space<hbm>> -> memref<64x128xf32, #tpu.memory_space<hbm>>
        tpu.enqueue_dma source(%dma_start3A_1236 : memref<64x128xf32, #tpu.memory_space<hbm>>) target(%arg12 : memref<64x128xf32, #tpu.memory_space<vmem>>) target_semaphore(%arg20 : memref<!tpu.dma_semaphore, #tpu.memory_space<semaphore_mem>>)
      } else {
      }
      %mul3A_952 = arith.constant 16 : i32
      %mul3A_953 = arith.muli %scan3A_102, %mul3A_952 : i32
      %add3A_954 = arith.constant 12 : i32
      %add3A_955 = arith.addi %mul3A_953, %add3A_954 : i32
      %sub3A_956 = arith.constant 0 : i32
      %sub3A_957 = arith.subi %add3A_955, %sub3A_956 : i32
      %dma_wait3A_958 = arith.constant 0 : i32
      %dma_wait3A_959 = arith.constant 0 : i32
      %dma_wait3A_960 = tpu.memref_slice %arg3[%dma_wait3A_958, %dma_wait3A_959] : memref<64x1000000xf32, #tpu.memory_space<hbm>> -> memref<64x128xf32, #tpu.memory_space<hbm>>
      %dma_wait3A_961 = arith.constant 0 : i32
      %dma_wait3A_962 = arith.constant 0 : i32
      %dma_wait3A_963 = tpu.memref_slice %arg3[%dma_wait3A_961, %dma_wait3A_962] : memref<64x1000000xf32, #tpu.memory_space<hbm>> -> memref<64x128xf32, #tpu.memory_space<hbm>>
      tpu.wait_dma2 semaphore(%arg21 : memref<!tpu.dma_semaphore, #tpu.memory_space<semaphore_mem>>) src(%dma_wait3A_963 : memref<64x128xf32, #tpu.memory_space<hbm>>) dst(%arg13 : memref<64x128xf32, #tpu.memory_space<vmem>>)
      %slice3A_964 = vector.extract_strided_slice %get3A_106 {offsets = [12], sizes = [1], strides = [1]} : vector<16xi32> to vector<1xi32>
      %squeeze3A_965 = vector.extract %slice3A_964[0] : i32 from vector<1xi32>
      %and3A_966 = arith.constant 127 : i32
      %and3A_967 = arith.andi %squeeze3A_965, %and3A_966 : i32
      %broadcast_in_dim3A_968 = vector.broadcast %and3A_967 : i32 to vector<16xi32>
      %broadcast_in_dim3A_969 = vector.broadcast %add3A_955 : i32 to vector<16xi32>
      %add3A_970 = arith.constant 0 : i32
      %add3A_971 = vector.broadcast %add3A_970 : i32 to vector<16xi32>
      %add3A_972 = arith.addi %iota3A, %add3A_971 : vector<16xi32>
      %gather3A_973 = tpu.vector_load_idx %arg13[%add3A_972, %broadcast_in_dim3A_968] : memref<64x128xf32, #tpu.memory_space<vmem>>[vector<16xi32>, vector<16xi32>], vector<16xf32>,
      %mul3A_974 = arith.constant 8.000000e+00 : f32
      %mul3A_975 = vector.broadcast %mul3A_974 : f32 to vector<16xf32>
      %mul3A_976 = arith.mulf %gather3A_973, %mul3A_975 : vector<16xf32>
      %get3A_977 = arith.index_cast %sub3A_957 : i32 to index
      %get3A_978 = arith.constant 0 : index
      %get3A_979 = tpu.vector_load %arg8[%get3A_977, %get3A_978] {strides = array<i32>} : memref<128x64xf32, #tpu.memory_space<vmem>>, vector<16xf32>,
      %add3A_980 = arith.addf %mul3A_976, %get3A_979 : vector<16xf32>
      tpu.vector_store_idx %arg7[%add3A_972, %broadcast_in_dim3A_969], %add3A_980 : memref<64x256xf32, #tpu.memory_space<vmem>>[vector<16xi32>, vector<16xi32>], vector<16xf32>,
      %add3A_981 = arith.constant 16 : i32
      %add3A_982 = vector.broadcast %add3A_981 : i32 to vector<16xi32>
      %add3A_983 = arith.addi %iota3A, %add3A_982 : vector<16xi32>
      %gather3A_984 = tpu.vector_load_idx %arg13[%add3A_983, %broadcast_in_dim3A_968] : memref<64x128xf32, #tpu.memory_space<vmem>>[vector<16xi32>, vector<16xi32>], vector<16xf32>,
      %mul3A_985 = arith.constant 8.000000e+00 : f32
      %mul3A_986 = vector.broadcast %mul3A_985 : f32 to vector<16xf32>
      %mul3A_987 = arith.mulf %gather3A_984, %mul3A_986 : vector<16xf32>
      %get3A_988 = arith.index_cast %sub3A_957 : i32 to index
      %get3A_989 = arith.constant 16 : index
      %get3A_990 = tpu.vector_load %arg8[%get3A_988, %get3A_989] {strides = array<i32>} : memref<128x64xf32, #tpu.memory_space<vmem>>, vector<16xf32>,
      %add3A_991 = arith.addf %mul3A_987, %get3A_990 : vector<16xf32>
      tpu.vector_store_idx %arg7[%add3A_983, %broadcast_in_dim3A_969], %add3A_991 : memref<64x256xf32, #tpu.memory_space<vmem>>[vector<16xi32>, vector<16xi32>], vector<16xf32>,
      %add3A_992 = arith.constant 32 : i32
      %add3A_993 = vector.broadcast %add3A_992 : i32 to vector<16xi32>
      %add3A_994 = arith.addi %iota3A, %add3A_993 : vector<16xi32>
      %gather3A_995 = tpu.vector_load_idx %arg13[%add3A_994, %broadcast_in_dim3A_968] : memref<64x128xf32, #tpu.memory_space<vmem>>[vector<16xi32>, vector<16xi32>], vector<16xf32>,
      %mul3A_996 = arith.constant 8.000000e+00 : f32
      %mul3A_997 = vector.broadcast %mul3A_996 : f32 to vector<16xf32>
      %mul3A_998 = arith.mulf %gather3A_995, %mul3A_997 : vector<16xf32>
      %get3A_999 = arith.index_cast %sub3A_957 : i32 to index
      %get3A_1000 = arith.constant 32 : index
      %get3A_1001 = tpu.vector_load %arg8[%get3A_999, %get3A_1000] {strides = array<i32>} : memref<128x64xf32, #tpu.memory_space<vmem>>, vector<16xf32>,
      %add3A_1002 = arith.addf %mul3A_998, %get3A_1001 : vector<16xf32>
      tpu.vector_store_idx %arg7[%add3A_994, %broadcast_in_dim3A_969], %add3A_1002 : memref<64x256xf32, #tpu.memory_space<vmem>>[vector<16xi32>, vector<16xi32>], vector<16xf32>,
      %add3A_1003 = arith.constant 48 : i32
      %add3A_1004 = vector.broadcast %add3A_1003 : i32 to vector<16xi32>
      %add3A_1005 = arith.addi %iota3A, %add3A_1004 : vector<16xi32>
      %gather3A_1006 = tpu.vector_load_idx %arg13[%add3A_1005, %broadcast_in_dim3A_968] : memref<64x128xf32, #tpu.memory_space<vmem>>[vector<16xi32>, vector<16xi32>], vector<16xf32>,
      %mul3A_1007 = arith.constant 8.000000e+00 : f32
      %mul3A_1008 = vector.broadcast %mul3A_1007 : f32 to vector<16xf32>
      %mul3A_1009 = arith.mulf %gather3A_1006, %mul3A_1008 : vector<16xf32>
      %get3A_1010 = arith.index_cast %sub3A_957 : i32 to index
      %get3A_1011 = arith.constant 48 : index
      %get3A_1012 = tpu.vector_load %arg8[%get3A_1010, %get3A_1011] {strides = array<i32>} : memref<128x64xf32, #tpu.memory_space<vmem>>, vector<16xf32>,
      %add3A_1013 = arith.addf %mul3A_1009, %get3A_1012 : vector<16xf32>
      tpu.vector_store_idx %arg7[%add3A_1005, %broadcast_in_dim3A_969], %add3A_1013 : memref<64x256xf32, #tpu.memory_space<vmem>>[vector<16xi32>, vector<16xi32>], vector<16xf32>,
      %lt3A_1014 = arith.constant 15 : i32
      %lt3A_1015 = arith.cmpi slt, %scan3A_102, %lt3A_1014 : i32
      %convert_element_type3A_1016 = arith.extui %lt3A_1015 : i1 to i32
      %cond3A_1017 = arith.constant 0 : i32
      %cond3A_1018 = arith.cmpi ne, %convert_element_type3A_1016, %cond3A_1017 : i32
      scf.if %cond3A_1018 {
        %add3A_1220 = arith.constant 1 : i32
        %add3A_1221 = arith.addi %scan3A_102, %add3A_1220 : i32
        %mul3A_1222 = arith.constant 16 : i32
        %mul3A_1223 = arith.muli %add3A_1221, %mul3A_1222 : i32
        %get3A_1224 = arith.index_cast %mul3A_1223 : i32 to index
        %get3A_1225 = tpu.vector_load %arg6[%get3A_1224] {strides = array<i32>} : memref<256xi32, #tpu.memory_space<vmem>>, vector<16xi32>,
        %slice3A_1226 = vector.extract_strided_slice %get3A_1225 {offsets = [4], sizes = [1], strides = [1]} : vector<16xi32> to vector<1xi32>
        %squeeze3A_1227 = vector.extract %slice3A_1226[0] : i32 from vector<1xi32>
        %shift_right_arithmetic3A_1228 = arith.constant 7 : i32
        %shift_right_arithmetic3A_1229 = arith.shrsi %squeeze3A_1227, %shift_right_arithmetic3A_1228 : i32
        %mul3A_1230 = arith.constant 128 : i32
        %mul3A_1231 = arith.muli %shift_right_arithmetic3A_1229, %mul3A_1230 : i32
        %multiple_of3A_1232 = tpu.assume_multiple %mul3A_1231, 128 : i32
        %dma_start3A_1233 = arith.constant 0 : i32
        %dma_start3A_1234 = tpu.memref_slice %arg3[%dma_start3A_1233, %multiple_of3A_1232] : memref<64x1000000xf32, #tpu.memory_space<hbm>> -> memref<64x128xf32, #tpu.memory_space<hbm>>
        %dma_start3A_1235 = arith.constant 0 : i32
        %dma_start3A_1236 = tpu.memref_slice %arg3[%dma_start3A_1235, %multiple_of3A_1232] : memref<64x1000000xf32, #tpu.memory_space<hbm>> -> memref<64x128xf32, #tpu.memory_space<hbm>>
        tpu.enqueue_dma source(%dma_start3A_1236 : memref<64x128xf32, #tpu.memory_space<hbm>>) target(%arg13 : memref<64x128xf32, #tpu.memory_space<vmem>>) target_semaphore(%arg21 : memref<!tpu.dma_semaphore, #tpu.memory_space<semaphore_mem>>)
      } else {
      }
      %mul3A_1019 = arith.constant 16 : i32
      %mul3A_1020 = arith.muli %scan3A_102, %mul3A_1019 : i32
      %add3A_1021 = arith.constant 13 : i32
      %add3A_1022 = arith.addi %mul3A_1020, %add3A_1021 : i32
      %sub3A_1023 = arith.constant 0 : i32
      %sub3A_1024 = arith.subi %add3A_1022, %sub3A_1023 : i32
      %dma_wait3A_1025 = arith.constant 0 : i32
      %dma_wait3A_1026 = arith.constant 0 : i32
      %dma_wait3A_1027 = tpu.memref_slice %arg3[%dma_wait3A_1025, %dma_wait3A_1026] : memref<64x1000000xf32, #tpu.memory_space<hbm>> -> memref<64x128xf32, #tpu.memory_space<hbm>>
      %dma_wait3A_1028 = arith.constant 0 : i32
      %dma_wait3A_1029 = arith.constant 0 : i32
      %dma_wait3A_1030 = tpu.memref_slice %arg3[%dma_wait3A_1028, %dma_wait3A_1029] : memref<64x1000000xf32, #tpu.memory_space<hbm>> -> memref<64x128xf32, #tpu.memory_space<hbm>>
      tpu.wait_dma2 semaphore(%arg22 : memref<!tpu.dma_semaphore, #tpu.memory_space<semaphore_mem>>) src(%dma_wait3A_1030 : memref<64x128xf32, #tpu.memory_space<hbm>>) dst(%arg14 : memref<64x128xf32, #tpu.memory_space<vmem>>)
      %slice3A_1031 = vector.extract_strided_slice %get3A_106 {offsets = [13], sizes = [1], strides = [1]} : vector<16xi32> to vector<1xi32>
      %squeeze3A_1032 = vector.extract %slice3A_1031[0] : i32 from vector<1xi32>
      %and3A_1033 = arith.constant 127 : i32
      %and3A_1034 = arith.andi %squeeze3A_1032, %and3A_1033 : i32
      %broadcast_in_dim3A_1035 = vector.broadcast %and3A_1034 : i32 to vector<16xi32>
      %broadcast_in_dim3A_1036 = vector.broadcast %add3A_1022 : i32 to vector<16xi32>
      %add3A_1037 = arith.constant 0 : i32
      %add3A_1038 = vector.broadcast %add3A_1037 : i32 to vector<16xi32>
      %add3A_1039 = arith.addi %iota3A, %add3A_1038 : vector<16xi32>
      %gather3A_1040 = tpu.vector_load_idx %arg14[%add3A_1039, %broadcast_in_dim3A_1035] : memref<64x128xf32, #tpu.memory_space<vmem>>[vector<16xi32>, vector<16xi32>], vector<16xf32>,
      %mul3A_1041 = arith.constant 8.000000e+00 : f32
      %mul3A_1042 = vector.broadcast %mul3A_1041 : f32 to vector<16xf32>
      %mul3A_1043 = arith.mulf %gather3A_1040, %mul3A_1042 : vector<16xf32>
      %get3A_1044 = arith.index_cast %sub3A_1024 : i32 to index
      %get3A_1045 = arith.constant 0 : index
      %get3A_1046 = tpu.vector_load %arg8[%get3A_1044, %get3A_1045] {strides = array<i32>} : memref<128x64xf32, #tpu.memory_space<vmem>>, vector<16xf32>,
      %add3A_1047 = arith.addf %mul3A_1043, %get3A_1046 : vector<16xf32>
      tpu.vector_store_idx %arg7[%add3A_1039, %broadcast_in_dim3A_1036], %add3A_1047 : memref<64x256xf32, #tpu.memory_space<vmem>>[vector<16xi32>, vector<16xi32>], vector<16xf32>,
      %add3A_1048 = arith.constant 16 : i32
      %add3A_1049 = vector.broadcast %add3A_1048 : i32 to vector<16xi32>
      %add3A_1050 = arith.addi %iota3A, %add3A_1049 : vector<16xi32>
      %gather3A_1051 = tpu.vector_load_idx %arg14[%add3A_1050, %broadcast_in_dim3A_1035] : memref<64x128xf32, #tpu.memory_space<vmem>>[vector<16xi32>, vector<16xi32>], vector<16xf32>,
      %mul3A_1052 = arith.constant 8.000000e+00 : f32
      %mul3A_1053 = vector.broadcast %mul3A_1052 : f32 to vector<16xf32>
      %mul3A_1054 = arith.mulf %gather3A_1051, %mul3A_1053 : vector<16xf32>
      %get3A_1055 = arith.index_cast %sub3A_1024 : i32 to index
      %get3A_1056 = arith.constant 16 : index
      %get3A_1057 = tpu.vector_load %arg8[%get3A_1055, %get3A_1056] {strides = array<i32>} : memref<128x64xf32, #tpu.memory_space<vmem>>, vector<16xf32>,
      %add3A_1058 = arith.addf %mul3A_1054, %get3A_1057 : vector<16xf32>
      tpu.vector_store_idx %arg7[%add3A_1050, %broadcast_in_dim3A_1036], %add3A_1058 : memref<64x256xf32, #tpu.memory_space<vmem>>[vector<16xi32>, vector<16xi32>], vector<16xf32>,
      %add3A_1059 = arith.constant 32 : i32
      %add3A_1060 = vector.broadcast %add3A_1059 : i32 to vector<16xi32>
      %add3A_1061 = arith.addi %iota3A, %add3A_1060 : vector<16xi32>
      %gather3A_1062 = tpu.vector_load_idx %arg14[%add3A_1061, %broadcast_in_dim3A_1035] : memref<64x128xf32, #tpu.memory_space<vmem>>[vector<16xi32>, vector<16xi32>], vector<16xf32>,
      %mul3A_1063 = arith.constant 8.000000e+00 : f32
      %mul3A_1064 = vector.broadcast %mul3A_1063 : f32 to vector<16xf32>
      %mul3A_1065 = arith.mulf %gather3A_1062, %mul3A_1064 : vector<16xf32>
      %get3A_1066 = arith.index_cast %sub3A_1024 : i32 to index
      %get3A_1067 = arith.constant 32 : index
      %get3A_1068 = tpu.vector_load %arg8[%get3A_1066, %get3A_1067] {strides = array<i32>} : memref<128x64xf32, #tpu.memory_space<vmem>>, vector<16xf32>,
      %add3A_1069 = arith.addf %mul3A_1065, %get3A_1068 : vector<16xf32>
      tpu.vector_store_idx %arg7[%add3A_1061, %broadcast_in_dim3A_1036], %add3A_1069 : memref<64x256xf32, #tpu.memory_space<vmem>>[vector<16xi32>, vector<16xi32>], vector<16xf32>,
      %add3A_1070 = arith.constant 48 : i32
      %add3A_1071 = vector.broadcast %add3A_1070 : i32 to vector<16xi32>
      %add3A_1072 = arith.addi %iota3A, %add3A_1071 : vector<16xi32>
      %gather3A_1073 = tpu.vector_load_idx %arg14[%add3A_1072, %broadcast_in_dim3A_1035] : memref<64x128xf32, #tpu.memory_space<vmem>>[vector<16xi32>, vector<16xi32>], vector<16xf32>,
      %mul3A_1074 = arith.constant 8.000000e+00 : f32
      %mul3A_1075 = vector.broadcast %mul3A_1074 : f32 to vector<16xf32>
      %mul3A_1076 = arith.mulf %gather3A_1073, %mul3A_1075 : vector<16xf32>
      %get3A_1077 = arith.index_cast %sub3A_1024 : i32 to index
      %get3A_1078 = arith.constant 48 : index
      %get3A_1079 = tpu.vector_load %arg8[%get3A_1077, %get3A_1078] {strides = array<i32>} : memref<128x64xf32, #tpu.memory_space<vmem>>, vector<16xf32>,
      %add3A_1080 = arith.addf %mul3A_1076, %get3A_1079 : vector<16xf32>
      tpu.vector_store_idx %arg7[%add3A_1072, %broadcast_in_dim3A_1036], %add3A_1080 : memref<64x256xf32, #tpu.memory_space<vmem>>[vector<16xi32>, vector<16xi32>], vector<16xf32>,
      %lt3A_1081 = arith.constant 15 : i32
      %lt3A_1082 = arith.cmpi slt, %scan3A_102, %lt3A_1081 : i32
      %convert_element_type3A_1083 = arith.extui %lt3A_1082 : i1 to i32
      %cond3A_1084 = arith.constant 0 : i32
      %cond3A_1085 = arith.cmpi ne, %convert_element_type3A_1083, %cond3A_1084 : i32
      scf.if %cond3A_1085 {
        %add3A_1220 = arith.constant 1 : i32
        %add3A_1221 = arith.addi %scan3A_102, %add3A_1220 : i32
        %mul3A_1222 = arith.constant 16 : i32
        %mul3A_1223 = arith.muli %add3A_1221, %mul3A_1222 : i32
        %get3A_1224 = arith.index_cast %mul3A_1223 : i32 to index
        %get3A_1225 = tpu.vector_load %arg6[%get3A_1224] {strides = array<i32>} : memref<256xi32, #tpu.memory_space<vmem>>, vector<16xi32>,
        %slice3A_1226 = vector.extract_strided_slice %get3A_1225 {offsets = [5], sizes = [1], strides = [1]} : vector<16xi32> to vector<1xi32>
        %squeeze3A_1227 = vector.extract %slice3A_1226[0] : i32 from vector<1xi32>
        %shift_right_arithmetic3A_1228 = arith.constant 7 : i32
        %shift_right_arithmetic3A_1229 = arith.shrsi %squeeze3A_1227, %shift_right_arithmetic3A_1228 : i32
        %mul3A_1230 = arith.constant 128 : i32
        %mul3A_1231 = arith.muli %shift_right_arithmetic3A_1229, %mul3A_1230 : i32
        %multiple_of3A_1232 = tpu.assume_multiple %mul3A_1231, 128 : i32
        %dma_start3A_1233 = arith.constant 0 : i32
        %dma_start3A_1234 = tpu.memref_slice %arg3[%dma_start3A_1233, %multiple_of3A_1232] : memref<64x1000000xf32, #tpu.memory_space<hbm>> -> memref<64x128xf32, #tpu.memory_space<hbm>>
        %dma_start3A_1235 = arith.constant 0 : i32
        %dma_start3A_1236 = tpu.memref_slice %arg3[%dma_start3A_1235, %multiple_of3A_1232] : memref<64x1000000xf32, #tpu.memory_space<hbm>> -> memref<64x128xf32, #tpu.memory_space<hbm>>
        tpu.enqueue_dma source(%dma_start3A_1236 : memref<64x128xf32, #tpu.memory_space<hbm>>) target(%arg14 : memref<64x128xf32, #tpu.memory_space<vmem>>) target_semaphore(%arg22 : memref<!tpu.dma_semaphore, #tpu.memory_space<semaphore_mem>>)
      } else {
      }
      %mul3A_1086 = arith.constant 16 : i32
      %mul3A_1087 = arith.muli %scan3A_102, %mul3A_1086 : i32
      %add3A_1088 = arith.constant 14 : i32
      %add3A_1089 = arith.addi %mul3A_1087, %add3A_1088 : i32
      %sub3A_1090 = arith.constant 0 : i32
      %sub3A_1091 = arith.subi %add3A_1089, %sub3A_1090 : i32
      %dma_wait3A_1092 = arith.constant 0 : i32
      %dma_wait3A_1093 = arith.constant 0 : i32
      %dma_wait3A_1094 = tpu.memref_slice %arg3[%dma_wait3A_1092, %dma_wait3A_1093] : memref<64x1000000xf32, #tpu.memory_space<hbm>> -> memref<64x128xf32, #tpu.memory_space<hbm>>
      %dma_wait3A_1095 = arith.constant 0 : i32
      %dma_wait3A_1096 = arith.constant 0 : i32
      %dma_wait3A_1097 = tpu.memref_slice %arg3[%dma_wait3A_1095, %dma_wait3A_1096] : memref<64x1000000xf32, #tpu.memory_space<hbm>> -> memref<64x128xf32, #tpu.memory_space<hbm>>
      tpu.wait_dma2 semaphore(%arg23 : memref<!tpu.dma_semaphore, #tpu.memory_space<semaphore_mem>>) src(%dma_wait3A_1097 : memref<64x128xf32, #tpu.memory_space<hbm>>) dst(%arg15 : memref<64x128xf32, #tpu.memory_space<vmem>>)
      %slice3A_1098 = vector.extract_strided_slice %get3A_106 {offsets = [14], sizes = [1], strides = [1]} : vector<16xi32> to vector<1xi32>
      %squeeze3A_1099 = vector.extract %slice3A_1098[0] : i32 from vector<1xi32>
      %and3A_1100 = arith.constant 127 : i32
      %and3A_1101 = arith.andi %squeeze3A_1099, %and3A_1100 : i32
      %broadcast_in_dim3A_1102 = vector.broadcast %and3A_1101 : i32 to vector<16xi32>
      %broadcast_in_dim3A_1103 = vector.broadcast %add3A_1089 : i32 to vector<16xi32>
      %add3A_1104 = arith.constant 0 : i32
      %add3A_1105 = vector.broadcast %add3A_1104 : i32 to vector<16xi32>
      %add3A_1106 = arith.addi %iota3A, %add3A_1105 : vector<16xi32>
      %gather3A_1107 = tpu.vector_load_idx %arg15[%add3A_1106, %broadcast_in_dim3A_1102] : memref<64x128xf32, #tpu.memory_space<vmem>>[vector<16xi32>, vector<16xi32>], vector<16xf32>,
      %mul3A_1108 = arith.constant 8.000000e+00 : f32
      %mul3A_1109 = vector.broadcast %mul3A_1108 : f32 to vector<16xf32>
      %mul3A_1110 = arith.mulf %gather3A_1107, %mul3A_1109 : vector<16xf32>
      %get3A_1111 = arith.index_cast %sub3A_1091 : i32 to index
      %get3A_1112 = arith.constant 0 : index
      %get3A_1113 = tpu.vector_load %arg8[%get3A_1111, %get3A_1112] {strides = array<i32>} : memref<128x64xf32, #tpu.memory_space<vmem>>, vector<16xf32>,
      %add3A_1114 = arith.addf %mul3A_1110, %get3A_1113 : vector<16xf32>
      tpu.vector_store_idx %arg7[%add3A_1106, %broadcast_in_dim3A_1103], %add3A_1114 : memref<64x256xf32, #tpu.memory_space<vmem>>[vector<16xi32>, vector<16xi32>], vector<16xf32>,
      %add3A_1115 = arith.constant 16 : i32
      %add3A_1116 = vector.broadcast %add3A_1115 : i32 to vector<16xi32>
      %add3A_1117 = arith.addi %iota3A, %add3A_1116 : vector<16xi32>
      %gather3A_1118 = tpu.vector_load_idx %arg15[%add3A_1117, %broadcast_in_dim3A_1102] : memref<64x128xf32, #tpu.memory_space<vmem>>[vector<16xi32>, vector<16xi32>], vector<16xf32>,
      %mul3A_1119 = arith.constant 8.000000e+00 : f32
      %mul3A_1120 = vector.broadcast %mul3A_1119 : f32 to vector<16xf32>
      %mul3A_1121 = arith.mulf %gather3A_1118, %mul3A_1120 : vector<16xf32>
      %get3A_1122 = arith.index_cast %sub3A_1091 : i32 to index
      %get3A_1123 = arith.constant 16 : index
      %get3A_1124 = tpu.vector_load %arg8[%get3A_1122, %get3A_1123] {strides = array<i32>} : memref<128x64xf32, #tpu.memory_space<vmem>>, vector<16xf32>,
      %add3A_1125 = arith.addf %mul3A_1121, %get3A_1124 : vector<16xf32>
      tpu.vector_store_idx %arg7[%add3A_1117, %broadcast_in_dim3A_1103], %add3A_1125 : memref<64x256xf32, #tpu.memory_space<vmem>>[vector<16xi32>, vector<16xi32>], vector<16xf32>,
      %add3A_1126 = arith.constant 32 : i32
      %add3A_1127 = vector.broadcast %add3A_1126 : i32 to vector<16xi32>
      %add3A_1128 = arith.addi %iota3A, %add3A_1127 : vector<16xi32>
      %gather3A_1129 = tpu.vector_load_idx %arg15[%add3A_1128, %broadcast_in_dim3A_1102] : memref<64x128xf32, #tpu.memory_space<vmem>>[vector<16xi32>, vector<16xi32>], vector<16xf32>,
      %mul3A_1130 = arith.constant 8.000000e+00 : f32
      %mul3A_1131 = vector.broadcast %mul3A_1130 : f32 to vector<16xf32>
      %mul3A_1132 = arith.mulf %gather3A_1129, %mul3A_1131 : vector<16xf32>
      %get3A_1133 = arith.index_cast %sub3A_1091 : i32 to index
      %get3A_1134 = arith.constant 32 : index
      %get3A_1135 = tpu.vector_load %arg8[%get3A_1133, %get3A_1134] {strides = array<i32>} : memref<128x64xf32, #tpu.memory_space<vmem>>, vector<16xf32>,
      %add3A_1136 = arith.addf %mul3A_1132, %get3A_1135 : vector<16xf32>
      tpu.vector_store_idx %arg7[%add3A_1128, %broadcast_in_dim3A_1103], %add3A_1136 : memref<64x256xf32, #tpu.memory_space<vmem>>[vector<16xi32>, vector<16xi32>], vector<16xf32>,
      %add3A_1137 = arith.constant 48 : i32
      %add3A_1138 = vector.broadcast %add3A_1137 : i32 to vector<16xi32>
      %add3A_1139 = arith.addi %iota3A, %add3A_1138 : vector<16xi32>
      %gather3A_1140 = tpu.vector_load_idx %arg15[%add3A_1139, %broadcast_in_dim3A_1102] : memref<64x128xf32, #tpu.memory_space<vmem>>[vector<16xi32>, vector<16xi32>], vector<16xf32>,
      %mul3A_1141 = arith.constant 8.000000e+00 : f32
      %mul3A_1142 = vector.broadcast %mul3A_1141 : f32 to vector<16xf32>
      %mul3A_1143 = arith.mulf %gather3A_1140, %mul3A_1142 : vector<16xf32>
      %get3A_1144 = arith.index_cast %sub3A_1091 : i32 to index
      %get3A_1145 = arith.constant 48 : index
      %get3A_1146 = tpu.vector_load %arg8[%get3A_1144, %get3A_1145] {strides = array<i32>} : memref<128x64xf32, #tpu.memory_space<vmem>>, vector<16xf32>,
      %add3A_1147 = arith.addf %mul3A_1143, %get3A_1146 : vector<16xf32>
      tpu.vector_store_idx %arg7[%add3A_1139, %broadcast_in_dim3A_1103], %add3A_1147 : memref<64x256xf32, #tpu.memory_space<vmem>>[vector<16xi32>, vector<16xi32>], vector<16xf32>,
      %lt3A_1148 = arith.constant 15 : i32
      %lt3A_1149 = arith.cmpi slt, %scan3A_102, %lt3A_1148 : i32
      %convert_element_type3A_1150 = arith.extui %lt3A_1149 : i1 to i32
      %cond3A_1151 = arith.constant 0 : i32
      %cond3A_1152 = arith.cmpi ne, %convert_element_type3A_1150, %cond3A_1151 : i32
      scf.if %cond3A_1152 {
        %add3A_1220 = arith.constant 1 : i32
        %add3A_1221 = arith.addi %scan3A_102, %add3A_1220 : i32
        %mul3A_1222 = arith.constant 16 : i32
        %mul3A_1223 = arith.muli %add3A_1221, %mul3A_1222 : i32
        %get3A_1224 = arith.index_cast %mul3A_1223 : i32 to index
        %get3A_1225 = tpu.vector_load %arg6[%get3A_1224] {strides = array<i32>} : memref<256xi32, #tpu.memory_space<vmem>>, vector<16xi32>,
        %slice3A_1226 = vector.extract_strided_slice %get3A_1225 {offsets = [6], sizes = [1], strides = [1]} : vector<16xi32> to vector<1xi32>
        %squeeze3A_1227 = vector.extract %slice3A_1226[0] : i32 from vector<1xi32>
        %shift_right_arithmetic3A_1228 = arith.constant 7 : i32
        %shift_right_arithmetic3A_1229 = arith.shrsi %squeeze3A_1227, %shift_right_arithmetic3A_1228 : i32
        %mul3A_1230 = arith.constant 128 : i32
        %mul3A_1231 = arith.muli %shift_right_arithmetic3A_1229, %mul3A_1230 : i32
        %multiple_of3A_1232 = tpu.assume_multiple %mul3A_1231, 128 : i32
        %dma_start3A_1233 = arith.constant 0 : i32
        %dma_start3A_1234 = tpu.memref_slice %arg3[%dma_start3A_1233, %multiple_of3A_1232] : memref<64x1000000xf32, #tpu.memory_space<hbm>> -> memref<64x128xf32, #tpu.memory_space<hbm>>
        %dma_start3A_1235 = arith.constant 0 : i32
        %dma_start3A_1236 = tpu.memref_slice %arg3[%dma_start3A_1235, %multiple_of3A_1232] : memref<64x1000000xf32, #tpu.memory_space<hbm>> -> memref<64x128xf32, #tpu.memory_space<hbm>>
        tpu.enqueue_dma source(%dma_start3A_1236 : memref<64x128xf32, #tpu.memory_space<hbm>>) target(%arg15 : memref<64x128xf32, #tpu.memory_space<vmem>>) target_semaphore(%arg23 : memref<!tpu.dma_semaphore, #tpu.memory_space<semaphore_mem>>)
      } else {
      }
      %mul3A_1153 = arith.constant 16 : i32
      %mul3A_1154 = arith.muli %scan3A_102, %mul3A_1153 : i32
      %add3A_1155 = arith.constant 15 : i32
      %add3A_1156 = arith.addi %mul3A_1154, %add3A_1155 : i32
      %sub3A_1157 = arith.constant 0 : i32
      %sub3A_1158 = arith.subi %add3A_1156, %sub3A_1157 : i32
      %dma_wait3A_1159 = arith.constant 0 : i32
      %dma_wait3A_1160 = arith.constant 0 : i32
      %dma_wait3A_1161 = tpu.memref_slice %arg3[%dma_wait3A_1159, %dma_wait3A_1160] : memref<64x1000000xf32, #tpu.memory_space<hbm>> -> memref<64x128xf32, #tpu.memory_space<hbm>>
      %dma_wait3A_1162 = arith.constant 0 : i32
      %dma_wait3A_1163 = arith.constant 0 : i32
      %dma_wait3A_1164 = tpu.memref_slice %arg3[%dma_wait3A_1162, %dma_wait3A_1163] : memref<64x1000000xf32, #tpu.memory_space<hbm>> -> memref<64x128xf32, #tpu.memory_space<hbm>>
      tpu.wait_dma2 semaphore(%arg24 : memref<!tpu.dma_semaphore, #tpu.memory_space<semaphore_mem>>) src(%dma_wait3A_1164 : memref<64x128xf32, #tpu.memory_space<hbm>>) dst(%arg16 : memref<64x128xf32, #tpu.memory_space<vmem>>)
      %slice3A_1165 = vector.extract_strided_slice %get3A_106 {offsets = [15], sizes = [1], strides = [1]} : vector<16xi32> to vector<1xi32>
      %squeeze3A_1166 = vector.extract %slice3A_1165[0] : i32 from vector<1xi32>
      %and3A_1167 = arith.constant 127 : i32
      %and3A_1168 = arith.andi %squeeze3A_1166, %and3A_1167 : i32
      %broadcast_in_dim3A_1169 = vector.broadcast %and3A_1168 : i32 to vector<16xi32>
      %broadcast_in_dim3A_1170 = vector.broadcast %add3A_1156 : i32 to vector<16xi32>
      %add3A_1171 = arith.constant 0 : i32
      %add3A_1172 = vector.broadcast %add3A_1171 : i32 to vector<16xi32>
      %add3A_1173 = arith.addi %iota3A, %add3A_1172 : vector<16xi32>
      %gather3A_1174 = tpu.vector_load_idx %arg16[%add3A_1173, %broadcast_in_dim3A_1169] : memref<64x128xf32, #tpu.memory_space<vmem>>[vector<16xi32>, vector<16xi32>], vector<16xf32>,
      %mul3A_1175 = arith.constant 8.000000e+00 : f32
      %mul3A_1176 = vector.broadcast %mul3A_1175 : f32 to vector<16xf32>
      %mul3A_1177 = arith.mulf %gather3A_1174, %mul3A_1176 : vector<16xf32>
      %get3A_1178 = arith.index_cast %sub3A_1158 : i32 to index
      %get3A_1179 = arith.constant 0 : index
      %get3A_1180 = tpu.vector_load %arg8[%get3A_1178, %get3A_1179] {strides = array<i32>} : memref<128x64xf32, #tpu.memory_space<vmem>>, vector<16xf32>,
      %add3A_1181 = arith.addf %mul3A_1177, %get3A_1180 : vector<16xf32>
      tpu.vector_store_idx %arg7[%add3A_1173, %broadcast_in_dim3A_1170], %add3A_1181 : memref<64x256xf32, #tpu.memory_space<vmem>>[vector<16xi32>, vector<16xi32>], vector<16xf32>,
      %add3A_1182 = arith.constant 16 : i32
      %add3A_1183 = vector.broadcast %add3A_1182 : i32 to vector<16xi32>
      %add3A_1184 = arith.addi %iota3A, %add3A_1183 : vector<16xi32>
      %gather3A_1185 = tpu.vector_load_idx %arg16[%add3A_1184, %broadcast_in_dim3A_1169] : memref<64x128xf32, #tpu.memory_space<vmem>>[vector<16xi32>, vector<16xi32>], vector<16xf32>,
      %mul3A_1186 = arith.constant 8.000000e+00 : f32
      %mul3A_1187 = vector.broadcast %mul3A_1186 : f32 to vector<16xf32>
      %mul3A_1188 = arith.mulf %gather3A_1185, %mul3A_1187 : vector<16xf32>
      %get3A_1189 = arith.index_cast %sub3A_1158 : i32 to index
      %get3A_1190 = arith.constant 16 : index
      %get3A_1191 = tpu.vector_load %arg8[%get3A_1189, %get3A_1190] {strides = array<i32>} : memref<128x64xf32, #tpu.memory_space<vmem>>, vector<16xf32>,
      %add3A_1192 = arith.addf %mul3A_1188, %get3A_1191 : vector<16xf32>
      tpu.vector_store_idx %arg7[%add3A_1184, %broadcast_in_dim3A_1170], %add3A_1192 : memref<64x256xf32, #tpu.memory_space<vmem>>[vector<16xi32>, vector<16xi32>], vector<16xf32>,
      %add3A_1193 = arith.constant 32 : i32
      %add3A_1194 = vector.broadcast %add3A_1193 : i32 to vector<16xi32>
      %add3A_1195 = arith.addi %iota3A, %add3A_1194 : vector<16xi32>
      %gather3A_1196 = tpu.vector_load_idx %arg16[%add3A_1195, %broadcast_in_dim3A_1169] : memref<64x128xf32, #tpu.memory_space<vmem>>[vector<16xi32>, vector<16xi32>], vector<16xf32>,
      %mul3A_1197 = arith.constant 8.000000e+00 : f32
      %mul3A_1198 = vector.broadcast %mul3A_1197 : f32 to vector<16xf32>
      %mul3A_1199 = arith.mulf %gather3A_1196, %mul3A_1198 : vector<16xf32>
      %get3A_1200 = arith.index_cast %sub3A_1158 : i32 to index
      %get3A_1201 = arith.constant 32 : index
      %get3A_1202 = tpu.vector_load %arg8[%get3A_1200, %get3A_1201] {strides = array<i32>} : memref<128x64xf32, #tpu.memory_space<vmem>>, vector<16xf32>,
      %add3A_1203 = arith.addf %mul3A_1199, %get3A_1202 : vector<16xf32>
      tpu.vector_store_idx %arg7[%add3A_1195, %broadcast_in_dim3A_1170], %add3A_1203 : memref<64x256xf32, #tpu.memory_space<vmem>>[vector<16xi32>, vector<16xi32>], vector<16xf32>,
      %add3A_1204 = arith.constant 48 : i32
      %add3A_1205 = vector.broadcast %add3A_1204 : i32 to vector<16xi32>
      %add3A_1206 = arith.addi %iota3A, %add3A_1205 : vector<16xi32>
      %gather3A_1207 = tpu.vector_load_idx %arg16[%add3A_1206, %broadcast_in_dim3A_1169] : memref<64x128xf32, #tpu.memory_space<vmem>>[vector<16xi32>, vector<16xi32>], vector<16xf32>,
      %mul3A_1208 = arith.constant 8.000000e+00 : f32
      %mul3A_1209 = vector.broadcast %mul3A_1208 : f32 to vector<16xf32>
      %mul3A_1210 = arith.mulf %gather3A_1207, %mul3A_1209 : vector<16xf32>
      %get3A_1211 = arith.index_cast %sub3A_1158 : i32 to index
      %get3A_1212 = arith.constant 48 : index
      %get3A_1213 = tpu.vector_load %arg8[%get3A_1211, %get3A_1212] {strides = array<i32>} : memref<128x64xf32, #tpu.memory_space<vmem>>, vector<16xf32>,
      %add3A_1214 = arith.addf %mul3A_1210, %get3A_1213 : vector<16xf32>
      tpu.vector_store_idx %arg7[%add3A_1206, %broadcast_in_dim3A_1170], %add3A_1214 : memref<64x256xf32, #tpu.memory_space<vmem>>[vector<16xi32>, vector<16xi32>], vector<16xf32>,
      %lt3A_1215 = arith.constant 15 : i32
      %lt3A_1216 = arith.cmpi slt, %scan3A_102, %lt3A_1215 : i32
      %convert_element_type3A_1217 = arith.extui %lt3A_1216 : i1 to i32
      %cond3A_1218 = arith.constant 0 : i32
      %cond3A_1219 = arith.cmpi ne, %convert_element_type3A_1217, %cond3A_1218 : i32
      scf.if %cond3A_1219 {
        %add3A_1220 = arith.constant 1 : i32
        %add3A_1221 = arith.addi %scan3A_102, %add3A_1220 : i32
        %mul3A_1222 = arith.constant 16 : i32
        %mul3A_1223 = arith.muli %add3A_1221, %mul3A_1222 : i32
        %get3A_1224 = arith.index_cast %mul3A_1223 : i32 to index
        %get3A_1225 = tpu.vector_load %arg6[%get3A_1224] {strides = array<i32>} : memref<256xi32, #tpu.memory_space<vmem>>, vector<16xi32>,
        %slice3A_1226 = vector.extract_strided_slice %get3A_1225 {offsets = [7], sizes = [1], strides = [1]} : vector<16xi32> to vector<1xi32>
        %squeeze3A_1227 = vector.extract %slice3A_1226[0] : i32 from vector<1xi32>
        %shift_right_arithmetic3A_1228 = arith.constant 7 : i32
        %shift_right_arithmetic3A_1229 = arith.shrsi %squeeze3A_1227, %shift_right_arithmetic3A_1228 : i32
        %mul3A_1230 = arith.constant 128 : i32
        %mul3A_1231 = arith.muli %shift_right_arithmetic3A_1229, %mul3A_1230 : i32
        %multiple_of3A_1232 = tpu.assume_multiple %mul3A_1231, 128 : i32
        %dma_start3A_1233 = arith.constant 0 : i32
        %dma_start3A_1234 = tpu.memref_slice %arg3[%dma_start3A_1233, %multiple_of3A_1232] : memref<64x1000000xf32, #tpu.memory_space<hbm>> -> memref<64x128xf32, #tpu.memory_space<hbm>>
        %dma_start3A_1235 = arith.constant 0 : i32
        %dma_start3A_1236 = tpu.memref_slice %arg3[%dma_start3A_1235, %multiple_of3A_1232] : memref<64x1000000xf32, #tpu.memory_space<hbm>> -> memref<64x128xf32, #tpu.memory_space<hbm>>
        tpu.enqueue_dma source(%dma_start3A_1236 : memref<64x128xf32, #tpu.memory_space<hbm>>) target(%arg16 : memref<64x128xf32, #tpu.memory_space<vmem>>) target_semaphore(%arg24 : memref<!tpu.dma_semaphore, #tpu.memory_space<semaphore_mem>>)
      } else {
      }
    }
    %scan3A_95 = arith.constant 8 : i32
    "tpu.region"() ({
      %run_scoped3A = tpu.sem_alloc : memref<!tpu.dma_semaphore, #tpu.memory_space<semaphore_mem>>
      %dma_start3A_102 = arith.constant 128 : i32
      %dma_start3A_103 = arith.constant 0 : i32
      %dma_start3A_104 = tpu.memref_slice %arg4[%add3A, %dma_start3A_102, %dma_start3A_103] : memref<32x256x64xf32, #tpu.memory_space<hbm>> -> memref<1x128x64xf32, #tpu.memory_space<hbm>>
      %dma_start3A_105 = tpu.memref_squeeze %dma_start3A_104 : memref<1x128x64xf32, #tpu.memory_space<hbm>> -> memref<128x64xf32, #tpu.memory_space<hbm>>
      %dma_start3A_106 = arith.constant 128 : i32
      %dma_start3A_107 = arith.constant 0 : i32
      %dma_start3A_108 = tpu.memref_slice %arg4[%add3A, %dma_start3A_106, %dma_start3A_107] : memref<32x256x64xf32, #tpu.memory_space<hbm>> -> memref<1x128x64xf32, #tpu.memory_space<hbm>>
      %dma_start3A_109 = tpu.memref_squeeze %dma_start3A_108 : memref<1x128x64xf32, #tpu.memory_space<hbm>> -> memref<128x64xf32, #tpu.memory_space<hbm>>
      tpu.enqueue_dma source(%dma_start3A_109 : memref<128x64xf32, #tpu.memory_space<hbm>>) target(%arg8 : memref<128x64xf32, #tpu.memory_space<vmem>>) target_semaphore(%run_scoped3A : memref<!tpu.dma_semaphore, #tpu.memory_space<semaphore_mem>>)
      %dma_wait3A = arith.constant 128 : i32
      %dma_wait3A_110 = arith.constant 0 : i32
      %dma_wait3A_111 = tpu.memref_slice %arg4[%add3A, %dma_wait3A, %dma_wait3A_110] : memref<32x256x64xf32, #tpu.memory_space<hbm>> -> memref<1x128x64xf32, #tpu.memory_space<hbm>>
      %dma_wait3A_112 = tpu.memref_squeeze %dma_wait3A_111 : memref<1x128x64xf32, #tpu.memory_space<hbm>> -> memref<128x64xf32, #tpu.memory_space<hbm>>
      %dma_wait3A_113 = arith.constant 128 : i32
      %dma_wait3A_114 = arith.constant 0 : i32
      %dma_wait3A_115 = tpu.memref_slice %arg4[%add3A, %dma_wait3A_113, %dma_wait3A_114] : memref<32x256x64xf32, #tpu.memory_space<hbm>> -> memref<1x128x64xf32, #tpu.memory_space<hbm>>
      %dma_wait3A_116 = tpu.memref_squeeze %dma_wait3A_115 : memref<1x128x64xf32, #tpu.memory_space<hbm>> -> memref<128x64xf32, #tpu.memory_space<hbm>>
      tpu.wait_dma2 semaphore(%run_scoped3A : memref<!tpu.dma_semaphore, #tpu.memory_space<semaphore_mem>>) src(%dma_wait3A_116 : memref<128x64xf32, #tpu.memory_space<hbm>>) dst(%arg8 : memref<128x64xf32, #tpu.memory_space<vmem>>)
      tpu.yield
    }) : () -> ()
    %scan3A_96 = arith.constant 0 : i32
    %scan3A_97 = arith.constant 8 : i32
    %scan3A_98 = arith.constant 8 : i32
    %scan3A_99 = arith.addi %scan3A_97, %scan3A_98 : i32
    %scan3A_100 = arith.constant 1 : i32
    scf.for %scan3A_102 = %scan3A_97 to %scan3A_99 step %scan3A_100  : i32 {
      %mul3A_103 = arith.constant 16 : i32
      %mul3A_104 = arith.muli %scan3A_102, %mul3A_103 : i32
      %get3A_105 = arith.index_cast %mul3A_104 : i32 to index
      %get3A_106 = tpu.vector_load %arg6[%get3A_105] {strides = array<i32>} : memref<256xi32, #tpu.memory_space<vmem>>, vector<16xi32>,
      %mul3A_107 = arith.constant 16 : i32
      %mul3A_108 = arith.muli %scan3A_102, %mul3A_107 : i32
      %add3A_109 = arith.constant 0 : i32
      %add3A_110 = arith.addi %mul3A_108, %add3A_109 : i32
      %sub3A = arith.constant 128 : i32
      %sub3A_111 = arith.subi %add3A_110, %sub3A : i32
      %dma_wait3A = arith.constant 0 : i32
      %dma_wait3A_112 = arith.constant 0 : i32
      %dma_wait3A_113 = tpu.memref_slice %arg3[%dma_wait3A, %dma_wait3A_112] : memref<64x1000000xf32, #tpu.memory_space<hbm>> -> memref<64x128xf32, #tpu.memory_space<hbm>>
      %dma_wait3A_114 = arith.constant 0 : i32
      %dma_wait3A_115 = arith.constant 0 : i32
      %dma_wait3A_116 = tpu.memref_slice %arg3[%dma_wait3A_114, %dma_wait3A_115] : memref<64x1000000xf32, #tpu.memory_space<hbm>> -> memref<64x128xf32, #tpu.memory_space<hbm>>
      tpu.wait_dma2 semaphore(%arg17 : memref<!tpu.dma_semaphore, #tpu.memory_space<semaphore_mem>>) src(%dma_wait3A_116 : memref<64x128xf32, #tpu.memory_space<hbm>>) dst(%arg9 : memref<64x128xf32, #tpu.memory_space<vmem>>)
      %slice3A_117 = vector.extract_strided_slice %get3A_106 {offsets = [0], sizes = [1], strides = [1]} : vector<16xi32> to vector<1xi32>
      %squeeze3A_118 = vector.extract %slice3A_117[0] : i32 from vector<1xi32>
      %and3A_119 = arith.constant 127 : i32
      %and3A_120 = arith.andi %squeeze3A_118, %and3A_119 : i32
      %broadcast_in_dim3A = vector.broadcast %and3A_120 : i32 to vector<16xi32>
      %broadcast_in_dim3A_121 = vector.broadcast %add3A_110 : i32 to vector<16xi32>
      %add3A_122 = arith.constant 0 : i32
      %add3A_123 = vector.broadcast %add3A_122 : i32 to vector<16xi32>
      %add3A_124 = arith.addi %iota3A, %add3A_123 : vector<16xi32>
      %gather3A = tpu.vector_load_idx %arg9[%add3A_124, %broadcast_in_dim3A] : memref<64x128xf32, #tpu.memory_space<vmem>>[vector<16xi32>, vector<16xi32>], vector<16xf32>,
      %mul3A_125 = arith.constant 8.000000e+00 : f32
      %mul3A_126 = vector.broadcast %mul3A_125 : f32 to vector<16xf32>
      %mul3A_127 = arith.mulf %gather3A, %mul3A_126 : vector<16xf32>
      %get3A_128 = arith.index_cast %sub3A_111 : i32 to index
      %get3A_129 = arith.constant 0 : index
      %get3A_130 = tpu.vector_load %arg8[%get3A_128, %get3A_129] {strides = array<i32>} : memref<128x64xf32, #tpu.memory_space<vmem>>, vector<16xf32>,
      %add3A_131 = arith.addf %mul3A_127, %get3A_130 : vector<16xf32>
      tpu.vector_store_idx %arg7[%add3A_124, %broadcast_in_dim3A_121], %add3A_131 : memref<64x256xf32, #tpu.memory_space<vmem>>[vector<16xi32>, vector<16xi32>], vector<16xf32>,
      %add3A_132 = arith.constant 16 : i32
      %add3A_133 = vector.broadcast %add3A_132 : i32 to vector<16xi32>
      %add3A_134 = arith.addi %iota3A, %add3A_133 : vector<16xi32>
      %gather3A_135 = tpu.vector_load_idx %arg9[%add3A_134, %broadcast_in_dim3A] : memref<64x128xf32, #tpu.memory_space<vmem>>[vector<16xi32>, vector<16xi32>], vector<16xf32>,
      %mul3A_136 = arith.constant 8.000000e+00 : f32
      %mul3A_137 = vector.broadcast %mul3A_136 : f32 to vector<16xf32>
      %mul3A_138 = arith.mulf %gather3A_135, %mul3A_137 : vector<16xf32>
      %get3A_139 = arith.index_cast %sub3A_111 : i32 to index
      %get3A_140 = arith.constant 16 : index
      %get3A_141 = tpu.vector_load %arg8[%get3A_139, %get3A_140] {strides = array<i32>} : memref<128x64xf32, #tpu.memory_space<vmem>>, vector<16xf32>,
      %add3A_142 = arith.addf %mul3A_138, %get3A_141 : vector<16xf32>
      tpu.vector_store_idx %arg7[%add3A_134, %broadcast_in_dim3A_121], %add3A_142 : memref<64x256xf32, #tpu.memory_space<vmem>>[vector<16xi32>, vector<16xi32>], vector<16xf32>,
      %add3A_143 = arith.constant 32 : i32
      %add3A_144 = vector.broadcast %add3A_143 : i32 to vector<16xi32>
      %add3A_145 = arith.addi %iota3A, %add3A_144 : vector<16xi32>
      %gather3A_146 = tpu.vector_load_idx %arg9[%add3A_145, %broadcast_in_dim3A] : memref<64x128xf32, #tpu.memory_space<vmem>>[vector<16xi32>, vector<16xi32>], vector<16xf32>,
      %mul3A_147 = arith.constant 8.000000e+00 : f32
      %mul3A_148 = vector.broadcast %mul3A_147 : f32 to vector<16xf32>
      %mul3A_149 = arith.mulf %gather3A_146, %mul3A_148 : vector<16xf32>
      %get3A_150 = arith.index_cast %sub3A_111 : i32 to index
      %get3A_151 = arith.constant 32 : index
      %get3A_152 = tpu.vector_load %arg8[%get3A_150, %get3A_151] {strides = array<i32>} : memref<128x64xf32, #tpu.memory_space<vmem>>, vector<16xf32>,
      %add3A_153 = arith.addf %mul3A_149, %get3A_152 : vector<16xf32>
      tpu.vector_store_idx %arg7[%add3A_145, %broadcast_in_dim3A_121], %add3A_153 : memref<64x256xf32, #tpu.memory_space<vmem>>[vector<16xi32>, vector<16xi32>], vector<16xf32>,
      %add3A_154 = arith.constant 48 : i32
      %add3A_155 = vector.broadcast %add3A_154 : i32 to vector<16xi32>
      %add3A_156 = arith.addi %iota3A, %add3A_155 : vector<16xi32>
      %gather3A_157 = tpu.vector_load_idx %arg9[%add3A_156, %broadcast_in_dim3A] : memref<64x128xf32, #tpu.memory_space<vmem>>[vector<16xi32>, vector<16xi32>], vector<16xf32>,
      %mul3A_158 = arith.constant 8.000000e+00 : f32
      %mul3A_159 = vector.broadcast %mul3A_158 : f32 to vector<16xf32>
      %mul3A_160 = arith.mulf %gather3A_157, %mul3A_159 : vector<16xf32>
      %get3A_161 = arith.index_cast %sub3A_111 : i32 to index
      %get3A_162 = arith.constant 48 : index
      %get3A_163 = tpu.vector_load %arg8[%get3A_161, %get3A_162] {strides = array<i32>} : memref<128x64xf32, #tpu.memory_space<vmem>>, vector<16xf32>,
      %add3A_164 = arith.addf %mul3A_160, %get3A_163 : vector<16xf32>
      tpu.vector_store_idx %arg7[%add3A_156, %broadcast_in_dim3A_121], %add3A_164 : memref<64x256xf32, #tpu.memory_space<vmem>>[vector<16xi32>, vector<16xi32>], vector<16xf32>,
      %slice3A_165 = vector.extract_strided_slice %get3A_106 {offsets = [8], sizes = [1], strides = [1]} : vector<16xi32> to vector<1xi32>
      %squeeze3A_166 = vector.extract %slice3A_165[0] : i32 from vector<1xi32>
      %shift_right_arithmetic3A_167 = arith.constant 7 : i32
      %shift_right_arithmetic3A_168 = arith.shrsi %squeeze3A_166, %shift_right_arithmetic3A_167 : i32
      %mul3A_169 = arith.constant 128 : i32
      %mul3A_170 = arith.muli %shift_right_arithmetic3A_168, %mul3A_169 : i32
      %multiple_of3A_171 = tpu.assume_multiple %mul3A_170, 128 : i32
      %dma_start3A_172 = arith.constant 0 : i32
      %dma_start3A_173 = tpu.memref_slice %arg3[%dma_start3A_172, %multiple_of3A_171] : memref<64x1000000xf32, #tpu.memory_space<hbm>> -> memref<64x128xf32, #tpu.memory_space<hbm>>
      %dma_start3A_174 = arith.constant 0 : i32
      %dma_start3A_175 = tpu.memref_slice %arg3[%dma_start3A_174, %multiple_of3A_171] : memref<64x1000000xf32, #tpu.memory_space<hbm>> -> memref<64x128xf32, #tpu.memory_space<hbm>>
      tpu.enqueue_dma source(%dma_start3A_175 : memref<64x128xf32, #tpu.memory_space<hbm>>) target(%arg9 : memref<64x128xf32, #tpu.memory_space<vmem>>) target_semaphore(%arg17 : memref<!tpu.dma_semaphore, #tpu.memory_space<semaphore_mem>>)
      %mul3A_176 = arith.constant 16 : i32
      %mul3A_177 = arith.muli %scan3A_102, %mul3A_176 : i32
      %add3A_178 = arith.constant 1 : i32
      %add3A_179 = arith.addi %mul3A_177, %add3A_178 : i32
      %sub3A_180 = arith.constant 128 : i32
      %sub3A_181 = arith.subi %add3A_179, %sub3A_180 : i32
      %dma_wait3A_182 = arith.constant 0 : i32
      %dma_wait3A_183 = arith.constant 0 : i32
      %dma_wait3A_184 = tpu.memref_slice %arg3[%dma_wait3A_182, %dma_wait3A_183] : memref<64x1000000xf32, #tpu.memory_space<hbm>> -> memref<64x128xf32, #tpu.memory_space<hbm>>
      %dma_wait3A_185 = arith.constant 0 : i32
      %dma_wait3A_186 = arith.constant 0 : i32
      %dma_wait3A_187 = tpu.memref_slice %arg3[%dma_wait3A_185, %dma_wait3A_186] : memref<64x1000000xf32, #tpu.memory_space<hbm>> -> memref<64x128xf32, #tpu.memory_space<hbm>>
      tpu.wait_dma2 semaphore(%arg18 : memref<!tpu.dma_semaphore, #tpu.memory_space<semaphore_mem>>) src(%dma_wait3A_187 : memref<64x128xf32, #tpu.memory_space<hbm>>) dst(%arg10 : memref<64x128xf32, #tpu.memory_space<vmem>>)
      %slice3A_188 = vector.extract_strided_slice %get3A_106 {offsets = [1], sizes = [1], strides = [1]} : vector<16xi32> to vector<1xi32>
      %squeeze3A_189 = vector.extract %slice3A_188[0] : i32 from vector<1xi32>
      %and3A_190 = arith.constant 127 : i32
      %and3A_191 = arith.andi %squeeze3A_189, %and3A_190 : i32
      %broadcast_in_dim3A_192 = vector.broadcast %and3A_191 : i32 to vector<16xi32>
      %broadcast_in_dim3A_193 = vector.broadcast %add3A_179 : i32 to vector<16xi32>
      %add3A_194 = arith.constant 0 : i32
      %add3A_195 = vector.broadcast %add3A_194 : i32 to vector<16xi32>
      %add3A_196 = arith.addi %iota3A, %add3A_195 : vector<16xi32>
      %gather3A_197 = tpu.vector_load_idx %arg10[%add3A_196, %broadcast_in_dim3A_192] : memref<64x128xf32, #tpu.memory_space<vmem>>[vector<16xi32>, vector<16xi32>], vector<16xf32>,
      %mul3A_198 = arith.constant 8.000000e+00 : f32
      %mul3A_199 = vector.broadcast %mul3A_198 : f32 to vector<16xf32>
      %mul3A_200 = arith.mulf %gather3A_197, %mul3A_199 : vector<16xf32>
      %get3A_201 = arith.index_cast %sub3A_181 : i32 to index
      %get3A_202 = arith.constant 0 : index
      %get3A_203 = tpu.vector_load %arg8[%get3A_201, %get3A_202] {strides = array<i32>} : memref<128x64xf32, #tpu.memory_space<vmem>>, vector<16xf32>,
      %add3A_204 = arith.addf %mul3A_200, %get3A_203 : vector<16xf32>
      tpu.vector_store_idx %arg7[%add3A_196, %broadcast_in_dim3A_193], %add3A_204 : memref<64x256xf32, #tpu.memory_space<vmem>>[vector<16xi32>, vector<16xi32>], vector<16xf32>,
      %add3A_205 = arith.constant 16 : i32
      %add3A_206 = vector.broadcast %add3A_205 : i32 to vector<16xi32>
      %add3A_207 = arith.addi %iota3A, %add3A_206 : vector<16xi32>
      %gather3A_208 = tpu.vector_load_idx %arg10[%add3A_207, %broadcast_in_dim3A_192] : memref<64x128xf32, #tpu.memory_space<vmem>>[vector<16xi32>, vector<16xi32>], vector<16xf32>,
      %mul3A_209 = arith.constant 8.000000e+00 : f32
      %mul3A_210 = vector.broadcast %mul3A_209 : f32 to vector<16xf32>
      %mul3A_211 = arith.mulf %gather3A_208, %mul3A_210 : vector<16xf32>
      %get3A_212 = arith.index_cast %sub3A_181 : i32 to index
      %get3A_213 = arith.constant 16 : index
      %get3A_214 = tpu.vector_load %arg8[%get3A_212, %get3A_213] {strides = array<i32>} : memref<128x64xf32, #tpu.memory_space<vmem>>, vector<16xf32>,
      %add3A_215 = arith.addf %mul3A_211, %get3A_214 : vector<16xf32>
      tpu.vector_store_idx %arg7[%add3A_207, %broadcast_in_dim3A_193], %add3A_215 : memref<64x256xf32, #tpu.memory_space<vmem>>[vector<16xi32>, vector<16xi32>], vector<16xf32>,
      %add3A_216 = arith.constant 32 : i32
      %add3A_217 = vector.broadcast %add3A_216 : i32 to vector<16xi32>
      %add3A_218 = arith.addi %iota3A, %add3A_217 : vector<16xi32>
      %gather3A_219 = tpu.vector_load_idx %arg10[%add3A_218, %broadcast_in_dim3A_192] : memref<64x128xf32, #tpu.memory_space<vmem>>[vector<16xi32>, vector<16xi32>], vector<16xf32>,
      %mul3A_220 = arith.constant 8.000000e+00 : f32
      %mul3A_221 = vector.broadcast %mul3A_220 : f32 to vector<16xf32>
      %mul3A_222 = arith.mulf %gather3A_219, %mul3A_221 : vector<16xf32>
      %get3A_223 = arith.index_cast %sub3A_181 : i32 to index
      %get3A_224 = arith.constant 32 : index
      %get3A_225 = tpu.vector_load %arg8[%get3A_223, %get3A_224] {strides = array<i32>} : memref<128x64xf32, #tpu.memory_space<vmem>>, vector<16xf32>,
      %add3A_226 = arith.addf %mul3A_222, %get3A_225 : vector<16xf32>
      tpu.vector_store_idx %arg7[%add3A_218, %broadcast_in_dim3A_193], %add3A_226 : memref<64x256xf32, #tpu.memory_space<vmem>>[vector<16xi32>, vector<16xi32>], vector<16xf32>,
      %add3A_227 = arith.constant 48 : i32
      %add3A_228 = vector.broadcast %add3A_227 : i32 to vector<16xi32>
      %add3A_229 = arith.addi %iota3A, %add3A_228 : vector<16xi32>
      %gather3A_230 = tpu.vector_load_idx %arg10[%add3A_229, %broadcast_in_dim3A_192] : memref<64x128xf32, #tpu.memory_space<vmem>>[vector<16xi32>, vector<16xi32>], vector<16xf32>,
      %mul3A_231 = arith.constant 8.000000e+00 : f32
      %mul3A_232 = vector.broadcast %mul3A_231 : f32 to vector<16xf32>
      %mul3A_233 = arith.mulf %gather3A_230, %mul3A_232 : vector<16xf32>
      %get3A_234 = arith.index_cast %sub3A_181 : i32 to index
      %get3A_235 = arith.constant 48 : index
      %get3A_236 = tpu.vector_load %arg8[%get3A_234, %get3A_235] {strides = array<i32>} : memref<128x64xf32, #tpu.memory_space<vmem>>, vector<16xf32>,
      %add3A_237 = arith.addf %mul3A_233, %get3A_236 : vector<16xf32>
      tpu.vector_store_idx %arg7[%add3A_229, %broadcast_in_dim3A_193], %add3A_237 : memref<64x256xf32, #tpu.memory_space<vmem>>[vector<16xi32>, vector<16xi32>], vector<16xf32>,
      %slice3A_238 = vector.extract_strided_slice %get3A_106 {offsets = [9], sizes = [1], strides = [1]} : vector<16xi32> to vector<1xi32>
      %squeeze3A_239 = vector.extract %slice3A_238[0] : i32 from vector<1xi32>
      %shift_right_arithmetic3A_240 = arith.constant 7 : i32
      %shift_right_arithmetic3A_241 = arith.shrsi %squeeze3A_239, %shift_right_arithmetic3A_240 : i32
      %mul3A_242 = arith.constant 128 : i32
      %mul3A_243 = arith.muli %shift_right_arithmetic3A_241, %mul3A_242 : i32
      %multiple_of3A_244 = tpu.assume_multiple %mul3A_243, 128 : i32
      %dma_start3A_245 = arith.constant 0 : i32
      %dma_start3A_246 = tpu.memref_slice %arg3[%dma_start3A_245, %multiple_of3A_244] : memref<64x1000000xf32, #tpu.memory_space<hbm>> -> memref<64x128xf32, #tpu.memory_space<hbm>>
      %dma_start3A_247 = arith.constant 0 : i32
      %dma_start3A_248 = tpu.memref_slice %arg3[%dma_start3A_247, %multiple_of3A_244] : memref<64x1000000xf32, #tpu.memory_space<hbm>> -> memref<64x128xf32, #tpu.memory_space<hbm>>
      tpu.enqueue_dma source(%dma_start3A_248 : memref<64x128xf32, #tpu.memory_space<hbm>>) target(%arg10 : memref<64x128xf32, #tpu.memory_space<vmem>>) target_semaphore(%arg18 : memref<!tpu.dma_semaphore, #tpu.memory_space<semaphore_mem>>)
      %mul3A_249 = arith.constant 16 : i32
      %mul3A_250 = arith.muli %scan3A_102, %mul3A_249 : i32
      %add3A_251 = arith.constant 2 : i32
      %add3A_252 = arith.addi %mul3A_250, %add3A_251 : i32
      %sub3A_253 = arith.constant 128 : i32
      %sub3A_254 = arith.subi %add3A_252, %sub3A_253 : i32
      %dma_wait3A_255 = arith.constant 0 : i32
      %dma_wait3A_256 = arith.constant 0 : i32
      %dma_wait3A_257 = tpu.memref_slice %arg3[%dma_wait3A_255, %dma_wait3A_256] : memref<64x1000000xf32, #tpu.memory_space<hbm>> -> memref<64x128xf32, #tpu.memory_space<hbm>>
      %dma_wait3A_258 = arith.constant 0 : i32
      %dma_wait3A_259 = arith.constant 0 : i32
      %dma_wait3A_260 = tpu.memref_slice %arg3[%dma_wait3A_258, %dma_wait3A_259] : memref<64x1000000xf32, #tpu.memory_space<hbm>> -> memref<64x128xf32, #tpu.memory_space<hbm>>
      tpu.wait_dma2 semaphore(%arg19 : memref<!tpu.dma_semaphore, #tpu.memory_space<semaphore_mem>>) src(%dma_wait3A_260 : memref<64x128xf32, #tpu.memory_space<hbm>>) dst(%arg11 : memref<64x128xf32, #tpu.memory_space<vmem>>)
      %slice3A_261 = vector.extract_strided_slice %get3A_106 {offsets = [2], sizes = [1], strides = [1]} : vector<16xi32> to vector<1xi32>
      %squeeze3A_262 = vector.extract %slice3A_261[0] : i32 from vector<1xi32>
      %and3A_263 = arith.constant 127 : i32
      %and3A_264 = arith.andi %squeeze3A_262, %and3A_263 : i32
      %broadcast_in_dim3A_265 = vector.broadcast %and3A_264 : i32 to vector<16xi32>
      %broadcast_in_dim3A_266 = vector.broadcast %add3A_252 : i32 to vector<16xi32>
      %add3A_267 = arith.constant 0 : i32
      %add3A_268 = vector.broadcast %add3A_267 : i32 to vector<16xi32>
      %add3A_269 = arith.addi %iota3A, %add3A_268 : vector<16xi32>
      %gather3A_270 = tpu.vector_load_idx %arg11[%add3A_269, %broadcast_in_dim3A_265] : memref<64x128xf32, #tpu.memory_space<vmem>>[vector<16xi32>, vector<16xi32>], vector<16xf32>,
      %mul3A_271 = arith.constant 8.000000e+00 : f32
      %mul3A_272 = vector.broadcast %mul3A_271 : f32 to vector<16xf32>
      %mul3A_273 = arith.mulf %gather3A_270, %mul3A_272 : vector<16xf32>
      %get3A_274 = arith.index_cast %sub3A_254 : i32 to index
      %get3A_275 = arith.constant 0 : index
      %get3A_276 = tpu.vector_load %arg8[%get3A_274, %get3A_275] {strides = array<i32>} : memref<128x64xf32, #tpu.memory_space<vmem>>, vector<16xf32>,
      %add3A_277 = arith.addf %mul3A_273, %get3A_276 : vector<16xf32>
      tpu.vector_store_idx %arg7[%add3A_269, %broadcast_in_dim3A_266], %add3A_277 : memref<64x256xf32, #tpu.memory_space<vmem>>[vector<16xi32>, vector<16xi32>], vector<16xf32>,
      %add3A_278 = arith.constant 16 : i32
      %add3A_279 = vector.broadcast %add3A_278 : i32 to vector<16xi32>
      %add3A_280 = arith.addi %iota3A, %add3A_279 : vector<16xi32>
      %gather3A_281 = tpu.vector_load_idx %arg11[%add3A_280, %broadcast_in_dim3A_265] : memref<64x128xf32, #tpu.memory_space<vmem>>[vector<16xi32>, vector<16xi32>], vector<16xf32>,
      %mul3A_282 = arith.constant 8.000000e+00 : f32
      %mul3A_283 = vector.broadcast %mul3A_282 : f32 to vector<16xf32>
      %mul3A_284 = arith.mulf %gather3A_281, %mul3A_283 : vector<16xf32>
      %get3A_285 = arith.index_cast %sub3A_254 : i32 to index
      %get3A_286 = arith.constant 16 : index
      %get3A_287 = tpu.vector_load %arg8[%get3A_285, %get3A_286] {strides = array<i32>} : memref<128x64xf32, #tpu.memory_space<vmem>>, vector<16xf32>,
      %add3A_288 = arith.addf %mul3A_284, %get3A_287 : vector<16xf32>
      tpu.vector_store_idx %arg7[%add3A_280, %broadcast_in_dim3A_266], %add3A_288 : memref<64x256xf32, #tpu.memory_space<vmem>>[vector<16xi32>, vector<16xi32>], vector<16xf32>,
      %add3A_289 = arith.constant 32 : i32
      %add3A_290 = vector.broadcast %add3A_289 : i32 to vector<16xi32>
      %add3A_291 = arith.addi %iota3A, %add3A_290 : vector<16xi32>
      %gather3A_292 = tpu.vector_load_idx %arg11[%add3A_291, %broadcast_in_dim3A_265] : memref<64x128xf32, #tpu.memory_space<vmem>>[vector<16xi32>, vector<16xi32>], vector<16xf32>,
      %mul3A_293 = arith.constant 8.000000e+00 : f32
      %mul3A_294 = vector.broadcast %mul3A_293 : f32 to vector<16xf32>
      %mul3A_295 = arith.mulf %gather3A_292, %mul3A_294 : vector<16xf32>
      %get3A_296 = arith.index_cast %sub3A_254 : i32 to index
      %get3A_297 = arith.constant 32 : index
      %get3A_298 = tpu.vector_load %arg8[%get3A_296, %get3A_297] {strides = array<i32>} : memref<128x64xf32, #tpu.memory_space<vmem>>, vector<16xf32>,
      %add3A_299 = arith.addf %mul3A_295, %get3A_298 : vector<16xf32>
      tpu.vector_store_idx %arg7[%add3A_291, %broadcast_in_dim3A_266], %add3A_299 : memref<64x256xf32, #tpu.memory_space<vmem>>[vector<16xi32>, vector<16xi32>], vector<16xf32>,
      %add3A_300 = arith.constant 48 : i32
      %add3A_301 = vector.broadcast %add3A_300 : i32 to vector<16xi32>
      %add3A_302 = arith.addi %iota3A, %add3A_301 : vector<16xi32>
      %gather3A_303 = tpu.vector_load_idx %arg11[%add3A_302, %broadcast_in_dim3A_265] : memref<64x128xf32, #tpu.memory_space<vmem>>[vector<16xi32>, vector<16xi32>], vector<16xf32>,
      %mul3A_304 = arith.constant 8.000000e+00 : f32
      %mul3A_305 = vector.broadcast %mul3A_304 : f32 to vector<16xf32>
      %mul3A_306 = arith.mulf %gather3A_303, %mul3A_305 : vector<16xf32>
      %get3A_307 = arith.index_cast %sub3A_254 : i32 to index
      %get3A_308 = arith.constant 48 : index
      %get3A_309 = tpu.vector_load %arg8[%get3A_307, %get3A_308] {strides = array<i32>} : memref<128x64xf32, #tpu.memory_space<vmem>>, vector<16xf32>,
      %add3A_310 = arith.addf %mul3A_306, %get3A_309 : vector<16xf32>
      tpu.vector_store_idx %arg7[%add3A_302, %broadcast_in_dim3A_266], %add3A_310 : memref<64x256xf32, #tpu.memory_space<vmem>>[vector<16xi32>, vector<16xi32>], vector<16xf32>,
      %slice3A_311 = vector.extract_strided_slice %get3A_106 {offsets = [10], sizes = [1], strides = [1]} : vector<16xi32> to vector<1xi32>
      %squeeze3A_312 = vector.extract %slice3A_311[0] : i32 from vector<1xi32>
      %shift_right_arithmetic3A_313 = arith.constant 7 : i32
      %shift_right_arithmetic3A_314 = arith.shrsi %squeeze3A_312, %shift_right_arithmetic3A_313 : i32
      %mul3A_315 = arith.constant 128 : i32
      %mul3A_316 = arith.muli %shift_right_arithmetic3A_314, %mul3A_315 : i32
      %multiple_of3A_317 = tpu.assume_multiple %mul3A_316, 128 : i32
      %dma_start3A_318 = arith.constant 0 : i32
      %dma_start3A_319 = tpu.memref_slice %arg3[%dma_start3A_318, %multiple_of3A_317] : memref<64x1000000xf32, #tpu.memory_space<hbm>> -> memref<64x128xf32, #tpu.memory_space<hbm>>
      %dma_start3A_320 = arith.constant 0 : i32
      %dma_start3A_321 = tpu.memref_slice %arg3[%dma_start3A_320, %multiple_of3A_317] : memref<64x1000000xf32, #tpu.memory_space<hbm>> -> memref<64x128xf32, #tpu.memory_space<hbm>>
      tpu.enqueue_dma source(%dma_start3A_321 : memref<64x128xf32, #tpu.memory_space<hbm>>) target(%arg11 : memref<64x128xf32, #tpu.memory_space<vmem>>) target_semaphore(%arg19 : memref<!tpu.dma_semaphore, #tpu.memory_space<semaphore_mem>>)
      %mul3A_322 = arith.constant 16 : i32
      %mul3A_323 = arith.muli %scan3A_102, %mul3A_322 : i32
      %add3A_324 = arith.constant 3 : i32
      %add3A_325 = arith.addi %mul3A_323, %add3A_324 : i32
      %sub3A_326 = arith.constant 128 : i32
      %sub3A_327 = arith.subi %add3A_325, %sub3A_326 : i32
      %dma_wait3A_328 = arith.constant 0 : i32
      %dma_wait3A_329 = arith.constant 0 : i32
      %dma_wait3A_330 = tpu.memref_slice %arg3[%dma_wait3A_328, %dma_wait3A_329] : memref<64x1000000xf32, #tpu.memory_space<hbm>> -> memref<64x128xf32, #tpu.memory_space<hbm>>
      %dma_wait3A_331 = arith.constant 0 : i32
      %dma_wait3A_332 = arith.constant 0 : i32
      %dma_wait3A_333 = tpu.memref_slice %arg3[%dma_wait3A_331, %dma_wait3A_332] : memref<64x1000000xf32, #tpu.memory_space<hbm>> -> memref<64x128xf32, #tpu.memory_space<hbm>>
      tpu.wait_dma2 semaphore(%arg20 : memref<!tpu.dma_semaphore, #tpu.memory_space<semaphore_mem>>) src(%dma_wait3A_333 : memref<64x128xf32, #tpu.memory_space<hbm>>) dst(%arg12 : memref<64x128xf32, #tpu.memory_space<vmem>>)
      %slice3A_334 = vector.extract_strided_slice %get3A_106 {offsets = [3], sizes = [1], strides = [1]} : vector<16xi32> to vector<1xi32>
      %squeeze3A_335 = vector.extract %slice3A_334[0] : i32 from vector<1xi32>
      %and3A_336 = arith.constant 127 : i32
      %and3A_337 = arith.andi %squeeze3A_335, %and3A_336 : i32
      %broadcast_in_dim3A_338 = vector.broadcast %and3A_337 : i32 to vector<16xi32>
      %broadcast_in_dim3A_339 = vector.broadcast %add3A_325 : i32 to vector<16xi32>
      %add3A_340 = arith.constant 0 : i32
      %add3A_341 = vector.broadcast %add3A_340 : i32 to vector<16xi32>
      %add3A_342 = arith.addi %iota3A, %add3A_341 : vector<16xi32>
      %gather3A_343 = tpu.vector_load_idx %arg12[%add3A_342, %broadcast_in_dim3A_338] : memref<64x128xf32, #tpu.memory_space<vmem>>[vector<16xi32>, vector<16xi32>], vector<16xf32>,
      %mul3A_344 = arith.constant 8.000000e+00 : f32
      %mul3A_345 = vector.broadcast %mul3A_344 : f32 to vector<16xf32>
      %mul3A_346 = arith.mulf %gather3A_343, %mul3A_345 : vector<16xf32>
      %get3A_347 = arith.index_cast %sub3A_327 : i32 to index
      %get3A_348 = arith.constant 0 : index
      %get3A_349 = tpu.vector_load %arg8[%get3A_347, %get3A_348] {strides = array<i32>} : memref<128x64xf32, #tpu.memory_space<vmem>>, vector<16xf32>,
      %add3A_350 = arith.addf %mul3A_346, %get3A_349 : vector<16xf32>
      tpu.vector_store_idx %arg7[%add3A_342, %broadcast_in_dim3A_339], %add3A_350 : memref<64x256xf32, #tpu.memory_space<vmem>>[vector<16xi32>, vector<16xi32>], vector<16xf32>,
      %add3A_351 = arith.constant 16 : i32
      %add3A_352 = vector.broadcast %add3A_351 : i32 to vector<16xi32>
      %add3A_353 = arith.addi %iota3A, %add3A_352 : vector<16xi32>
      %gather3A_354 = tpu.vector_load_idx %arg12[%add3A_353, %broadcast_in_dim3A_338] : memref<64x128xf32, #tpu.memory_space<vmem>>[vector<16xi32>, vector<16xi32>], vector<16xf32>,
      %mul3A_355 = arith.constant 8.000000e+00 : f32
      %mul3A_356 = vector.broadcast %mul3A_355 : f32 to vector<16xf32>
      %mul3A_357 = arith.mulf %gather3A_354, %mul3A_356 : vector<16xf32>
      %get3A_358 = arith.index_cast %sub3A_327 : i32 to index
      %get3A_359 = arith.constant 16 : index
      %get3A_360 = tpu.vector_load %arg8[%get3A_358, %get3A_359] {strides = array<i32>} : memref<128x64xf32, #tpu.memory_space<vmem>>, vector<16xf32>,
      %add3A_361 = arith.addf %mul3A_357, %get3A_360 : vector<16xf32>
      tpu.vector_store_idx %arg7[%add3A_353, %broadcast_in_dim3A_339], %add3A_361 : memref<64x256xf32, #tpu.memory_space<vmem>>[vector<16xi32>, vector<16xi32>], vector<16xf32>,
      %add3A_362 = arith.constant 32 : i32
      %add3A_363 = vector.broadcast %add3A_362 : i32 to vector<16xi32>
      %add3A_364 = arith.addi %iota3A, %add3A_363 : vector<16xi32>
      %gather3A_365 = tpu.vector_load_idx %arg12[%add3A_364, %broadcast_in_dim3A_338] : memref<64x128xf32, #tpu.memory_space<vmem>>[vector<16xi32>, vector<16xi32>], vector<16xf32>,
      %mul3A_366 = arith.constant 8.000000e+00 : f32
      %mul3A_367 = vector.broadcast %mul3A_366 : f32 to vector<16xf32>
      %mul3A_368 = arith.mulf %gather3A_365, %mul3A_367 : vector<16xf32>
      %get3A_369 = arith.index_cast %sub3A_327 : i32 to index
      %get3A_370 = arith.constant 32 : index
      %get3A_371 = tpu.vector_load %arg8[%get3A_369, %get3A_370] {strides = array<i32>} : memref<128x64xf32, #tpu.memory_space<vmem>>, vector<16xf32>,
      %add3A_372 = arith.addf %mul3A_368, %get3A_371 : vector<16xf32>
      tpu.vector_store_idx %arg7[%add3A_364, %broadcast_in_dim3A_339], %add3A_372 : memref<64x256xf32, #tpu.memory_space<vmem>>[vector<16xi32>, vector<16xi32>], vector<16xf32>,
      %add3A_373 = arith.constant 48 : i32
      %add3A_374 = vector.broadcast %add3A_373 : i32 to vector<16xi32>
      %add3A_375 = arith.addi %iota3A, %add3A_374 : vector<16xi32>
      %gather3A_376 = tpu.vector_load_idx %arg12[%add3A_375, %broadcast_in_dim3A_338] : memref<64x128xf32, #tpu.memory_space<vmem>>[vector<16xi32>, vector<16xi32>], vector<16xf32>,
      %mul3A_377 = arith.constant 8.000000e+00 : f32
      %mul3A_378 = vector.broadcast %mul3A_377 : f32 to vector<16xf32>
      %mul3A_379 = arith.mulf %gather3A_376, %mul3A_378 : vector<16xf32>
      %get3A_380 = arith.index_cast %sub3A_327 : i32 to index
      %get3A_381 = arith.constant 48 : index
      %get3A_382 = tpu.vector_load %arg8[%get3A_380, %get3A_381] {strides = array<i32>} : memref<128x64xf32, #tpu.memory_space<vmem>>, vector<16xf32>,
      %add3A_383 = arith.addf %mul3A_379, %get3A_382 : vector<16xf32>
      tpu.vector_store_idx %arg7[%add3A_375, %broadcast_in_dim3A_339], %add3A_383 : memref<64x256xf32, #tpu.memory_space<vmem>>[vector<16xi32>, vector<16xi32>], vector<16xf32>,
      %slice3A_384 = vector.extract_strided_slice %get3A_106 {offsets = [11], sizes = [1], strides = [1]} : vector<16xi32> to vector<1xi32>
      %squeeze3A_385 = vector.extract %slice3A_384[0] : i32 from vector<1xi32>
      %shift_right_arithmetic3A_386 = arith.constant 7 : i32
      %shift_right_arithmetic3A_387 = arith.shrsi %squeeze3A_385, %shift_right_arithmetic3A_386 : i32
      %mul3A_388 = arith.constant 128 : i32
      %mul3A_389 = arith.muli %shift_right_arithmetic3A_387, %mul3A_388 : i32
      %multiple_of3A_390 = tpu.assume_multiple %mul3A_389, 128 : i32
      %dma_start3A_391 = arith.constant 0 : i32
      %dma_start3A_392 = tpu.memref_slice %arg3[%dma_start3A_391, %multiple_of3A_390] : memref<64x1000000xf32, #tpu.memory_space<hbm>> -> memref<64x128xf32, #tpu.memory_space<hbm>>
      %dma_start3A_393 = arith.constant 0 : i32
      %dma_start3A_394 = tpu.memref_slice %arg3[%dma_start3A_393, %multiple_of3A_390] : memref<64x1000000xf32, #tpu.memory_space<hbm>> -> memref<64x128xf32, #tpu.memory_space<hbm>>
      tpu.enqueue_dma source(%dma_start3A_394 : memref<64x128xf32, #tpu.memory_space<hbm>>) target(%arg12 : memref<64x128xf32, #tpu.memory_space<vmem>>) target_semaphore(%arg20 : memref<!tpu.dma_semaphore, #tpu.memory_space<semaphore_mem>>)
      %mul3A_395 = arith.constant 16 : i32
      %mul3A_396 = arith.muli %scan3A_102, %mul3A_395 : i32
      %add3A_397 = arith.constant 4 : i32
      %add3A_398 = arith.addi %mul3A_396, %add3A_397 : i32
      %sub3A_399 = arith.constant 128 : i32
      %sub3A_400 = arith.subi %add3A_398, %sub3A_399 : i32
      %dma_wait3A_401 = arith.constant 0 : i32
      %dma_wait3A_402 = arith.constant 0 : i32
      %dma_wait3A_403 = tpu.memref_slice %arg3[%dma_wait3A_401, %dma_wait3A_402] : memref<64x1000000xf32, #tpu.memory_space<hbm>> -> memref<64x128xf32, #tpu.memory_space<hbm>>
      %dma_wait3A_404 = arith.constant 0 : i32
      %dma_wait3A_405 = arith.constant 0 : i32
      %dma_wait3A_406 = tpu.memref_slice %arg3[%dma_wait3A_404, %dma_wait3A_405] : memref<64x1000000xf32, #tpu.memory_space<hbm>> -> memref<64x128xf32, #tpu.memory_space<hbm>>
      tpu.wait_dma2 semaphore(%arg21 : memref<!tpu.dma_semaphore, #tpu.memory_space<semaphore_mem>>) src(%dma_wait3A_406 : memref<64x128xf32, #tpu.memory_space<hbm>>) dst(%arg13 : memref<64x128xf32, #tpu.memory_space<vmem>>)
      %slice3A_407 = vector.extract_strided_slice %get3A_106 {offsets = [4], sizes = [1], strides = [1]} : vector<16xi32> to vector<1xi32>
      %squeeze3A_408 = vector.extract %slice3A_407[0] : i32 from vector<1xi32>
      %and3A_409 = arith.constant 127 : i32
      %and3A_410 = arith.andi %squeeze3A_408, %and3A_409 : i32
      %broadcast_in_dim3A_411 = vector.broadcast %and3A_410 : i32 to vector<16xi32>
      %broadcast_in_dim3A_412 = vector.broadcast %add3A_398 : i32 to vector<16xi32>
      %add3A_413 = arith.constant 0 : i32
      %add3A_414 = vector.broadcast %add3A_413 : i32 to vector<16xi32>
      %add3A_415 = arith.addi %iota3A, %add3A_414 : vector<16xi32>
      %gather3A_416 = tpu.vector_load_idx %arg13[%add3A_415, %broadcast_in_dim3A_411] : memref<64x128xf32, #tpu.memory_space<vmem>>[vector<16xi32>, vector<16xi32>], vector<16xf32>,
      %mul3A_417 = arith.constant 8.000000e+00 : f32
      %mul3A_418 = vector.broadcast %mul3A_417 : f32 to vector<16xf32>
      %mul3A_419 = arith.mulf %gather3A_416, %mul3A_418 : vector<16xf32>
      %get3A_420 = arith.index_cast %sub3A_400 : i32 to index
      %get3A_421 = arith.constant 0 : index
      %get3A_422 = tpu.vector_load %arg8[%get3A_420, %get3A_421] {strides = array<i32>} : memref<128x64xf32, #tpu.memory_space<vmem>>, vector<16xf32>,
      %add3A_423 = arith.addf %mul3A_419, %get3A_422 : vector<16xf32>
      tpu.vector_store_idx %arg7[%add3A_415, %broadcast_in_dim3A_412], %add3A_423 : memref<64x256xf32, #tpu.memory_space<vmem>>[vector<16xi32>, vector<16xi32>], vector<16xf32>,
      %add3A_424 = arith.constant 16 : i32
      %add3A_425 = vector.broadcast %add3A_424 : i32 to vector<16xi32>
      %add3A_426 = arith.addi %iota3A, %add3A_425 : vector<16xi32>
      %gather3A_427 = tpu.vector_load_idx %arg13[%add3A_426, %broadcast_in_dim3A_411] : memref<64x128xf32, #tpu.memory_space<vmem>>[vector<16xi32>, vector<16xi32>], vector<16xf32>,
      %mul3A_428 = arith.constant 8.000000e+00 : f32
      %mul3A_429 = vector.broadcast %mul3A_428 : f32 to vector<16xf32>
      %mul3A_430 = arith.mulf %gather3A_427, %mul3A_429 : vector<16xf32>
      %get3A_431 = arith.index_cast %sub3A_400 : i32 to index
      %get3A_432 = arith.constant 16 : index
      %get3A_433 = tpu.vector_load %arg8[%get3A_431, %get3A_432] {strides = array<i32>} : memref<128x64xf32, #tpu.memory_space<vmem>>, vector<16xf32>,
      %add3A_434 = arith.addf %mul3A_430, %get3A_433 : vector<16xf32>
      tpu.vector_store_idx %arg7[%add3A_426, %broadcast_in_dim3A_412], %add3A_434 : memref<64x256xf32, #tpu.memory_space<vmem>>[vector<16xi32>, vector<16xi32>], vector<16xf32>,
      %add3A_435 = arith.constant 32 : i32
      %add3A_436 = vector.broadcast %add3A_435 : i32 to vector<16xi32>
      %add3A_437 = arith.addi %iota3A, %add3A_436 : vector<16xi32>
      %gather3A_438 = tpu.vector_load_idx %arg13[%add3A_437, %broadcast_in_dim3A_411] : memref<64x128xf32, #tpu.memory_space<vmem>>[vector<16xi32>, vector<16xi32>], vector<16xf32>,
      %mul3A_439 = arith.constant 8.000000e+00 : f32
      %mul3A_440 = vector.broadcast %mul3A_439 : f32 to vector<16xf32>
      %mul3A_441 = arith.mulf %gather3A_438, %mul3A_440 : vector<16xf32>
      %get3A_442 = arith.index_cast %sub3A_400 : i32 to index
      %get3A_443 = arith.constant 32 : index
      %get3A_444 = tpu.vector_load %arg8[%get3A_442, %get3A_443] {strides = array<i32>} : memref<128x64xf32, #tpu.memory_space<vmem>>, vector<16xf32>,
      %add3A_445 = arith.addf %mul3A_441, %get3A_444 : vector<16xf32>
      tpu.vector_store_idx %arg7[%add3A_437, %broadcast_in_dim3A_412], %add3A_445 : memref<64x256xf32, #tpu.memory_space<vmem>>[vector<16xi32>, vector<16xi32>], vector<16xf32>,
      %add3A_446 = arith.constant 48 : i32
      %add3A_447 = vector.broadcast %add3A_446 : i32 to vector<16xi32>
      %add3A_448 = arith.addi %iota3A, %add3A_447 : vector<16xi32>
      %gather3A_449 = tpu.vector_load_idx %arg13[%add3A_448, %broadcast_in_dim3A_411] : memref<64x128xf32, #tpu.memory_space<vmem>>[vector<16xi32>, vector<16xi32>], vector<16xf32>,
      %mul3A_450 = arith.constant 8.000000e+00 : f32
      %mul3A_451 = vector.broadcast %mul3A_450 : f32 to vector<16xf32>
      %mul3A_452 = arith.mulf %gather3A_449, %mul3A_451 : vector<16xf32>
      %get3A_453 = arith.index_cast %sub3A_400 : i32 to index
      %get3A_454 = arith.constant 48 : index
      %get3A_455 = tpu.vector_load %arg8[%get3A_453, %get3A_454] {strides = array<i32>} : memref<128x64xf32, #tpu.memory_space<vmem>>, vector<16xf32>,
      %add3A_456 = arith.addf %mul3A_452, %get3A_455 : vector<16xf32>
      tpu.vector_store_idx %arg7[%add3A_448, %broadcast_in_dim3A_412], %add3A_456 : memref<64x256xf32, #tpu.memory_space<vmem>>[vector<16xi32>, vector<16xi32>], vector<16xf32>,
      %slice3A_457 = vector.extract_strided_slice %get3A_106 {offsets = [12], sizes = [1], strides = [1]} : vector<16xi32> to vector<1xi32>
      %squeeze3A_458 = vector.extract %slice3A_457[0] : i32 from vector<1xi32>
      %shift_right_arithmetic3A_459 = arith.constant 7 : i32
      %shift_right_arithmetic3A_460 = arith.shrsi %squeeze3A_458, %shift_right_arithmetic3A_459 : i32
      %mul3A_461 = arith.constant 128 : i32
      %mul3A_462 = arith.muli %shift_right_arithmetic3A_460, %mul3A_461 : i32
      %multiple_of3A_463 = tpu.assume_multiple %mul3A_462, 128 : i32
      %dma_start3A_464 = arith.constant 0 : i32
      %dma_start3A_465 = tpu.memref_slice %arg3[%dma_start3A_464, %multiple_of3A_463] : memref<64x1000000xf32, #tpu.memory_space<hbm>> -> memref<64x128xf32, #tpu.memory_space<hbm>>
      %dma_start3A_466 = arith.constant 0 : i32
      %dma_start3A_467 = tpu.memref_slice %arg3[%dma_start3A_466, %multiple_of3A_463] : memref<64x1000000xf32, #tpu.memory_space<hbm>> -> memref<64x128xf32, #tpu.memory_space<hbm>>
      tpu.enqueue_dma source(%dma_start3A_467 : memref<64x128xf32, #tpu.memory_space<hbm>>) target(%arg13 : memref<64x128xf32, #tpu.memory_space<vmem>>) target_semaphore(%arg21 : memref<!tpu.dma_semaphore, #tpu.memory_space<semaphore_mem>>)
      %mul3A_468 = arith.constant 16 : i32
      %mul3A_469 = arith.muli %scan3A_102, %mul3A_468 : i32
      %add3A_470 = arith.constant 5 : i32
      %add3A_471 = arith.addi %mul3A_469, %add3A_470 : i32
      %sub3A_472 = arith.constant 128 : i32
      %sub3A_473 = arith.subi %add3A_471, %sub3A_472 : i32
      %dma_wait3A_474 = arith.constant 0 : i32
      %dma_wait3A_475 = arith.constant 0 : i32
      %dma_wait3A_476 = tpu.memref_slice %arg3[%dma_wait3A_474, %dma_wait3A_475] : memref<64x1000000xf32, #tpu.memory_space<hbm>> -> memref<64x128xf32, #tpu.memory_space<hbm>>
      %dma_wait3A_477 = arith.constant 0 : i32
      %dma_wait3A_478 = arith.constant 0 : i32
      %dma_wait3A_479 = tpu.memref_slice %arg3[%dma_wait3A_477, %dma_wait3A_478] : memref<64x1000000xf32, #tpu.memory_space<hbm>> -> memref<64x128xf32, #tpu.memory_space<hbm>>
      tpu.wait_dma2 semaphore(%arg22 : memref<!tpu.dma_semaphore, #tpu.memory_space<semaphore_mem>>) src(%dma_wait3A_479 : memref<64x128xf32, #tpu.memory_space<hbm>>) dst(%arg14 : memref<64x128xf32, #tpu.memory_space<vmem>>)
      %slice3A_480 = vector.extract_strided_slice %get3A_106 {offsets = [5], sizes = [1], strides = [1]} : vector<16xi32> to vector<1xi32>
      %squeeze3A_481 = vector.extract %slice3A_480[0] : i32 from vector<1xi32>
      %and3A_482 = arith.constant 127 : i32
      %and3A_483 = arith.andi %squeeze3A_481, %and3A_482 : i32
      %broadcast_in_dim3A_484 = vector.broadcast %and3A_483 : i32 to vector<16xi32>
      %broadcast_in_dim3A_485 = vector.broadcast %add3A_471 : i32 to vector<16xi32>
      %add3A_486 = arith.constant 0 : i32
      %add3A_487 = vector.broadcast %add3A_486 : i32 to vector<16xi32>
      %add3A_488 = arith.addi %iota3A, %add3A_487 : vector<16xi32>
      %gather3A_489 = tpu.vector_load_idx %arg14[%add3A_488, %broadcast_in_dim3A_484] : memref<64x128xf32, #tpu.memory_space<vmem>>[vector<16xi32>, vector<16xi32>], vector<16xf32>,
      %mul3A_490 = arith.constant 8.000000e+00 : f32
      %mul3A_491 = vector.broadcast %mul3A_490 : f32 to vector<16xf32>
      %mul3A_492 = arith.mulf %gather3A_489, %mul3A_491 : vector<16xf32>
      %get3A_493 = arith.index_cast %sub3A_473 : i32 to index
      %get3A_494 = arith.constant 0 : index
      %get3A_495 = tpu.vector_load %arg8[%get3A_493, %get3A_494] {strides = array<i32>} : memref<128x64xf32, #tpu.memory_space<vmem>>, vector<16xf32>,
      %add3A_496 = arith.addf %mul3A_492, %get3A_495 : vector<16xf32>
      tpu.vector_store_idx %arg7[%add3A_488, %broadcast_in_dim3A_485], %add3A_496 : memref<64x256xf32, #tpu.memory_space<vmem>>[vector<16xi32>, vector<16xi32>], vector<16xf32>,
      %add3A_497 = arith.constant 16 : i32
      %add3A_498 = vector.broadcast %add3A_497 : i32 to vector<16xi32>
      %add3A_499 = arith.addi %iota3A, %add3A_498 : vector<16xi32>
      %gather3A_500 = tpu.vector_load_idx %arg14[%add3A_499, %broadcast_in_dim3A_484] : memref<64x128xf32, #tpu.memory_space<vmem>>[vector<16xi32>, vector<16xi32>], vector<16xf32>,
      %mul3A_501 = arith.constant 8.000000e+00 : f32
      %mul3A_502 = vector.broadcast %mul3A_501 : f32 to vector<16xf32>
      %mul3A_503 = arith.mulf %gather3A_500, %mul3A_502 : vector<16xf32>
      %get3A_504 = arith.index_cast %sub3A_473 : i32 to index
      %get3A_505 = arith.constant 16 : index
      %get3A_506 = tpu.vector_load %arg8[%get3A_504, %get3A_505] {strides = array<i32>} : memref<128x64xf32, #tpu.memory_space<vmem>>, vector<16xf32>,
      %add3A_507 = arith.addf %mul3A_503, %get3A_506 : vector<16xf32>
      tpu.vector_store_idx %arg7[%add3A_499, %broadcast_in_dim3A_485], %add3A_507 : memref<64x256xf32, #tpu.memory_space<vmem>>[vector<16xi32>, vector<16xi32>], vector<16xf32>,
      %add3A_508 = arith.constant 32 : i32
      %add3A_509 = vector.broadcast %add3A_508 : i32 to vector<16xi32>
      %add3A_510 = arith.addi %iota3A, %add3A_509 : vector<16xi32>
      %gather3A_511 = tpu.vector_load_idx %arg14[%add3A_510, %broadcast_in_dim3A_484] : memref<64x128xf32, #tpu.memory_space<vmem>>[vector<16xi32>, vector<16xi32>], vector<16xf32>,
      %mul3A_512 = arith.constant 8.000000e+00 : f32
      %mul3A_513 = vector.broadcast %mul3A_512 : f32 to vector<16xf32>
      %mul3A_514 = arith.mulf %gather3A_511, %mul3A_513 : vector<16xf32>
      %get3A_515 = arith.index_cast %sub3A_473 : i32 to index
      %get3A_516 = arith.constant 32 : index
      %get3A_517 = tpu.vector_load %arg8[%get3A_515, %get3A_516] {strides = array<i32>} : memref<128x64xf32, #tpu.memory_space<vmem>>, vector<16xf32>,
      %add3A_518 = arith.addf %mul3A_514, %get3A_517 : vector<16xf32>
      tpu.vector_store_idx %arg7[%add3A_510, %broadcast_in_dim3A_485], %add3A_518 : memref<64x256xf32, #tpu.memory_space<vmem>>[vector<16xi32>, vector<16xi32>], vector<16xf32>,
      %add3A_519 = arith.constant 48 : i32
      %add3A_520 = vector.broadcast %add3A_519 : i32 to vector<16xi32>
      %add3A_521 = arith.addi %iota3A, %add3A_520 : vector<16xi32>
      %gather3A_522 = tpu.vector_load_idx %arg14[%add3A_521, %broadcast_in_dim3A_484] : memref<64x128xf32, #tpu.memory_space<vmem>>[vector<16xi32>, vector<16xi32>], vector<16xf32>,
      %mul3A_523 = arith.constant 8.000000e+00 : f32
      %mul3A_524 = vector.broadcast %mul3A_523 : f32 to vector<16xf32>
      %mul3A_525 = arith.mulf %gather3A_522, %mul3A_524 : vector<16xf32>
      %get3A_526 = arith.index_cast %sub3A_473 : i32 to index
      %get3A_527 = arith.constant 48 : index
      %get3A_528 = tpu.vector_load %arg8[%get3A_526, %get3A_527] {strides = array<i32>} : memref<128x64xf32, #tpu.memory_space<vmem>>, vector<16xf32>,
      %add3A_529 = arith.addf %mul3A_525, %get3A_528 : vector<16xf32>
      tpu.vector_store_idx %arg7[%add3A_521, %broadcast_in_dim3A_485], %add3A_529 : memref<64x256xf32, #tpu.memory_space<vmem>>[vector<16xi32>, vector<16xi32>], vector<16xf32>,
      %slice3A_530 = vector.extract_strided_slice %get3A_106 {offsets = [13], sizes = [1], strides = [1]} : vector<16xi32> to vector<1xi32>
      %squeeze3A_531 = vector.extract %slice3A_530[0] : i32 from vector<1xi32>
      %shift_right_arithmetic3A_532 = arith.constant 7 : i32
      %shift_right_arithmetic3A_533 = arith.shrsi %squeeze3A_531, %shift_right_arithmetic3A_532 : i32
      %mul3A_534 = arith.constant 128 : i32
      %mul3A_535 = arith.muli %shift_right_arithmetic3A_533, %mul3A_534 : i32
      %multiple_of3A_536 = tpu.assume_multiple %mul3A_535, 128 : i32
      %dma_start3A_537 = arith.constant 0 : i32
      %dma_start3A_538 = tpu.memref_slice %arg3[%dma_start3A_537, %multiple_of3A_536] : memref<64x1000000xf32, #tpu.memory_space<hbm>> -> memref<64x128xf32, #tpu.memory_space<hbm>>
      %dma_start3A_539 = arith.constant 0 : i32
      %dma_start3A_540 = tpu.memref_slice %arg3[%dma_start3A_539, %multiple_of3A_536] : memref<64x1000000xf32, #tpu.memory_space<hbm>> -> memref<64x128xf32, #tpu.memory_space<hbm>>
      tpu.enqueue_dma source(%dma_start3A_540 : memref<64x128xf32, #tpu.memory_space<hbm>>) target(%arg14 : memref<64x128xf32, #tpu.memory_space<vmem>>) target_semaphore(%arg22 : memref<!tpu.dma_semaphore, #tpu.memory_space<semaphore_mem>>)
      %mul3A_541 = arith.constant 16 : i32
      %mul3A_542 = arith.muli %scan3A_102, %mul3A_541 : i32
      %add3A_543 = arith.constant 6 : i32
      %add3A_544 = arith.addi %mul3A_542, %add3A_543 : i32
      %sub3A_545 = arith.constant 128 : i32
      %sub3A_546 = arith.subi %add3A_544, %sub3A_545 : i32
      %dma_wait3A_547 = arith.constant 0 : i32
      %dma_wait3A_548 = arith.constant 0 : i32
      %dma_wait3A_549 = tpu.memref_slice %arg3[%dma_wait3A_547, %dma_wait3A_548] : memref<64x1000000xf32, #tpu.memory_space<hbm>> -> memref<64x128xf32, #tpu.memory_space<hbm>>
      %dma_wait3A_550 = arith.constant 0 : i32
      %dma_wait3A_551 = arith.constant 0 : i32
      %dma_wait3A_552 = tpu.memref_slice %arg3[%dma_wait3A_550, %dma_wait3A_551] : memref<64x1000000xf32, #tpu.memory_space<hbm>> -> memref<64x128xf32, #tpu.memory_space<hbm>>
      tpu.wait_dma2 semaphore(%arg23 : memref<!tpu.dma_semaphore, #tpu.memory_space<semaphore_mem>>) src(%dma_wait3A_552 : memref<64x128xf32, #tpu.memory_space<hbm>>) dst(%arg15 : memref<64x128xf32, #tpu.memory_space<vmem>>)
      %slice3A_553 = vector.extract_strided_slice %get3A_106 {offsets = [6], sizes = [1], strides = [1]} : vector<16xi32> to vector<1xi32>
      %squeeze3A_554 = vector.extract %slice3A_553[0] : i32 from vector<1xi32>
      %and3A_555 = arith.constant 127 : i32
      %and3A_556 = arith.andi %squeeze3A_554, %and3A_555 : i32
      %broadcast_in_dim3A_557 = vector.broadcast %and3A_556 : i32 to vector<16xi32>
      %broadcast_in_dim3A_558 = vector.broadcast %add3A_544 : i32 to vector<16xi32>
      %add3A_559 = arith.constant 0 : i32
      %add3A_560 = vector.broadcast %add3A_559 : i32 to vector<16xi32>
      %add3A_561 = arith.addi %iota3A, %add3A_560 : vector<16xi32>
      %gather3A_562 = tpu.vector_load_idx %arg15[%add3A_561, %broadcast_in_dim3A_557] : memref<64x128xf32, #tpu.memory_space<vmem>>[vector<16xi32>, vector<16xi32>], vector<16xf32>,
      %mul3A_563 = arith.constant 8.000000e+00 : f32
      %mul3A_564 = vector.broadcast %mul3A_563 : f32 to vector<16xf32>
      %mul3A_565 = arith.mulf %gather3A_562, %mul3A_564 : vector<16xf32>
      %get3A_566 = arith.index_cast %sub3A_546 : i32 to index
      %get3A_567 = arith.constant 0 : index
      %get3A_568 = tpu.vector_load %arg8[%get3A_566, %get3A_567] {strides = array<i32>} : memref<128x64xf32, #tpu.memory_space<vmem>>, vector<16xf32>,
      %add3A_569 = arith.addf %mul3A_565, %get3A_568 : vector<16xf32>
      tpu.vector_store_idx %arg7[%add3A_561, %broadcast_in_dim3A_558], %add3A_569 : memref<64x256xf32, #tpu.memory_space<vmem>>[vector<16xi32>, vector<16xi32>], vector<16xf32>,
      %add3A_570 = arith.constant 16 : i32
      %add3A_571 = vector.broadcast %add3A_570 : i32 to vector<16xi32>
      %add3A_572 = arith.addi %iota3A, %add3A_571 : vector<16xi32>
      %gather3A_573 = tpu.vector_load_idx %arg15[%add3A_572, %broadcast_in_dim3A_557] : memref<64x128xf32, #tpu.memory_space<vmem>>[vector<16xi32>, vector<16xi32>], vector<16xf32>,
      %mul3A_574 = arith.constant 8.000000e+00 : f32
      %mul3A_575 = vector.broadcast %mul3A_574 : f32 to vector<16xf32>
      %mul3A_576 = arith.mulf %gather3A_573, %mul3A_575 : vector<16xf32>
      %get3A_577 = arith.index_cast %sub3A_546 : i32 to index
      %get3A_578 = arith.constant 16 : index
      %get3A_579 = tpu.vector_load %arg8[%get3A_577, %get3A_578] {strides = array<i32>} : memref<128x64xf32, #tpu.memory_space<vmem>>, vector<16xf32>,
      %add3A_580 = arith.addf %mul3A_576, %get3A_579 : vector<16xf32>
      tpu.vector_store_idx %arg7[%add3A_572, %broadcast_in_dim3A_558], %add3A_580 : memref<64x256xf32, #tpu.memory_space<vmem>>[vector<16xi32>, vector<16xi32>], vector<16xf32>,
      %add3A_581 = arith.constant 32 : i32
      %add3A_582 = vector.broadcast %add3A_581 : i32 to vector<16xi32>
      %add3A_583 = arith.addi %iota3A, %add3A_582 : vector<16xi32>
      %gather3A_584 = tpu.vector_load_idx %arg15[%add3A_583, %broadcast_in_dim3A_557] : memref<64x128xf32, #tpu.memory_space<vmem>>[vector<16xi32>, vector<16xi32>], vector<16xf32>,
      %mul3A_585 = arith.constant 8.000000e+00 : f32
      %mul3A_586 = vector.broadcast %mul3A_585 : f32 to vector<16xf32>
      %mul3A_587 = arith.mulf %gather3A_584, %mul3A_586 : vector<16xf32>
      %get3A_588 = arith.index_cast %sub3A_546 : i32 to index
      %get3A_589 = arith.constant 32 : index
      %get3A_590 = tpu.vector_load %arg8[%get3A_588, %get3A_589] {strides = array<i32>} : memref<128x64xf32, #tpu.memory_space<vmem>>, vector<16xf32>,
      %add3A_591 = arith.addf %mul3A_587, %get3A_590 : vector<16xf32>
      tpu.vector_store_idx %arg7[%add3A_583, %broadcast_in_dim3A_558], %add3A_591 : memref<64x256xf32, #tpu.memory_space<vmem>>[vector<16xi32>, vector<16xi32>], vector<16xf32>,
      %add3A_592 = arith.constant 48 : i32
      %add3A_593 = vector.broadcast %add3A_592 : i32 to vector<16xi32>
      %add3A_594 = arith.addi %iota3A, %add3A_593 : vector<16xi32>
      %gather3A_595 = tpu.vector_load_idx %arg15[%add3A_594, %broadcast_in_dim3A_557] : memref<64x128xf32, #tpu.memory_space<vmem>>[vector<16xi32>, vector<16xi32>], vector<16xf32>,
      %mul3A_596 = arith.constant 8.000000e+00 : f32
      %mul3A_597 = vector.broadcast %mul3A_596 : f32 to vector<16xf32>
      %mul3A_598 = arith.mulf %gather3A_595, %mul3A_597 : vector<16xf32>
      %get3A_599 = arith.index_cast %sub3A_546 : i32 to index
      %get3A_600 = arith.constant 48 : index
      %get3A_601 = tpu.vector_load %arg8[%get3A_599, %get3A_600] {strides = array<i32>} : memref<128x64xf32, #tpu.memory_space<vmem>>, vector<16xf32>,
      %add3A_602 = arith.addf %mul3A_598, %get3A_601 : vector<16xf32>
      tpu.vector_store_idx %arg7[%add3A_594, %broadcast_in_dim3A_558], %add3A_602 : memref<64x256xf32, #tpu.memory_space<vmem>>[vector<16xi32>, vector<16xi32>], vector<16xf32>,
      %slice3A_603 = vector.extract_strided_slice %get3A_106 {offsets = [14], sizes = [1], strides = [1]} : vector<16xi32> to vector<1xi32>
      %squeeze3A_604 = vector.extract %slice3A_603[0] : i32 from vector<1xi32>
      %shift_right_arithmetic3A_605 = arith.constant 7 : i32
      %shift_right_arithmetic3A_606 = arith.shrsi %squeeze3A_604, %shift_right_arithmetic3A_605 : i32
      %mul3A_607 = arith.constant 128 : i32
      %mul3A_608 = arith.muli %shift_right_arithmetic3A_606, %mul3A_607 : i32
      %multiple_of3A_609 = tpu.assume_multiple %mul3A_608, 128 : i32
      %dma_start3A_610 = arith.constant 0 : i32
      %dma_start3A_611 = tpu.memref_slice %arg3[%dma_start3A_610, %multiple_of3A_609] : memref<64x1000000xf32, #tpu.memory_space<hbm>> -> memref<64x128xf32, #tpu.memory_space<hbm>>
      %dma_start3A_612 = arith.constant 0 : i32
      %dma_start3A_613 = tpu.memref_slice %arg3[%dma_start3A_612, %multiple_of3A_609] : memref<64x1000000xf32, #tpu.memory_space<hbm>> -> memref<64x128xf32, #tpu.memory_space<hbm>>
      tpu.enqueue_dma source(%dma_start3A_613 : memref<64x128xf32, #tpu.memory_space<hbm>>) target(%arg15 : memref<64x128xf32, #tpu.memory_space<vmem>>) target_semaphore(%arg23 : memref<!tpu.dma_semaphore, #tpu.memory_space<semaphore_mem>>)
      %mul3A_614 = arith.constant 16 : i32
      %mul3A_615 = arith.muli %scan3A_102, %mul3A_614 : i32
      %add3A_616 = arith.constant 7 : i32
      %add3A_617 = arith.addi %mul3A_615, %add3A_616 : i32
      %sub3A_618 = arith.constant 128 : i32
      %sub3A_619 = arith.subi %add3A_617, %sub3A_618 : i32
      %dma_wait3A_620 = arith.constant 0 : i32
      %dma_wait3A_621 = arith.constant 0 : i32
      %dma_wait3A_622 = tpu.memref_slice %arg3[%dma_wait3A_620, %dma_wait3A_621] : memref<64x1000000xf32, #tpu.memory_space<hbm>> -> memref<64x128xf32, #tpu.memory_space<hbm>>
      %dma_wait3A_623 = arith.constant 0 : i32
      %dma_wait3A_624 = arith.constant 0 : i32
      %dma_wait3A_625 = tpu.memref_slice %arg3[%dma_wait3A_623, %dma_wait3A_624] : memref<64x1000000xf32, #tpu.memory_space<hbm>> -> memref<64x128xf32, #tpu.memory_space<hbm>>
      tpu.wait_dma2 semaphore(%arg24 : memref<!tpu.dma_semaphore, #tpu.memory_space<semaphore_mem>>) src(%dma_wait3A_625 : memref<64x128xf32, #tpu.memory_space<hbm>>) dst(%arg16 : memref<64x128xf32, #tpu.memory_space<vmem>>)
      %slice3A_626 = vector.extract_strided_slice %get3A_106 {offsets = [7], sizes = [1], strides = [1]} : vector<16xi32> to vector<1xi32>
      %squeeze3A_627 = vector.extract %slice3A_626[0] : i32 from vector<1xi32>
      %and3A_628 = arith.constant 127 : i32
      %and3A_629 = arith.andi %squeeze3A_627, %and3A_628 : i32
      %broadcast_in_dim3A_630 = vector.broadcast %and3A_629 : i32 to vector<16xi32>
      %broadcast_in_dim3A_631 = vector.broadcast %add3A_617 : i32 to vector<16xi32>
      %add3A_632 = arith.constant 0 : i32
      %add3A_633 = vector.broadcast %add3A_632 : i32 to vector<16xi32>
      %add3A_634 = arith.addi %iota3A, %add3A_633 : vector<16xi32>
      %gather3A_635 = tpu.vector_load_idx %arg16[%add3A_634, %broadcast_in_dim3A_630] : memref<64x128xf32, #tpu.memory_space<vmem>>[vector<16xi32>, vector<16xi32>], vector<16xf32>,
      %mul3A_636 = arith.constant 8.000000e+00 : f32
      %mul3A_637 = vector.broadcast %mul3A_636 : f32 to vector<16xf32>
      %mul3A_638 = arith.mulf %gather3A_635, %mul3A_637 : vector<16xf32>
      %get3A_639 = arith.index_cast %sub3A_619 : i32 to index
      %get3A_640 = arith.constant 0 : index
      %get3A_641 = tpu.vector_load %arg8[%get3A_639, %get3A_640] {strides = array<i32>} : memref<128x64xf32, #tpu.memory_space<vmem>>, vector<16xf32>,
      %add3A_642 = arith.addf %mul3A_638, %get3A_641 : vector<16xf32>
      tpu.vector_store_idx %arg7[%add3A_634, %broadcast_in_dim3A_631], %add3A_642 : memref<64x256xf32, #tpu.memory_space<vmem>>[vector<16xi32>, vector<16xi32>], vector<16xf32>,
      %add3A_643 = arith.constant 16 : i32
      %add3A_644 = vector.broadcast %add3A_643 : i32 to vector<16xi32>
      %add3A_645 = arith.addi %iota3A, %add3A_644 : vector<16xi32>
      %gather3A_646 = tpu.vector_load_idx %arg16[%add3A_645, %broadcast_in_dim3A_630] : memref<64x128xf32, #tpu.memory_space<vmem>>[vector<16xi32>, vector<16xi32>], vector<16xf32>,
      %mul3A_647 = arith.constant 8.000000e+00 : f32
      %mul3A_648 = vector.broadcast %mul3A_647 : f32 to vector<16xf32>
      %mul3A_649 = arith.mulf %gather3A_646, %mul3A_648 : vector<16xf32>
      %get3A_650 = arith.index_cast %sub3A_619 : i32 to index
      %get3A_651 = arith.constant 16 : index
      %get3A_652 = tpu.vector_load %arg8[%get3A_650, %get3A_651] {strides = array<i32>} : memref<128x64xf32, #tpu.memory_space<vmem>>, vector<16xf32>,
      %add3A_653 = arith.addf %mul3A_649, %get3A_652 : vector<16xf32>
      tpu.vector_store_idx %arg7[%add3A_645, %broadcast_in_dim3A_631], %add3A_653 : memref<64x256xf32, #tpu.memory_space<vmem>>[vector<16xi32>, vector<16xi32>], vector<16xf32>,
      %add3A_654 = arith.constant 32 : i32
      %add3A_655 = vector.broadcast %add3A_654 : i32 to vector<16xi32>
      %add3A_656 = arith.addi %iota3A, %add3A_655 : vector<16xi32>
      %gather3A_657 = tpu.vector_load_idx %arg16[%add3A_656, %broadcast_in_dim3A_630] : memref<64x128xf32, #tpu.memory_space<vmem>>[vector<16xi32>, vector<16xi32>], vector<16xf32>,
      %mul3A_658 = arith.constant 8.000000e+00 : f32
      %mul3A_659 = vector.broadcast %mul3A_658 : f32 to vector<16xf32>
      %mul3A_660 = arith.mulf %gather3A_657, %mul3A_659 : vector<16xf32>
      %get3A_661 = arith.index_cast %sub3A_619 : i32 to index
      %get3A_662 = arith.constant 32 : index
      %get3A_663 = tpu.vector_load %arg8[%get3A_661, %get3A_662] {strides = array<i32>} : memref<128x64xf32, #tpu.memory_space<vmem>>, vector<16xf32>,
      %add3A_664 = arith.addf %mul3A_660, %get3A_663 : vector<16xf32>
      tpu.vector_store_idx %arg7[%add3A_656, %broadcast_in_dim3A_631], %add3A_664 : memref<64x256xf32, #tpu.memory_space<vmem>>[vector<16xi32>, vector<16xi32>], vector<16xf32>,
      %add3A_665 = arith.constant 48 : i32
      %add3A_666 = vector.broadcast %add3A_665 : i32 to vector<16xi32>
      %add3A_667 = arith.addi %iota3A, %add3A_666 : vector<16xi32>
      %gather3A_668 = tpu.vector_load_idx %arg16[%add3A_667, %broadcast_in_dim3A_630] : memref<64x128xf32, #tpu.memory_space<vmem>>[vector<16xi32>, vector<16xi32>], vector<16xf32>,
      %mul3A_669 = arith.constant 8.000000e+00 : f32
      %mul3A_670 = vector.broadcast %mul3A_669 : f32 to vector<16xf32>
      %mul3A_671 = arith.mulf %gather3A_668, %mul3A_670 : vector<16xf32>
      %get3A_672 = arith.index_cast %sub3A_619 : i32 to index
      %get3A_673 = arith.constant 48 : index
      %get3A_674 = tpu.vector_load %arg8[%get3A_672, %get3A_673] {strides = array<i32>} : memref<128x64xf32, #tpu.memory_space<vmem>>, vector<16xf32>,
      %add3A_675 = arith.addf %mul3A_671, %get3A_674 : vector<16xf32>
      tpu.vector_store_idx %arg7[%add3A_667, %broadcast_in_dim3A_631], %add3A_675 : memref<64x256xf32, #tpu.memory_space<vmem>>[vector<16xi32>, vector<16xi32>], vector<16xf32>,
      %slice3A_676 = vector.extract_strided_slice %get3A_106 {offsets = [15], sizes = [1], strides = [1]} : vector<16xi32> to vector<1xi32>
      %squeeze3A_677 = vector.extract %slice3A_676[0] : i32 from vector<1xi32>
      %shift_right_arithmetic3A_678 = arith.constant 7 : i32
      %shift_right_arithmetic3A_679 = arith.shrsi %squeeze3A_677, %shift_right_arithmetic3A_678 : i32
      %mul3A_680 = arith.constant 128 : i32
      %mul3A_681 = arith.muli %shift_right_arithmetic3A_679, %mul3A_680 : i32
      %multiple_of3A_682 = tpu.assume_multiple %mul3A_681, 128 : i32
      %dma_start3A_683 = arith.constant 0 : i32
      %dma_start3A_684 = tpu.memref_slice %arg3[%dma_start3A_683, %multiple_of3A_682] : memref<64x1000000xf32, #tpu.memory_space<hbm>> -> memref<64x128xf32, #tpu.memory_space<hbm>>
      %dma_start3A_685 = arith.constant 0 : i32
      %dma_start3A_686 = tpu.memref_slice %arg3[%dma_start3A_685, %multiple_of3A_682] : memref<64x1000000xf32, #tpu.memory_space<hbm>> -> memref<64x128xf32, #tpu.memory_space<hbm>>
      tpu.enqueue_dma source(%dma_start3A_686 : memref<64x128xf32, #tpu.memory_space<hbm>>) target(%arg16 : memref<64x128xf32, #tpu.memory_space<vmem>>) target_semaphore(%arg24 : memref<!tpu.dma_semaphore, #tpu.memory_space<semaphore_mem>>)
      %mul3A_687 = arith.constant 16 : i32
      %mul3A_688 = arith.muli %scan3A_102, %mul3A_687 : i32
      %add3A_689 = arith.constant 8 : i32
      %add3A_690 = arith.addi %mul3A_688, %add3A_689 : i32
      %sub3A_691 = arith.constant 128 : i32
      %sub3A_692 = arith.subi %add3A_690, %sub3A_691 : i32
      %dma_wait3A_693 = arith.constant 0 : i32
      %dma_wait3A_694 = arith.constant 0 : i32
      %dma_wait3A_695 = tpu.memref_slice %arg3[%dma_wait3A_693, %dma_wait3A_694] : memref<64x1000000xf32, #tpu.memory_space<hbm>> -> memref<64x128xf32, #tpu.memory_space<hbm>>
      %dma_wait3A_696 = arith.constant 0 : i32
      %dma_wait3A_697 = arith.constant 0 : i32
      %dma_wait3A_698 = tpu.memref_slice %arg3[%dma_wait3A_696, %dma_wait3A_697] : memref<64x1000000xf32, #tpu.memory_space<hbm>> -> memref<64x128xf32, #tpu.memory_space<hbm>>
      tpu.wait_dma2 semaphore(%arg17 : memref<!tpu.dma_semaphore, #tpu.memory_space<semaphore_mem>>) src(%dma_wait3A_698 : memref<64x128xf32, #tpu.memory_space<hbm>>) dst(%arg9 : memref<64x128xf32, #tpu.memory_space<vmem>>)
      %slice3A_699 = vector.extract_strided_slice %get3A_106 {offsets = [8], sizes = [1], strides = [1]} : vector<16xi32> to vector<1xi32>
      %squeeze3A_700 = vector.extract %slice3A_699[0] : i32 from vector<1xi32>
      %and3A_701 = arith.constant 127 : i32
      %and3A_702 = arith.andi %squeeze3A_700, %and3A_701 : i32
      %broadcast_in_dim3A_703 = vector.broadcast %and3A_702 : i32 to vector<16xi32>
      %broadcast_in_dim3A_704 = vector.broadcast %add3A_690 : i32 to vector<16xi32>
      %add3A_705 = arith.constant 0 : i32
      %add3A_706 = vector.broadcast %add3A_705 : i32 to vector<16xi32>
      %add3A_707 = arith.addi %iota3A, %add3A_706 : vector<16xi32>
      %gather3A_708 = tpu.vector_load_idx %arg9[%add3A_707, %broadcast_in_dim3A_703] : memref<64x128xf32, #tpu.memory_space<vmem>>[vector<16xi32>, vector<16xi32>], vector<16xf32>,
      %mul3A_709 = arith.constant 8.000000e+00 : f32
      %mul3A_710 = vector.broadcast %mul3A_709 : f32 to vector<16xf32>
      %mul3A_711 = arith.mulf %gather3A_708, %mul3A_710 : vector<16xf32>
      %get3A_712 = arith.index_cast %sub3A_692 : i32 to index
      %get3A_713 = arith.constant 0 : index
      %get3A_714 = tpu.vector_load %arg8[%get3A_712, %get3A_713] {strides = array<i32>} : memref<128x64xf32, #tpu.memory_space<vmem>>, vector<16xf32>,
      %add3A_715 = arith.addf %mul3A_711, %get3A_714 : vector<16xf32>
      tpu.vector_store_idx %arg7[%add3A_707, %broadcast_in_dim3A_704], %add3A_715 : memref<64x256xf32, #tpu.memory_space<vmem>>[vector<16xi32>, vector<16xi32>], vector<16xf32>,
      %add3A_716 = arith.constant 16 : i32
      %add3A_717 = vector.broadcast %add3A_716 : i32 to vector<16xi32>
      %add3A_718 = arith.addi %iota3A, %add3A_717 : vector<16xi32>
      %gather3A_719 = tpu.vector_load_idx %arg9[%add3A_718, %broadcast_in_dim3A_703] : memref<64x128xf32, #tpu.memory_space<vmem>>[vector<16xi32>, vector<16xi32>], vector<16xf32>,
      %mul3A_720 = arith.constant 8.000000e+00 : f32
      %mul3A_721 = vector.broadcast %mul3A_720 : f32 to vector<16xf32>
      %mul3A_722 = arith.mulf %gather3A_719, %mul3A_721 : vector<16xf32>
      %get3A_723 = arith.index_cast %sub3A_692 : i32 to index
      %get3A_724 = arith.constant 16 : index
      %get3A_725 = tpu.vector_load %arg8[%get3A_723, %get3A_724] {strides = array<i32>} : memref<128x64xf32, #tpu.memory_space<vmem>>, vector<16xf32>,
      %add3A_726 = arith.addf %mul3A_722, %get3A_725 : vector<16xf32>
      tpu.vector_store_idx %arg7[%add3A_718, %broadcast_in_dim3A_704], %add3A_726 : memref<64x256xf32, #tpu.memory_space<vmem>>[vector<16xi32>, vector<16xi32>], vector<16xf32>,
      %add3A_727 = arith.constant 32 : i32
      %add3A_728 = vector.broadcast %add3A_727 : i32 to vector<16xi32>
      %add3A_729 = arith.addi %iota3A, %add3A_728 : vector<16xi32>
      %gather3A_730 = tpu.vector_load_idx %arg9[%add3A_729, %broadcast_in_dim3A_703] : memref<64x128xf32, #tpu.memory_space<vmem>>[vector<16xi32>, vector<16xi32>], vector<16xf32>,
      %mul3A_731 = arith.constant 8.000000e+00 : f32
      %mul3A_732 = vector.broadcast %mul3A_731 : f32 to vector<16xf32>
      %mul3A_733 = arith.mulf %gather3A_730, %mul3A_732 : vector<16xf32>
      %get3A_734 = arith.index_cast %sub3A_692 : i32 to index
      %get3A_735 = arith.constant 32 : index
      %get3A_736 = tpu.vector_load %arg8[%get3A_734, %get3A_735] {strides = array<i32>} : memref<128x64xf32, #tpu.memory_space<vmem>>, vector<16xf32>,
      %add3A_737 = arith.addf %mul3A_733, %get3A_736 : vector<16xf32>
      tpu.vector_store_idx %arg7[%add3A_729, %broadcast_in_dim3A_704], %add3A_737 : memref<64x256xf32, #tpu.memory_space<vmem>>[vector<16xi32>, vector<16xi32>], vector<16xf32>,
      %add3A_738 = arith.constant 48 : i32
      %add3A_739 = vector.broadcast %add3A_738 : i32 to vector<16xi32>
      %add3A_740 = arith.addi %iota3A, %add3A_739 : vector<16xi32>
      %gather3A_741 = tpu.vector_load_idx %arg9[%add3A_740, %broadcast_in_dim3A_703] : memref<64x128xf32, #tpu.memory_space<vmem>>[vector<16xi32>, vector<16xi32>], vector<16xf32>,
      %mul3A_742 = arith.constant 8.000000e+00 : f32
      %mul3A_743 = vector.broadcast %mul3A_742 : f32 to vector<16xf32>
      %mul3A_744 = arith.mulf %gather3A_741, %mul3A_743 : vector<16xf32>
      %get3A_745 = arith.index_cast %sub3A_692 : i32 to index
      %get3A_746 = arith.constant 48 : index
      %get3A_747 = tpu.vector_load %arg8[%get3A_745, %get3A_746] {strides = array<i32>} : memref<128x64xf32, #tpu.memory_space<vmem>>, vector<16xf32>,
      %add3A_748 = arith.addf %mul3A_744, %get3A_747 : vector<16xf32>
      tpu.vector_store_idx %arg7[%add3A_740, %broadcast_in_dim3A_704], %add3A_748 : memref<64x256xf32, #tpu.memory_space<vmem>>[vector<16xi32>, vector<16xi32>], vector<16xf32>,
      %lt3A = arith.constant 15 : i32
      %lt3A_749 = arith.cmpi slt, %scan3A_102, %lt3A : i32
      %convert_element_type3A = arith.extui %lt3A_749 : i1 to i32
      %cond3A = arith.constant 0 : i32
      %cond3A_750 = arith.cmpi ne, %convert_element_type3A, %cond3A : i32
      scf.if %cond3A_750 {
        %add3A_1220 = arith.constant 1 : i32
        %add3A_1221 = arith.addi %scan3A_102, %add3A_1220 : i32
        %mul3A_1222 = arith.constant 16 : i32
        %mul3A_1223 = arith.muli %add3A_1221, %mul3A_1222 : i32
        %get3A_1224 = arith.index_cast %mul3A_1223 : i32 to index
        %get3A_1225 = tpu.vector_load %arg6[%get3A_1224] {strides = array<i32>} : memref<256xi32, #tpu.memory_space<vmem>>, vector<16xi32>,
        %slice3A_1226 = vector.extract_strided_slice %get3A_1225 {offsets = [0], sizes = [1], strides = [1]} : vector<16xi32> to vector<1xi32>
        %squeeze3A_1227 = vector.extract %slice3A_1226[0] : i32 from vector<1xi32>
        %shift_right_arithmetic3A_1228 = arith.constant 7 : i32
        %shift_right_arithmetic3A_1229 = arith.shrsi %squeeze3A_1227, %shift_right_arithmetic3A_1228 : i32
        %mul3A_1230 = arith.constant 128 : i32
        %mul3A_1231 = arith.muli %shift_right_arithmetic3A_1229, %mul3A_1230 : i32
        %multiple_of3A_1232 = tpu.assume_multiple %mul3A_1231, 128 : i32
        %dma_start3A_1233 = arith.constant 0 : i32
        %dma_start3A_1234 = tpu.memref_slice %arg3[%dma_start3A_1233, %multiple_of3A_1232] : memref<64x1000000xf32, #tpu.memory_space<hbm>> -> memref<64x128xf32, #tpu.memory_space<hbm>>
        %dma_start3A_1235 = arith.constant 0 : i32
        %dma_start3A_1236 = tpu.memref_slice %arg3[%dma_start3A_1235, %multiple_of3A_1232] : memref<64x1000000xf32, #tpu.memory_space<hbm>> -> memref<64x128xf32, #tpu.memory_space<hbm>>
        tpu.enqueue_dma source(%dma_start3A_1236 : memref<64x128xf32, #tpu.memory_space<hbm>>) target(%arg9 : memref<64x128xf32, #tpu.memory_space<vmem>>) target_semaphore(%arg17 : memref<!tpu.dma_semaphore, #tpu.memory_space<semaphore_mem>>)
      } else {
      }
      %mul3A_751 = arith.constant 16 : i32
      %mul3A_752 = arith.muli %scan3A_102, %mul3A_751 : i32
      %add3A_753 = arith.constant 9 : i32
      %add3A_754 = arith.addi %mul3A_752, %add3A_753 : i32
      %sub3A_755 = arith.constant 128 : i32
      %sub3A_756 = arith.subi %add3A_754, %sub3A_755 : i32
      %dma_wait3A_757 = arith.constant 0 : i32
      %dma_wait3A_758 = arith.constant 0 : i32
      %dma_wait3A_759 = tpu.memref_slice %arg3[%dma_wait3A_757, %dma_wait3A_758] : memref<64x1000000xf32, #tpu.memory_space<hbm>> -> memref<64x128xf32, #tpu.memory_space<hbm>>
      %dma_wait3A_760 = arith.constant 0 : i32
      %dma_wait3A_761 = arith.constant 0 : i32
      %dma_wait3A_762 = tpu.memref_slice %arg3[%dma_wait3A_760, %dma_wait3A_761] : memref<64x1000000xf32, #tpu.memory_space<hbm>> -> memref<64x128xf32, #tpu.memory_space<hbm>>
      tpu.wait_dma2 semaphore(%arg18 : memref<!tpu.dma_semaphore, #tpu.memory_space<semaphore_mem>>) src(%dma_wait3A_762 : memref<64x128xf32, #tpu.memory_space<hbm>>) dst(%arg10 : memref<64x128xf32, #tpu.memory_space<vmem>>)
      %slice3A_763 = vector.extract_strided_slice %get3A_106 {offsets = [9], sizes = [1], strides = [1]} : vector<16xi32> to vector<1xi32>
      %squeeze3A_764 = vector.extract %slice3A_763[0] : i32 from vector<1xi32>
      %and3A_765 = arith.constant 127 : i32
      %and3A_766 = arith.andi %squeeze3A_764, %and3A_765 : i32
      %broadcast_in_dim3A_767 = vector.broadcast %and3A_766 : i32 to vector<16xi32>
      %broadcast_in_dim3A_768 = vector.broadcast %add3A_754 : i32 to vector<16xi32>
      %add3A_769 = arith.constant 0 : i32
      %add3A_770 = vector.broadcast %add3A_769 : i32 to vector<16xi32>
      %add3A_771 = arith.addi %iota3A, %add3A_770 : vector<16xi32>
      %gather3A_772 = tpu.vector_load_idx %arg10[%add3A_771, %broadcast_in_dim3A_767] : memref<64x128xf32, #tpu.memory_space<vmem>>[vector<16xi32>, vector<16xi32>], vector<16xf32>,
      %mul3A_773 = arith.constant 8.000000e+00 : f32
      %mul3A_774 = vector.broadcast %mul3A_773 : f32 to vector<16xf32>
      %mul3A_775 = arith.mulf %gather3A_772, %mul3A_774 : vector<16xf32>
      %get3A_776 = arith.index_cast %sub3A_756 : i32 to index
      %get3A_777 = arith.constant 0 : index
      %get3A_778 = tpu.vector_load %arg8[%get3A_776, %get3A_777] {strides = array<i32>} : memref<128x64xf32, #tpu.memory_space<vmem>>, vector<16xf32>,
      %add3A_779 = arith.addf %mul3A_775, %get3A_778 : vector<16xf32>
      tpu.vector_store_idx %arg7[%add3A_771, %broadcast_in_dim3A_768], %add3A_779 : memref<64x256xf32, #tpu.memory_space<vmem>>[vector<16xi32>, vector<16xi32>], vector<16xf32>,
      %add3A_780 = arith.constant 16 : i32
      %add3A_781 = vector.broadcast %add3A_780 : i32 to vector<16xi32>
      %add3A_782 = arith.addi %iota3A, %add3A_781 : vector<16xi32>
      %gather3A_783 = tpu.vector_load_idx %arg10[%add3A_782, %broadcast_in_dim3A_767] : memref<64x128xf32, #tpu.memory_space<vmem>>[vector<16xi32>, vector<16xi32>], vector<16xf32>,
      %mul3A_784 = arith.constant 8.000000e+00 : f32
      %mul3A_785 = vector.broadcast %mul3A_784 : f32 to vector<16xf32>
      %mul3A_786 = arith.mulf %gather3A_783, %mul3A_785 : vector<16xf32>
      %get3A_787 = arith.index_cast %sub3A_756 : i32 to index
      %get3A_788 = arith.constant 16 : index
      %get3A_789 = tpu.vector_load %arg8[%get3A_787, %get3A_788] {strides = array<i32>} : memref<128x64xf32, #tpu.memory_space<vmem>>, vector<16xf32>,
      %add3A_790 = arith.addf %mul3A_786, %get3A_789 : vector<16xf32>
      tpu.vector_store_idx %arg7[%add3A_782, %broadcast_in_dim3A_768], %add3A_790 : memref<64x256xf32, #tpu.memory_space<vmem>>[vector<16xi32>, vector<16xi32>], vector<16xf32>,
      %add3A_791 = arith.constant 32 : i32
      %add3A_792 = vector.broadcast %add3A_791 : i32 to vector<16xi32>
      %add3A_793 = arith.addi %iota3A, %add3A_792 : vector<16xi32>
      %gather3A_794 = tpu.vector_load_idx %arg10[%add3A_793, %broadcast_in_dim3A_767] : memref<64x128xf32, #tpu.memory_space<vmem>>[vector<16xi32>, vector<16xi32>], vector<16xf32>,
      %mul3A_795 = arith.constant 8.000000e+00 : f32
      %mul3A_796 = vector.broadcast %mul3A_795 : f32 to vector<16xf32>
      %mul3A_797 = arith.mulf %gather3A_794, %mul3A_796 : vector<16xf32>
      %get3A_798 = arith.index_cast %sub3A_756 : i32 to index
      %get3A_799 = arith.constant 32 : index
      %get3A_800 = tpu.vector_load %arg8[%get3A_798, %get3A_799] {strides = array<i32>} : memref<128x64xf32, #tpu.memory_space<vmem>>, vector<16xf32>,
      %add3A_801 = arith.addf %mul3A_797, %get3A_800 : vector<16xf32>
      tpu.vector_store_idx %arg7[%add3A_793, %broadcast_in_dim3A_768], %add3A_801 : memref<64x256xf32, #tpu.memory_space<vmem>>[vector<16xi32>, vector<16xi32>], vector<16xf32>,
      %add3A_802 = arith.constant 48 : i32
      %add3A_803 = vector.broadcast %add3A_802 : i32 to vector<16xi32>
      %add3A_804 = arith.addi %iota3A, %add3A_803 : vector<16xi32>
      %gather3A_805 = tpu.vector_load_idx %arg10[%add3A_804, %broadcast_in_dim3A_767] : memref<64x128xf32, #tpu.memory_space<vmem>>[vector<16xi32>, vector<16xi32>], vector<16xf32>,
      %mul3A_806 = arith.constant 8.000000e+00 : f32
      %mul3A_807 = vector.broadcast %mul3A_806 : f32 to vector<16xf32>
      %mul3A_808 = arith.mulf %gather3A_805, %mul3A_807 : vector<16xf32>
      %get3A_809 = arith.index_cast %sub3A_756 : i32 to index
      %get3A_810 = arith.constant 48 : index
      %get3A_811 = tpu.vector_load %arg8[%get3A_809, %get3A_810] {strides = array<i32>} : memref<128x64xf32, #tpu.memory_space<vmem>>, vector<16xf32>,
      %add3A_812 = arith.addf %mul3A_808, %get3A_811 : vector<16xf32>
      tpu.vector_store_idx %arg7[%add3A_804, %broadcast_in_dim3A_768], %add3A_812 : memref<64x256xf32, #tpu.memory_space<vmem>>[vector<16xi32>, vector<16xi32>], vector<16xf32>,
      %lt3A_813 = arith.constant 15 : i32
      %lt3A_814 = arith.cmpi slt, %scan3A_102, %lt3A_813 : i32
      %convert_element_type3A_815 = arith.extui %lt3A_814 : i1 to i32
      %cond3A_816 = arith.constant 0 : i32
      %cond3A_817 = arith.cmpi ne, %convert_element_type3A_815, %cond3A_816 : i32
      scf.if %cond3A_817 {
        %add3A_1220 = arith.constant 1 : i32
        %add3A_1221 = arith.addi %scan3A_102, %add3A_1220 : i32
        %mul3A_1222 = arith.constant 16 : i32
        %mul3A_1223 = arith.muli %add3A_1221, %mul3A_1222 : i32
        %get3A_1224 = arith.index_cast %mul3A_1223 : i32 to index
        %get3A_1225 = tpu.vector_load %arg6[%get3A_1224] {strides = array<i32>} : memref<256xi32, #tpu.memory_space<vmem>>, vector<16xi32>,
        %slice3A_1226 = vector.extract_strided_slice %get3A_1225 {offsets = [1], sizes = [1], strides = [1]} : vector<16xi32> to vector<1xi32>
        %squeeze3A_1227 = vector.extract %slice3A_1226[0] : i32 from vector<1xi32>
        %shift_right_arithmetic3A_1228 = arith.constant 7 : i32
        %shift_right_arithmetic3A_1229 = arith.shrsi %squeeze3A_1227, %shift_right_arithmetic3A_1228 : i32
        %mul3A_1230 = arith.constant 128 : i32
        %mul3A_1231 = arith.muli %shift_right_arithmetic3A_1229, %mul3A_1230 : i32
        %multiple_of3A_1232 = tpu.assume_multiple %mul3A_1231, 128 : i32
        %dma_start3A_1233 = arith.constant 0 : i32
        %dma_start3A_1234 = tpu.memref_slice %arg3[%dma_start3A_1233, %multiple_of3A_1232] : memref<64x1000000xf32, #tpu.memory_space<hbm>> -> memref<64x128xf32, #tpu.memory_space<hbm>>
        %dma_start3A_1235 = arith.constant 0 : i32
        %dma_start3A_1236 = tpu.memref_slice %arg3[%dma_start3A_1235, %multiple_of3A_1232] : memref<64x1000000xf32, #tpu.memory_space<hbm>> -> memref<64x128xf32, #tpu.memory_space<hbm>>
        tpu.enqueue_dma source(%dma_start3A_1236 : memref<64x128xf32, #tpu.memory_space<hbm>>) target(%arg10 : memref<64x128xf32, #tpu.memory_space<vmem>>) target_semaphore(%arg18 : memref<!tpu.dma_semaphore, #tpu.memory_space<semaphore_mem>>)
      } else {
      }
      %mul3A_818 = arith.constant 16 : i32
      %mul3A_819 = arith.muli %scan3A_102, %mul3A_818 : i32
      %add3A_820 = arith.constant 10 : i32
      %add3A_821 = arith.addi %mul3A_819, %add3A_820 : i32
      %sub3A_822 = arith.constant 128 : i32
      %sub3A_823 = arith.subi %add3A_821, %sub3A_822 : i32
      %dma_wait3A_824 = arith.constant 0 : i32
      %dma_wait3A_825 = arith.constant 0 : i32
      %dma_wait3A_826 = tpu.memref_slice %arg3[%dma_wait3A_824, %dma_wait3A_825] : memref<64x1000000xf32, #tpu.memory_space<hbm>> -> memref<64x128xf32, #tpu.memory_space<hbm>>
      %dma_wait3A_827 = arith.constant 0 : i32
      %dma_wait3A_828 = arith.constant 0 : i32
      %dma_wait3A_829 = tpu.memref_slice %arg3[%dma_wait3A_827, %dma_wait3A_828] : memref<64x1000000xf32, #tpu.memory_space<hbm>> -> memref<64x128xf32, #tpu.memory_space<hbm>>
      tpu.wait_dma2 semaphore(%arg19 : memref<!tpu.dma_semaphore, #tpu.memory_space<semaphore_mem>>) src(%dma_wait3A_829 : memref<64x128xf32, #tpu.memory_space<hbm>>) dst(%arg11 : memref<64x128xf32, #tpu.memory_space<vmem>>)
      %slice3A_830 = vector.extract_strided_slice %get3A_106 {offsets = [10], sizes = [1], strides = [1]} : vector<16xi32> to vector<1xi32>
      %squeeze3A_831 = vector.extract %slice3A_830[0] : i32 from vector<1xi32>
      %and3A_832 = arith.constant 127 : i32
      %and3A_833 = arith.andi %squeeze3A_831, %and3A_832 : i32
      %broadcast_in_dim3A_834 = vector.broadcast %and3A_833 : i32 to vector<16xi32>
      %broadcast_in_dim3A_835 = vector.broadcast %add3A_821 : i32 to vector<16xi32>
      %add3A_836 = arith.constant 0 : i32
      %add3A_837 = vector.broadcast %add3A_836 : i32 to vector<16xi32>
      %add3A_838 = arith.addi %iota3A, %add3A_837 : vector<16xi32>
      %gather3A_839 = tpu.vector_load_idx %arg11[%add3A_838, %broadcast_in_dim3A_834] : memref<64x128xf32, #tpu.memory_space<vmem>>[vector<16xi32>, vector<16xi32>], vector<16xf32>,
      %mul3A_840 = arith.constant 8.000000e+00 : f32
      %mul3A_841 = vector.broadcast %mul3A_840 : f32 to vector<16xf32>
      %mul3A_842 = arith.mulf %gather3A_839, %mul3A_841 : vector<16xf32>
      %get3A_843 = arith.index_cast %sub3A_823 : i32 to index
      %get3A_844 = arith.constant 0 : index
      %get3A_845 = tpu.vector_load %arg8[%get3A_843, %get3A_844] {strides = array<i32>} : memref<128x64xf32, #tpu.memory_space<vmem>>, vector<16xf32>,
      %add3A_846 = arith.addf %mul3A_842, %get3A_845 : vector<16xf32>
      tpu.vector_store_idx %arg7[%add3A_838, %broadcast_in_dim3A_835], %add3A_846 : memref<64x256xf32, #tpu.memory_space<vmem>>[vector<16xi32>, vector<16xi32>], vector<16xf32>,
      %add3A_847 = arith.constant 16 : i32
      %add3A_848 = vector.broadcast %add3A_847 : i32 to vector<16xi32>
      %add3A_849 = arith.addi %iota3A, %add3A_848 : vector<16xi32>
      %gather3A_850 = tpu.vector_load_idx %arg11[%add3A_849, %broadcast_in_dim3A_834] : memref<64x128xf32, #tpu.memory_space<vmem>>[vector<16xi32>, vector<16xi32>], vector<16xf32>,
      %mul3A_851 = arith.constant 8.000000e+00 : f32
      %mul3A_852 = vector.broadcast %mul3A_851 : f32 to vector<16xf32>
      %mul3A_853 = arith.mulf %gather3A_850, %mul3A_852 : vector<16xf32>
      %get3A_854 = arith.index_cast %sub3A_823 : i32 to index
      %get3A_855 = arith.constant 16 : index
      %get3A_856 = tpu.vector_load %arg8[%get3A_854, %get3A_855] {strides = array<i32>} : memref<128x64xf32, #tpu.memory_space<vmem>>, vector<16xf32>,
      %add3A_857 = arith.addf %mul3A_853, %get3A_856 : vector<16xf32>
      tpu.vector_store_idx %arg7[%add3A_849, %broadcast_in_dim3A_835], %add3A_857 : memref<64x256xf32, #tpu.memory_space<vmem>>[vector<16xi32>, vector<16xi32>], vector<16xf32>,
      %add3A_858 = arith.constant 32 : i32
      %add3A_859 = vector.broadcast %add3A_858 : i32 to vector<16xi32>
      %add3A_860 = arith.addi %iota3A, %add3A_859 : vector<16xi32>
      %gather3A_861 = tpu.vector_load_idx %arg11[%add3A_860, %broadcast_in_dim3A_834] : memref<64x128xf32, #tpu.memory_space<vmem>>[vector<16xi32>, vector<16xi32>], vector<16xf32>,
      %mul3A_862 = arith.constant 8.000000e+00 : f32
      %mul3A_863 = vector.broadcast %mul3A_862 : f32 to vector<16xf32>
      %mul3A_864 = arith.mulf %gather3A_861, %mul3A_863 : vector<16xf32>
      %get3A_865 = arith.index_cast %sub3A_823 : i32 to index
      %get3A_866 = arith.constant 32 : index
      %get3A_867 = tpu.vector_load %arg8[%get3A_865, %get3A_866] {strides = array<i32>} : memref<128x64xf32, #tpu.memory_space<vmem>>, vector<16xf32>,
      %add3A_868 = arith.addf %mul3A_864, %get3A_867 : vector<16xf32>
      tpu.vector_store_idx %arg7[%add3A_860, %broadcast_in_dim3A_835], %add3A_868 : memref<64x256xf32, #tpu.memory_space<vmem>>[vector<16xi32>, vector<16xi32>], vector<16xf32>,
      %add3A_869 = arith.constant 48 : i32
      %add3A_870 = vector.broadcast %add3A_869 : i32 to vector<16xi32>
      %add3A_871 = arith.addi %iota3A, %add3A_870 : vector<16xi32>
      %gather3A_872 = tpu.vector_load_idx %arg11[%add3A_871, %broadcast_in_dim3A_834] : memref<64x128xf32, #tpu.memory_space<vmem>>[vector<16xi32>, vector<16xi32>], vector<16xf32>,
      %mul3A_873 = arith.constant 8.000000e+00 : f32
      %mul3A_874 = vector.broadcast %mul3A_873 : f32 to vector<16xf32>
      %mul3A_875 = arith.mulf %gather3A_872, %mul3A_874 : vector<16xf32>
      %get3A_876 = arith.index_cast %sub3A_823 : i32 to index
      %get3A_877 = arith.constant 48 : index
      %get3A_878 = tpu.vector_load %arg8[%get3A_876, %get3A_877] {strides = array<i32>} : memref<128x64xf32, #tpu.memory_space<vmem>>, vector<16xf32>,
      %add3A_879 = arith.addf %mul3A_875, %get3A_878 : vector<16xf32>
      tpu.vector_store_idx %arg7[%add3A_871, %broadcast_in_dim3A_835], %add3A_879 : memref<64x256xf32, #tpu.memory_space<vmem>>[vector<16xi32>, vector<16xi32>], vector<16xf32>,
      %lt3A_880 = arith.constant 15 : i32
      %lt3A_881 = arith.cmpi slt, %scan3A_102, %lt3A_880 : i32
      %convert_element_type3A_882 = arith.extui %lt3A_881 : i1 to i32
      %cond3A_883 = arith.constant 0 : i32
      %cond3A_884 = arith.cmpi ne, %convert_element_type3A_882, %cond3A_883 : i32
      scf.if %cond3A_884 {
        %add3A_1220 = arith.constant 1 : i32
        %add3A_1221 = arith.addi %scan3A_102, %add3A_1220 : i32
        %mul3A_1222 = arith.constant 16 : i32
        %mul3A_1223 = arith.muli %add3A_1221, %mul3A_1222 : i32
        %get3A_1224 = arith.index_cast %mul3A_1223 : i32 to index
        %get3A_1225 = tpu.vector_load %arg6[%get3A_1224] {strides = array<i32>} : memref<256xi32, #tpu.memory_space<vmem>>, vector<16xi32>,
        %slice3A_1226 = vector.extract_strided_slice %get3A_1225 {offsets = [2], sizes = [1], strides = [1]} : vector<16xi32> to vector<1xi32>
        %squeeze3A_1227 = vector.extract %slice3A_1226[0] : i32 from vector<1xi32>
        %shift_right_arithmetic3A_1228 = arith.constant 7 : i32
        %shift_right_arithmetic3A_1229 = arith.shrsi %squeeze3A_1227, %shift_right_arithmetic3A_1228 : i32
        %mul3A_1230 = arith.constant 128 : i32
        %mul3A_1231 = arith.muli %shift_right_arithmetic3A_1229, %mul3A_1230 : i32
        %multiple_of3A_1232 = tpu.assume_multiple %mul3A_1231, 128 : i32
        %dma_start3A_1233 = arith.constant 0 : i32
        %dma_start3A_1234 = tpu.memref_slice %arg3[%dma_start3A_1233, %multiple_of3A_1232] : memref<64x1000000xf32, #tpu.memory_space<hbm>> -> memref<64x128xf32, #tpu.memory_space<hbm>>
        %dma_start3A_1235 = arith.constant 0 : i32
        %dma_start3A_1236 = tpu.memref_slice %arg3[%dma_start3A_1235, %multiple_of3A_1232] : memref<64x1000000xf32, #tpu.memory_space<hbm>> -> memref<64x128xf32, #tpu.memory_space<hbm>>
        tpu.enqueue_dma source(%dma_start3A_1236 : memref<64x128xf32, #tpu.memory_space<hbm>>) target(%arg11 : memref<64x128xf32, #tpu.memory_space<vmem>>) target_semaphore(%arg19 : memref<!tpu.dma_semaphore, #tpu.memory_space<semaphore_mem>>)
      } else {
      }
      %mul3A_885 = arith.constant 16 : i32
      %mul3A_886 = arith.muli %scan3A_102, %mul3A_885 : i32
      %add3A_887 = arith.constant 11 : i32
      %add3A_888 = arith.addi %mul3A_886, %add3A_887 : i32
      %sub3A_889 = arith.constant 128 : i32
      %sub3A_890 = arith.subi %add3A_888, %sub3A_889 : i32
      %dma_wait3A_891 = arith.constant 0 : i32
      %dma_wait3A_892 = arith.constant 0 : i32
      %dma_wait3A_893 = tpu.memref_slice %arg3[%dma_wait3A_891, %dma_wait3A_892] : memref<64x1000000xf32, #tpu.memory_space<hbm>> -> memref<64x128xf32, #tpu.memory_space<hbm>>
      %dma_wait3A_894 = arith.constant 0 : i32
      %dma_wait3A_895 = arith.constant 0 : i32
      %dma_wait3A_896 = tpu.memref_slice %arg3[%dma_wait3A_894, %dma_wait3A_895] : memref<64x1000000xf32, #tpu.memory_space<hbm>> -> memref<64x128xf32, #tpu.memory_space<hbm>>
      tpu.wait_dma2 semaphore(%arg20 : memref<!tpu.dma_semaphore, #tpu.memory_space<semaphore_mem>>) src(%dma_wait3A_896 : memref<64x128xf32, #tpu.memory_space<hbm>>) dst(%arg12 : memref<64x128xf32, #tpu.memory_space<vmem>>)
      %slice3A_897 = vector.extract_strided_slice %get3A_106 {offsets = [11], sizes = [1], strides = [1]} : vector<16xi32> to vector<1xi32>
      %squeeze3A_898 = vector.extract %slice3A_897[0] : i32 from vector<1xi32>
      %and3A_899 = arith.constant 127 : i32
      %and3A_900 = arith.andi %squeeze3A_898, %and3A_899 : i32
      %broadcast_in_dim3A_901 = vector.broadcast %and3A_900 : i32 to vector<16xi32>
      %broadcast_in_dim3A_902 = vector.broadcast %add3A_888 : i32 to vector<16xi32>
      %add3A_903 = arith.constant 0 : i32
      %add3A_904 = vector.broadcast %add3A_903 : i32 to vector<16xi32>
      %add3A_905 = arith.addi %iota3A, %add3A_904 : vector<16xi32>
      %gather3A_906 = tpu.vector_load_idx %arg12[%add3A_905, %broadcast_in_dim3A_901] : memref<64x128xf32, #tpu.memory_space<vmem>>[vector<16xi32>, vector<16xi32>], vector<16xf32>,
      %mul3A_907 = arith.constant 8.000000e+00 : f32
      %mul3A_908 = vector.broadcast %mul3A_907 : f32 to vector<16xf32>
      %mul3A_909 = arith.mulf %gather3A_906, %mul3A_908 : vector<16xf32>
      %get3A_910 = arith.index_cast %sub3A_890 : i32 to index
      %get3A_911 = arith.constant 0 : index
      %get3A_912 = tpu.vector_load %arg8[%get3A_910, %get3A_911] {strides = array<i32>} : memref<128x64xf32, #tpu.memory_space<vmem>>, vector<16xf32>,
      %add3A_913 = arith.addf %mul3A_909, %get3A_912 : vector<16xf32>
      tpu.vector_store_idx %arg7[%add3A_905, %broadcast_in_dim3A_902], %add3A_913 : memref<64x256xf32, #tpu.memory_space<vmem>>[vector<16xi32>, vector<16xi32>], vector<16xf32>,
      %add3A_914 = arith.constant 16 : i32
      %add3A_915 = vector.broadcast %add3A_914 : i32 to vector<16xi32>
      %add3A_916 = arith.addi %iota3A, %add3A_915 : vector<16xi32>
      %gather3A_917 = tpu.vector_load_idx %arg12[%add3A_916, %broadcast_in_dim3A_901] : memref<64x128xf32, #tpu.memory_space<vmem>>[vector<16xi32>, vector<16xi32>], vector<16xf32>,
      %mul3A_918 = arith.constant 8.000000e+00 : f32
      %mul3A_919 = vector.broadcast %mul3A_918 : f32 to vector<16xf32>
      %mul3A_920 = arith.mulf %gather3A_917, %mul3A_919 : vector<16xf32>
      %get3A_921 = arith.index_cast %sub3A_890 : i32 to index
      %get3A_922 = arith.constant 16 : index
      %get3A_923 = tpu.vector_load %arg8[%get3A_921, %get3A_922] {strides = array<i32>} : memref<128x64xf32, #tpu.memory_space<vmem>>, vector<16xf32>,
      %add3A_924 = arith.addf %mul3A_920, %get3A_923 : vector<16xf32>
      tpu.vector_store_idx %arg7[%add3A_916, %broadcast_in_dim3A_902], %add3A_924 : memref<64x256xf32, #tpu.memory_space<vmem>>[vector<16xi32>, vector<16xi32>], vector<16xf32>,
      %add3A_925 = arith.constant 32 : i32
      %add3A_926 = vector.broadcast %add3A_925 : i32 to vector<16xi32>
      %add3A_927 = arith.addi %iota3A, %add3A_926 : vector<16xi32>
      %gather3A_928 = tpu.vector_load_idx %arg12[%add3A_927, %broadcast_in_dim3A_901] : memref<64x128xf32, #tpu.memory_space<vmem>>[vector<16xi32>, vector<16xi32>], vector<16xf32>,
      %mul3A_929 = arith.constant 8.000000e+00 : f32
      %mul3A_930 = vector.broadcast %mul3A_929 : f32 to vector<16xf32>
      %mul3A_931 = arith.mulf %gather3A_928, %mul3A_930 : vector<16xf32>
      %get3A_932 = arith.index_cast %sub3A_890 : i32 to index
      %get3A_933 = arith.constant 32 : index
      %get3A_934 = tpu.vector_load %arg8[%get3A_932, %get3A_933] {strides = array<i32>} : memref<128x64xf32, #tpu.memory_space<vmem>>, vector<16xf32>,
      %add3A_935 = arith.addf %mul3A_931, %get3A_934 : vector<16xf32>
      tpu.vector_store_idx %arg7[%add3A_927, %broadcast_in_dim3A_902], %add3A_935 : memref<64x256xf32, #tpu.memory_space<vmem>>[vector<16xi32>, vector<16xi32>], vector<16xf32>,
      %add3A_936 = arith.constant 48 : i32
      %add3A_937 = vector.broadcast %add3A_936 : i32 to vector<16xi32>
      %add3A_938 = arith.addi %iota3A, %add3A_937 : vector<16xi32>
      %gather3A_939 = tpu.vector_load_idx %arg12[%add3A_938, %broadcast_in_dim3A_901] : memref<64x128xf32, #tpu.memory_space<vmem>>[vector<16xi32>, vector<16xi32>], vector<16xf32>,
      %mul3A_940 = arith.constant 8.000000e+00 : f32
      %mul3A_941 = vector.broadcast %mul3A_940 : f32 to vector<16xf32>
      %mul3A_942 = arith.mulf %gather3A_939, %mul3A_941 : vector<16xf32>
      %get3A_943 = arith.index_cast %sub3A_890 : i32 to index
      %get3A_944 = arith.constant 48 : index
      %get3A_945 = tpu.vector_load %arg8[%get3A_943, %get3A_944] {strides = array<i32>} : memref<128x64xf32, #tpu.memory_space<vmem>>, vector<16xf32>,
      %add3A_946 = arith.addf %mul3A_942, %get3A_945 : vector<16xf32>
      tpu.vector_store_idx %arg7[%add3A_938, %broadcast_in_dim3A_902], %add3A_946 : memref<64x256xf32, #tpu.memory_space<vmem>>[vector<16xi32>, vector<16xi32>], vector<16xf32>,
      %lt3A_947 = arith.constant 15 : i32
      %lt3A_948 = arith.cmpi slt, %scan3A_102, %lt3A_947 : i32
      %convert_element_type3A_949 = arith.extui %lt3A_948 : i1 to i32
      %cond3A_950 = arith.constant 0 : i32
      %cond3A_951 = arith.cmpi ne, %convert_element_type3A_949, %cond3A_950 : i32
      scf.if %cond3A_951 {
        %add3A_1220 = arith.constant 1 : i32
        %add3A_1221 = arith.addi %scan3A_102, %add3A_1220 : i32
        %mul3A_1222 = arith.constant 16 : i32
        %mul3A_1223 = arith.muli %add3A_1221, %mul3A_1222 : i32
        %get3A_1224 = arith.index_cast %mul3A_1223 : i32 to index
        %get3A_1225 = tpu.vector_load %arg6[%get3A_1224] {strides = array<i32>} : memref<256xi32, #tpu.memory_space<vmem>>, vector<16xi32>,
        %slice3A_1226 = vector.extract_strided_slice %get3A_1225 {offsets = [3], sizes = [1], strides = [1]} : vector<16xi32> to vector<1xi32>
        %squeeze3A_1227 = vector.extract %slice3A_1226[0] : i32 from vector<1xi32>
        %shift_right_arithmetic3A_1228 = arith.constant 7 : i32
        %shift_right_arithmetic3A_1229 = arith.shrsi %squeeze3A_1227, %shift_right_arithmetic3A_1228 : i32
        %mul3A_1230 = arith.constant 128 : i32
        %mul3A_1231 = arith.muli %shift_right_arithmetic3A_1229, %mul3A_1230 : i32
        %multiple_of3A_1232 = tpu.assume_multiple %mul3A_1231, 128 : i32
        %dma_start3A_1233 = arith.constant 0 : i32
        %dma_start3A_1234 = tpu.memref_slice %arg3[%dma_start3A_1233, %multiple_of3A_1232] : memref<64x1000000xf32, #tpu.memory_space<hbm>> -> memref<64x128xf32, #tpu.memory_space<hbm>>
        %dma_start3A_1235 = arith.constant 0 : i32
        %dma_start3A_1236 = tpu.memref_slice %arg3[%dma_start3A_1235, %multiple_of3A_1232] : memref<64x1000000xf32, #tpu.memory_space<hbm>> -> memref<64x128xf32, #tpu.memory_space<hbm>>
        tpu.enqueue_dma source(%dma_start3A_1236 : memref<64x128xf32, #tpu.memory_space<hbm>>) target(%arg12 : memref<64x128xf32, #tpu.memory_space<vmem>>) target_semaphore(%arg20 : memref<!tpu.dma_semaphore, #tpu.memory_space<semaphore_mem>>)
      } else {
      }
      %mul3A_952 = arith.constant 16 : i32
      %mul3A_953 = arith.muli %scan3A_102, %mul3A_952 : i32
      %add3A_954 = arith.constant 12 : i32
      %add3A_955 = arith.addi %mul3A_953, %add3A_954 : i32
      %sub3A_956 = arith.constant 128 : i32
      %sub3A_957 = arith.subi %add3A_955, %sub3A_956 : i32
      %dma_wait3A_958 = arith.constant 0 : i32
      %dma_wait3A_959 = arith.constant 0 : i32
      %dma_wait3A_960 = tpu.memref_slice %arg3[%dma_wait3A_958, %dma_wait3A_959] : memref<64x1000000xf32, #tpu.memory_space<hbm>> -> memref<64x128xf32, #tpu.memory_space<hbm>>
      %dma_wait3A_961 = arith.constant 0 : i32
      %dma_wait3A_962 = arith.constant 0 : i32
      %dma_wait3A_963 = tpu.memref_slice %arg3[%dma_wait3A_961, %dma_wait3A_962] : memref<64x1000000xf32, #tpu.memory_space<hbm>> -> memref<64x128xf32, #tpu.memory_space<hbm>>
      tpu.wait_dma2 semaphore(%arg21 : memref<!tpu.dma_semaphore, #tpu.memory_space<semaphore_mem>>) src(%dma_wait3A_963 : memref<64x128xf32, #tpu.memory_space<hbm>>) dst(%arg13 : memref<64x128xf32, #tpu.memory_space<vmem>>)
      %slice3A_964 = vector.extract_strided_slice %get3A_106 {offsets = [12], sizes = [1], strides = [1]} : vector<16xi32> to vector<1xi32>
      %squeeze3A_965 = vector.extract %slice3A_964[0] : i32 from vector<1xi32>
      %and3A_966 = arith.constant 127 : i32
      %and3A_967 = arith.andi %squeeze3A_965, %and3A_966 : i32
      %broadcast_in_dim3A_968 = vector.broadcast %and3A_967 : i32 to vector<16xi32>
      %broadcast_in_dim3A_969 = vector.broadcast %add3A_955 : i32 to vector<16xi32>
      %add3A_970 = arith.constant 0 : i32
      %add3A_971 = vector.broadcast %add3A_970 : i32 to vector<16xi32>
      %add3A_972 = arith.addi %iota3A, %add3A_971 : vector<16xi32>
      %gather3A_973 = tpu.vector_load_idx %arg13[%add3A_972, %broadcast_in_dim3A_968] : memref<64x128xf32, #tpu.memory_space<vmem>>[vector<16xi32>, vector<16xi32>], vector<16xf32>,
      %mul3A_974 = arith.constant 8.000000e+00 : f32
      %mul3A_975 = vector.broadcast %mul3A_974 : f32 to vector<16xf32>
      %mul3A_976 = arith.mulf %gather3A_973, %mul3A_975 : vector<16xf32>
      %get3A_977 = arith.index_cast %sub3A_957 : i32 to index
      %get3A_978 = arith.constant 0 : index
      %get3A_979 = tpu.vector_load %arg8[%get3A_977, %get3A_978] {strides = array<i32>} : memref<128x64xf32, #tpu.memory_space<vmem>>, vector<16xf32>,
      %add3A_980 = arith.addf %mul3A_976, %get3A_979 : vector<16xf32>
      tpu.vector_store_idx %arg7[%add3A_972, %broadcast_in_dim3A_969], %add3A_980 : memref<64x256xf32, #tpu.memory_space<vmem>>[vector<16xi32>, vector<16xi32>], vector<16xf32>,
      %add3A_981 = arith.constant 16 : i32
      %add3A_982 = vector.broadcast %add3A_981 : i32 to vector<16xi32>
      %add3A_983 = arith.addi %iota3A, %add3A_982 : vector<16xi32>
      %gather3A_984 = tpu.vector_load_idx %arg13[%add3A_983, %broadcast_in_dim3A_968] : memref<64x128xf32, #tpu.memory_space<vmem>>[vector<16xi32>, vector<16xi32>], vector<16xf32>,
      %mul3A_985 = arith.constant 8.000000e+00 : f32
      %mul3A_986 = vector.broadcast %mul3A_985 : f32 to vector<16xf32>
      %mul3A_987 = arith.mulf %gather3A_984, %mul3A_986 : vector<16xf32>
      %get3A_988 = arith.index_cast %sub3A_957 : i32 to index
      %get3A_989 = arith.constant 16 : index
      %get3A_990 = tpu.vector_load %arg8[%get3A_988, %get3A_989] {strides = array<i32>} : memref<128x64xf32, #tpu.memory_space<vmem>>, vector<16xf32>,
      %add3A_991 = arith.addf %mul3A_987, %get3A_990 : vector<16xf32>
      tpu.vector_store_idx %arg7[%add3A_983, %broadcast_in_dim3A_969], %add3A_991 : memref<64x256xf32, #tpu.memory_space<vmem>>[vector<16xi32>, vector<16xi32>], vector<16xf32>,
      %add3A_992 = arith.constant 32 : i32
      %add3A_993 = vector.broadcast %add3A_992 : i32 to vector<16xi32>
      %add3A_994 = arith.addi %iota3A, %add3A_993 : vector<16xi32>
      %gather3A_995 = tpu.vector_load_idx %arg13[%add3A_994, %broadcast_in_dim3A_968] : memref<64x128xf32, #tpu.memory_space<vmem>>[vector<16xi32>, vector<16xi32>], vector<16xf32>,
      %mul3A_996 = arith.constant 8.000000e+00 : f32
      %mul3A_997 = vector.broadcast %mul3A_996 : f32 to vector<16xf32>
      %mul3A_998 = arith.mulf %gather3A_995, %mul3A_997 : vector<16xf32>
      %get3A_999 = arith.index_cast %sub3A_957 : i32 to index
      %get3A_1000 = arith.constant 32 : index
      %get3A_1001 = tpu.vector_load %arg8[%get3A_999, %get3A_1000] {strides = array<i32>} : memref<128x64xf32, #tpu.memory_space<vmem>>, vector<16xf32>,
      %add3A_1002 = arith.addf %mul3A_998, %get3A_1001 : vector<16xf32>
      tpu.vector_store_idx %arg7[%add3A_994, %broadcast_in_dim3A_969], %add3A_1002 : memref<64x256xf32, #tpu.memory_space<vmem>>[vector<16xi32>, vector<16xi32>], vector<16xf32>,
      %add3A_1003 = arith.constant 48 : i32
      %add3A_1004 = vector.broadcast %add3A_1003 : i32 to vector<16xi32>
      %add3A_1005 = arith.addi %iota3A, %add3A_1004 : vector<16xi32>
      %gather3A_1006 = tpu.vector_load_idx %arg13[%add3A_1005, %broadcast_in_dim3A_968] : memref<64x128xf32, #tpu.memory_space<vmem>>[vector<16xi32>, vector<16xi32>], vector<16xf32>,
      %mul3A_1007 = arith.constant 8.000000e+00 : f32
      %mul3A_1008 = vector.broadcast %mul3A_1007 : f32 to vector<16xf32>
      %mul3A_1009 = arith.mulf %gather3A_1006, %mul3A_1008 : vector<16xf32>
      %get3A_1010 = arith.index_cast %sub3A_957 : i32 to index
      %get3A_1011 = arith.constant 48 : index
      %get3A_1012 = tpu.vector_load %arg8[%get3A_1010, %get3A_1011] {strides = array<i32>} : memref<128x64xf32, #tpu.memory_space<vmem>>, vector<16xf32>,
      %add3A_1013 = arith.addf %mul3A_1009, %get3A_1012 : vector<16xf32>
      tpu.vector_store_idx %arg7[%add3A_1005, %broadcast_in_dim3A_969], %add3A_1013 : memref<64x256xf32, #tpu.memory_space<vmem>>[vector<16xi32>, vector<16xi32>], vector<16xf32>,
      %lt3A_1014 = arith.constant 15 : i32
      %lt3A_1015 = arith.cmpi slt, %scan3A_102, %lt3A_1014 : i32
      %convert_element_type3A_1016 = arith.extui %lt3A_1015 : i1 to i32
      %cond3A_1017 = arith.constant 0 : i32
      %cond3A_1018 = arith.cmpi ne, %convert_element_type3A_1016, %cond3A_1017 : i32
      scf.if %cond3A_1018 {
        %add3A_1220 = arith.constant 1 : i32
        %add3A_1221 = arith.addi %scan3A_102, %add3A_1220 : i32
        %mul3A_1222 = arith.constant 16 : i32
        %mul3A_1223 = arith.muli %add3A_1221, %mul3A_1222 : i32
        %get3A_1224 = arith.index_cast %mul3A_1223 : i32 to index
        %get3A_1225 = tpu.vector_load %arg6[%get3A_1224] {strides = array<i32>} : memref<256xi32, #tpu.memory_space<vmem>>, vector<16xi32>,
        %slice3A_1226 = vector.extract_strided_slice %get3A_1225 {offsets = [4], sizes = [1], strides = [1]} : vector<16xi32> to vector<1xi32>
        %squeeze3A_1227 = vector.extract %slice3A_1226[0] : i32 from vector<1xi32>
        %shift_right_arithmetic3A_1228 = arith.constant 7 : i32
        %shift_right_arithmetic3A_1229 = arith.shrsi %squeeze3A_1227, %shift_right_arithmetic3A_1228 : i32
        %mul3A_1230 = arith.constant 128 : i32
        %mul3A_1231 = arith.muli %shift_right_arithmetic3A_1229, %mul3A_1230 : i32
        %multiple_of3A_1232 = tpu.assume_multiple %mul3A_1231, 128 : i32
        %dma_start3A_1233 = arith.constant 0 : i32
        %dma_start3A_1234 = tpu.memref_slice %arg3[%dma_start3A_1233, %multiple_of3A_1232] : memref<64x1000000xf32, #tpu.memory_space<hbm>> -> memref<64x128xf32, #tpu.memory_space<hbm>>
        %dma_start3A_1235 = arith.constant 0 : i32
        %dma_start3A_1236 = tpu.memref_slice %arg3[%dma_start3A_1235, %multiple_of3A_1232] : memref<64x1000000xf32, #tpu.memory_space<hbm>> -> memref<64x128xf32, #tpu.memory_space<hbm>>
        tpu.enqueue_dma source(%dma_start3A_1236 : memref<64x128xf32, #tpu.memory_space<hbm>>) target(%arg13 : memref<64x128xf32, #tpu.memory_space<vmem>>) target_semaphore(%arg21 : memref<!tpu.dma_semaphore, #tpu.memory_space<semaphore_mem>>)
      } else {
      }
      %mul3A_1019 = arith.constant 16 : i32
      %mul3A_1020 = arith.muli %scan3A_102, %mul3A_1019 : i32
      %add3A_1021 = arith.constant 13 : i32
      %add3A_1022 = arith.addi %mul3A_1020, %add3A_1021 : i32
      %sub3A_1023 = arith.constant 128 : i32
      %sub3A_1024 = arith.subi %add3A_1022, %sub3A_1023 : i32
      %dma_wait3A_1025 = arith.constant 0 : i32
      %dma_wait3A_1026 = arith.constant 0 : i32
      %dma_wait3A_1027 = tpu.memref_slice %arg3[%dma_wait3A_1025, %dma_wait3A_1026] : memref<64x1000000xf32, #tpu.memory_space<hbm>> -> memref<64x128xf32, #tpu.memory_space<hbm>>
      %dma_wait3A_1028 = arith.constant 0 : i32
      %dma_wait3A_1029 = arith.constant 0 : i32
      %dma_wait3A_1030 = tpu.memref_slice %arg3[%dma_wait3A_1028, %dma_wait3A_1029] : memref<64x1000000xf32, #tpu.memory_space<hbm>> -> memref<64x128xf32, #tpu.memory_space<hbm>>
      tpu.wait_dma2 semaphore(%arg22 : memref<!tpu.dma_semaphore, #tpu.memory_space<semaphore_mem>>) src(%dma_wait3A_1030 : memref<64x128xf32, #tpu.memory_space<hbm>>) dst(%arg14 : memref<64x128xf32, #tpu.memory_space<vmem>>)
      %slice3A_1031 = vector.extract_strided_slice %get3A_106 {offsets = [13], sizes = [1], strides = [1]} : vector<16xi32> to vector<1xi32>
      %squeeze3A_1032 = vector.extract %slice3A_1031[0] : i32 from vector<1xi32>
      %and3A_1033 = arith.constant 127 : i32
      %and3A_1034 = arith.andi %squeeze3A_1032, %and3A_1033 : i32
      %broadcast_in_dim3A_1035 = vector.broadcast %and3A_1034 : i32 to vector<16xi32>
      %broadcast_in_dim3A_1036 = vector.broadcast %add3A_1022 : i32 to vector<16xi32>
      %add3A_1037 = arith.constant 0 : i32
      %add3A_1038 = vector.broadcast %add3A_1037 : i32 to vector<16xi32>
      %add3A_1039 = arith.addi %iota3A, %add3A_1038 : vector<16xi32>
      %gather3A_1040 = tpu.vector_load_idx %arg14[%add3A_1039, %broadcast_in_dim3A_1035] : memref<64x128xf32, #tpu.memory_space<vmem>>[vector<16xi32>, vector<16xi32>], vector<16xf32>,
      %mul3A_1041 = arith.constant 8.000000e+00 : f32
      %mul3A_1042 = vector.broadcast %mul3A_1041 : f32 to vector<16xf32>
      %mul3A_1043 = arith.mulf %gather3A_1040, %mul3A_1042 : vector<16xf32>
      %get3A_1044 = arith.index_cast %sub3A_1024 : i32 to index
      %get3A_1045 = arith.constant 0 : index
      %get3A_1046 = tpu.vector_load %arg8[%get3A_1044, %get3A_1045] {strides = array<i32>} : memref<128x64xf32, #tpu.memory_space<vmem>>, vector<16xf32>,
      %add3A_1047 = arith.addf %mul3A_1043, %get3A_1046 : vector<16xf32>
      tpu.vector_store_idx %arg7[%add3A_1039, %broadcast_in_dim3A_1036], %add3A_1047 : memref<64x256xf32, #tpu.memory_space<vmem>>[vector<16xi32>, vector<16xi32>], vector<16xf32>,
      %add3A_1048 = arith.constant 16 : i32
      %add3A_1049 = vector.broadcast %add3A_1048 : i32 to vector<16xi32>
      %add3A_1050 = arith.addi %iota3A, %add3A_1049 : vector<16xi32>
      %gather3A_1051 = tpu.vector_load_idx %arg14[%add3A_1050, %broadcast_in_dim3A_1035] : memref<64x128xf32, #tpu.memory_space<vmem>>[vector<16xi32>, vector<16xi32>], vector<16xf32>,
      %mul3A_1052 = arith.constant 8.000000e+00 : f32
      %mul3A_1053 = vector.broadcast %mul3A_1052 : f32 to vector<16xf32>
      %mul3A_1054 = arith.mulf %gather3A_1051, %mul3A_1053 : vector<16xf32>
      %get3A_1055 = arith.index_cast %sub3A_1024 : i32 to index
      %get3A_1056 = arith.constant 16 : index
      %get3A_1057 = tpu.vector_load %arg8[%get3A_1055, %get3A_1056] {strides = array<i32>} : memref<128x64xf32, #tpu.memory_space<vmem>>, vector<16xf32>,
      %add3A_1058 = arith.addf %mul3A_1054, %get3A_1057 : vector<16xf32>
      tpu.vector_store_idx %arg7[%add3A_1050, %broadcast_in_dim3A_1036], %add3A_1058 : memref<64x256xf32, #tpu.memory_space<vmem>>[vector<16xi32>, vector<16xi32>], vector<16xf32>,
      %add3A_1059 = arith.constant 32 : i32
      %add3A_1060 = vector.broadcast %add3A_1059 : i32 to vector<16xi32>
      %add3A_1061 = arith.addi %iota3A, %add3A_1060 : vector<16xi32>
      %gather3A_1062 = tpu.vector_load_idx %arg14[%add3A_1061, %broadcast_in_dim3A_1035] : memref<64x128xf32, #tpu.memory_space<vmem>>[vector<16xi32>, vector<16xi32>], vector<16xf32>,
      %mul3A_1063 = arith.constant 8.000000e+00 : f32
      %mul3A_1064 = vector.broadcast %mul3A_1063 : f32 to vector<16xf32>
      %mul3A_1065 = arith.mulf %gather3A_1062, %mul3A_1064 : vector<16xf32>
      %get3A_1066 = arith.index_cast %sub3A_1024 : i32 to index
      %get3A_1067 = arith.constant 32 : index
      %get3A_1068 = tpu.vector_load %arg8[%get3A_1066, %get3A_1067] {strides = array<i32>} : memref<128x64xf32, #tpu.memory_space<vmem>>, vector<16xf32>,
      %add3A_1069 = arith.addf %mul3A_1065, %get3A_1068 : vector<16xf32>
      tpu.vector_store_idx %arg7[%add3A_1061, %broadcast_in_dim3A_1036], %add3A_1069 : memref<64x256xf32, #tpu.memory_space<vmem>>[vector<16xi32>, vector<16xi32>], vector<16xf32>,
      %add3A_1070 = arith.constant 48 : i32
      %add3A_1071 = vector.broadcast %add3A_1070 : i32 to vector<16xi32>
      %add3A_1072 = arith.addi %iota3A, %add3A_1071 : vector<16xi32>
      %gather3A_1073 = tpu.vector_load_idx %arg14[%add3A_1072, %broadcast_in_dim3A_1035] : memref<64x128xf32, #tpu.memory_space<vmem>>[vector<16xi32>, vector<16xi32>], vector<16xf32>,
      %mul3A_1074 = arith.constant 8.000000e+00 : f32
      %mul3A_1075 = vector.broadcast %mul3A_1074 : f32 to vector<16xf32>
      %mul3A_1076 = arith.mulf %gather3A_1073, %mul3A_1075 : vector<16xf32>
      %get3A_1077 = arith.index_cast %sub3A_1024 : i32 to index
      %get3A_1078 = arith.constant 48 : index
      %get3A_1079 = tpu.vector_load %arg8[%get3A_1077, %get3A_1078] {strides = array<i32>} : memref<128x64xf32, #tpu.memory_space<vmem>>, vector<16xf32>,
      %add3A_1080 = arith.addf %mul3A_1076, %get3A_1079 : vector<16xf32>
      tpu.vector_store_idx %arg7[%add3A_1072, %broadcast_in_dim3A_1036], %add3A_1080 : memref<64x256xf32, #tpu.memory_space<vmem>>[vector<16xi32>, vector<16xi32>], vector<16xf32>,
      %lt3A_1081 = arith.constant 15 : i32
      %lt3A_1082 = arith.cmpi slt, %scan3A_102, %lt3A_1081 : i32
      %convert_element_type3A_1083 = arith.extui %lt3A_1082 : i1 to i32
      %cond3A_1084 = arith.constant 0 : i32
      %cond3A_1085 = arith.cmpi ne, %convert_element_type3A_1083, %cond3A_1084 : i32
      scf.if %cond3A_1085 {
        %add3A_1220 = arith.constant 1 : i32
        %add3A_1221 = arith.addi %scan3A_102, %add3A_1220 : i32
        %mul3A_1222 = arith.constant 16 : i32
        %mul3A_1223 = arith.muli %add3A_1221, %mul3A_1222 : i32
        %get3A_1224 = arith.index_cast %mul3A_1223 : i32 to index
        %get3A_1225 = tpu.vector_load %arg6[%get3A_1224] {strides = array<i32>} : memref<256xi32, #tpu.memory_space<vmem>>, vector<16xi32>,
        %slice3A_1226 = vector.extract_strided_slice %get3A_1225 {offsets = [5], sizes = [1], strides = [1]} : vector<16xi32> to vector<1xi32>
        %squeeze3A_1227 = vector.extract %slice3A_1226[0] : i32 from vector<1xi32>
        %shift_right_arithmetic3A_1228 = arith.constant 7 : i32
        %shift_right_arithmetic3A_1229 = arith.shrsi %squeeze3A_1227, %shift_right_arithmetic3A_1228 : i32
        %mul3A_1230 = arith.constant 128 : i32
        %mul3A_1231 = arith.muli %shift_right_arithmetic3A_1229, %mul3A_1230 : i32
        %multiple_of3A_1232 = tpu.assume_multiple %mul3A_1231, 128 : i32
        %dma_start3A_1233 = arith.constant 0 : i32
        %dma_start3A_1234 = tpu.memref_slice %arg3[%dma_start3A_1233, %multiple_of3A_1232] : memref<64x1000000xf32, #tpu.memory_space<hbm>> -> memref<64x128xf32, #tpu.memory_space<hbm>>
        %dma_start3A_1235 = arith.constant 0 : i32
        %dma_start3A_1236 = tpu.memref_slice %arg3[%dma_start3A_1235, %multiple_of3A_1232] : memref<64x1000000xf32, #tpu.memory_space<hbm>> -> memref<64x128xf32, #tpu.memory_space<hbm>>
        tpu.enqueue_dma source(%dma_start3A_1236 : memref<64x128xf32, #tpu.memory_space<hbm>>) target(%arg14 : memref<64x128xf32, #tpu.memory_space<vmem>>) target_semaphore(%arg22 : memref<!tpu.dma_semaphore, #tpu.memory_space<semaphore_mem>>)
      } else {
      }
      %mul3A_1086 = arith.constant 16 : i32
      %mul3A_1087 = arith.muli %scan3A_102, %mul3A_1086 : i32
      %add3A_1088 = arith.constant 14 : i32
      %add3A_1089 = arith.addi %mul3A_1087, %add3A_1088 : i32
      %sub3A_1090 = arith.constant 128 : i32
      %sub3A_1091 = arith.subi %add3A_1089, %sub3A_1090 : i32
      %dma_wait3A_1092 = arith.constant 0 : i32
      %dma_wait3A_1093 = arith.constant 0 : i32
      %dma_wait3A_1094 = tpu.memref_slice %arg3[%dma_wait3A_1092, %dma_wait3A_1093] : memref<64x1000000xf32, #tpu.memory_space<hbm>> -> memref<64x128xf32, #tpu.memory_space<hbm>>
      %dma_wait3A_1095 = arith.constant 0 : i32
      %dma_wait3A_1096 = arith.constant 0 : i32
      %dma_wait3A_1097 = tpu.memref_slice %arg3[%dma_wait3A_1095, %dma_wait3A_1096] : memref<64x1000000xf32, #tpu.memory_space<hbm>> -> memref<64x128xf32, #tpu.memory_space<hbm>>
      tpu.wait_dma2 semaphore(%arg23 : memref<!tpu.dma_semaphore, #tpu.memory_space<semaphore_mem>>) src(%dma_wait3A_1097 : memref<64x128xf32, #tpu.memory_space<hbm>>) dst(%arg15 : memref<64x128xf32, #tpu.memory_space<vmem>>)
      %slice3A_1098 = vector.extract_strided_slice %get3A_106 {offsets = [14], sizes = [1], strides = [1]} : vector<16xi32> to vector<1xi32>
      %squeeze3A_1099 = vector.extract %slice3A_1098[0] : i32 from vector<1xi32>
      %and3A_1100 = arith.constant 127 : i32
      %and3A_1101 = arith.andi %squeeze3A_1099, %and3A_1100 : i32
      %broadcast_in_dim3A_1102 = vector.broadcast %and3A_1101 : i32 to vector<16xi32>
      %broadcast_in_dim3A_1103 = vector.broadcast %add3A_1089 : i32 to vector<16xi32>
      %add3A_1104 = arith.constant 0 : i32
      %add3A_1105 = vector.broadcast %add3A_1104 : i32 to vector<16xi32>
      %add3A_1106 = arith.addi %iota3A, %add3A_1105 : vector<16xi32>
      %gather3A_1107 = tpu.vector_load_idx %arg15[%add3A_1106, %broadcast_in_dim3A_1102] : memref<64x128xf32, #tpu.memory_space<vmem>>[vector<16xi32>, vector<16xi32>], vector<16xf32>,
      %mul3A_1108 = arith.constant 8.000000e+00 : f32
      %mul3A_1109 = vector.broadcast %mul3A_1108 : f32 to vector<16xf32>
      %mul3A_1110 = arith.mulf %gather3A_1107, %mul3A_1109 : vector<16xf32>
      %get3A_1111 = arith.index_cast %sub3A_1091 : i32 to index
      %get3A_1112 = arith.constant 0 : index
      %get3A_1113 = tpu.vector_load %arg8[%get3A_1111, %get3A_1112] {strides = array<i32>} : memref<128x64xf32, #tpu.memory_space<vmem>>, vector<16xf32>,
      %add3A_1114 = arith.addf %mul3A_1110, %get3A_1113 : vector<16xf32>
      tpu.vector_store_idx %arg7[%add3A_1106, %broadcast_in_dim3A_1103], %add3A_1114 : memref<64x256xf32, #tpu.memory_space<vmem>>[vector<16xi32>, vector<16xi32>], vector<16xf32>,
      %add3A_1115 = arith.constant 16 : i32
      %add3A_1116 = vector.broadcast %add3A_1115 : i32 to vector<16xi32>
      %add3A_1117 = arith.addi %iota3A, %add3A_1116 : vector<16xi32>
      %gather3A_1118 = tpu.vector_load_idx %arg15[%add3A_1117, %broadcast_in_dim3A_1102] : memref<64x128xf32, #tpu.memory_space<vmem>>[vector<16xi32>, vector<16xi32>], vector<16xf32>,
      %mul3A_1119 = arith.constant 8.000000e+00 : f32
      %mul3A_1120 = vector.broadcast %mul3A_1119 : f32 to vector<16xf32>
      %mul3A_1121 = arith.mulf %gather3A_1118, %mul3A_1120 : vector<16xf32>
      %get3A_1122 = arith.index_cast %sub3A_1091 : i32 to index
      %get3A_1123 = arith.constant 16 : index
      %get3A_1124 = tpu.vector_load %arg8[%get3A_1122, %get3A_1123] {strides = array<i32>} : memref<128x64xf32, #tpu.memory_space<vmem>>, vector<16xf32>,
      %add3A_1125 = arith.addf %mul3A_1121, %get3A_1124 : vector<16xf32>
      tpu.vector_store_idx %arg7[%add3A_1117, %broadcast_in_dim3A_1103], %add3A_1125 : memref<64x256xf32, #tpu.memory_space<vmem>>[vector<16xi32>, vector<16xi32>], vector<16xf32>,
      %add3A_1126 = arith.constant 32 : i32
      %add3A_1127 = vector.broadcast %add3A_1126 : i32 to vector<16xi32>
      %add3A_1128 = arith.addi %iota3A, %add3A_1127 : vector<16xi32>
      %gather3A_1129 = tpu.vector_load_idx %arg15[%add3A_1128, %broadcast_in_dim3A_1102] : memref<64x128xf32, #tpu.memory_space<vmem>>[vector<16xi32>, vector<16xi32>], vector<16xf32>,
      %mul3A_1130 = arith.constant 8.000000e+00 : f32
      %mul3A_1131 = vector.broadcast %mul3A_1130 : f32 to vector<16xf32>
      %mul3A_1132 = arith.mulf %gather3A_1129, %mul3A_1131 : vector<16xf32>
      %get3A_1133 = arith.index_cast %sub3A_1091 : i32 to index
      %get3A_1134 = arith.constant 32 : index
      %get3A_1135 = tpu.vector_load %arg8[%get3A_1133, %get3A_1134] {strides = array<i32>} : memref<128x64xf32, #tpu.memory_space<vmem>>, vector<16xf32>,
      %add3A_1136 = arith.addf %mul3A_1132, %get3A_1135 : vector<16xf32>
      tpu.vector_store_idx %arg7[%add3A_1128, %broadcast_in_dim3A_1103], %add3A_1136 : memref<64x256xf32, #tpu.memory_space<vmem>>[vector<16xi32>, vector<16xi32>], vector<16xf32>,
      %add3A_1137 = arith.constant 48 : i32
      %add3A_1138 = vector.broadcast %add3A_1137 : i32 to vector<16xi32>
      %add3A_1139 = arith.addi %iota3A, %add3A_1138 : vector<16xi32>
      %gather3A_1140 = tpu.vector_load_idx %arg15[%add3A_1139, %broadcast_in_dim3A_1102] : memref<64x128xf32, #tpu.memory_space<vmem>>[vector<16xi32>, vector<16xi32>], vector<16xf32>,
      %mul3A_1141 = arith.constant 8.000000e+00 : f32
      %mul3A_1142 = vector.broadcast %mul3A_1141 : f32 to vector<16xf32>
      %mul3A_1143 = arith.mulf %gather3A_1140, %mul3A_1142 : vector<16xf32>
      %get3A_1144 = arith.index_cast %sub3A_1091 : i32 to index
      %get3A_1145 = arith.constant 48 : index
      %get3A_1146 = tpu.vector_load %arg8[%get3A_1144, %get3A_1145] {strides = array<i32>} : memref<128x64xf32, #tpu.memory_space<vmem>>, vector<16xf32>,
      %add3A_1147 = arith.addf %mul3A_1143, %get3A_1146 : vector<16xf32>
      tpu.vector_store_idx %arg7[%add3A_1139, %broadcast_in_dim3A_1103], %add3A_1147 : memref<64x256xf32, #tpu.memory_space<vmem>>[vector<16xi32>, vector<16xi32>], vector<16xf32>,
      %lt3A_1148 = arith.constant 15 : i32
      %lt3A_1149 = arith.cmpi slt, %scan3A_102, %lt3A_1148 : i32
      %convert_element_type3A_1150 = arith.extui %lt3A_1149 : i1 to i32
      %cond3A_1151 = arith.constant 0 : i32
      %cond3A_1152 = arith.cmpi ne, %convert_element_type3A_1150, %cond3A_1151 : i32
      scf.if %cond3A_1152 {
        %add3A_1220 = arith.constant 1 : i32
        %add3A_1221 = arith.addi %scan3A_102, %add3A_1220 : i32
        %mul3A_1222 = arith.constant 16 : i32
        %mul3A_1223 = arith.muli %add3A_1221, %mul3A_1222 : i32
        %get3A_1224 = arith.index_cast %mul3A_1223 : i32 to index
        %get3A_1225 = tpu.vector_load %arg6[%get3A_1224] {strides = array<i32>} : memref<256xi32, #tpu.memory_space<vmem>>, vector<16xi32>,
        %slice3A_1226 = vector.extract_strided_slice %get3A_1225 {offsets = [6], sizes = [1], strides = [1]} : vector<16xi32> to vector<1xi32>
        %squeeze3A_1227 = vector.extract %slice3A_1226[0] : i32 from vector<1xi32>
        %shift_right_arithmetic3A_1228 = arith.constant 7 : i32
        %shift_right_arithmetic3A_1229 = arith.shrsi %squeeze3A_1227, %shift_right_arithmetic3A_1228 : i32
        %mul3A_1230 = arith.constant 128 : i32
        %mul3A_1231 = arith.muli %shift_right_arithmetic3A_1229, %mul3A_1230 : i32
        %multiple_of3A_1232 = tpu.assume_multiple %mul3A_1231, 128 : i32
        %dma_start3A_1233 = arith.constant 0 : i32
        %dma_start3A_1234 = tpu.memref_slice %arg3[%dma_start3A_1233, %multiple_of3A_1232] : memref<64x1000000xf32, #tpu.memory_space<hbm>> -> memref<64x128xf32, #tpu.memory_space<hbm>>
        %dma_start3A_1235 = arith.constant 0 : i32
        %dma_start3A_1236 = tpu.memref_slice %arg3[%dma_start3A_1235, %multiple_of3A_1232] : memref<64x1000000xf32, #tpu.memory_space<hbm>> -> memref<64x128xf32, #tpu.memory_space<hbm>>
        tpu.enqueue_dma source(%dma_start3A_1236 : memref<64x128xf32, #tpu.memory_space<hbm>>) target(%arg15 : memref<64x128xf32, #tpu.memory_space<vmem>>) target_semaphore(%arg23 : memref<!tpu.dma_semaphore, #tpu.memory_space<semaphore_mem>>)
      } else {
      }
      %mul3A_1153 = arith.constant 16 : i32
      %mul3A_1154 = arith.muli %scan3A_102, %mul3A_1153 : i32
      %add3A_1155 = arith.constant 15 : i32
      %add3A_1156 = arith.addi %mul3A_1154, %add3A_1155 : i32
      %sub3A_1157 = arith.constant 128 : i32
      %sub3A_1158 = arith.subi %add3A_1156, %sub3A_1157 : i32
      %dma_wait3A_1159 = arith.constant 0 : i32
      %dma_wait3A_1160 = arith.constant 0 : i32
      %dma_wait3A_1161 = tpu.memref_slice %arg3[%dma_wait3A_1159, %dma_wait3A_1160] : memref<64x1000000xf32, #tpu.memory_space<hbm>> -> memref<64x128xf32, #tpu.memory_space<hbm>>
      %dma_wait3A_1162 = arith.constant 0 : i32
      %dma_wait3A_1163 = arith.constant 0 : i32
      %dma_wait3A_1164 = tpu.memref_slice %arg3[%dma_wait3A_1162, %dma_wait3A_1163] : memref<64x1000000xf32, #tpu.memory_space<hbm>> -> memref<64x128xf32, #tpu.memory_space<hbm>>
      tpu.wait_dma2 semaphore(%arg24 : memref<!tpu.dma_semaphore, #tpu.memory_space<semaphore_mem>>) src(%dma_wait3A_1164 : memref<64x128xf32, #tpu.memory_space<hbm>>) dst(%arg16 : memref<64x128xf32, #tpu.memory_space<vmem>>)
      %slice3A_1165 = vector.extract_strided_slice %get3A_106 {offsets = [15], sizes = [1], strides = [1]} : vector<16xi32> to vector<1xi32>
      %squeeze3A_1166 = vector.extract %slice3A_1165[0] : i32 from vector<1xi32>
      %and3A_1167 = arith.constant 127 : i32
      %and3A_1168 = arith.andi %squeeze3A_1166, %and3A_1167 : i32
      %broadcast_in_dim3A_1169 = vector.broadcast %and3A_1168 : i32 to vector<16xi32>
      %broadcast_in_dim3A_1170 = vector.broadcast %add3A_1156 : i32 to vector<16xi32>
      %add3A_1171 = arith.constant 0 : i32
      %add3A_1172 = vector.broadcast %add3A_1171 : i32 to vector<16xi32>
      %add3A_1173 = arith.addi %iota3A, %add3A_1172 : vector<16xi32>
      %gather3A_1174 = tpu.vector_load_idx %arg16[%add3A_1173, %broadcast_in_dim3A_1169] : memref<64x128xf32, #tpu.memory_space<vmem>>[vector<16xi32>, vector<16xi32>], vector<16xf32>,
      %mul3A_1175 = arith.constant 8.000000e+00 : f32
      %mul3A_1176 = vector.broadcast %mul3A_1175 : f32 to vector<16xf32>
      %mul3A_1177 = arith.mulf %gather3A_1174, %mul3A_1176 : vector<16xf32>
      %get3A_1178 = arith.index_cast %sub3A_1158 : i32 to index
      %get3A_1179 = arith.constant 0 : index
      %get3A_1180 = tpu.vector_load %arg8[%get3A_1178, %get3A_1179] {strides = array<i32>} : memref<128x64xf32, #tpu.memory_space<vmem>>, vector<16xf32>,
      %add3A_1181 = arith.addf %mul3A_1177, %get3A_1180 : vector<16xf32>
      tpu.vector_store_idx %arg7[%add3A_1173, %broadcast_in_dim3A_1170], %add3A_1181 : memref<64x256xf32, #tpu.memory_space<vmem>>[vector<16xi32>, vector<16xi32>], vector<16xf32>,
      %add3A_1182 = arith.constant 16 : i32
      %add3A_1183 = vector.broadcast %add3A_1182 : i32 to vector<16xi32>
      %add3A_1184 = arith.addi %iota3A, %add3A_1183 : vector<16xi32>
      %gather3A_1185 = tpu.vector_load_idx %arg16[%add3A_1184, %broadcast_in_dim3A_1169] : memref<64x128xf32, #tpu.memory_space<vmem>>[vector<16xi32>, vector<16xi32>], vector<16xf32>,
      %mul3A_1186 = arith.constant 8.000000e+00 : f32
      %mul3A_1187 = vector.broadcast %mul3A_1186 : f32 to vector<16xf32>
      %mul3A_1188 = arith.mulf %gather3A_1185, %mul3A_1187 : vector<16xf32>
      %get3A_1189 = arith.index_cast %sub3A_1158 : i32 to index
      %get3A_1190 = arith.constant 16 : index
      %get3A_1191 = tpu.vector_load %arg8[%get3A_1189, %get3A_1190] {strides = array<i32>} : memref<128x64xf32, #tpu.memory_space<vmem>>, vector<16xf32>,
      %add3A_1192 = arith.addf %mul3A_1188, %get3A_1191 : vector<16xf32>
      tpu.vector_store_idx %arg7[%add3A_1184, %broadcast_in_dim3A_1170], %add3A_1192 : memref<64x256xf32, #tpu.memory_space<vmem>>[vector<16xi32>, vector<16xi32>], vector<16xf32>,
      %add3A_1193 = arith.constant 32 : i32
      %add3A_1194 = vector.broadcast %add3A_1193 : i32 to vector<16xi32>
      %add3A_1195 = arith.addi %iota3A, %add3A_1194 : vector<16xi32>
      %gather3A_1196 = tpu.vector_load_idx %arg16[%add3A_1195, %broadcast_in_dim3A_1169] : memref<64x128xf32, #tpu.memory_space<vmem>>[vector<16xi32>, vector<16xi32>], vector<16xf32>,
      %mul3A_1197 = arith.constant 8.000000e+00 : f32
      %mul3A_1198 = vector.broadcast %mul3A_1197 : f32 to vector<16xf32>
      %mul3A_1199 = arith.mulf %gather3A_1196, %mul3A_1198 : vector<16xf32>
      %get3A_1200 = arith.index_cast %sub3A_1158 : i32 to index
      %get3A_1201 = arith.constant 32 : index
      %get3A_1202 = tpu.vector_load %arg8[%get3A_1200, %get3A_1201] {strides = array<i32>} : memref<128x64xf32, #tpu.memory_space<vmem>>, vector<16xf32>,
      %add3A_1203 = arith.addf %mul3A_1199, %get3A_1202 : vector<16xf32>
      tpu.vector_store_idx %arg7[%add3A_1195, %broadcast_in_dim3A_1170], %add3A_1203 : memref<64x256xf32, #tpu.memory_space<vmem>>[vector<16xi32>, vector<16xi32>], vector<16xf32>,
      %add3A_1204 = arith.constant 48 : i32
      %add3A_1205 = vector.broadcast %add3A_1204 : i32 to vector<16xi32>
      %add3A_1206 = arith.addi %iota3A, %add3A_1205 : vector<16xi32>
      %gather3A_1207 = tpu.vector_load_idx %arg16[%add3A_1206, %broadcast_in_dim3A_1169] : memref<64x128xf32, #tpu.memory_space<vmem>>[vector<16xi32>, vector<16xi32>], vector<16xf32>,
      %mul3A_1208 = arith.constant 8.000000e+00 : f32
      %mul3A_1209 = vector.broadcast %mul3A_1208 : f32 to vector<16xf32>
      %mul3A_1210 = arith.mulf %gather3A_1207, %mul3A_1209 : vector<16xf32>
      %get3A_1211 = arith.index_cast %sub3A_1158 : i32 to index
      %get3A_1212 = arith.constant 48 : index
      %get3A_1213 = tpu.vector_load %arg8[%get3A_1211, %get3A_1212] {strides = array<i32>} : memref<128x64xf32, #tpu.memory_space<vmem>>, vector<16xf32>,
      %add3A_1214 = arith.addf %mul3A_1210, %get3A_1213 : vector<16xf32>
      tpu.vector_store_idx %arg7[%add3A_1206, %broadcast_in_dim3A_1170], %add3A_1214 : memref<64x256xf32, #tpu.memory_space<vmem>>[vector<16xi32>, vector<16xi32>], vector<16xf32>,
      %lt3A_1215 = arith.constant 15 : i32
      %lt3A_1216 = arith.cmpi slt, %scan3A_102, %lt3A_1215 : i32
      %convert_element_type3A_1217 = arith.extui %lt3A_1216 : i1 to i32
      %cond3A_1218 = arith.constant 0 : i32
      %cond3A_1219 = arith.cmpi ne, %convert_element_type3A_1217, %cond3A_1218 : i32
      scf.if %cond3A_1219 {
        %add3A_1220 = arith.constant 1 : i32
        %add3A_1221 = arith.addi %scan3A_102, %add3A_1220 : i32
        %mul3A_1222 = arith.constant 16 : i32
        %mul3A_1223 = arith.muli %add3A_1221, %mul3A_1222 : i32
        %get3A_1224 = arith.index_cast %mul3A_1223 : i32 to index
        %get3A_1225 = tpu.vector_load %arg6[%get3A_1224] {strides = array<i32>} : memref<256xi32, #tpu.memory_space<vmem>>, vector<16xi32>,
        %slice3A_1226 = vector.extract_strided_slice %get3A_1225 {offsets = [7], sizes = [1], strides = [1]} : vector<16xi32> to vector<1xi32>
        %squeeze3A_1227 = vector.extract %slice3A_1226[0] : i32 from vector<1xi32>
        %shift_right_arithmetic3A_1228 = arith.constant 7 : i32
        %shift_right_arithmetic3A_1229 = arith.shrsi %squeeze3A_1227, %shift_right_arithmetic3A_1228 : i32
        %mul3A_1230 = arith.constant 128 : i32
        %mul3A_1231 = arith.muli %shift_right_arithmetic3A_1229, %mul3A_1230 : i32
        %multiple_of3A_1232 = tpu.assume_multiple %mul3A_1231, 128 : i32
        %dma_start3A_1233 = arith.constant 0 : i32
        %dma_start3A_1234 = tpu.memref_slice %arg3[%dma_start3A_1233, %multiple_of3A_1232] : memref<64x1000000xf32, #tpu.memory_space<hbm>> -> memref<64x128xf32, #tpu.memory_space<hbm>>
        %dma_start3A_1235 = arith.constant 0 : i32
        %dma_start3A_1236 = tpu.memref_slice %arg3[%dma_start3A_1235, %multiple_of3A_1232] : memref<64x1000000xf32, #tpu.memory_space<hbm>> -> memref<64x128xf32, #tpu.memory_space<hbm>>
        tpu.enqueue_dma source(%dma_start3A_1236 : memref<64x128xf32, #tpu.memory_space<hbm>>) target(%arg16 : memref<64x128xf32, #tpu.memory_space<vmem>>) target_semaphore(%arg24 : memref<!tpu.dma_semaphore, #tpu.memory_space<semaphore_mem>>)
      } else {
      }
    }
    %scan3A_101 = arith.constant 8 : i32
    "tpu.region"() ({
      %run_scoped3A = tpu.sem_alloc : memref<!tpu.dma_semaphore, #tpu.memory_space<semaphore_mem>>
      %dma_start3A_102 = arith.constant 0 : i32
      %dma_start3A_103 = tpu.memref_slice %arg5[%shift_right_arithmetic3A_1, %dma_start3A_102, %multiple_of3A] : memref<4x64x2048xf32, #tpu.memory_space<hbm>> -> memref<1x64x256xf32, #tpu.memory_space<hbm>>
      %dma_start3A_104 = tpu.memref_squeeze %dma_start3A_103 : memref<1x64x256xf32, #tpu.memory_space<hbm>> -> memref<64x256xf32, #tpu.memory_space<hbm>>
      %dma_start3A_105 = arith.constant 0 : i32
      %dma_start3A_106 = tpu.memref_slice %arg5[%shift_right_arithmetic3A_1, %dma_start3A_105, %multiple_of3A] : memref<4x64x2048xf32, #tpu.memory_space<hbm>> -> memref<1x64x256xf32, #tpu.memory_space<hbm>>
      %dma_start3A_107 = tpu.memref_squeeze %dma_start3A_106 : memref<1x64x256xf32, #tpu.memory_space<hbm>> -> memref<64x256xf32, #tpu.memory_space<hbm>>
      tpu.enqueue_dma source(%arg7 : memref<64x256xf32, #tpu.memory_space<vmem>>) target(%dma_start3A_107 : memref<64x256xf32, #tpu.memory_space<hbm>>) target_semaphore(%run_scoped3A : memref<!tpu.dma_semaphore, #tpu.memory_space<semaphore_mem>>)
      %dma_wait3A = arith.constant 0 : i32
      %dma_wait3A_108 = tpu.memref_slice %arg5[%shift_right_arithmetic3A_1, %dma_wait3A, %multiple_of3A] : memref<4x64x2048xf32, #tpu.memory_space<hbm>> -> memref<1x64x256xf32, #tpu.memory_space<hbm>>
      %dma_wait3A_109 = tpu.memref_squeeze %dma_wait3A_108 : memref<1x64x256xf32, #tpu.memory_space<hbm>> -> memref<64x256xf32, #tpu.memory_space<hbm>>
      %dma_wait3A_110 = arith.constant 0 : i32
      %dma_wait3A_111 = tpu.memref_slice %arg5[%shift_right_arithmetic3A_1, %dma_wait3A_110, %multiple_of3A] : memref<4x64x2048xf32, #tpu.memory_space<hbm>> -> memref<1x64x256xf32, #tpu.memory_space<hbm>>
      %dma_wait3A_112 = tpu.memref_squeeze %dma_wait3A_111 : memref<1x64x256xf32, #tpu.memory_space<hbm>> -> memref<64x256xf32, #tpu.memory_space<hbm>>
      tpu.wait_dma2 semaphore(%run_scoped3A : memref<!tpu.dma_semaphore, #tpu.memory_space<semaphore_mem>>) src(%arg7 : memref<64x256xf32, #tpu.memory_space<vmem>>) dst(%dma_wait3A_112 : memref<64x256xf32, #tpu.memory_space<hbm>>)
      tpu.yield
    }) : () -> ()
    return
  }
}

</mosaic_0001>

<sc_bundles>
// kernel: kernel.3.cloned.1.call-start
scs
__scs_entry_jumppad:
0x0: {  	(pc) =	sbr.rel $0x88, $3  }
0x1: {  	(tag) =	ssettag $0x0;
	lr =	simm.s32 $0x1  }
0x2: {  	[smem:$0x3F9F] =	sst lr;
	_ =	strace $0xD0000000  }
0x3: {  	_ = 	snop  }
0x4: {  	_ = 	snop  }
0x5: {  	_ = 	snop  }
0x6: {  	_ = 	snop  }
0x7: {  	_ = 	snop  }
__scs_overlays_trampoline_lowered:
0x8: {  	[smem:$0x3FAE] =	sst s0  }
0x9: {  	[smem:$0x3FAF] =	sst s1  }
0xa: {  	[smem:$0x3FB0] =	sst s2  }
0xb: {  	[smem:$0x3FB1] =	sst s3  }
0xc: {  	[smem:$0x3FB2] =	sst s4  }
0xd: {  	[smem:$0x3FB3] =	sst s5  }
0xe: {  	[smem:$0x3FB4] =	sst s6  }
0xf: {  	[smem:$0x3FB5] =	sst s7  }
0x10: {  	[smem:$0x3FB6] =	sst s8  }
0x11: {  	[smem:$0x3FB7] =	sst s9;
	s0 =	simm.s32 @!p0 $0x0  }
0x12: {  	s1 =	sld [smem:$0x3F9D];
	s0 =	simm.s32 @p0 $0x1  }
0x13: {  	[smem:$0x3FB8] =	sst s0;
	s0 =	simm.s32 @!p1 $0x0  }
0x14: {  	s2 =	sld [smem:$0x3F9C];
	s0 =	simm.s32 @p1 $0x1  }
0x15: {  	[smem:$0x3FB9] =	sst s0;
	s0 =	simm.s32 @!p2 $0x0  }
0x16: {  	s3 =	sld [smem:$0x3FDB];
	s0 =	simm.s32 @p2 $0x1  }
0x17: {  	s4 =	simm.s32 $0x1BF5;
	[smem:$0x3FBB] =	sst s0  }
0x18: {  	s0 =	sld [smem:$0x3F9E];
	_ =	swait.ge [sflag:s4], $0x0  }
0x19: {  	s7 =	sld [smem:$0x3F9F]  }
0x1a: {  	s8 =	sadd.s32 $0xFFFFE003, lr  }
0x1b: {  	s9 =	sadd.s32 $0xFFFFFEF7, lr;
	s5 =	simm.s32 $0xFFFFFFFF;
	p2 =	slt.u32 s8, $0xFFFFF086  }
0x1c: {  	p1 =	slt.u32 s9, $0xF7A;
	s5 =	simm.s32 @!p2 $0x0  }
0x1d: {  	s5 =	simm.s32 @p1 $0x1;
	p0 =	seq.s32 s7, s2  }
0x1e: {  	s7 =	smul.u32 @!p0 $0xF7A, s2;
	p2 =	seq.s32 @!p0 s5, $0x0  }
0x1f: {  	s9 =	smul.u32 $0xF7A, s1;
	s8 =	simm.s32 @!p0 $0x1BF5;
	p2 =	por !p2, p0  }
0x20: {  	[sflag:s8] =	ssyncset.s32 @!p0 $0xFFFFF086;
	s6 =	sadd.s32 @!p0 s3, s7;
	s7 =	simm.s32 @!p0 $0x108  }
0x21: {  	s3 =	sadd.s32 s3, s9;
	s6 =	sadd.s32 @!p0 $0x88, s6;
	s7 =	simm.s32 @p2 $0x1082  }
0x22: {  	[simem:s7], [sflag:s8] =	dma.local @!p0 [hbm:s6], $0xF7A  }
0x23: {  	s9 =	sor.u32 $0xD0000000, s2;
	s6 =	simm.s32 $0x108;
	_ =	swait.ge @!p0 [sflag:s8], $0x0  }
0x24: {  	s3 =	sadd.s32 $0x88, s3;
	s6 =	simm.s32 @!p1 $0x1082;
	[sflag:s4] =	ssyncset.s32 $0xFFFFF086  }
0x25: {  	[simem:s6], [sflag:s4] =	dma.local [hbm:s3], $0xF7A  }
0x26: {  	[smem:$0x3F9F] =	sst s1;
	(tag) =	ssettag s2;
	_ =	strace s9  }
0x27: {  	s1 =	sld [smem:$0x3FAF]  }
0x28: {  	s2 =	sld [smem:$0x3FB0]  }
0x29: {  	s4 =	sld [smem:$0x3FB2]  }
0x2a: {  	p0 =	seq.s32 s5, $0x0;
	s5 =	sld [smem:$0x3FB3]  }
0x2b: {  	s6 =	sld [smem:$0x3FB4]  }
0x2c: {  	s7 =	sld [smem:$0x3FB5]  }
0x2d: {  	s3 =	simm.s32 $0x108;
	s8 =	sld [smem:$0x3FB6]  }
0x2e: {  	s3 =	simm.s32 @!p0 $0x1082;
	s9 =	sld [smem:$0x3FB7]  }
0x2f: {  	lr =	sadd.s32 s0, s3;
	s0 =	sld [smem:$0x3FAE]  }
0x30: {  	s3 =	sld [smem:$0x3FB1]  }
0x31: {  	[smem:$0x3FBA] =	sst s10  }
0x32: {  	s10 =	sld [smem:$0x3FB8];
	_ =	sdelay $0x3  }
0x33: {  	p0 =	seq.s32 s10, $0x1;
	s10 =	sld [smem:$0x3FBA];
	_ =	sdelay $0x3  }
0x34: {  	[smem:$0x3FBA] =	sst s10  }
0x35: {  	s10 =	sld [smem:$0x3FB9];
	_ =	sdelay $0x3  }
0x36: {  	p1 =	seq.s32 s10, $0x1;
	s10 =	sld [smem:$0x3FBA];
	_ =	sdelay $0x3  }
0x37: {  	[smem:$0x3FBA] =	sst s10  }
0x38: {  	s10 =	sld [smem:$0x3FBB]  }
0x39: {  	_ = 	snop;
	(pc) =	sbr.ind lr, $3  }
0x3a: {  	_ = 	snop  }
0x3b: {  	_ = 	snop  }
0x3c: {  	p2 =	seq.s32 s10, $0x1;
	s10 =	sld [smem:$0x3FBA]  }
0x3d: {  	_ =	shalt  }
0x3e: {  	_ =	shalt  }
0x3f: {  	_ =	shalt  }
0x40: {  	_ =	shalt  }
0x41: {  	_ =	shalt  }
0x42: {  	_ =	shalt  }
0x43: {  	_ =	shalt  }
0x44: {  	_ =	shalt  }
0x45: {  	_ =	shalt  }
0x46: {  	_ =	shalt  }
0x47: {  	_ =	shalt  }
0x48: {  	_ =	shalt  }
0x49: {  	_ =	shalt  }
0x4a: {  	_ =	shalt  }
0x4b: {  	_ =	shalt  }
0x4c: {  	_ =	shalt  }
0x4d: {  	_ =	shalt  }
0x4e: {  	_ =	shalt  }
0x4f: {  	_ =	shalt  }
0x50: {  	_ =	shalt  }
0x51: {  	_ =	shalt  }
0x52: {  	_ =	shalt  }
0x53: {  	_ =	shalt  }
0x54: {  	_ =	shalt  }
0x55: {  	_ =	shalt  }
0x56: {  	_ =	shalt  }
0x57: {  	_ =	shalt  }
0x58: {  	_ =	shalt  }
0x59: {  	_ =	shalt  }
0x5a: {  	_ =	shalt  }
0x5b: {  	_ =	shalt  }
0x5c: {  	_ =	shalt  }
0x5d: {  	_ =	shalt  }
0x5e: {  	_ =	shalt  }
0x5f: {  	_ =	shalt  }
0x60: {  	_ =	shalt  }
0x61: {  	_ =	shalt  }
0x62: {  	_ =	shalt  }
0x63: {  	_ =	shalt  }
0x64: {  	_ =	shalt  }
0x65: {  	_ =	shalt  }
0x66: {  	_ =	shalt  }
0x67: {  	_ =	shalt  }
0x68: {  	_ =	shalt  }
0x69: {  	_ =	shalt  }
0x6a: {  	_ =	shalt  }
0x6b: {  	_ =	shalt  }
0x6c: {  	_ =	shalt  }
0x6d: {  	_ =	shalt  }
0x6e: {  	_ =	shalt  }
0x6f: {  	_ =	shalt  }
0x70: {  	_ =	shalt  }
0x71: {  	_ =	shalt  }
0x72: {  	_ =	shalt  }
0x73: {  	_ =	shalt  }
0x74: {  	_ =	shalt  }
0x75: {  	_ =	shalt  }
0x76: {  	_ =	shalt  }
0x77: {  	_ =	shalt  }
0x78: {  	_ =	shalt  }
0x79: {  	_ =	shalt  }
0x7a: {  	_ =	shalt  }
0x7b: {  	_ =	shalt  }
0x7c: {  	_ =	shalt  }
0x7d: {  	_ =	shalt  }
0x7e: {  	_ =	shalt  }
0x7f: {  	_ =	shalt  }
0x80: {  	_ =	shalt  }
0x81: {  	_ =	shalt  }
0x82: {  	_ =	shalt  }
0x83: {  	_ =	shalt  }
0x84: {  	_ =	shalt  }
0x85: {  	_ =	shalt  }
0x86: {  	_ =	shalt  }
0x87: {  	_ =	shalt  }
.Lfunc_end0:
.L_simem_size_0:
called_computation_lowered:
.L_overlay_start_0:
0x88: {  	s2 =	sld [smem:$0x3FD9]  }
0x89: {  	s3 =	sld [smem:$0x3FFE];
	_ =	sdelay $0x1  }
0x8a: {  	s1 =	srdreg.scid  }
0x8b: {  	s0 =	sand.u32 $0x1, s1  }
0x8c: {  	s17 =	sshll.u32 s0, $0xA;
	s2 =	sadd.s32 s3, s2  }
0x8d: {  	s2 =	sadd.s32 s2, s17  }
0x8e: {  	[smem:$0x3FC6] =	sst s2  }
0x8f: {  	_ = 	snop  }
0x90: {  	s2 =	sld [smem:$0x3FC9]  }
0x91: {  	s18 =	sld [smem:$0x3FC8]  }
0x92: {  	s4 =	sld [smem:$0x3FD0];
	(tm) =	ssettm $0x1  }
0x93: {  	s5 =	sld [smem:$0x3FFB];
	_ =	sdelay $0x3  }
0x94: {  	_ =	strace s5  }
0x95: {  	s5 =	sld [smem:$0x3FFC];
	_ =	sdelay $0x3  }
0x96: {  	_ =	strace s5  }
0x97: {  	s5 =	sld [smem:$0x3FFD];
	_ =	sdelay $0x3  }
0x98: {  	_ =	strace s5  }
0x99: {  	_ =	strace $0x8FFFFFFF  }
0x9a: {  	s19 =	sld [smem:$0x3FDB];
	_ =	sdelay $0x1  }
0x9b: {  	s6 =	simm.s32 $_scs_section_size  }
0x9c: {  	s7 =	simm.s32 $_size__tile_overlayer_lowered;
	s8 =	simm.s32 $_tile_overlayer_lowered  }
0x9d: {  	s22 =	simm.s32 $0x1BFF;
	s21 =	sshll.u32 s8, $0x1;
	s5 =	sadd.s32 s6, s19  }
0x9e: {  	s9 =	simm.s32 $0x0;
	s20 =	sshll.u32 s7, $0x1;
	s7 =	sadd.s32 s21, s5  }
0x9f: {  	[timem:s9], [sflag:s22] =	dma.local [hbm:s7], s20  }
0xa0: {  	_ =	swait.ge [sflag:s22], s20  }
0xa1: {  	s6 =	ssub.s32 $0x0, s20;
	[sflag:s22] =	ssyncset.done $0x0  }
0xa2: {  	[sflag:s22] =	ssyncadd.s32 s6;
	_ =	sdelay $0x1  }
0xa3: {  	s23 =	simm.s32 $0x1B8B  }
0xa4: {  	_ =	swait.ge [sflag:s23], $0x1  }
0xa5: {  	[sflag:s23] =	ssyncset.done $0x0  }
0xa6: {  	s25 =	simm.s32 $0x1B8E;
	s24 =	sld [smem:$0x3FFE];
	[sflag:s23] =	ssyncadd.s32 $0xFFFFFFFF  }
0xa7: {  	s26 =	simm.s32 $execute0_lowered;
	[smem:$0x3FD2] =	sst s25  }
0xa8: {  	s7 =	sshll.u32 s26, $0x1;
	_ =	strace $0x80000046;
	[dreg:$0x1] =	wrdreg $0xFFFFFFFF  }
0xa9: {  	s28 =	simm.s32 $_size_execute0_lowered;
	s5 =	sadd.s32 s5, s7;
	[dreg:$0x0] =	wrdreg $0x0  }
0xaa: {  	s7 =	sshll.u32 s28, $0x1;
	[dreg:$0x2] =	wrdreg s5  }
0xab: {  	[dreg:$0x3] =	wrdreg s7  }
0xac: {  	[dreg:$0x4] =	wrdreg $0xC0  }
0xad: {  	_ =	task [dreg:s9], $0x5FFFF  }
0xae: {  	[dreg:$0x1] =	wrdreg $0xFFFFFFFF  }
0xaf: {  	[dreg:$0x0] =	wrdreg $0x60  }
0xb0: {  	[dreg:$0x2] =	wrdreg s2  }
0xb1: {  	[dreg:$0x3] =	wrdreg s18  }
0xb2: {  	[dreg:$0x4] =	wrdreg s24  }
0xb3: {  	[dreg:$0x5] =	wrdreg s4  }
0xb4: {  	[dreg:$0x6] =	wrdreg $0x9  }
0xb5: {  	_ =	task.clear_ibuf [dreg:s9], $0x7FFFF;
	_ =	strace $0x90000046  }
0xb6: {  	s29 =	simm.s32 $0x9;
	_ =	strace $0x80000048  }
0xb7: {  	_ =	swait.ge [sflag:s29], $0x1  }
0xb8: {  	[sflag:s29] =	ssyncadd.s32 $0xFFFFFFFF  }
0xb9: {  	_ =	strace $0x90000048  }
0xba: {  	_ =	sfence  }
0xbb: {  	s30 =	sld [smem:$0x0];
	_ =	sdelay $0x2  }
0xbc: {  	s31 =	sshll.u32 s1, $0xD;
	s1 =	sshrl.u32 s1, $0x2  }
0xbd: {  	s3 =	sand.u32 $0x4000, s31;
	s1 =	sadd.s32 s1, s30  }
0xbe: {  	s0 =	sor.u32 s3, s0;
	s1 =	sshll.u32 s1, $0x11  }
0xbf: {  	s0 =	sor.u32 s1, s0  }
0xc0: {  	s0 =	sadd.s32 $0x8F2B, s0  }
0xc1: {  	[sflag:s0] =	ssyncadd.remote.s32 $0x1  }
0xc2: {  	_ =	sfence.sel $0xFFFF  }
0xc3: {  	[dreg:$0x0] =	wrdreg $0xFFFFFFFF;
	(pc) =	sbr.abs _section_cstart, $3  }
0xc4: {  	[dreg:$0x1] =	wrdreg $0xFFFFFFFF  }
0xc5: {  	_ =	task.clear_ibuf [dreg:s9], $0x2FFFF;
	_ =	strace $0x9FFFFFFF  }
0xc6: {  	(tm) =	ssettm $0x7FFFFFFF  }
0xc7: {  	_ =	shalt  }
tec
execute0_lowered:
.L_overlay_start_1:
0x0: {  	(tag) =	ssettag $0x1  }
0x1: {  	v0 =	vimm.s32 $0xB80;
	vm14 =	vcmask $0x300;
	vm13 =	vcmask $0x704  }
0x2: {  	vm12 =	vcmask $0xB08;
	vm11 =	vcmask $0xF0C;
	vm10 =	vcmask $0x1310  }
0x3: {  	vm9 =	vcmask $0x1714;
	vm8 =	vcmask $0x1B18;
	vm7 =	vcmask $0x1F1C  }
0x4: {  	vm6 =	vcmask $0x2320;
	vm5 =	vcmask $0x2724;
	vm4 =	vcmask $0x2B28  }
0x5: {  	vm2 =	vcmask $0x2F2C;
	v1 =	vlaneseq.u32;
	vm3 =	vcmask $0x3330  }
0x6: {  	vm1 =	vcmask $0x3734;
	vm0 =	vcmask $0x3B38;
	v3 =	vimm.s32 $0x1B80  }
0x7: {  	v4 =	vimm.s32 $0x2B80;
	v5 =	vimm.s32 $0x3B80;
	v0 =	vsel vm14, $0x0, v0  }
0x8: {  	s1 =	rddreg [dreg:$0x0];
	v3 =	vsel vm14, $0x1000, v3;
	v4 =	vsel vm14, $0x2000, v4;
	v5 =	vsel vm14, $0x3000, v5  }
0x9: {  	s0 =	rddreg [dreg:$0x1];
	v0 =	vsel vm13, $0x80, v0;
	v3 =	vsel vm13, $0x1080, v3;
	v4 =	vsel vm13, $0x2080, v4  }
0xa: {  	s2 =	rddreg [dreg:$0x2];
	s3 =	srdreg.scid;
	v5 =	vsel vm13, $0x3080, v5;
	v0 =	vsel vm12, $0x100, v0;
	v3 =	vsel vm12, $0x1100, v3  }
0xb: {  	s7 =	stileid.u32;
	s4 =	rddreg [dreg:$0x3];
	v4 =	vsel vm12, $0x2100, v4;
	v5 =	vsel vm12, $0x3100, v5;
	v0 =	vsel vm11, $0x180, v0  }
0xc: {  	s9 =	simm.s32 $0x0;
	s12 =	simm.s32 $0x400;
	s13 =	simm.s32 $0x7A1400;
	v3 =	vsel vm11, $0x1180, v3;
	v4 =	vsel vm11, $0x2180, v4;
	v5 =	vsel vm11, $0x3180, v5  }
0xd: {  	s14 =	simm.s32 $0x8100;
	s15 =	simm.s32 $0xA100;
	s16 =	simm.s32 $0xC100;
	v0 =	vsel vm10, $0x200, v0;
	v3 =	vsel vm10, $0x1200, v3;
	v4 =	vsel vm10, $0x2200, v4  }
0xe: {  	s17 =	simm.s32 $0xE100;
	s18 =	simm.s32 $0x10100;
	s19 =	simm.s32 $0x12100;
	v5 =	vsel vm10, $0x3200, v5;
	v0 =	vsel vm9, $0x280, v0;
	v3 =	vsel vm9, $0x1280, v3  }
0xf: {  	s20 =	simm.s32 $0x14100;
	s28 =	simm.s32 $0x4;
	s29 =	simm.s32 $0x5;
	v4 =	vsel vm9, $0x2280, v4;
	v5 =	vsel vm9, $0x3280, v5;
	v0 =	vsel vm8, $0x300, v0  }
0x10: {  	s30 =	simm.s32 $0x6;
	s31 =	simm.s32 $0x7;
	s3 =	sand.u32 $0x1, s3;
	v3 =	vsel vm8, $0x1300, v3;
	v4 =	vsel vm8, $0x2300, v4;
	v5 =	vsel vm8, $0x3300, v5  }
0x11: {  	s5 =	sshll.u32 s7, $0x1;
	[smem:$0x7FF] =	sst s9;
	s7 =	sshrl.u32 s7, $0x2;
	v0 =	vsel vm7, $0x380, v0;
	v3 =	vsel vm7, $0x1380, v3;
	v4 =	vsel vm7, $0x2380, v4  }
0x12: {  	s5 =	sor.u32 s3, s5;
	_ =	strace $0x80000047;
	s3 =	ssub.s32 $0x2, s3;
	v5 =	vsel vm7, $0x3380, v5;
	v0 =	vsel vm6, $0x800, v0;
	v3 =	vsel vm6, $0x1800, v3  }
0x13: {  	s22 =	sshll.u32 s7, $0x4;
	s23 =	sshll.u32 s7, $0xE;
	s6 =	sshll.u32 s5, $0xC;
	v4 =	vsel vm6, $0x2800, v4;
	v5 =	vsel vm6, $0x3800, v5;
	v0 =	vsel vm5, $0x880, v0  }
0x14: {  	s21 =	sshrl.u32 s3, $0x1;
	s5 =	sshll.u32 s5, $0x1;
	s1 =	sadd.s32 s1, s22;
	v3 =	vsel vm5, $0x1880, v3;
	v4 =	vsel vm5, $0x2880, v4;
	v5 =	vsel vm5, $0x3880, v5  }
0x15: {  	s4 =	sadd.s32 s4, s23;
	s23 =	simm.s32 $0x3;
	s2 =	sadd.s32 s6, s2;
	v0 =	vsel vm4, $0x900, v0;
	v3 =	vsel vm4, $0x1900, v3;
	v4 =	vsel vm4, $0x2900, v4  }
0x16: {  	s3 =	ssub.s32 s3, s21;
	s5 =	sand.u32 $0xE, s5;
	s6 =	simm.s32 $0x9;
	v5 =	vsel vm4, $0x3900, v5;
	v2 =	vsel vm2, $0x980, v0;
	v0 =	vmul.u32 $0x80, v1  }
0x17: {  	s21 =	simm.s32 $0x16100;
	s8 =	sshll.u32 s5, $0x6;
	s25 =	sadd.s32 $0x400, s2;
	v3 =	vsel vm2, $0x1980, v3;
	v4 =	vsel vm2, $0x2980, v4;
	v5 =	vsel vm2, $0x3980, v5  }
.Ltmp0:
0x18: {  	s2 =	sadd.s32 $0xC00, s2;
	[dreg:$0x6] =	wrdreg s25;
	v1 =	vsel vm3, $0xA00, v2;
	v3 =	vsel vm3, $0x1A00, v3;
	v6 =	vsel vm3, $0x2A00, v4;
	(pc) =	sbr.rel .LBB2_1-.Ltmp0, $4  }
0x19: {  	s24 =	sshll.u32 s5, $0x7;
	s26 =	smax.u32 s3, $0x1;
	[dreg:$0x7] =	wrdreg s2;
	v5 =	vsel vm3, $0x3A00, v5;
	v1 =	vsel vm1, $0xA80, v1;
	v2 =	vor.u32 $0x800, v0  }
0x1a: {  	s5 =	simm.s32 $0x1;
	s1 =	sadd.s32 s8, s1;
	[dreg:$0x9] =	wrdreg s26;
	v3 =	vsel vm1, $0x1A80, v3;
	v4 =	vor.u32 $0x1000, v0;
	v6 =	vsel vm1, $0x2A80, v6  }
0x1b: {  	s3 =	simm.s32 $0x0;
	[dreg:$0x5] =	wrdreg s1;
	s1 =	sadd.s32 s24, s4;
	v7 =	vsel vm1, $0x3A80, v5;
	v1 =	vsel vm0, $0xB00, v1;
	v3 =	vsel vm0, $0x1B00, v3  }
0x1c: {  	s2 =	simm.s32 $0x8;
	s24 =	simm.s32 $0x100;
	[dreg:$0x8] =	wrdreg s1;
	v5 =	vsel vm0, $0x2B00, v6;
	v6 =	vor.u32 $0x1800, v0;
	v7 =	vsel vm0, $0x3B00, v7  }
.LBB2_6:
0x1d: {  	s1 =	rddreg [dreg:$0x8]  }
0x1e: {  	s3 =	simm.s32 $0x800;
	s4 =	simm.s32 $0x4000;
	s6 =	simm.s32 $0x9  }
0x1f: {  	[hbm4b:s1+s3] =	stream.strided.scatter [tilespmem:s24], [sflag:$0x9], $0x4000, s4, s3, $0x38;
	[tilespmem:$0x18100] =	vst v63  }
0x20: {  	_ =	swait.ge [sflag:s6], $0x4000  }
0x21: {  	s25 =	rddreg [dreg:$0xa]  }
0x22: {  	s26 =	rddreg [dreg:$0x9];
	s3 =	sadd.s32 $0x1, s25  }
0x23: {  	p0 =	sne.s32 s3, s26  }
.Ltmp1:
0x24: {  	_ = 	snop;
	(pc) =	sbr.rel @!p0 .LBB2_7-.Ltmp1, $3  }
0x25: {  	_ =	sdelay $0x1  }
0x26: {  	s9 =	simm.s32 $0x0;
	[sflag:s6] =	ssyncset.done $0x0  }
0x27: {  	s5 =	simm.s32 $0x1;
	s23 =	simm.s32 $0x3;
	[sflag:s6] =	ssyncadd.s32 $0xFFFFC000  }
.LBB2_1:
0x28: {  	[dreg:$0xa] =	wrdreg s3  }
0x29: {  	s1 =	rddreg [dreg:$0x5];
	s7 =	simm.s32 $0x200;
	s4 =	simm.s32 $0x80  }
0x2a: {  	[tilespmem:s9], [sflag:$0x9] =	stream.strided.gather [hbm4b:s1+s4], $0x100, s7, s4, $0x38;
	[tilespmem:$0x18100] =	vst v63  }
0x2b: {  	_ =	swait.ge [sflag:s6], $0x100  }
0x2c: {  	[sflag:s6] =	ssyncset.done $0x0  }
0x2d: {  	[sflag:s6] =	ssyncadd.s32 $0xFFFFFF00  }
0x2e: {  	v8 =	vld [tilespmem:$0x0];
	_ =	sdelay $0x4  }
0x2f: {  	(v2sf) =	vpush v8, $0x0  }
0x30: {  	(v2sf) =	vpush v8, $0x1;
	_ =	sdelay $0x1  }
0x31: {  	(v2sf) =	vpush v8, $0x2;
	_ =	sdelay $0x4  }
0x32: {  	(v2sf) =	vpush v8, $0x3  }
0x33: {  	(v2sf) =	vpush v8, $0x4;
	_ =	sdelay $0x5  }
0x34: {  	s8 =	spop (v2sf);
	(v2sf) =	vpush v8, $0x5  }
0x35: {  	s10 =	spop (v2sf);
	(v2sf) =	vpush v8, $0x6  }
0x36: {  	s1 =	sand.u32 $0xFFFFF80, s8  }
0x37: {  	s1 =	sadd.s32 s0, s1;
	s11 =	spop (v2sf)  }
0x38: {  	(v2sf) =	vpush v8, $0x7;
	[tilespmem:s14], [sflag:$0x1] =	stream.strided.gather [hbm4b:s1+s12], $0x2000, s13, s12, $0x38;
	[tilespmem:$0x18100] =	vst v63  }
0x39: {  	s1 =	sand.u32 $0xFFFFF80, s10  }
0x3a: {  	s1 =	sadd.s32 s0, s1  }
0x3b: {  	[tilespmem:s15], [sflag:$0x2] =	stream.strided.gather [hbm4b:s1+s12], $0x2000, s13, s12, $0x38;
	[tilespmem:$0x18100] =	vst v63  }
0x3c: {  	s22 =	spop (v2sf);
	s1 =	sand.u32 $0xFFFFF80, s11  }
0x3d: {  	s25 =	sand.u32 $0xFFFFF80, s22;
	s26 =	spop (v2sf);
	s1 =	sadd.s32 s0, s1  }
0x3e: {  	[tilespmem:s16], [sflag:$0x3] =	stream.strided.gather [hbm4b:s1+s12], $0x2000, s13, s12, $0x38;
	[tilespmem:$0x18100] =	vst v63  }
0x3f: {  	s4 =	sand.u32 $0xFFFFF80, s26;
	s1 =	sadd.s32 s0, s25  }
0x40: {  	[tilespmem:s17], [sflag:$0x4] =	stream.strided.gather [hbm4b:s1+s12], $0x2000, s13, s12, $0x38;
	[tilespmem:$0x18100] =	vst v63  }
0x41: {  	s1 =	sadd.s32 s0, s4  }
0x42: {  	[tilespmem:s18], [sflag:$0x5] =	stream.strided.gather [hbm4b:s1+s12], $0x2000, s13, s12, $0x38;
	[tilespmem:$0x18100] =	vst v63  }
0x43: {  	s7 =	spop (v2sf)  }
0x44: {  	s8 =	sand.u32 $0xFFFFF80, s7;
	s10 =	spop (v2sf)  }
0x45: {  	s1 =	sadd.s32 s0, s8;
	s11 =	sand.u32 $0xFFFFF80, s10  }
0x46: {  	[tilespmem:s19], [sflag:$0x6] =	stream.strided.gather [hbm4b:s1+s12], $0x2000, s13, s12, $0x38;
	[tilespmem:$0x18100] =	vst v63  }
0x47: {  	s22 =	spop (v2sf);
	s1 =	sadd.s32 s0, s11  }
0x48: {  	[tilespmem:s20], [sflag:$0x7] =	stream.strided.gather [hbm4b:s1+s12], $0x2000, s13, s12, $0x38;
	[tilespmem:$0x18100] =	vst v63  }
0x49: {  	s1 =	sand.u32 $0xFFFFF80, s22  }
0x4a: {  	s1 =	sadd.s32 s0, s1  }
0x4b: {  	[tilespmem:s21], [sflag:$0x8] =	stream.strided.gather [hbm4b:s1+s12], $0x2000, s13, s12, $0x38;
	[tilespmem:$0x18100] =	vst v63  }
0x4c: {  	s26 =	simm.s32 $0x4100;
	s25 =	rddreg [dreg:$0x6]  }
0x4d: {  	[tilespmem:s26], [sflag:$0x9] =	stream.linear.gather [hbm4b:s25+s9], $0x4000, $0x38;
	[tilespmem:$0x18100] =	vst v63  }
0x4e: {  	_ =	swait.ge [sflag:s6], $0x4000  }
0x4f: {  	s4 =	simm.s32 $0x10;
	s1 =	simm.s32 $0xF;
	[sflag:s6] =	ssyncset.done $0x0  }
0x50: {  	s9 =	simm.s32 $0x4500;
	s26 =	simm.s32 $0x2;
	[sflag:s6] =	ssyncadd.s32 $0xFFFFC000  }
.LBB2_2:
0x51: {  	v8 =	vld [tilespmem:s4+$0xFFFFFFF0];
	_ =	sdelay $0x3  }
0x52: {  	_ =	swait.ge [sflag:s5], $0x2000  }
0x53: {  	(v2sf) =	vpush v8, $0x0;
	_ =	sdelay $0xe  }
0x54: {  	s3 =	spop (v2sf)  }
0x55: {  	s3 =	sand.u32 $0x7F, s3  }
0x56: {  	v9 =	vor.u32 s3, v0;
	_ =	sdelay $0x2  }
0x57: {  	[sflag:s5] =	ssyncset.done $0x0  }
0x58: {  	[sflag:s5] =	ssyncadd.s32 $0xFFFFE000  }
0x59: {  	v9 =	vld.idx.msk [tilespmem:v9+s14+$0x0], $0xffff;
	_ =	sdelay $0x1  }
0x5a: {  	v10 =	vld [tilespmem:s9+$0xFFFFFC00]  }
0x5b: {  	s22 =	sadd.s32 $0xFFFFFFF1, s1  }
0x5c: {  	v11 =	vor.u32 s22, v1  }
0x5d: {  	v12 =	vor.u32 s3, v2;
	v9 =	vmul.f32 $8.000000000e+00, v9;
	_ =	sdelay $0x1  }
0x5e: {  	v9 =	vadd.f32 v10, v9;
	_ =	sdelay $0x1  }
0x5f: {  	[tilespmem:v11+s24+$0x0] =	vst.idx.msk $0xffff, v9  }
0x60: {  	v9 =	vld.idx.msk [tilespmem:v12+s14+$0x0], $0xffff;
	_ =	sdelay $0x1  }
0x61: {  	v34 =	vld [tilespmem:s9+$0xFFFFFC10];
	_ =	sdelay $0x1  }
0x62: {  	v35 =	vor.u32 s22, v3  }
0x63: {  	v36 =	vor.u32 s3, v4;
	v9 =	vmul.f32 $8.000000000e+00, v9;
	_ =	sdelay $0x1  }
0x64: {  	v9 =	vadd.f32 v34, v9;
	_ =	sdelay $0x1  }
0x65: {  	[tilespmem:v35+s24+$0x0] =	vst.idx.msk $0xffff, v9  }
0x66: {  	v9 =	vld.idx.msk [tilespmem:v36+s14+$0x0], $0xffff;
	_ =	sdelay $0x1  }
0x67: {  	(v2sf) =	vpush v8, $0x8;
	v37 =	vld [tilespmem:s9+$0xFFFFFC20];
	_ =	sdelay $0x1  }
0x68: {  	v38 =	vor.u32 s22, v5  }
0x69: {  	v39 =	vor.u32 s3, v6;
	v9 =	vmul.f32 $8.000000000e+00, v9;
	_ =	sdelay $0x1  }
0x6a: {  	v9 =	vadd.f32 v37, v9;
	_ =	sdelay $0x1  }
0x6b: {  	[tilespmem:v38+s24+$0x0] =	vst.idx.msk $0xffff, v9  }
0x6c: {  	v9 =	vld.idx.msk [tilespmem:v39+s14+$0x0], $0xffff;
	_ =	sdelay $0x1  }
0x6d: {  	v40 =	vld [tilespmem:s9+$0xFFFFFC30];
	_ =	sdelay $0x1  }
0x6e: {  	v41 =	vor.u32 s22, v7  }
0x6f: {  	v9 =	vmul.f32 $8.000000000e+00, v9;
	_ =	sdelay $0x1  }
0x70: {  	s3 =	spop (v2sf);
	v9 =	vadd.f32 v40, v9  }
0x71: {  	s6 =	sand.u32 $0xFFFFF80, s3  }
0x72: {  	s5 =	sadd.s32 s0, s6;
	[tilespmem:v41+s24+$0x0] =	vst.idx.msk $0xffff, v9  }
0x73: {  	[tilespmem:s14], [sflag:$0x1] =	stream.strided.gather [hbm4b:s5+s12], $0x2000, s13, s12, $0x38;
	[tilespmem:$0x18100] =	vst v63  }
0x74: {  	_ =	swait.ge [sflag:s26], $0x2000  }
0x75: {  	(v2sf) =	vpush v8, $0x1;
	_ =	sdelay $0xe  }
0x76: {  	s7 =	spop (v2sf)  }
0x77: {  	s5 =	sand.u32 $0x7F, s7  }
0x78: {  	v42 =	vor.u32 s5, v0;
	_ =	sdelay $0x2  }
0x79: {  	[sflag:s26] =	ssyncset.done $0x0  }
0x7a: {  	[sflag:s26] =	ssyncadd.s32 $0xFFFFE000  }
0x7b: {  	v9 =	vld.idx.msk [tilespmem:v42+s15+$0x0], $0xffff;
	_ =	sdelay $0x1  }
0x7c: {  	v43 =	vld [tilespmem:s9+$0xFFFFFC80]  }
0x7d: {  	s6 =	sadd.s32 $0xFFFFFFF2, s1  }
0x7e: {  	v44 =	vor.u32 s6, v1  }
0x7f: {  	v45 =	vor.u32 s5, v2;
	v9 =	vmul.f32 $8.000000000e+00, v9;
	_ =	sdelay $0x1  }
0x80: {  	v9 =	vadd.f32 v43, v9;
	_ =	sdelay $0x1  }
0x81: {  	[tilespmem:v44+s24+$0x0] =	vst.idx.msk $0xffff, v9  }
0x82: {  	v9 =	vld.idx.msk [tilespmem:v45+s15+$0x0], $0xffff;
	_ =	sdelay $0x1  }
0x83: {  	v46 =	vld [tilespmem:s9+$0xFFFFFC90];
	_ =	sdelay $0x1  }
0x84: {  	v47 =	vor.u32 s6, v3  }
0x85: {  	v48 =	vor.u32 s5, v4;
	v9 =	vmul.f32 $8.000000000e+00, v9;
	_ =	sdelay $0x1  }
0x86: {  	v9 =	vadd.f32 v46, v9;
	_ =	sdelay $0x1  }
0x87: {  	[tilespmem:v47+s24+$0x0] =	vst.idx.msk $0xffff, v9  }
0x88: {  	v9 =	vld.idx.msk [tilespmem:v48+s15+$0x0], $0xffff;
	_ =	sdelay $0x1  }
0x89: {  	(v2sf) =	vpush v8, $0x9;
	v49 =	vld [tilespmem:s9+$0xFFFFFCA0];
	_ =	sdelay $0x1  }
0x8a: {  	v50 =	vor.u32 s6, v5  }
0x8b: {  	v51 =	vor.u32 s5, v6;
	v9 =	vmul.f32 $8.000000000e+00, v9;
	_ =	sdelay $0x1  }
0x8c: {  	v9 =	vadd.f32 v49, v9;
	_ =	sdelay $0x1  }
0x8d: {  	[tilespmem:v50+s24+$0x0] =	vst.idx.msk $0xffff, v9  }
0x8e: {  	v9 =	vld.idx.msk [tilespmem:v51+s15+$0x0], $0xffff;
	_ =	sdelay $0x1  }
0x8f: {  	v52 =	vld [tilespmem:s9+$0xFFFFFCB0];
	_ =	sdelay $0x1  }
0x90: {  	v53 =	vor.u32 s6, v7  }
0x91: {  	v9 =	vmul.f32 $8.000000000e+00, v9;
	_ =	sdelay $0x1  }
0x92: {  	s5 =	spop (v2sf);
	v9 =	vadd.f32 v52, v9  }
0x93: {  	s8 =	sand.u32 $0xFFFFF80, s5  }
0x94: {  	s6 =	sadd.s32 s0, s8;
	[tilespmem:v53+s24+$0x0] =	vst.idx.msk $0xffff, v9  }
0x95: {  	[tilespmem:s15], [sflag:$0x2] =	stream.strided.gather [hbm4b:s6+s12], $0x2000, s13, s12, $0x38;
	[tilespmem:$0x18100] =	vst v63  }
0x96: {  	_ =	swait.ge [sflag:s23], $0x2000  }
0x97: {  	(v2sf) =	vpush v8, $0x2;
	_ =	sdelay $0xe  }
0x98: {  	s10 =	spop (v2sf)  }
0x99: {  	s6 =	sand.u32 $0x7F, s10  }
0x9a: {  	v54 =	vor.u32 s6, v0;
	_ =	sdelay $0x2  }
0x9b: {  	[sflag:s23] =	ssyncset.done $0x0  }
0x9c: {  	[sflag:s23] =	ssyncadd.s32 $0xFFFFE000  }
0x9d: {  	v9 =	vld.idx.msk [tilespmem:v54+s16+$0x0], $0xffff;
	_ =	sdelay $0x1  }
0x9e: {  	v55 =	vld [tilespmem:s9+$0xFFFFFD00]  }
0x9f: {  	s7 =	sadd.s32 $0xFFFFFFF3, s1  }
0xa0: {  	v56 =	vor.u32 s7, v1  }
0xa1: {  	v57 =	vor.u32 s6, v2;
	v9 =	vmul.f32 $8.000000000e+00, v9;
	_ =	sdelay $0x1  }
0xa2: {  	v9 =	vadd.f32 v55, v9;
	_ =	sdelay $0x1  }
0xa3: {  	[tilespmem:v56+s24+$0x0] =	vst.idx.msk $0xffff, v9  }
0xa4: {  	v9 =	vld.idx.msk [tilespmem:v57+s16+$0x0], $0xffff;
	_ =	sdelay $0x1  }
0xa5: {  	v58 =	vld [tilespmem:s9+$0xFFFFFD10];
	_ =	sdelay $0x1  }
0xa6: {  	v59 =	vor.u32 s7, v3  }
0xa7: {  	v60 =	vor.u32 s6, v4;
	v9 =	vmul.f32 $8.000000000e+00, v9;
	_ =	sdelay $0x1  }
0xa8: {  	v9 =	vadd.f32 v58, v9;
	_ =	sdelay $0x1  }
0xa9: {  	[tilespmem:v59+s24+$0x0] =	vst.idx.msk $0xffff, v9  }
0xaa: {  	v9 =	vld.idx.msk [tilespmem:v60+s16+$0x0], $0xffff;
	_ =	sdelay $0x1  }
0xab: {  	(v2sf) =	vpush v8, $0xA;
	v61 =	vld [tilespmem:s9+$0xFFFFFD20];
	_ =	sdelay $0x1  }
0xac: {  	v62 =	vor.u32 s7, v5  }
0xad: {  	v63 =	vor.u32 s6, v6;
	v9 =	vmul.f32 $8.000000000e+00, v9;
	_ =	sdelay $0x1  }
0xae: {  	v9 =	vadd.f32 v61, v9;
	_ =	sdelay $0x1  }
0xaf: {  	[tilespmem:v62+s24+$0x0] =	vst.idx.msk $0xffff, v9  }
0xb0: {  	v9 =	vld.idx.msk [tilespmem:v63+s16+$0x0], $0xffff;
	_ =	sdelay $0x1  }
0xb1: {  	v16 =	vld [tilespmem:s9+$0xFFFFFD30];
	_ =	sdelay $0x1  }
0xb2: {  	v17 =	vor.u32 s7, v7  }
0xb3: {  	v9 =	vmul.f32 $8.000000000e+00, v9;
	_ =	sdelay $0x1  }
0xb4: {  	s6 =	spop (v2sf);
	v9 =	vadd.f32 v16, v9  }
0xb5: {  	s11 =	sand.u32 $0xFFFFF80, s6  }
0xb6: {  	s7 =	sadd.s32 s0, s11;
	[tilespmem:v17+s24+$0x0] =	vst.idx.msk $0xffff, v9  }
0xb7: {  	[tilespmem:s16], [sflag:$0x3] =	stream.strided.gather [hbm4b:s7+s12], $0x2000, s13, s12, $0x38;
	[tilespmem:$0x18100] =	vst v63  }
0xb8: {  	_ =	swait.ge [sflag:s28], $0x2000  }
0xb9: {  	(v2sf) =	vpush v8, $0x3;
	_ =	sdelay $0xe  }
0xba: {  	s22 =	spop (v2sf)  }
0xbb: {  	s7 =	sand.u32 $0x7F, s22  }
0xbc: {  	v18 =	vor.u32 s7, v0;
	_ =	sdelay $0x2  }
0xbd: {  	[sflag:s28] =	ssyncset.done $0x0  }
0xbe: {  	[sflag:s28] =	ssyncadd.s32 $0xFFFFE000  }
0xbf: {  	v9 =	vld.idx.msk [tilespmem:v18+s17+$0x0], $0xffff;
	_ =	sdelay $0x1  }
0xc0: {  	v19 =	vld [tilespmem:s9+$0xFFFFFD80]  }
0xc1: {  	s8 =	sadd.s32 $0xFFFFFFF4, s1  }
0xc2: {  	v20 =	vor.u32 s8, v1  }
0xc3: {  	v21 =	vor.u32 s7, v2;
	v9 =	vmul.f32 $8.000000000e+00, v9;
	_ =	sdelay $0x1  }
0xc4: {  	v9 =	vadd.f32 v19, v9;
	_ =	sdelay $0x1  }
0xc5: {  	[tilespmem:v20+s24+$0x0] =	vst.idx.msk $0xffff, v9  }
0xc6: {  	v9 =	vld.idx.msk [tilespmem:v21+s17+$0x0], $0xffff;
	_ =	sdelay $0x1  }
0xc7: {  	v22 =	vld [tilespmem:s9+$0xFFFFFD90];
	_ =	sdelay $0x1  }
0xc8: {  	v23 =	vor.u32 s8, v3  }
0xc9: {  	v24 =	vor.u32 s7, v4;
	v9 =	vmul.f32 $8.000000000e+00, v9;
	_ =	sdelay $0x1  }
0xca: {  	v9 =	vadd.f32 v22, v9;
	_ =	sdelay $0x1  }
0xcb: {  	[tilespmem:v23+s24+$0x0] =	vst.idx.msk $0xffff, v9  }
0xcc: {  	v9 =	vld.idx.msk [tilespmem:v24+s17+$0x0], $0xffff;
	_ =	sdelay $0x1  }
0xcd: {  	(v2sf) =	vpush v8, $0xB;
	v25 =	vld [tilespmem:s9+$0xFFFFFDA0];
	_ =	sdelay $0x1  }
0xce: {  	v26 =	vor.u32 s8, v5  }
0xcf: {  	v27 =	vor.u32 s7, v6;
	v9 =	vmul.f32 $8.000000000e+00, v9;
	_ =	sdelay $0x1  }
0xd0: {  	v9 =	vadd.f32 v25, v9;
	_ =	sdelay $0x1  }
0xd1: {  	[tilespmem:v26+s24+$0x0] =	vst.idx.msk $0xffff, v9  }
0xd2: {  	v9 =	vld.idx.msk [tilespmem:v27+s17+$0x0], $0xffff;
	_ =	sdelay $0x1  }
0xd3: {  	v28 =	vld [tilespmem:s9+$0xFFFFFDB0];
	_ =	sdelay $0x1  }
0xd4: {  	v29 =	vor.u32 s8, v7  }
0xd5: {  	v9 =	vmul.f32 $8.000000000e+00, v9;
	_ =	sdelay $0x1  }
0xd6: {  	s7 =	spop (v2sf);
	v9 =	vadd.f32 v28, v9  }
0xd7: {  	s23 =	sand.u32 $0xFFFFF80, s7  }
0xd8: {  	s8 =	sadd.s32 s0, s23;
	[tilespmem:v29+s24+$0x0] =	vst.idx.msk $0xffff, v9  }
0xd9: {  	[tilespmem:s17], [sflag:$0x4] =	stream.strided.gather [hbm4b:s8+s12], $0x2000, s13, s12, $0x38;
	[tilespmem:$0x18100] =	vst v63  }
0xda: {  	_ =	swait.ge [sflag:s29], $0x2000  }
0xdb: {  	(v2sf) =	vpush v8, $0x4;
	_ =	sdelay $0xe  }
0xdc: {  	s10 =	spop (v2sf)  }
0xdd: {  	s8 =	sand.u32 $0x7F, s10  }
0xde: {  	v30 =	vor.u32 s8, v0;
	_ =	sdelay $0x2  }
0xdf: {  	[sflag:s29] =	ssyncset.done $0x0  }
0xe0: {  	[sflag:s29] =	ssyncadd.s32 $0xFFFFE000  }
0xe1: {  	v9 =	vld.idx.msk [tilespmem:v30+s18+$0x0], $0xffff;
	_ =	sdelay $0x1  }
0xe2: {  	v31 =	vld [tilespmem:s9+$0xFFFFFE00]  }
0xe3: {  	s10 =	sadd.s32 $0xFFFFFFF5, s1  }
0xe4: {  	v32 =	vor.u32 s10, v1  }
0xe5: {  	v33 =	vor.u32 s8, v2;
	v9 =	vmul.f32 $8.000000000e+00, v9;
	_ =	sdelay $0x1  }
0xe6: {  	v9 =	vadd.f32 v31, v9;
	_ =	sdelay $0x1  }
0xe7: {  	[tilespmem:v32+s24+$0x0] =	vst.idx.msk $0xffff, v9  }
0xe8: {  	v9 =	vld.idx.msk [tilespmem:v33+s18+$0x0], $0xffff;
	_ =	sdelay $0x1  }
0xe9: {  	v34 =	vld [tilespmem:s9+$0xFFFFFE10];
	_ =	sdelay $0x1  }
0xea: {  	v35 =	vor.u32 s10, v3  }
0xeb: {  	v36 =	vor.u32 s8, v4;
	v9 =	vmul.f32 $8.000000000e+00, v9;
	_ =	sdelay $0x1  }
0xec: {  	v9 =	vadd.f32 v34, v9;
	_ =	sdelay $0x1  }
0xed: {  	[tilespmem:v35+s24+$0x0] =	vst.idx.msk $0xffff, v9  }
0xee: {  	v9 =	vld.idx.msk [tilespmem:v36+s18+$0x0], $0xffff;
	_ =	sdelay $0x1  }
0xef: {  	(v2sf) =	vpush v8, $0xC;
	v37 =	vld [tilespmem:s9+$0xFFFFFE20];
	_ =	sdelay $0x1  }
0xf0: {  	v38 =	vor.u32 s10, v5  }
0xf1: {  	v39 =	vor.u32 s8, v6;
	v9 =	vmul.f32 $8.000000000e+00, v9;
	_ =	sdelay $0x1  }
0xf2: {  	v9 =	vadd.f32 v37, v9;
	_ =	sdelay $0x1  }
0xf3: {  	[tilespmem:v38+s24+$0x0] =	vst.idx.msk $0xffff, v9  }
0xf4: {  	v9 =	vld.idx.msk [tilespmem:v39+s18+$0x0], $0xffff;
	_ =	sdelay $0x1  }
0xf5: {  	v40 =	vld [tilespmem:s9+$0xFFFFFE30];
	_ =	sdelay $0x1  }
0xf6: {  	v41 =	vor.u32 s10, v7  }
0xf7: {  	v9 =	vmul.f32 $8.000000000e+00, v9;
	_ =	sdelay $0x1  }
0xf8: {  	s8 =	spop (v2sf);
	v9 =	vadd.f32 v40, v9  }
0xf9: {  	s11 =	sand.u32 $0xFFFFF80, s8  }
0xfa: {  	s10 =	sadd.s32 s0, s11;
	[tilespmem:v41+s24+$0x0] =	vst.idx.msk $0xffff, v9  }
0xfb: {  	[tilespmem:s18], [sflag:$0x5] =	stream.strided.gather [hbm4b:s10+s12], $0x2000, s13, s12, $0x38;
	[tilespmem:$0x18100] =	vst v63  }
0xfc: {  	_ =	swait.ge [sflag:s30], $0x2000  }
0xfd: {  	(v2sf) =	vpush v8, $0x5;
	_ =	sdelay $0xe  }
0xfe: {  	s22 =	spop (v2sf)  }
0xff: {  	s10 =	sand.u32 $0x7F, s22  }
0x100: {  	v42 =	vor.u32 s10, v0;
	_ =	sdelay $0x2  }
0x101: {  	[sflag:s30] =	ssyncset.done $0x0  }
0x102: {  	[sflag:s30] =	ssyncadd.s32 $0xFFFFE000  }
0x103: {  	v9 =	vld.idx.msk [tilespmem:v42+s19+$0x0], $0xffff;
	_ =	sdelay $0x1  }
0x104: {  	v43 =	vld [tilespmem:s9+$0xFFFFFE80]  }
0x105: {  	s11 =	sadd.s32 $0xFFFFFFF6, s1  }
0x106: {  	v44 =	vor.u32 s11, v1  }
0x107: {  	v45 =	vor.u32 s10, v2;
	v9 =	vmul.f32 $8.000000000e+00, v9;
	_ =	sdelay $0x1  }
0x108: {  	v9 =	vadd.f32 v43, v9;
	_ =	sdelay $0x1  }
0x109: {  	[tilespmem:v44+s24+$0x0] =	vst.idx.msk $0xffff, v9  }
0x10a: {  	v9 =	vld.idx.msk [tilespmem:v45+s19+$0x0], $0xffff;
	_ =	sdelay $0x1  }
0x10b: {  	v46 =	vld [tilespmem:s9+$0xFFFFFE90];
	_ =	sdelay $0x1  }
0x10c: {  	v47 =	vor.u32 s11, v3  }
0x10d: {  	v48 =	vor.u32 s10, v4;
	v9 =	vmul.f32 $8.000000000e+00, v9;
	_ =	sdelay $0x1  }
0x10e: {  	v9 =	vadd.f32 v46, v9;
	_ =	sdelay $0x1  }
0x10f: {  	[tilespmem:v47+s24+$0x0] =	vst.idx.msk $0xffff, v9  }
0x110: {  	v9 =	vld.idx.msk [tilespmem:v48+s19+$0x0], $0xffff;
	_ =	sdelay $0x1  }
0x111: {  	(v2sf) =	vpush v8, $0xD;
	v49 =	vld [tilespmem:s9+$0xFFFFFEA0];
	_ =	sdelay $0x1  }
0x112: {  	v50 =	vor.u32 s11, v5  }
0x113: {  	v51 =	vor.u32 s10, v6;
	v9 =	vmul.f32 $8.000000000e+00, v9;
	_ =	sdelay $0x1  }
0x114: {  	v9 =	vadd.f32 v49, v9;
	_ =	sdelay $0x1  }
0x115: {  	[tilespmem:v50+s24+$0x0] =	vst.idx.msk $0xffff, v9  }
0x116: {  	v9 =	vld.idx.msk [tilespmem:v51+s19+$0x0], $0xffff;
	_ =	sdelay $0x1  }
0x117: {  	v52 =	vld [tilespmem:s9+$0xFFFFFEB0];
	_ =	sdelay $0x1  }
0x118: {  	v53 =	vor.u32 s11, v7  }
0x119: {  	v9 =	vmul.f32 $8.000000000e+00, v9;
	_ =	sdelay $0x1  }
0x11a: {  	s10 =	spop (v2sf);
	v9 =	vadd.f32 v52, v9  }
0x11b: {  	s23 =	sand.u32 $0xFFFFF80, s10  }
0x11c: {  	s11 =	sadd.s32 s0, s23;
	[tilespmem:v53+s24+$0x0] =	vst.idx.msk $0xffff, v9  }
0x11d: {  	[tilespmem:s19], [sflag:$0x6] =	stream.strided.gather [hbm4b:s11+s12], $0x2000, s13, s12, $0x38;
	[tilespmem:$0x18100] =	vst v63  }
0x11e: {  	_ =	swait.ge [sflag:s31], $0x2000  }
0x11f: {  	(v2sf) =	vpush v8, $0x6;
	_ =	sdelay $0xe  }
0x120: {  	s22 =	spop (v2sf)  }
0x121: {  	s11 =	sand.u32 $0x7F, s22  }
0x122: {  	v54 =	vor.u32 s11, v0;
	_ =	sdelay $0x2  }
0x123: {  	[sflag:s31] =	ssyncset.done $0x0  }
0x124: {  	[sflag:s31] =	ssyncadd.s32 $0xFFFFE000  }
0x125: {  	v9 =	vld.idx.msk [tilespmem:v54+s20+$0x0], $0xffff;
	_ =	sdelay $0x1  }
0x126: {  	v55 =	vld [tilespmem:s9+$0xFFFFFF00]  }
0x127: {  	s22 =	sadd.s32 $0xFFFFFFF7, s1  }
0x128: {  	v56 =	vor.u32 s22, v1  }
0x129: {  	v57 =	vor.u32 s11, v2;
	v9 =	vmul.f32 $8.000000000e+00, v9;
	_ =	sdelay $0x1  }
0x12a: {  	v9 =	vadd.f32 v55, v9;
	_ =	sdelay $0x1  }
0x12b: {  	[tilespmem:v56+s24+$0x0] =	vst.idx.msk $0xffff, v9  }
0x12c: {  	v9 =	vld.idx.msk [tilespmem:v57+s20+$0x0], $0xffff;
	_ =	sdelay $0x1  }
0x12d: {  	v58 =	vld [tilespmem:s9+$0xFFFFFF10];
	_ =	sdelay $0x1  }
0x12e: {  	v59 =	vor.u32 s22, v3  }
0x12f: {  	v60 =	vor.u32 s11, v4;
	v9 =	vmul.f32 $8.000000000e+00, v9;
	_ =	sdelay $0x1  }
0x130: {  	v9 =	vadd.f32 v58, v9;
	_ =	sdelay $0x1  }
0x131: {  	[tilespmem:v59+s24+$0x0] =	vst.idx.msk $0xffff, v9  }
0x132: {  	v9 =	vld.idx.msk [tilespmem:v60+s20+$0x0], $0xffff;
	_ =	sdelay $0x1  }
0x133: {  	(v2sf) =	vpush v8, $0xE;
	v61 =	vld [tilespmem:s9+$0xFFFFFF20];
	_ =	sdelay $0x1  }
0x134: {  	v62 =	vor.u32 s22, v5  }
0x135: {  	v63 =	vor.u32 s11, v6;
	v9 =	vmul.f32 $8.000000000e+00, v9;
	_ =	sdelay $0x1  }
0x136: {  	v9 =	vadd.f32 v61, v9;
	_ =	sdelay $0x1  }
0x137: {  	[tilespmem:v62+s24+$0x0] =	vst.idx.msk $0xffff, v9  }
0x138: {  	v9 =	vld.idx.msk [tilespmem:v63+s20+$0x0], $0xffff;
	_ =	sdelay $0x1  }
0x139: {  	v16 =	vld [tilespmem:s9+$0xFFFFFF30];
	_ =	sdelay $0x1  }
0x13a: {  	v17 =	vor.u32 s22, v7  }
0x13b: {  	v9 =	vmul.f32 $8.000000000e+00, v9;
	_ =	sdelay $0x1  }
0x13c: {  	s11 =	spop (v2sf);
	v9 =	vadd.f32 v16, v9  }
0x13d: {  	s23 =	sand.u32 $0xFFFFF80, s11  }
0x13e: {  	s22 =	sadd.s32 s0, s23;
	[tilespmem:v17+s24+$0x0] =	vst.idx.msk $0xffff, v9  }
0x13f: {  	[tilespmem:s20], [sflag:$0x7] =	stream.strided.gather [hbm4b:s22+s12], $0x2000, s13, s12, $0x38;
	[tilespmem:$0x18100] =	vst v63  }
0x140: {  	_ =	swait.ge [sflag:s2], $0x2000  }
0x141: {  	(v2sf) =	vpush v8, $0x7;
	_ =	sdelay $0xe  }
0x142: {  	s23 =	spop (v2sf)  }
0x143: {  	s22 =	sand.u32 $0x7F, s23  }
0x144: {  	v18 =	vor.u32 s22, v0;
	_ =	sdelay $0x2  }
0x145: {  	[sflag:s2] =	ssyncset.done $0x0  }
0x146: {  	[sflag:s2] =	ssyncadd.s32 $0xFFFFE000  }
0x147: {  	v9 =	vld.idx.msk [tilespmem:v18+s21+$0x0], $0xffff;
	_ =	sdelay $0x1  }
0x148: {  	v19 =	vld [tilespmem:s9+$0xFFFFFF80]  }
0x149: {  	s23 =	sadd.s32 $0xFFFFFFF8, s1  }
0x14a: {  	v20 =	vor.u32 s23, v1  }
0x14b: {  	v21 =	vor.u32 s22, v2;
	v9 =	vmul.f32 $8.000000000e+00, v9;
	_ =	sdelay $0x1  }
0x14c: {  	v9 =	vadd.f32 v19, v9;
	_ =	sdelay $0x1  }
0x14d: {  	[tilespmem:v20+s24+$0x0] =	vst.idx.msk $0xffff, v9  }
0x14e: {  	v9 =	vld.idx.msk [tilespmem:v21+s21+$0x0], $0xffff;
	_ =	sdelay $0x1  }
0x14f: {  	v22 =	vld [tilespmem:s9+$0xFFFFFF90];
	_ =	sdelay $0x1  }
0x150: {  	v23 =	vor.u32 s23, v3  }
0x151: {  	v24 =	vor.u32 s22, v4;
	v9 =	vmul.f32 $8.000000000e+00, v9;
	_ =	sdelay $0x1  }
0x152: {  	v9 =	vadd.f32 v22, v9;
	_ =	sdelay $0x1  }
0x153: {  	[tilespmem:v23+s24+$0x0] =	vst.idx.msk $0xffff, v9  }
0x154: {  	v9 =	vld.idx.msk [tilespmem:v24+s21+$0x0], $0xffff;
	_ =	sdelay $0x1  }
0x155: {  	(v2sf) =	vpush v8, $0xF;
	v25 =	vld [tilespmem:s9+$0xFFFFFFA0];
	_ =	sdelay $0x1  }
0x156: {  	v8 =	vor.u32 s23, v5  }
0x157: {  	v26 =	vor.u32 s22, v6;
	v9 =	vmul.f32 $8.000000000e+00, v9;
	_ =	sdelay $0x1  }
0x158: {  	v9 =	vadd.f32 v25, v9;
	_ =	sdelay $0x1  }
0x159: {  	[tilespmem:v8+s24+$0x0] =	vst.idx.msk $0xffff, v9  }
0x15a: {  	v8 =	vld.idx.msk [tilespmem:v26+s21+$0x0], $0xffff;
	_ =	sdelay $0x1  }
0x15b: {  	v9 =	vld [tilespmem:s9+$0xFFFFFFB0];
	_ =	sdelay $0x1  }
0x15c: {  	v27 =	vor.u32 s23, v7  }
0x15d: {  	v8 =	vmul.f32 $8.000000000e+00, v8;
	_ =	sdelay $0x1  }
0x15e: {  	s22 =	spop (v2sf);
	v8 =	vadd.f32 v9, v8  }
0x15f: {  	s3 =	sand.u32 $0x7F, s3;
	s23 =	sand.u32 $0xFFFFF80, s22  }
0x160: {  	s25 =	simm.s32 $0x1;
	s23 =	sadd.s32 s0, s23;
	[tilespmem:v27+s24+$0x0] =	vst.idx.msk $0xffff, v8;
	v8 =	vor.u32 s3, v0  }
0x161: {  	[tilespmem:s21], [sflag:$0x8] =	stream.strided.gather [hbm4b:s23+s12], $0x2000, s13, s12, $0x38;
	[tilespmem:$0x18100] =	vst v63  }
0x162: {  	_ =	swait.ge [sflag:s25], $0x2000  }
0x163: {  	[sflag:s25] =	ssyncset.done $0x0  }
0x164: {  	[sflag:s25] =	ssyncadd.s32 $0xFFFFE000  }
0x165: {  	v8 =	vld.idx.msk [tilespmem:v8+s14+$0x0], $0xffff;
	_ =	sdelay $0x1  }
0x166: {  	v28 =	vld [tilespmem:s9+$0x0]  }
0x167: {  	s25 =	sadd.s32 $0xFFFFFFF9, s1  }
0x168: {  	v29 =	vor.u32 s25, v1  }
0x169: {  	v30 =	vor.u32 s3, v2;
	v8 =	vmul.f32 $8.000000000e+00, v8;
	_ =	sdelay $0x1  }
0x16a: {  	v8 =	vadd.f32 v28, v8;
	_ =	sdelay $0x1  }
0x16b: {  	[tilespmem:v29+s24+$0x0] =	vst.idx.msk $0xffff, v8  }
0x16c: {  	v8 =	vld.idx.msk [tilespmem:v30+s14+$0x0], $0xffff;
	_ =	sdelay $0x1  }
0x16d: {  	v31 =	vld [tilespmem:s9+$0x10];
	_ =	sdelay $0x1  }
0x16e: {  	v32 =	vor.u32 s25, v3  }
0x16f: {  	v33 =	vor.u32 s3, v4;
	v8 =	vmul.f32 $8.000000000e+00, v8;
	_ =	sdelay $0x1  }
0x170: {  	v8 =	vadd.f32 v31, v8;
	_ =	sdelay $0x1  }
0x171: {  	[tilespmem:v32+s24+$0x0] =	vst.idx.msk $0xffff, v8  }
0x172: {  	v8 =	vld.idx.msk [tilespmem:v33+s14+$0x0], $0xffff;
	_ =	sdelay $0x1  }
0x173: {  	v34 =	vld [tilespmem:s9+$0x20];
	_ =	sdelay $0x1  }
0x174: {  	v35 =	vor.u32 s25, v5  }
0x175: {  	v36 =	vor.u32 s3, v6;
	v8 =	vmul.f32 $8.000000000e+00, v8;
	_ =	sdelay $0x1  }
0x176: {  	v8 =	vadd.f32 v34, v8;
	_ =	sdelay $0x1  }
0x177: {  	[tilespmem:v35+s24+$0x0] =	vst.idx.msk $0xffff, v8  }
0x178: {  	v8 =	vld.idx.msk [tilespmem:v36+s14+$0x0], $0xffff;
	_ =	sdelay $0x1  }
0x179: {  	v37 =	vld [tilespmem:s9+$0x30];
	_ =	sdelay $0x1  }
0x17a: {  	v38 =	vor.u32 s25, v7  }
0x17b: {  	v8 =	vmul.f32 $8.000000000e+00, v8;
	_ =	sdelay $0x1  }
0x17c: {  	v8 =	vadd.f32 v37, v8;
	_ =	sdelay $0x1  }
0x17d: {  	[tilespmem:v38+s24+$0x0] =	vst.idx.msk $0xffff, v8  }
0x17e: {  	v8 =	vld [tilespmem:s4+$0x0];
	_ =	sdelay $0x4  }
0x17f: {  	(v2sf) =	vpush v8, $0x0;
	_ =	sdelay $0xe  }
0x180: {  	s25 =	spop (v2sf)  }
0x181: {  	s5 =	sand.u32 $0x7F, s5;
	s3 =	sand.u32 $0xFFFFF80, s25  }
0x182: {  	v8 =	vor.u32 s5, v0;
	s3 =	sadd.s32 s0, s3  }
0x183: {  	[tilespmem:s14], [sflag:$0x1] =	stream.strided.gather [hbm4b:s3+s12], $0x2000, s13, s12, $0x38;
	[tilespmem:$0x18100] =	vst v63  }
0x184: {  	_ =	swait.ge [sflag:s26], $0x2000  }
0x185: {  	[sflag:s26] =	ssyncset.done $0x0  }
0x186: {  	[sflag:s26] =	ssyncadd.s32 $0xFFFFE000  }
0x187: {  	v8 =	vld.idx.msk [tilespmem:v8+s15+$0x0], $0xffff;
	_ =	sdelay $0x1  }
0x188: {  	v39 =	vld [tilespmem:s9+$0x80]  }
0x189: {  	s25 =	sadd.s32 $0xFFFFFFFA, s1  }
0x18a: {  	v40 =	vor.u32 s25, v1  }
0x18b: {  	v41 =	vor.u32 s5, v2;
	v8 =	vmul.f32 $8.000000000e+00, v8;
	_ =	sdelay $0x1  }
0x18c: {  	v8 =	vadd.f32 v39, v8;
	_ =	sdelay $0x1  }
0x18d: {  	[tilespmem:v40+s24+$0x0] =	vst.idx.msk $0xffff, v8  }
0x18e: {  	v8 =	vld.idx.msk [tilespmem:v41+s15+$0x0], $0xffff;
	_ =	sdelay $0x1  }
0x18f: {  	v42 =	vld [tilespmem:s9+$0x90];
	_ =	sdelay $0x1  }
0x190: {  	v43 =	vor.u32 s25, v3  }
0x191: {  	v44 =	vor.u32 s5, v4;
	v8 =	vmul.f32 $8.000000000e+00, v8;
	_ =	sdelay $0x1  }
0x192: {  	v8 =	vadd.f32 v42, v8;
	_ =	sdelay $0x1  }
0x193: {  	[tilespmem:v43+s24+$0x0] =	vst.idx.msk $0xffff, v8  }
0x194: {  	v8 =	vld.idx.msk [tilespmem:v44+s15+$0x0], $0xffff;
	_ =	sdelay $0x1  }
0x195: {  	v45 =	vld [tilespmem:s9+$0xA0];
	_ =	sdelay $0x1  }
0x196: {  	v46 =	vor.u32 s25, v5  }
0x197: {  	v47 =	vor.u32 s5, v6;
	v8 =	vmul.f32 $8.000000000e+00, v8;
	_ =	sdelay $0x1  }
0x198: {  	v8 =	vadd.f32 v45, v8;
	_ =	sdelay $0x1  }
0x199: {  	[tilespmem:v46+s24+$0x0] =	vst.idx.msk $0xffff, v8  }
0x19a: {  	v8 =	vld.idx.msk [tilespmem:v47+s15+$0x0], $0xffff;
	_ =	sdelay $0x1  }
0x19b: {  	v48 =	vld [tilespmem:s9+$0xB0];
	_ =	sdelay $0x1  }
0x19c: {  	v49 =	vor.u32 s25, v7  }
0x19d: {  	v8 =	vmul.f32 $8.000000000e+00, v8;
	_ =	sdelay $0x1  }
0x19e: {  	v8 =	vadd.f32 v48, v8;
	_ =	sdelay $0x1  }
0x19f: {  	[tilespmem:v49+s24+$0x0] =	vst.idx.msk $0xffff, v8  }
0x1a0: {  	v8 =	vld [tilespmem:s4+$0x0];
	_ =	sdelay $0x4  }
0x1a1: {  	(v2sf) =	vpush v8, $0x1;
	_ =	sdelay $0xe  }
0x1a2: {  	s5 =	spop (v2sf)  }
0x1a3: {  	s6 =	sand.u32 $0x7F, s6;
	s3 =	sand.u32 $0xFFFFF80, s5  }
0x1a4: {  	s23 =	simm.s32 $0x3;
	v8 =	vor.u32 s6, v0;
	s3 =	sadd.s32 s0, s3  }
0x1a5: {  	[tilespmem:s15], [sflag:$0x2] =	stream.strided.gather [hbm4b:s3+s12], $0x2000, s13, s12, $0x38;
	[tilespmem:$0x18100] =	vst v63  }
0x1a6: {  	_ =	swait.ge [sflag:s23], $0x2000  }
0x1a7: {  	[sflag:s23] =	ssyncset.done $0x0  }
0x1a8: {  	[sflag:s23] =	ssyncadd.s32 $0xFFFFE000  }
0x1a9: {  	v8 =	vld.idx.msk [tilespmem:v8+s16+$0x0], $0xffff;
	_ =	sdelay $0x1  }
0x1aa: {  	v50 =	vld [tilespmem:s9+$0x100]  }
0x1ab: {  	s25 =	sadd.s32 $0xFFFFFFFB, s1  }
0x1ac: {  	v51 =	vor.u32 s25, v1  }
0x1ad: {  	v52 =	vor.u32 s6, v2;
	v8 =	vmul.f32 $8.000000000e+00, v8;
	_ =	sdelay $0x1  }
0x1ae: {  	v8 =	vadd.f32 v50, v8;
	_ =	sdelay $0x1  }
0x1af: {  	[tilespmem:v51+s24+$0x0] =	vst.idx.msk $0xffff, v8  }
0x1b0: {  	v8 =	vld.idx.msk [tilespmem:v52+s16+$0x0], $0xffff;
	_ =	sdelay $0x1  }
0x1b1: {  	v53 =	vld [tilespmem:s9+$0x110];
	_ =	sdelay $0x1  }
0x1b2: {  	v54 =	vor.u32 s25, v3  }
0x1b3: {  	v55 =	vor.u32 s6, v4;
	v8 =	vmul.f32 $8.000000000e+00, v8;
	_ =	sdelay $0x1  }
0x1b4: {  	v8 =	vadd.f32 v53, v8;
	_ =	sdelay $0x1  }
0x1b5: {  	[tilespmem:v54+s24+$0x0] =	vst.idx.msk $0xffff, v8  }
0x1b6: {  	v8 =	vld.idx.msk [tilespmem:v55+s16+$0x0], $0xffff;
	_ =	sdelay $0x1  }
0x1b7: {  	v56 =	vld [tilespmem:s9+$0x120];
	_ =	sdelay $0x1  }
0x1b8: {  	v57 =	vor.u32 s25, v5  }
0x1b9: {  	v58 =	vor.u32 s6, v6;
	v8 =	vmul.f32 $8.000000000e+00, v8;
	_ =	sdelay $0x1  }
0x1ba: {  	v8 =	vadd.f32 v56, v8;
	_ =	sdelay $0x1  }
0x1bb: {  	[tilespmem:v57+s24+$0x0] =	vst.idx.msk $0xffff, v8  }
0x1bc: {  	v8 =	vld.idx.msk [tilespmem:v58+s16+$0x0], $0xffff;
	_ =	sdelay $0x1  }
0x1bd: {  	v59 =	vld [tilespmem:s9+$0x130];
	_ =	sdelay $0x1  }
0x1be: {  	v60 =	vor.u32 s25, v7  }
0x1bf: {  	v8 =	vmul.f32 $8.000000000e+00, v8;
	_ =	sdelay $0x1  }
0x1c0: {  	v8 =	vadd.f32 v59, v8;
	_ =	sdelay $0x1  }
0x1c1: {  	[tilespmem:v60+s24+$0x0] =	vst.idx.msk $0xffff, v8  }
0x1c2: {  	v8 =	vld [tilespmem:s4+$0x0];
	_ =	sdelay $0x4  }
0x1c3: {  	(v2sf) =	vpush v8, $0x2;
	_ =	sdelay $0xe  }
0x1c4: {  	s6 =	spop (v2sf)  }
0x1c5: {  	s7 =	sand.u32 $0x7F, s7;
	s3 =	sand.u32 $0xFFFFF80, s6  }
0x1c6: {  	v8 =	vor.u32 s7, v0;
	s3 =	sadd.s32 s0, s3  }
0x1c7: {  	[tilespmem:s16], [sflag:$0x3] =	stream.strided.gather [hbm4b:s3+s12], $0x2000, s13, s12, $0x38;
	[tilespmem:$0x18100] =	vst v63  }
0x1c8: {  	_ =	swait.ge [sflag:s28], $0x2000  }
0x1c9: {  	[sflag:s28] =	ssyncset.done $0x0  }
0x1ca: {  	[sflag:s28] =	ssyncadd.s32 $0xFFFFE000  }
0x1cb: {  	v8 =	vld.idx.msk [tilespmem:v8+s17+$0x0], $0xffff;
	_ =	sdelay $0x1  }
0x1cc: {  	v61 =	vld [tilespmem:s9+$0x180]  }
0x1cd: {  	s25 =	sadd.s32 $0xFFFFFFFC, s1  }
0x1ce: {  	v62 =	vor.u32 s25, v1  }
0x1cf: {  	v63 =	vor.u32 s7, v2;
	v8 =	vmul.f32 $8.000000000e+00, v8;
	_ =	sdelay $0x1  }
0x1d0: {  	v8 =	vadd.f32 v61, v8;
	_ =	sdelay $0x1  }
0x1d1: {  	[tilespmem:v62+s24+$0x0] =	vst.idx.msk $0xffff, v8  }
0x1d2: {  	v8 =	vld.idx.msk [tilespmem:v63+s17+$0x0], $0xffff;
	_ =	sdelay $0x1  }
0x1d3: {  	v12 =	vld [tilespmem:s9+$0x190];
	_ =	sdelay $0x1  }
0x1d4: {  	v13 =	vor.u32 s25, v3  }
0x1d5: {  	v14 =	vor.u32 s7, v4;
	v8 =	vmul.f32 $8.000000000e+00, v8;
	_ =	sdelay $0x1  }
0x1d6: {  	v8 =	vadd.f32 v12, v8;
	_ =	sdelay $0x1  }
0x1d7: {  	[tilespmem:v13+s24+$0x0] =	vst.idx.msk $0xffff, v8  }
0x1d8: {  	v8 =	vld.idx.msk [tilespmem:v14+s17+$0x0], $0xffff;
	_ =	sdelay $0x1  }
0x1d9: {  	v15 =	vld [tilespmem:s9+$0x1A0];
	_ =	sdelay $0x1  }
0x1da: {  	v16 =	vor.u32 s25, v5  }
0x1db: {  	v17 =	vor.u32 s7, v6;
	v8 =	vmul.f32 $8.000000000e+00, v8;
	_ =	sdelay $0x1  }
0x1dc: {  	v8 =	vadd.f32 v15, v8;
	_ =	sdelay $0x1  }
0x1dd: {  	[tilespmem:v16+s24+$0x0] =	vst.idx.msk $0xffff, v8  }
0x1de: {  	v8 =	vld.idx.msk [tilespmem:v17+s17+$0x0], $0xffff;
	_ =	sdelay $0x1  }
0x1df: {  	v18 =	vld [tilespmem:s9+$0x1B0];
	_ =	sdelay $0x1  }
0x1e0: {  	v19 =	vor.u32 s25, v7  }
0x1e1: {  	v8 =	vmul.f32 $8.000000000e+00, v8;
	_ =	sdelay $0x1  }
0x1e2: {  	v8 =	vadd.f32 v18, v8;
	_ =	sdelay $0x1  }
0x1e3: {  	[tilespmem:v19+s24+$0x0] =	vst.idx.msk $0xffff, v8  }
0x1e4: {  	v8 =	vld [tilespmem:s4+$0x0];
	_ =	sdelay $0x4  }
0x1e5: {  	(v2sf) =	vpush v8, $0x3;
	_ =	sdelay $0xe  }
0x1e6: {  	s5 =	spop (v2sf)  }
0x1e7: {  	s6 =	sand.u32 $0x7F, s8;
	s3 =	sand.u32 $0xFFFFF80, s5  }
0x1e8: {  	v8 =	vor.u32 s6, v0;
	s3 =	sadd.s32 s0, s3  }
0x1e9: {  	[tilespmem:s17], [sflag:$0x4] =	stream.strided.gather [hbm4b:s3+s12], $0x2000, s13, s12, $0x38;
	[tilespmem:$0x18100] =	vst v63  }
0x1ea: {  	_ =	swait.ge [sflag:s29], $0x2000  }
0x1eb: {  	[sflag:s29] =	ssyncset.done $0x0  }
0x1ec: {  	[sflag:s29] =	ssyncadd.s32 $0xFFFFE000  }
0x1ed: {  	v8 =	vld.idx.msk [tilespmem:v8+s18+$0x0], $0xffff;
	_ =	sdelay $0x1  }
0x1ee: {  	v20 =	vld [tilespmem:s9+$0x200]  }
0x1ef: {  	s7 =	sadd.s32 $0xFFFFFFFD, s1  }
0x1f0: {  	v21 =	vor.u32 s7, v1  }
0x1f1: {  	v22 =	vor.u32 s6, v2;
	v8 =	vmul.f32 $8.000000000e+00, v8;
	_ =	sdelay $0x1  }
0x1f2: {  	v8 =	vadd.f32 v20, v8;
	_ =	sdelay $0x1  }
0x1f3: {  	[tilespmem:v21+s24+$0x0] =	vst.idx.msk $0xffff, v8  }
0x1f4: {  	v8 =	vld.idx.msk [tilespmem:v22+s18+$0x0], $0xffff;
	_ =	sdelay $0x1  }
0x1f5: {  	v23 =	vld [tilespmem:s9+$0x210];
	_ =	sdelay $0x1  }
0x1f6: {  	v24 =	vor.u32 s7, v3  }
0x1f7: {  	v25 =	vor.u32 s6, v4;
	v8 =	vmul.f32 $8.000000000e+00, v8;
	_ =	sdelay $0x1  }
0x1f8: {  	v8 =	vadd.f32 v23, v8;
	_ =	sdelay $0x1  }
0x1f9: {  	[tilespmem:v24+s24+$0x0] =	vst.idx.msk $0xffff, v8  }
0x1fa: {  	v8 =	vld.idx.msk [tilespmem:v25+s18+$0x0], $0xffff;
	_ =	sdelay $0x1  }
0x1fb: {  	v26 =	vld [tilespmem:s9+$0x220];
	_ =	sdelay $0x1  }
0x1fc: {  	v27 =	vor.u32 s7, v5  }
0x1fd: {  	v28 =	vor.u32 s6, v6;
	v8 =	vmul.f32 $8.000000000e+00, v8;
	_ =	sdelay $0x1  }
0x1fe: {  	v8 =	vadd.f32 v26, v8;
	_ =	sdelay $0x1  }
0x1ff: {  	[tilespmem:v27+s24+$0x0] =	vst.idx.msk $0xffff, v8  }
0x200: {  	v8 =	vld.idx.msk [tilespmem:v28+s18+$0x0], $0xffff;
	_ =	sdelay $0x1  }
0x201: {  	v29 =	vld [tilespmem:s9+$0x230];
	_ =	sdelay $0x1  }
0x202: {  	v30 =	vor.u32 s7, v7  }
0x203: {  	v8 =	vmul.f32 $8.000000000e+00, v8;
	_ =	sdelay $0x1  }
0x204: {  	v8 =	vadd.f32 v29, v8;
	_ =	sdelay $0x1  }
0x205: {  	[tilespmem:v30+s24+$0x0] =	vst.idx.msk $0xffff, v8  }
0x206: {  	v8 =	vld [tilespmem:s4+$0x0];
	_ =	sdelay $0x4  }
0x207: {  	(v2sf) =	vpush v8, $0x4;
	_ =	sdelay $0xe  }
0x208: {  	s8 =	spop (v2sf)  }
0x209: {  	s25 =	sand.u32 $0x7F, s10;
	s3 =	sand.u32 $0xFFFFF80, s8  }
0x20a: {  	v8 =	vor.u32 s25, v0;
	s3 =	sadd.s32 s0, s3  }
0x20b: {  	[tilespmem:s18], [sflag:$0x5] =	stream.strided.gather [hbm4b:s3+s12], $0x2000, s13, s12, $0x38;
	[tilespmem:$0x18100] =	vst v63  }
0x20c: {  	_ =	swait.ge [sflag:s30], $0x2000  }
0x20d: {  	[sflag:s30] =	ssyncset.done $0x0  }
0x20e: {  	[sflag:s30] =	ssyncadd.s32 $0xFFFFE000  }
0x20f: {  	v8 =	vld.idx.msk [tilespmem:v8+s19+$0x0], $0xffff;
	_ =	sdelay $0x1  }
0x210: {  	v31 =	vld [tilespmem:s9+$0x280]  }
0x211: {  	s6 =	sadd.s32 $0xFFFFFFFE, s1  }
0x212: {  	v32 =	vor.u32 s6, v1  }
0x213: {  	v33 =	vor.u32 s25, v2;
	v8 =	vmul.f32 $8.000000000e+00, v8;
	_ =	sdelay $0x1  }
0x214: {  	v8 =	vadd.f32 v31, v8;
	_ =	sdelay $0x1  }
0x215: {  	[tilespmem:v32+s24+$0x0] =	vst.idx.msk $0xffff, v8  }
0x216: {  	v8 =	vld.idx.msk [tilespmem:v33+s19+$0x0], $0xffff;
	_ =	sdelay $0x1  }
0x217: {  	v34 =	vld [tilespmem:s9+$0x290];
	_ =	sdelay $0x1  }
0x218: {  	v35 =	vor.u32 s6, v3  }
0x219: {  	v36 =	vor.u32 s25, v4;
	v8 =	vmul.f32 $8.000000000e+00, v8;
	_ =	sdelay $0x1  }
0x21a: {  	v8 =	vadd.f32 v34, v8;
	_ =	sdelay $0x1  }
0x21b: {  	[tilespmem:v35+s24+$0x0] =	vst.idx.msk $0xffff, v8  }
0x21c: {  	v8 =	vld.idx.msk [tilespmem:v36+s19+$0x0], $0xffff;
	_ =	sdelay $0x1  }
0x21d: {  	v37 =	vld [tilespmem:s9+$0x2A0];
	_ =	sdelay $0x1  }
0x21e: {  	v38 =	vor.u32 s6, v5  }
0x21f: {  	v39 =	vor.u32 s25, v6;
	v8 =	vmul.f32 $8.000000000e+00, v8;
	_ =	sdelay $0x1  }
0x220: {  	v8 =	vadd.f32 v37, v8;
	_ =	sdelay $0x1  }
0x221: {  	[tilespmem:v38+s24+$0x0] =	vst.idx.msk $0xffff, v8  }
0x222: {  	v8 =	vld.idx.msk [tilespmem:v39+s19+$0x0], $0xffff;
	_ =	sdelay $0x1  }
0x223: {  	v40 =	vld [tilespmem:s9+$0x2B0];
	_ =	sdelay $0x1  }
0x224: {  	v41 =	vor.u32 s6, v7  }
0x225: {  	v8 =	vmul.f32 $8.000000000e+00, v8;
	_ =	sdelay $0x1  }
0x226: {  	v8 =	vadd.f32 v40, v8;
	_ =	sdelay $0x1  }
0x227: {  	[tilespmem:v41+s24+$0x0] =	vst.idx.msk $0xffff, v8  }
0x228: {  	v8 =	vld [tilespmem:s4+$0x0];
	_ =	sdelay $0x4  }
0x229: {  	(v2sf) =	vpush v8, $0x5;
	_ =	sdelay $0xe  }
0x22a: {  	s7 =	spop (v2sf)  }
0x22b: {  	s8 =	sand.u32 $0x7F, s11;
	s3 =	sand.u32 $0xFFFFF80, s7  }
0x22c: {  	v8 =	vor.u32 s8, v0;
	s3 =	sadd.s32 s0, s3  }
0x22d: {  	[tilespmem:s19], [sflag:$0x6] =	stream.strided.gather [hbm4b:s3+s12], $0x2000, s13, s12, $0x38;
	[tilespmem:$0x18100] =	vst v63  }
0x22e: {  	_ =	swait.ge [sflag:s31], $0x2000  }
0x22f: {  	[sflag:s31] =	ssyncset.done $0x0  }
0x230: {  	[sflag:s31] =	ssyncadd.s32 $0xFFFFE000  }
0x231: {  	v8 =	vld.idx.msk [tilespmem:v8+s20+$0x0], $0xffff;
	_ =	sdelay $0x1  }
0x232: {  	v42 =	vld [tilespmem:s9+$0x300]  }
0x233: {  	s10 =	sadd.s32 $0xFFFFFFFF, s1  }
0x234: {  	v43 =	vor.u32 s10, v1  }
0x235: {  	v44 =	vor.u32 s8, v2;
	v8 =	vmul.f32 $8.000000000e+00, v8;
	_ =	sdelay $0x1  }
0x236: {  	v8 =	vadd.f32 v42, v8;
	_ =	sdelay $0x1  }
0x237: {  	[tilespmem:v43+s24+$0x0] =	vst.idx.msk $0xffff, v8  }
0x238: {  	v8 =	vld.idx.msk [tilespmem:v44+s20+$0x0], $0xffff;
	_ =	sdelay $0x1  }
0x239: {  	v45 =	vld [tilespmem:s9+$0x310];
	_ =	sdelay $0x1  }
0x23a: {  	v46 =	vor.u32 s10, v3  }
0x23b: {  	v47 =	vor.u32 s8, v4;
	v8 =	vmul.f32 $8.000000000e+00, v8;
	_ =	sdelay $0x1  }
0x23c: {  	v8 =	vadd.f32 v45, v8;
	_ =	sdelay $0x1  }
0x23d: {  	[tilespmem:v46+s24+$0x0] =	vst.idx.msk $0xffff, v8  }
0x23e: {  	v8 =	vld.idx.msk [tilespmem:v47+s20+$0x0], $0xffff;
	_ =	sdelay $0x1  }
0x23f: {  	v48 =	vld [tilespmem:s9+$0x320];
	_ =	sdelay $0x1  }
0x240: {  	v49 =	vor.u32 s10, v5  }
0x241: {  	v50 =	vor.u32 s8, v6;
	v8 =	vmul.f32 $8.000000000e+00, v8;
	_ =	sdelay $0x1  }
0x242: {  	v8 =	vadd.f32 v48, v8;
	_ =	sdelay $0x1  }
0x243: {  	[tilespmem:v49+s24+$0x0] =	vst.idx.msk $0xffff, v8  }
0x244: {  	v8 =	vld.idx.msk [tilespmem:v50+s20+$0x0], $0xffff;
	_ =	sdelay $0x1  }
0x245: {  	v51 =	vld [tilespmem:s9+$0x330];
	_ =	sdelay $0x1  }
0x246: {  	v52 =	vor.u32 s10, v7  }
0x247: {  	v8 =	vmul.f32 $8.000000000e+00, v8;
	_ =	sdelay $0x1  }
0x248: {  	v8 =	vadd.f32 v51, v8;
	_ =	sdelay $0x1  }
0x249: {  	[tilespmem:v52+s24+$0x0] =	vst.idx.msk $0xffff, v8  }
0x24a: {  	v8 =	vld [tilespmem:s4+$0x0];
	_ =	sdelay $0x4  }
0x24b: {  	(v2sf) =	vpush v8, $0x6;
	_ =	sdelay $0xe  }
0x24c: {  	s11 =	spop (v2sf)  }
0x24d: {  	s22 =	sand.u32 $0x7F, s22;
	s3 =	sand.u32 $0xFFFFF80, s11  }
0x24e: {  	v8 =	vor.u32 s22, v0;
	s3 =	sadd.s32 s0, s3  }
0x24f: {  	[tilespmem:s20], [sflag:$0x7] =	stream.strided.gather [hbm4b:s3+s12], $0x2000, s13, s12, $0x38;
	[tilespmem:$0x18100] =	vst v63  }
0x250: {  	_ =	swait.ge [sflag:s2], $0x2000  }
0x251: {  	[sflag:s2] =	ssyncset.done $0x0  }
0x252: {  	[sflag:s2] =	ssyncadd.s32 $0xFFFFE000  }
0x253: {  	v8 =	vld.idx.msk [tilespmem:v8+s21+$0x0], $0xffff;
	_ =	sdelay $0x1  }
0x254: {  	v53 =	vld [tilespmem:s9+$0x380];
	_ =	sdelay $0x1  }
0x255: {  	v54 =	vor.u32 s1, v1  }
0x256: {  	v55 =	vor.u32 s22, v2;
	v8 =	vmul.f32 $8.000000000e+00, v8;
	_ =	sdelay $0x1  }
0x257: {  	v8 =	vadd.f32 v53, v8;
	_ =	sdelay $0x1  }
0x258: {  	[tilespmem:v54+s24+$0x0] =	vst.idx.msk $0xffff, v8  }
0x259: {  	v8 =	vld.idx.msk [tilespmem:v55+s21+$0x0], $0xffff;
	_ =	sdelay $0x1  }
0x25a: {  	v56 =	vld [tilespmem:s9+$0x390];
	_ =	sdelay $0x1  }
0x25b: {  	v57 =	vor.u32 s1, v3  }
0x25c: {  	v58 =	vor.u32 s22, v4;
	v8 =	vmul.f32 $8.000000000e+00, v8;
	_ =	sdelay $0x1  }
0x25d: {  	v8 =	vadd.f32 v56, v8;
	_ =	sdelay $0x1  }
0x25e: {  	[tilespmem:v57+s24+$0x0] =	vst.idx.msk $0xffff, v8  }
0x25f: {  	v8 =	vld.idx.msk [tilespmem:v58+s21+$0x0], $0xffff;
	_ =	sdelay $0x1  }
0x260: {  	v59 =	vld [tilespmem:s9+$0x3A0];
	_ =	sdelay $0x1  }
0x261: {  	v60 =	vor.u32 s1, v5  }
0x262: {  	v61 =	vor.u32 s22, v6;
	v8 =	vmul.f32 $8.000000000e+00, v8;
	_ =	sdelay $0x1  }
0x263: {  	v8 =	vadd.f32 v59, v8;
	_ =	sdelay $0x1  }
0x264: {  	[tilespmem:v60+s24+$0x0] =	vst.idx.msk $0xffff, v8  }
0x265: {  	v8 =	vld.idx.msk [tilespmem:v61+s21+$0x0], $0xffff;
	_ =	sdelay $0x1  }
0x266: {  	v62 =	vld [tilespmem:s9+$0x3B0];
	_ =	sdelay $0x1  }
0x267: {  	v63 =	vor.u32 s1, v7  }
0x268: {  	v8 =	vmul.f32 $8.000000000e+00, v8;
	_ =	sdelay $0x1  }
0x269: {  	v8 =	vadd.f32 v62, v8;
	_ =	sdelay $0x1  }
0x26a: {  	[tilespmem:v63+s24+$0x0] =	vst.idx.msk $0xffff, v8  }
0x26b: {  	v8 =	vld [tilespmem:s4+$0x0];
	_ =	sdelay $0x4  }
0x26c: {  	(v2sf) =	vpush v8, $0x7;
	_ =	sdelay $0xc  }
0x26d: {  	p0 =	sne.s32 s1, $0x7F  }
.Ltmp2:
0x26e: {  	_ = 	snop;
	(pc) =	sbr.rel @p0 .LBB2_2-.Ltmp2, $4  }
0x26f: {  	s25 =	spop (v2sf)  }
0x270: {  	s1 =	sadd.s32 $0x10, s1;
	s5 =	simm.s32 $0x1;
	s3 =	sand.u32 $0xFFFFF80, s25  }
0x271: {  	s9 =	sadd.s32 $0x800, s9;
	s4 =	sadd.s32 $0x10, s4;
	s3 =	sadd.s32 s0, s3  }
0x272: {  	[tilespmem:s21], [sflag:$0x8] =	stream.strided.gather [hbm4b:s3+s12], $0x2000, s13, s12, $0x38;
	[tilespmem:$0x18100] =	vst v63  }
0x273: {  	s1 =	rddreg [dreg:$0x7]  }
0x274: {  	s3 =	simm.s32 $0x4100;
	s4 =	simm.s32 $0x0;
	s26 =	simm.s32 $0x9  }
0x275: {  	[tilespmem:s3], [sflag:$0x9] =	stream.linear.gather [hbm4b:s1+s4], $0x4000, $0x38;
	[tilespmem:$0x18100] =	vst v63  }
0x276: {  	_ =	swait.ge [sflag:s26], $0x4000  }
0x277: {  	s9 =	simm.s32 $0x8F;
	s1 =	simm.s32 $0x4500;
	[sflag:s26] =	ssyncset.done $0x0  }
0x278: {  	s4 =	simm.s32 $0x90;
	[sflag:s26] =	ssyncadd.s32 $0xFFFFC000;
	s26 =	simm.s32 $0x2  }
.LBB2_4:
0x279: {  	v8 =	vld [tilespmem:s4+$0xFFFFFFF0];
	_ =	sdelay $0x3  }
0x27a: {  	_ =	swait.ge [sflag:s5], $0x2000  }
0x27b: {  	(v2sf) =	vpush v8, $0x0;
	_ =	sdelay $0xe  }
0x27c: {  	s3 =	spop (v2sf)  }
0x27d: {  	s3 =	sand.u32 $0x7F, s3  }
0x27e: {  	v9 =	vor.u32 s3, v0;
	_ =	sdelay $0x2  }
0x27f: {  	s25 =	simm.s32 $0x1;
	[sflag:s5] =	ssyncset.done $0x0  }
0x280: {  	s7 =	sadd.s32 $0xFFFFFFF1, s9;
	[sflag:s25] =	ssyncadd.s32 $0xFFFFE000  }
0x281: {  	v10 =	vmov s7;
	v9 =	vld.idx.msk [tilespmem:v9+s14+$0x0], $0xffff  }
0x282: {  	v11 =	vshll.u32 v10, $0x3  }
0x283: {  	v10 =	vand.u32 $0x70, v10;
	v12 =	vld [tilespmem:s1+$0xFFFFFC00];
	v11 =	vand.u32 $0x400, v11  }
0x284: {  	v10 =	vor.u32 v10, v11  }
0x285: {  	v11 =	vor.u32 v1, v10  }
0x286: {  	v13 =	vor.u32 s3, v2;
	v9 =	vmul.f32 $8.000000000e+00, v9;
	_ =	sdelay $0x1  }
0x287: {  	v9 =	vadd.f32 v12, v9;
	_ =	sdelay $0x1  }
0x288: {  	[tilespmem:v11+s24+$0x0] =	vst.idx.msk $0xffff, v9  }
0x289: {  	v9 =	vld.idx.msk [tilespmem:v13+s14+$0x0], $0xffff;
	_ =	sdelay $0x1  }
0x28a: {  	v11 =	vld [tilespmem:s1+$0xFFFFFC10];
	_ =	sdelay $0x1  }
0x28b: {  	v52 =	vor.u32 v3, v10  }
0x28c: {  	v53 =	vor.u32 s3, v4;
	v9 =	vmul.f32 $8.000000000e+00, v9;
	_ =	sdelay $0x1  }
0x28d: {  	v9 =	vadd.f32 v11, v9;
	_ =	sdelay $0x1  }
0x28e: {  	[tilespmem:v52+s24+$0x0] =	vst.idx.msk $0xffff, v9  }
0x28f: {  	v9 =	vld.idx.msk [tilespmem:v53+s14+$0x0], $0xffff;
	_ =	sdelay $0x1  }
0x290: {  	(v2sf) =	vpush v8, $0x8;
	v54 =	vld [tilespmem:s1+$0xFFFFFC20];
	_ =	sdelay $0x1  }
0x291: {  	v55 =	vor.u32 v5, v10  }
0x292: {  	v56 =	vor.u32 s3, v6;
	v9 =	vmul.f32 $8.000000000e+00, v9;
	_ =	sdelay $0x1  }
0x293: {  	v9 =	vadd.f32 v54, v9;
	_ =	sdelay $0x1  }
0x294: {  	[tilespmem:v55+s24+$0x0] =	vst.idx.msk $0xffff, v9  }
0x295: {  	v9 =	vld.idx.msk [tilespmem:v56+s14+$0x0], $0xffff;
	_ =	sdelay $0x1  }
0x296: {  	v57 =	vld [tilespmem:s1+$0xFFFFFC30];
	_ =	sdelay $0x1  }
0x297: {  	v10 =	vor.u32 v7, v10  }
0x298: {  	v9 =	vmul.f32 $8.000000000e+00, v9;
	_ =	sdelay $0x1  }
0x299: {  	s11 =	spop (v2sf);
	v9 =	vadd.f32 v57, v9  }
0x29a: {  	s8 =	sand.u32 $0xFFFFF80, s11  }
0x29b: {  	s3 =	sadd.s32 s0, s8;
	[tilespmem:v10+s24+$0x0] =	vst.idx.msk $0xffff, v9  }
0x29c: {  	[tilespmem:s14], [sflag:$0x1] =	stream.strided.gather [hbm4b:s3+s12], $0x2000, s13, s12, $0x38;
	[tilespmem:$0x18100] =	vst v63  }
0x29d: {  	_ =	swait.ge [sflag:s26], $0x2000  }
0x29e: {  	(v2sf) =	vpush v8, $0x1;
	_ =	sdelay $0xe  }
0x29f: {  	s10 =	spop (v2sf)  }
0x2a0: {  	s3 =	sand.u32 $0x7F, s10  }
0x2a1: {  	v58 =	vor.u32 s3, v0;
	_ =	sdelay $0x2  }
0x2a2: {  	[sflag:s26] =	ssyncset.done $0x0  }
0x2a3: {  	s22 =	sadd.s32 $0xFFFFFFF2, s9;
	[sflag:s26] =	ssyncadd.s32 $0xFFFFE000  }
0x2a4: {  	v59 =	vmov s22;
	v9 =	vld.idx.msk [tilespmem:v58+s15+$0x0], $0xffff  }
0x2a5: {  	v60 =	vshll.u32 v59, $0x3  }
0x2a6: {  	v11 =	vand.u32 $0x400, v60;
	v10 =	vand.u32 $0x71, v59;
	v61 =	vld [tilespmem:s1+$0xFFFFFC80]  }
0x2a7: {  	v10 =	vor.u32 v10, v11  }
0x2a8: {  	v11 =	vor.u32 v1, v10  }
0x2a9: {  	v62 =	vor.u32 s3, v2;
	v9 =	vmul.f32 $8.000000000e+00, v9;
	_ =	sdelay $0x1  }
0x2aa: {  	v9 =	vadd.f32 v61, v9;
	_ =	sdelay $0x1  }
0x2ab: {  	[tilespmem:v11+s24+$0x0] =	vst.idx.msk $0xffff, v9  }
0x2ac: {  	v9 =	vld.idx.msk [tilespmem:v62+s15+$0x0], $0xffff;
	_ =	sdelay $0x1  }
0x2ad: {  	v11 =	vld [tilespmem:s1+$0xFFFFFC90];
	_ =	sdelay $0x1  }
0x2ae: {  	v63 =	vor.u32 v3, v10  }
0x2af: {  	v16 =	vor.u32 s3, v4;
	v9 =	vmul.f32 $8.000000000e+00, v9;
	_ =	sdelay $0x1  }
0x2b0: {  	v9 =	vadd.f32 v11, v9;
	_ =	sdelay $0x1  }
0x2b1: {  	[tilespmem:v63+s24+$0x0] =	vst.idx.msk $0xffff, v9  }
0x2b2: {  	v9 =	vld.idx.msk [tilespmem:v16+s15+$0x0], $0xffff;
	_ =	sdelay $0x1  }
0x2b3: {  	(v2sf) =	vpush v8, $0x9;
	v17 =	vld [tilespmem:s1+$0xFFFFFCA0];
	_ =	sdelay $0x1  }
0x2b4: {  	v18 =	vor.u32 v5, v10  }
0x2b5: {  	v19 =	vor.u32 s3, v6;
	v9 =	vmul.f32 $8.000000000e+00, v9;
	_ =	sdelay $0x1  }
0x2b6: {  	v9 =	vadd.f32 v17, v9;
	_ =	sdelay $0x1  }
0x2b7: {  	[tilespmem:v18+s24+$0x0] =	vst.idx.msk $0xffff, v9  }
0x2b8: {  	v9 =	vld.idx.msk [tilespmem:v19+s15+$0x0], $0xffff;
	_ =	sdelay $0x1  }
0x2b9: {  	v20 =	vld [tilespmem:s1+$0xFFFFFCB0];
	_ =	sdelay $0x1  }
0x2ba: {  	v10 =	vor.u32 v7, v10  }
0x2bb: {  	v9 =	vmul.f32 $8.000000000e+00, v9;
	_ =	sdelay $0x1  }
0x2bc: {  	s10 =	spop (v2sf);
	v9 =	vadd.f32 v20, v9  }
0x2bd: {  	s26 =	sand.u32 $0xFFFFF80, s10  }
0x2be: {  	s3 =	sadd.s32 s0, s26;
	[tilespmem:v10+s24+$0x0] =	vst.idx.msk $0xffff, v9  }
0x2bf: {  	[tilespmem:s15], [sflag:$0x2] =	stream.strided.gather [hbm4b:s3+s12], $0x2000, s13, s12, $0x38;
	[tilespmem:$0x18100] =	vst v63  }
0x2c0: {  	_ =	swait.ge [sflag:s23], $0x2000  }
0x2c1: {  	(v2sf) =	vpush v8, $0x2;
	_ =	sdelay $0xe  }
0x2c2: {  	s5 =	spop (v2sf)  }
0x2c3: {  	s3 =	sand.u32 $0x7F, s5  }
0x2c4: {  	v21 =	vor.u32 s3, v0;
	_ =	sdelay $0x2  }
0x2c5: {  	[sflag:s23] =	ssyncset.done $0x0  }
0x2c6: {  	s6 =	sadd.s32 $0xFFFFFFF3, s9;
	[sflag:s23] =	ssyncadd.s32 $0xFFFFE000  }
0x2c7: {  	v22 =	vmov s6;
	v9 =	vld.idx.msk [tilespmem:v21+s16+$0x0], $0xffff  }
0x2c8: {  	v23 =	vshll.u32 v22, $0x3  }
0x2c9: {  	v11 =	vand.u32 $0x400, v23;
	v10 =	vand.u32 $0x72, v22;
	v24 =	vld [tilespmem:s1+$0xFFFFFD00]  }
0x2ca: {  	v10 =	vor.u32 v10, v11  }
0x2cb: {  	v11 =	vor.u32 v1, v10  }
0x2cc: {  	v25 =	vor.u32 s3, v2;
	v9 =	vmul.f32 $8.000000000e+00, v9;
	_ =	sdelay $0x1  }
0x2cd: {  	v9 =	vadd.f32 v24, v9;
	_ =	sdelay $0x1  }
0x2ce: {  	[tilespmem:v11+s24+$0x0] =	vst.idx.msk $0xffff, v9  }
0x2cf: {  	v9 =	vld.idx.msk [tilespmem:v25+s16+$0x0], $0xffff;
	_ =	sdelay $0x1  }
0x2d0: {  	v11 =	vld [tilespmem:s1+$0xFFFFFD10];
	_ =	sdelay $0x1  }
0x2d1: {  	v26 =	vor.u32 v3, v10  }
0x2d2: {  	v27 =	vor.u32 s3, v4;
	v9 =	vmul.f32 $8.000000000e+00, v9;
	_ =	sdelay $0x1  }
0x2d3: {  	v9 =	vadd.f32 v11, v9;
	_ =	sdelay $0x1  }
0x2d4: {  	[tilespmem:v26+s24+$0x0] =	vst.idx.msk $0xffff, v9  }
0x2d5: {  	v9 =	vld.idx.msk [tilespmem:v27+s16+$0x0], $0xffff;
	_ =	sdelay $0x1  }
0x2d6: {  	(v2sf) =	vpush v8, $0xA;
	v28 =	vld [tilespmem:s1+$0xFFFFFD20];
	_ =	sdelay $0x1  }
0x2d7: {  	v29 =	vor.u32 v5, v10  }
0x2d8: {  	v30 =	vor.u32 s3, v6;
	v9 =	vmul.f32 $8.000000000e+00, v9;
	_ =	sdelay $0x1  }
0x2d9: {  	v9 =	vadd.f32 v28, v9;
	_ =	sdelay $0x1  }
0x2da: {  	[tilespmem:v29+s24+$0x0] =	vst.idx.msk $0xffff, v9  }
0x2db: {  	v9 =	vld.idx.msk [tilespmem:v30+s16+$0x0], $0xffff;
	_ =	sdelay $0x1  }
0x2dc: {  	v31 =	vld [tilespmem:s1+$0xFFFFFD30];
	_ =	sdelay $0x1  }
0x2dd: {  	v10 =	vor.u32 v7, v10  }
0x2de: {  	v9 =	vmul.f32 $8.000000000e+00, v9;
	_ =	sdelay $0x1  }
0x2df: {  	s5 =	spop (v2sf);
	v9 =	vadd.f32 v31, v9  }
0x2e0: {  	s7 =	sand.u32 $0xFFFFF80, s5  }
0x2e1: {  	s3 =	sadd.s32 s0, s7;
	[tilespmem:v10+s24+$0x0] =	vst.idx.msk $0xffff, v9  }
0x2e2: {  	[tilespmem:s16], [sflag:$0x3] =	stream.strided.gather [hbm4b:s3+s12], $0x2000, s13, s12, $0x38;
	[tilespmem:$0x18100] =	vst v63  }
0x2e3: {  	_ =	swait.ge [sflag:s28], $0x2000  }
0x2e4: {  	(v2sf) =	vpush v8, $0x3;
	_ =	sdelay $0xe  }
0x2e5: {  	s8 =	spop (v2sf)  }
0x2e6: {  	s3 =	sand.u32 $0x7F, s8  }
0x2e7: {  	v32 =	vor.u32 s3, v0;
	_ =	sdelay $0x2  }
0x2e8: {  	[sflag:s28] =	ssyncset.done $0x0  }
0x2e9: {  	s6 =	sadd.s32 $0xFFFFFFF4, s9;
	[sflag:s28] =	ssyncadd.s32 $0xFFFFE000  }
0x2ea: {  	v33 =	vmov s6;
	v9 =	vld.idx.msk [tilespmem:v32+s17+$0x0], $0xffff  }
0x2eb: {  	v34 =	vshll.u32 v33, $0x3  }
0x2ec: {  	v11 =	vand.u32 $0x400, v34;
	v10 =	vand.u32 $0x73, v33;
	v35 =	vld [tilespmem:s1+$0xFFFFFD80]  }
0x2ed: {  	v10 =	vor.u32 v10, v11  }
0x2ee: {  	v11 =	vor.u32 v1, v10  }
0x2ef: {  	v36 =	vor.u32 s3, v2;
	v9 =	vmul.f32 $8.000000000e+00, v9;
	_ =	sdelay $0x1  }
0x2f0: {  	v9 =	vadd.f32 v35, v9;
	_ =	sdelay $0x1  }
0x2f1: {  	[tilespmem:v11+s24+$0x0] =	vst.idx.msk $0xffff, v9  }
0x2f2: {  	v9 =	vld.idx.msk [tilespmem:v36+s17+$0x0], $0xffff;
	_ =	sdelay $0x1  }
0x2f3: {  	v11 =	vld [tilespmem:s1+$0xFFFFFD90];
	_ =	sdelay $0x1  }
0x2f4: {  	v37 =	vor.u32 v3, v10  }
0x2f5: {  	v38 =	vor.u32 s3, v4;
	v9 =	vmul.f32 $8.000000000e+00, v9;
	_ =	sdelay $0x1  }
0x2f6: {  	v9 =	vadd.f32 v11, v9;
	_ =	sdelay $0x1  }
0x2f7: {  	[tilespmem:v37+s24+$0x0] =	vst.idx.msk $0xffff, v9  }
0x2f8: {  	v9 =	vld.idx.msk [tilespmem:v38+s17+$0x0], $0xffff;
	_ =	sdelay $0x1  }
0x2f9: {  	(v2sf) =	vpush v8, $0xB;
	v39 =	vld [tilespmem:s1+$0xFFFFFDA0];
	_ =	sdelay $0x1  }
0x2fa: {  	v40 =	vor.u32 v5, v10  }
0x2fb: {  	v41 =	vor.u32 s3, v6;
	v9 =	vmul.f32 $8.000000000e+00, v9;
	_ =	sdelay $0x1  }
0x2fc: {  	v9 =	vadd.f32 v39, v9;
	_ =	sdelay $0x1  }
0x2fd: {  	[tilespmem:v40+s24+$0x0] =	vst.idx.msk $0xffff, v9  }
0x2fe: {  	v9 =	vld.idx.msk [tilespmem:v41+s17+$0x0], $0xffff;
	_ =	sdelay $0x1  }
0x2ff: {  	v42 =	vld [tilespmem:s1+$0xFFFFFDB0];
	_ =	sdelay $0x1  }
0x300: {  	v10 =	vor.u32 v7, v10  }
0x301: {  	v9 =	vmul.f32 $8.000000000e+00, v9;
	_ =	sdelay $0x1  }
0x302: {  	s6 =	spop (v2sf);
	v9 =	vadd.f32 v42, v9  }
0x303: {  	s22 =	sand.u32 $0xFFFFF80, s6  }
0x304: {  	s3 =	sadd.s32 s0, s22;
	[tilespmem:v10+s24+$0x0] =	vst.idx.msk $0xffff, v9  }
0x305: {  	[tilespmem:s17], [sflag:$0x4] =	stream.strided.gather [hbm4b:s3+s12], $0x2000, s13, s12, $0x38;
	[tilespmem:$0x18100] =	vst v63  }
0x306: {  	_ =	swait.ge [sflag:s29], $0x2000  }
0x307: {  	(v2sf) =	vpush v8, $0x4;
	_ =	sdelay $0xe  }
0x308: {  	s23 =	spop (v2sf)  }
0x309: {  	s3 =	sand.u32 $0x7F, s23  }
0x30a: {  	v43 =	vor.u32 s3, v0;
	_ =	sdelay $0x2  }
0x30b: {  	[sflag:s29] =	ssyncset.done $0x0  }
0x30c: {  	s7 =	sadd.s32 $0xFFFFFFF5, s9;
	[sflag:s29] =	ssyncadd.s32 $0xFFFFE000  }
0x30d: {  	v44 =	vmov s7;
	v9 =	vld.idx.msk [tilespmem:v43+s18+$0x0], $0xffff  }
0x30e: {  	v45 =	vshll.u32 v44, $0x3  }
0x30f: {  	v11 =	vand.u32 $0x400, v45;
	v10 =	vand.u32 $0x74, v44;
	v46 =	vld [tilespmem:s1+$0xFFFFFE00]  }
0x310: {  	v10 =	vor.u32 v10, v11  }
0x311: {  	v11 =	vor.u32 v1, v10  }
0x312: {  	v47 =	vor.u32 s3, v2;
	v9 =	vmul.f32 $8.000000000e+00, v9;
	_ =	sdelay $0x1  }
0x313: {  	v9 =	vadd.f32 v46, v9;
	_ =	sdelay $0x1  }
0x314: {  	[tilespmem:v11+s24+$0x0] =	vst.idx.msk $0xffff, v9  }
0x315: {  	v9 =	vld.idx.msk [tilespmem:v47+s18+$0x0], $0xffff;
	_ =	sdelay $0x1  }
0x316: {  	v11 =	vld [tilespmem:s1+$0xFFFFFE10];
	_ =	sdelay $0x1  }
0x317: {  	v48 =	vor.u32 v3, v10  }
0x318: {  	v49 =	vor.u32 s3, v4;
	v9 =	vmul.f32 $8.000000000e+00, v9;
	_ =	sdelay $0x1  }
0x319: {  	v9 =	vadd.f32 v11, v9;
	_ =	sdelay $0x1  }
0x31a: {  	[tilespmem:v48+s24+$0x0] =	vst.idx.msk $0xffff, v9  }
0x31b: {  	v9 =	vld.idx.msk [tilespmem:v49+s18+$0x0], $0xffff;
	_ =	sdelay $0x1  }
0x31c: {  	(v2sf) =	vpush v8, $0xC;
	v50 =	vld [tilespmem:s1+$0xFFFFFE20];
	_ =	sdelay $0x1  }
0x31d: {  	v51 =	vor.u32 v5, v10  }
0x31e: {  	v52 =	vor.u32 s3, v6;
	v9 =	vmul.f32 $8.000000000e+00, v9;
	_ =	sdelay $0x1  }
0x31f: {  	v9 =	vadd.f32 v50, v9;
	_ =	sdelay $0x1  }
0x320: {  	[tilespmem:v51+s24+$0x0] =	vst.idx.msk $0xffff, v9  }
0x321: {  	v9 =	vld.idx.msk [tilespmem:v52+s18+$0x0], $0xffff;
	_ =	sdelay $0x1  }
0x322: {  	v53 =	vld [tilespmem:s1+$0xFFFFFE30];
	_ =	sdelay $0x1  }
0x323: {  	v10 =	vor.u32 v7, v10  }
0x324: {  	v9 =	vmul.f32 $8.000000000e+00, v9;
	_ =	sdelay $0x1  }
0x325: {  	s7 =	spop (v2sf);
	v9 =	vadd.f32 v53, v9  }
0x326: {  	s26 =	sand.u32 $0xFFFFF80, s7  }
0x327: {  	s3 =	sadd.s32 s0, s26;
	[tilespmem:v10+s24+$0x0] =	vst.idx.msk $0xffff, v9  }
0x328: {  	[tilespmem:s18], [sflag:$0x5] =	stream.strided.gather [hbm4b:s3+s12], $0x2000, s13, s12, $0x38;
	[tilespmem:$0x18100] =	vst v63  }
0x329: {  	_ =	swait.ge [sflag:s30], $0x2000  }
0x32a: {  	(v2sf) =	vpush v8, $0x5;
	_ =	sdelay $0xe  }
0x32b: {  	s8 =	spop (v2sf)  }
0x32c: {  	s3 =	sand.u32 $0x7F, s8  }
0x32d: {  	v54 =	vor.u32 s3, v0;
	_ =	sdelay $0x2  }
0x32e: {  	[sflag:s30] =	ssyncset.done $0x0  }
0x32f: {  	[sflag:s30] =	ssyncadd.s32 $0xFFFFE000;
	s8 =	sadd.s32 $0xFFFFFFF6, s9  }
0x330: {  	v55 =	vmov s8;
	v9 =	vld.idx.msk [tilespmem:v54+s19+$0x0], $0xffff  }
0x331: {  	v56 =	vshll.u32 v55, $0x3  }
0x332: {  	v57 =	vld [tilespmem:s1+$0xFFFFFE80];
	v10 =	vand.u32 $0x75, v55;
	v11 =	vand.u32 $0x400, v56  }
0x333: {  	v10 =	vor.u32 v10, v11  }
0x334: {  	v11 =	vor.u32 v1, v10  }
0x335: {  	v58 =	vor.u32 s3, v2;
	v9 =	vmul.f32 $8.000000000e+00, v9;
	_ =	sdelay $0x1  }
0x336: {  	v9 =	vadd.f32 v57, v9;
	_ =	sdelay $0x1  }
0x337: {  	[tilespmem:v11+s24+$0x0] =	vst.idx.msk $0xffff, v9  }
0x338: {  	v9 =	vld.idx.msk [tilespmem:v58+s19+$0x0], $0xffff;
	_ =	sdelay $0x1  }
0x339: {  	v11 =	vld [tilespmem:s1+$0xFFFFFE90];
	_ =	sdelay $0x1  }
0x33a: {  	v59 =	vor.u32 v3, v10  }
0x33b: {  	v60 =	vor.u32 s3, v4;
	v9 =	vmul.f32 $8.000000000e+00, v9;
	_ =	sdelay $0x1  }
0x33c: {  	v9 =	vadd.f32 v11, v9;
	_ =	sdelay $0x1  }
0x33d: {  	[tilespmem:v59+s24+$0x0] =	vst.idx.msk $0xffff, v9  }
0x33e: {  	v9 =	vld.idx.msk [tilespmem:v60+s19+$0x0], $0xffff;
	_ =	sdelay $0x1  }
0x33f: {  	(v2sf) =	vpush v8, $0xD;
	v61 =	vld [tilespmem:s1+$0xFFFFFEA0];
	_ =	sdelay $0x1  }
0x340: {  	v62 =	vor.u32 v5, v10  }
0x341: {  	v63 =	vor.u32 s3, v6;
	v9 =	vmul.f32 $8.000000000e+00, v9;
	_ =	sdelay $0x1  }
0x342: {  	v9 =	vadd.f32 v61, v9;
	_ =	sdelay $0x1  }
0x343: {  	[tilespmem:v62+s24+$0x0] =	vst.idx.msk $0xffff, v9  }
0x344: {  	v9 =	vld.idx.msk [tilespmem:v63+s19+$0x0], $0xffff;
	_ =	sdelay $0x1  }
0x345: {  	v14 =	vld [tilespmem:s1+$0xFFFFFEB0];
	_ =	sdelay $0x1  }
0x346: {  	v10 =	vor.u32 v7, v10  }
0x347: {  	v9 =	vmul.f32 $8.000000000e+00, v9;
	_ =	sdelay $0x1  }
0x348: {  	s8 =	spop (v2sf);
	v9 =	vadd.f32 v14, v9  }
0x349: {  	s22 =	sand.u32 $0xFFFFF80, s8  }
0x34a: {  	s3 =	sadd.s32 s0, s22;
	[tilespmem:v10+s24+$0x0] =	vst.idx.msk $0xffff, v9  }
0x34b: {  	[tilespmem:s19], [sflag:$0x6] =	stream.strided.gather [hbm4b:s3+s12], $0x2000, s13, s12, $0x38;
	[tilespmem:$0x18100] =	vst v63  }
0x34c: {  	_ =	swait.ge [sflag:s31], $0x2000  }
0x34d: {  	(v2sf) =	vpush v8, $0x6;
	_ =	sdelay $0xe  }
0x34e: {  	s23 =	spop (v2sf)  }
0x34f: {  	s3 =	sand.u32 $0x7F, s23  }
0x350: {  	v15 =	vor.u32 s3, v0;
	_ =	sdelay $0x2  }
0x351: {  	[sflag:s31] =	ssyncset.done $0x0  }
0x352: {  	s22 =	sadd.s32 $0xFFFFFFF7, s9;
	[sflag:s31] =	ssyncadd.s32 $0xFFFFE000  }
0x353: {  	v16 =	vmov s22;
	v9 =	vld.idx.msk [tilespmem:v15+s20+$0x0], $0xffff  }
0x354: {  	v17 =	vshll.u32 v16, $0x3  }
0x355: {  	v11 =	vand.u32 $0x400, v17;
	v10 =	vand.u32 $0x76, v16;
	v18 =	vld [tilespmem:s1+$0xFFFFFF00]  }
0x356: {  	v10 =	vor.u32 v10, v11  }
0x357: {  	v11 =	vor.u32 v1, v10  }
0x358: {  	v19 =	vor.u32 s3, v2;
	v9 =	vmul.f32 $8.000000000e+00, v9;
	_ =	sdelay $0x1  }
0x359: {  	v9 =	vadd.f32 v18, v9;
	_ =	sdelay $0x1  }
0x35a: {  	[tilespmem:v11+s24+$0x0] =	vst.idx.msk $0xffff, v9  }
0x35b: {  	v9 =	vld.idx.msk [tilespmem:v19+s20+$0x0], $0xffff;
	_ =	sdelay $0x1  }
0x35c: {  	v11 =	vld [tilespmem:s1+$0xFFFFFF10];
	_ =	sdelay $0x1  }
0x35d: {  	v20 =	vor.u32 v3, v10  }
0x35e: {  	v21 =	vor.u32 s3, v4;
	v9 =	vmul.f32 $8.000000000e+00, v9;
	_ =	sdelay $0x1  }
0x35f: {  	v9 =	vadd.f32 v11, v9;
	_ =	sdelay $0x1  }
0x360: {  	[tilespmem:v20+s24+$0x0] =	vst.idx.msk $0xffff, v9  }
0x361: {  	v9 =	vld.idx.msk [tilespmem:v21+s20+$0x0], $0xffff;
	_ =	sdelay $0x1  }
0x362: {  	(v2sf) =	vpush v8, $0xE;
	v22 =	vld [tilespmem:s1+$0xFFFFFF20];
	_ =	sdelay $0x1  }
0x363: {  	v23 =	vor.u32 v5, v10  }
0x364: {  	v24 =	vor.u32 s3, v6;
	v9 =	vmul.f32 $8.000000000e+00, v9;
	_ =	sdelay $0x1  }
0x365: {  	v9 =	vadd.f32 v22, v9;
	_ =	sdelay $0x1  }
0x366: {  	[tilespmem:v23+s24+$0x0] =	vst.idx.msk $0xffff, v9  }
0x367: {  	v9 =	vld.idx.msk [tilespmem:v24+s20+$0x0], $0xffff;
	_ =	sdelay $0x1  }
0x368: {  	v25 =	vld [tilespmem:s1+$0xFFFFFF30];
	_ =	sdelay $0x1  }
0x369: {  	v10 =	vor.u32 v7, v10  }
0x36a: {  	v9 =	vmul.f32 $8.000000000e+00, v9;
	_ =	sdelay $0x1  }
0x36b: {  	s22 =	spop (v2sf);
	v9 =	vadd.f32 v25, v9  }
0x36c: {  	s26 =	sand.u32 $0xFFFFF80, s22  }
0x36d: {  	s3 =	sadd.s32 s0, s26;
	[tilespmem:v10+s24+$0x0] =	vst.idx.msk $0xffff, v9  }
0x36e: {  	[tilespmem:s20], [sflag:$0x7] =	stream.strided.gather [hbm4b:s3+s12], $0x2000, s13, s12, $0x38;
	[tilespmem:$0x18100] =	vst v63  }
0x36f: {  	_ =	swait.ge [sflag:s2], $0x2000  }
0x370: {  	(v2sf) =	vpush v8, $0x7;
	_ =	sdelay $0xe  }
0x371: {  	s23 =	spop (v2sf)  }
0x372: {  	s3 =	sand.u32 $0x7F, s23  }
0x373: {  	v26 =	vor.u32 s3, v0;
	_ =	sdelay $0x2  }
0x374: {  	[sflag:s2] =	ssyncset.done $0x0  }
0x375: {  	s26 =	sadd.s32 $0xFFFFFFF8, s9;
	[sflag:s2] =	ssyncadd.s32 $0xFFFFE000  }
0x376: {  	v27 =	vmov s26;
	v9 =	vld.idx.msk [tilespmem:v26+s21+$0x0], $0xffff  }
0x377: {  	v28 =	vshll.u32 v27, $0x3  }
0x378: {  	v11 =	vand.u32 $0x400, v28;
	v10 =	vand.u32 $0x77, v27;
	v29 =	vld [tilespmem:s1+$0xFFFFFF80]  }
0x379: {  	v10 =	vor.u32 v10, v11  }
0x37a: {  	v11 =	vor.u32 v1, v10  }
0x37b: {  	v30 =	vor.u32 s3, v2;
	v9 =	vmul.f32 $8.000000000e+00, v9;
	_ =	sdelay $0x1  }
0x37c: {  	v9 =	vadd.f32 v29, v9;
	_ =	sdelay $0x1  }
0x37d: {  	[tilespmem:v11+s24+$0x0] =	vst.idx.msk $0xffff, v9  }
0x37e: {  	v9 =	vld.idx.msk [tilespmem:v30+s21+$0x0], $0xffff;
	_ =	sdelay $0x1  }
0x37f: {  	v11 =	vld [tilespmem:s1+$0xFFFFFF90];
	_ =	sdelay $0x1  }
0x380: {  	v31 =	vor.u32 v3, v10  }
0x381: {  	v32 =	vor.u32 s3, v4;
	v9 =	vmul.f32 $8.000000000e+00, v9;
	_ =	sdelay $0x1  }
0x382: {  	v9 =	vadd.f32 v11, v9;
	_ =	sdelay $0x1  }
0x383: {  	[tilespmem:v31+s24+$0x0] =	vst.idx.msk $0xffff, v9  }
0x384: {  	v9 =	vld.idx.msk [tilespmem:v32+s21+$0x0], $0xffff;
	_ =	sdelay $0x1  }
0x385: {  	(v2sf) =	vpush v8, $0xF;
	v33 =	vld [tilespmem:s1+$0xFFFFFFA0];
	_ =	sdelay $0x1  }
0x386: {  	v8 =	vor.u32 v5, v10  }
0x387: {  	v34 =	vor.u32 s3, v6;
	v9 =	vmul.f32 $8.000000000e+00, v9;
	_ =	sdelay $0x1  }
0x388: {  	v9 =	vadd.f32 v33, v9;
	_ =	sdelay $0x1  }
0x389: {  	[tilespmem:v8+s24+$0x0] =	vst.idx.msk $0xffff, v9  }
0x38a: {  	v8 =	vld.idx.msk [tilespmem:v34+s21+$0x0], $0xffff;
	_ =	sdelay $0x1  }
0x38b: {  	v9 =	vld [tilespmem:s1+$0xFFFFFFB0];
	_ =	sdelay $0x1  }
0x38c: {  	v10 =	vor.u32 v7, v10  }
0x38d: {  	v8 =	vmul.f32 $8.000000000e+00, v8;
	_ =	sdelay $0x1  }
0x38e: {  	s3 =	spop (v2sf);
	v8 =	vadd.f32 v9, v8  }
0x38f: {  	s11 =	sand.u32 $0x7F, s11;
	s26 =	sand.u32 $0xFFFFF80, s3  }
0x390: {  	s23 =	sadd.s32 s0, s26;
	[tilespmem:v10+s24+$0x0] =	vst.idx.msk $0xffff, v8;
	v8 =	vor.u32 s11, v0  }
0x391: {  	[tilespmem:s21], [sflag:$0x8] =	stream.strided.gather [hbm4b:s23+s12], $0x2000, s13, s12, $0x38;
	[tilespmem:$0x18100] =	vst v63  }
0x392: {  	_ =	swait.ge [sflag:s25], $0x2000  }
0x393: {  	[sflag:s25] =	ssyncset.done $0x0  }
0x394: {  	s26 =	sadd.s32 $0xFFFFFFF9, s9;
	[sflag:s25] =	ssyncadd.s32 $0xFFFFE000  }
0x395: {  	v35 =	vmov s26;
	v8 =	vld.idx.msk [tilespmem:v8+s14+$0x0], $0xffff  }
0x396: {  	v36 =	vshll.u32 v35, $0x3  }
0x397: {  	v9 =	vand.u32 $0x78, v35;
	v10 =	vand.u32 $0x400, v36;
	v37 =	vld [tilespmem:s1+$0x0]  }
0x398: {  	v9 =	vor.u32 v9, v10  }
0x399: {  	v10 =	vor.u32 v1, v9  }
0x39a: {  	v38 =	vor.u32 s11, v2;
	v8 =	vmul.f32 $8.000000000e+00, v8;
	_ =	sdelay $0x1  }
0x39b: {  	v8 =	vadd.f32 v37, v8;
	_ =	sdelay $0x1  }
0x39c: {  	[tilespmem:v10+s24+$0x0] =	vst.idx.msk $0xffff, v8  }
0x39d: {  	v8 =	vld.idx.msk [tilespmem:v38+s14+$0x0], $0xffff;
	_ =	sdelay $0x1  }
0x39e: {  	v10 =	vld [tilespmem:s1+$0x10];
	_ =	sdelay $0x1  }
0x39f: {  	v39 =	vor.u32 v3, v9  }
0x3a0: {  	v40 =	vor.u32 s11, v4;
	v8 =	vmul.f32 $8.000000000e+00, v8;
	_ =	sdelay $0x1  }
0x3a1: {  	v8 =	vadd.f32 v10, v8;
	_ =	sdelay $0x1  }
0x3a2: {  	[tilespmem:v39+s24+$0x0] =	vst.idx.msk $0xffff, v8  }
0x3a3: {  	v8 =	vld.idx.msk [tilespmem:v40+s14+$0x0], $0xffff;
	_ =	sdelay $0x1  }
0x3a4: {  	v41 =	vld [tilespmem:s1+$0x20];
	_ =	sdelay $0x1  }
0x3a5: {  	v42 =	vor.u32 v5, v9  }
0x3a6: {  	v43 =	vor.u32 s11, v6;
	v8 =	vmul.f32 $8.000000000e+00, v8;
	_ =	sdelay $0x1  }
0x3a7: {  	v8 =	vadd.f32 v41, v8;
	_ =	sdelay $0x1  }
0x3a8: {  	[tilespmem:v42+s24+$0x0] =	vst.idx.msk $0xffff, v8  }
0x3a9: {  	v8 =	vld.idx.msk [tilespmem:v43+s14+$0x0], $0xffff;
	_ =	sdelay $0x1  }
0x3aa: {  	v44 =	vld [tilespmem:s1+$0x30];
	_ =	sdelay $0x1  }
0x3ab: {  	v9 =	vor.u32 v7, v9  }
0x3ac: {  	v8 =	vmul.f32 $8.000000000e+00, v8;
	_ =	sdelay $0x1  }
0x3ad: {  	v8 =	vadd.f32 v44, v8;
	_ =	sdelay $0x1  }
0x3ae: {  	p0 =	seq.s32 s9, $0xFF;
	[tilespmem:v9+s24+$0x0] =	vst.idx.msk $0xffff, v8  }
0x3af: {  	v8 =	vld @!p0 [tilespmem:s4+$0x0];
	_ =	sdelay $0x4  }
0x3b0: {  	(v2sf) =	vpush @!p0 v8, $0x0;
	_ =	sdelay $0xe  }
0x3b1: {  	s11 =	spop @!p0 (v2sf)  }
0x3b2: {  	s26 =	simm.s32 @!p0 $0x8100;
	s25 =	sand.u32 $0x7F, s10;
	s11 =	sand.u32 @!p0 $0xFFFFF80, s11  }
0x3b3: {  	s10 =	simm.s32 @!p0 $0x400;
	s23 =	sadd.s32 @!p0 s0, s11;
	s11 =	simm.s32 @!p0 $0x7A1400  }
0x3b4: {  	v8 =	vor.u32 s25, v0;
	[tilespmem:s26], [sflag:$0x1] =	stream.strided.gather @!p0 [hbm4b:s23+s10], $0x2000, s11, s10, $0x38;
	[tilespmem:$0x18100] =	vst v63  }
0x3b5: {  	s26 =	simm.s32 $0x2  }
0x3b6: {  	_ =	swait.ge [sflag:s26], $0x2000  }
0x3b7: {  	[sflag:s26] =	ssyncset.done $0x0  }
0x3b8: {  	s23 =	sadd.s32 $0xFFFFFFFA, s9;
	[sflag:s26] =	ssyncadd.s32 $0xFFFFE000  }
0x3b9: {  	v45 =	vmov s23;
	v8 =	vld.idx.msk [tilespmem:v8+s15+$0x0], $0xffff  }
0x3ba: {  	v46 =	vshll.u32 v45, $0x3  }
0x3bb: {  	v9 =	vand.u32 $0x79, v45;
	v10 =	vand.u32 $0x400, v46;
	v47 =	vld [tilespmem:s1+$0x80]  }
0x3bc: {  	v9 =	vor.u32 v9, v10  }
0x3bd: {  	v10 =	vor.u32 v1, v9  }
0x3be: {  	v48 =	vor.u32 s25, v2;
	v8 =	vmul.f32 $8.000000000e+00, v8;
	_ =	sdelay $0x1  }
0x3bf: {  	v8 =	vadd.f32 v47, v8;
	_ =	sdelay $0x1  }
0x3c0: {  	[tilespmem:v10+s24+$0x0] =	vst.idx.msk $0xffff, v8  }
0x3c1: {  	v8 =	vld.idx.msk [tilespmem:v48+s15+$0x0], $0xffff;
	_ =	sdelay $0x1  }
0x3c2: {  	v10 =	vld [tilespmem:s1+$0x90];
	_ =	sdelay $0x1  }
0x3c3: {  	v49 =	vor.u32 v3, v9  }
0x3c4: {  	v50 =	vor.u32 s25, v4;
	v8 =	vmul.f32 $8.000000000e+00, v8;
	_ =	sdelay $0x1  }
0x3c5: {  	v8 =	vadd.f32 v10, v8;
	_ =	sdelay $0x1  }
0x3c6: {  	[tilespmem:v49+s24+$0x0] =	vst.idx.msk $0xffff, v8  }
0x3c7: {  	v8 =	vld.idx.msk [tilespmem:v50+s15+$0x0], $0xffff;
	_ =	sdelay $0x1  }
0x3c8: {  	v51 =	vld [tilespmem:s1+$0xA0];
	_ =	sdelay $0x1  }
0x3c9: {  	v52 =	vor.u32 v5, v9  }
0x3ca: {  	v53 =	vor.u32 s25, v6;
	v8 =	vmul.f32 $8.000000000e+00, v8;
	_ =	sdelay $0x1  }
0x3cb: {  	v8 =	vadd.f32 v51, v8;
	_ =	sdelay $0x1  }
0x3cc: {  	[tilespmem:v52+s24+$0x0] =	vst.idx.msk $0xffff, v8  }
0x3cd: {  	v8 =	vld.idx.msk [tilespmem:v53+s15+$0x0], $0xffff;
	_ =	sdelay $0x1  }
0x3ce: {  	v54 =	vld [tilespmem:s1+$0xB0];
	_ =	sdelay $0x1  }
0x3cf: {  	v9 =	vor.u32 v7, v9  }
0x3d0: {  	v8 =	vmul.f32 $8.000000000e+00, v8;
	_ =	sdelay $0x1  }
0x3d1: {  	v8 =	vadd.f32 v54, v8;
	_ =	sdelay $0x1  }
0x3d2: {  	[tilespmem:v9+s24+$0x0] =	vst.idx.msk $0xffff, v8  }
0x3d3: {  	v8 =	vld @!p0 [tilespmem:s4+$0x0];
	_ =	sdelay $0x4  }
0x3d4: {  	(v2sf) =	vpush @!p0 v8, $0x1;
	_ =	sdelay $0xe  }
0x3d5: {  	s23 =	spop @!p0 (v2sf)  }
0x3d6: {  	s5 =	sand.u32 $0x7F, s5;
	s23 =	sand.u32 @!p0 $0xFFFFF80, s23  }
0x3d7: {  	s28 =	simm.s32 $0x3;
	s25 =	simm.s32 @!p0 $0xA100;
	v8 =	vor.u32 s5, v0;
	s23 =	sadd.s32 @!p0 s0, s23  }
0x3d8: {  	[tilespmem:s25], [sflag:$0x2] =	stream.strided.gather @!p0 [hbm4b:s23+s10], $0x2000, s11, s10, $0x38;
	[tilespmem:$0x18100] =	vst v63  }
0x3d9: {  	_ =	swait.ge [sflag:s28], $0x2000  }
0x3da: {  	[sflag:s28] =	ssyncset.done $0x0  }
0x3db: {  	s25 =	sadd.s32 $0xFFFFFFFB, s9;
	[sflag:s28] =	ssyncadd.s32 $0xFFFFE000  }
0x3dc: {  	v55 =	vmov s25;
	v8 =	vld.idx.msk [tilespmem:v8+s16+$0x0], $0xffff  }
0x3dd: {  	v56 =	vshll.u32 v55, $0x3  }
0x3de: {  	v9 =	vand.u32 $0x7A, v55;
	v10 =	vand.u32 $0x400, v56;
	v57 =	vld [tilespmem:s1+$0x100]  }
0x3df: {  	v9 =	vor.u32 v9, v10  }
0x3e0: {  	v10 =	vor.u32 v1, v9  }
0x3e1: {  	v58 =	vor.u32 s5, v2;
	v8 =	vmul.f32 $8.000000000e+00, v8;
	_ =	sdelay $0x1  }
0x3e2: {  	v8 =	vadd.f32 v57, v8;
	_ =	sdelay $0x1  }
0x3e3: {  	[tilespmem:v10+s24+$0x0] =	vst.idx.msk $0xffff, v8  }
0x3e4: {  	v8 =	vld.idx.msk [tilespmem:v58+s16+$0x0], $0xffff;
	_ =	sdelay $0x1  }
0x3e5: {  	v10 =	vld [tilespmem:s1+$0x110];
	_ =	sdelay $0x1  }
0x3e6: {  	v59 =	vor.u32 v3, v9  }
0x3e7: {  	v60 =	vor.u32 s5, v4;
	v8 =	vmul.f32 $8.000000000e+00, v8;
	_ =	sdelay $0x1  }
0x3e8: {  	v8 =	vadd.f32 v10, v8;
	_ =	sdelay $0x1  }
0x3e9: {  	[tilespmem:v59+s24+$0x0] =	vst.idx.msk $0xffff, v8  }
0x3ea: {  	v8 =	vld.idx.msk [tilespmem:v60+s16+$0x0], $0xffff;
	_ =	sdelay $0x1  }
0x3eb: {  	v61 =	vld [tilespmem:s1+$0x120];
	_ =	sdelay $0x1  }
0x3ec: {  	v62 =	vor.u32 v5, v9  }
0x3ed: {  	v63 =	vor.u32 s5, v6;
	v8 =	vmul.f32 $8.000000000e+00, v8;
	_ =	sdelay $0x1  }
0x3ee: {  	v8 =	vadd.f32 v61, v8;
	_ =	sdelay $0x1  }
0x3ef: {  	[tilespmem:v62+s24+$0x0] =	vst.idx.msk $0xffff, v8  }
0x3f0: {  	v8 =	vld.idx.msk [tilespmem:v63+s16+$0x0], $0xffff;
	_ =	sdelay $0x1  }
0x3f1: {  	v13 =	vld [tilespmem:s1+$0x130];
	_ =	sdelay $0x1  }
0x3f2: {  	v9 =	vor.u32 v7, v9  }
0x3f3: {  	v8 =	vmul.f32 $8.000000000e+00, v8;
	_ =	sdelay $0x1  }
0x3f4: {  	v8 =	vadd.f32 v13, v8;
	_ =	sdelay $0x1  }
0x3f5: {  	[tilespmem:v9+s24+$0x0] =	vst.idx.msk $0xffff, v8  }
0x3f6: {  	v8 =	vld @!p0 [tilespmem:s4+$0x0];
	_ =	sdelay $0x4  }
0x3f7: {  	(v2sf) =	vpush @!p0 v8, $0x2;
	_ =	sdelay $0xe  }
0x3f8: {  	s5 =	spop @!p0 (v2sf)  }
0x3f9: {  	s6 =	sand.u32 $0x7F, s6;
	s5 =	sand.u32 @!p0 $0xFFFFF80, s5  }
0x3fa: {  	s23 =	simm.s32 @!p0 $0xC100;
	s28 =	simm.s32 $0x4;
	v8 =	vor.u32 s6, v0;
	s5 =	sadd.s32 @!p0 s0, s5  }
0x3fb: {  	[tilespmem:s23], [sflag:$0x3] =	stream.strided.gather @!p0 [hbm4b:s5+s10], $0x2000, s11, s10, $0x38;
	[tilespmem:$0x18100] =	vst v63  }
0x3fc: {  	_ =	swait.ge [sflag:s28], $0x2000  }
0x3fd: {  	[sflag:s28] =	ssyncset.done $0x0  }
0x3fe: {  	s23 =	sadd.s32 $0xFFFFFFFC, s9;
	[sflag:s28] =	ssyncadd.s32 $0xFFFFE000  }
0x3ff: {  	v14 =	vmov s23;
	v8 =	vld.idx.msk [tilespmem:v8+s17+$0x0], $0xffff  }
0x400: {  	v15 =	vshll.u32 v14, $0x3  }
0x401: {  	v9 =	vand.u32 $0x7B, v14;
	v10 =	vand.u32 $0x400, v15;
	v16 =	vld [tilespmem:s1+$0x180]  }
0x402: {  	v9 =	vor.u32 v9, v10  }
0x403: {  	v10 =	vor.u32 v1, v9  }
0x404: {  	v17 =	vor.u32 s6, v2;
	v8 =	vmul.f32 $8.000000000e+00, v8;
	_ =	sdelay $0x1  }
0x405: {  	v8 =	vadd.f32 v16, v8;
	_ =	sdelay $0x1  }
0x406: {  	[tilespmem:v10+s24+$0x0] =	vst.idx.msk $0xffff, v8  }
0x407: {  	v8 =	vld.idx.msk [tilespmem:v17+s17+$0x0], $0xffff;
	_ =	sdelay $0x1  }
0x408: {  	v10 =	vld [tilespmem:s1+$0x190];
	_ =	sdelay $0x1  }
0x409: {  	v18 =	vor.u32 v3, v9  }
0x40a: {  	v19 =	vor.u32 s6, v4;
	v8 =	vmul.f32 $8.000000000e+00, v8;
	_ =	sdelay $0x1  }
0x40b: {  	v8 =	vadd.f32 v10, v8;
	_ =	sdelay $0x1  }
0x40c: {  	[tilespmem:v18+s24+$0x0] =	vst.idx.msk $0xffff, v8  }
0x40d: {  	v8 =	vld.idx.msk [tilespmem:v19+s17+$0x0], $0xffff;
	_ =	sdelay $0x1  }
0x40e: {  	v20 =	vld [tilespmem:s1+$0x1A0];
	_ =	sdelay $0x1  }
0x40f: {  	v21 =	vor.u32 v5, v9  }
0x410: {  	v22 =	vor.u32 s6, v6;
	v8 =	vmul.f32 $8.000000000e+00, v8;
	_ =	sdelay $0x1  }
0x411: {  	v8 =	vadd.f32 v20, v8;
	_ =	sdelay $0x1  }
0x412: {  	[tilespmem:v21+s24+$0x0] =	vst.idx.msk $0xffff, v8  }
0x413: {  	v8 =	vld.idx.msk [tilespmem:v22+s17+$0x0], $0xffff;
	_ =	sdelay $0x1  }
0x414: {  	v23 =	vld [tilespmem:s1+$0x1B0];
	_ =	sdelay $0x1  }
0x415: {  	v9 =	vor.u32 v7, v9  }
0x416: {  	v8 =	vmul.f32 $8.000000000e+00, v8;
	_ =	sdelay $0x1  }
0x417: {  	v8 =	vadd.f32 v23, v8;
	_ =	sdelay $0x1  }
0x418: {  	[tilespmem:v9+s24+$0x0] =	vst.idx.msk $0xffff, v8  }
0x419: {  	v8 =	vld @!p0 [tilespmem:s4+$0x0];
	_ =	sdelay $0x4  }
0x41a: {  	(v2sf) =	vpush @!p0 v8, $0x3;
	_ =	sdelay $0xe  }
0x41b: {  	s5 =	spop @!p0 (v2sf)  }
0x41c: {  	s25 =	sand.u32 $0x7F, s7;
	s5 =	sand.u32 @!p0 $0xFFFFF80, s5  }
0x41d: {  	s7 =	simm.s32 @!p0 $0xE100;
	v8 =	vor.u32 s25, v0;
	s5 =	sadd.s32 @!p0 s0, s5  }
0x41e: {  	[tilespmem:s7], [sflag:$0x4] =	stream.strided.gather @!p0 [hbm4b:s5+s10], $0x2000, s11, s10, $0x38;
	[tilespmem:$0x18100] =	vst v63  }
0x41f: {  	_ =	swait.ge [sflag:s29], $0x2000  }
0x420: {  	[sflag:s29] =	ssyncset.done $0x0  }
0x421: {  	s23 =	sadd.s32 $0xFFFFFFFD, s9;
	[sflag:s29] =	ssyncadd.s32 $0xFFFFE000  }
0x422: {  	v24 =	vmov s23;
	v8 =	vld.idx.msk [tilespmem:v8+s18+$0x0], $0xffff  }
0x423: {  	v25 =	vshll.u32 v24, $0x3  }
0x424: {  	v10 =	vand.u32 $0x400, v25;
	v9 =	vand.u32 $0x7C, v24;
	v26 =	vld [tilespmem:s1+$0x200]  }
0x425: {  	v9 =	vor.u32 v9, v10  }
0x426: {  	v10 =	vor.u32 v1, v9  }
0x427: {  	v27 =	vor.u32 s25, v2;
	v8 =	vmul.f32 $8.000000000e+00, v8;
	_ =	sdelay $0x1  }
0x428: {  	v8 =	vadd.f32 v26, v8;
	_ =	sdelay $0x1  }
0x429: {  	[tilespmem:v10+s24+$0x0] =	vst.idx.msk $0xffff, v8  }
0x42a: {  	v8 =	vld.idx.msk [tilespmem:v27+s18+$0x0], $0xffff;
	_ =	sdelay $0x1  }
0x42b: {  	v10 =	vld [tilespmem:s1+$0x210];
	_ =	sdelay $0x1  }
0x42c: {  	v28 =	vor.u32 v3, v9  }
0x42d: {  	v29 =	vor.u32 s25, v4;
	v8 =	vmul.f32 $8.000000000e+00, v8;
	_ =	sdelay $0x1  }
0x42e: {  	v8 =	vadd.f32 v10, v8;
	_ =	sdelay $0x1  }
0x42f: {  	[tilespmem:v28+s24+$0x0] =	vst.idx.msk $0xffff, v8  }
0x430: {  	v8 =	vld.idx.msk [tilespmem:v29+s18+$0x0], $0xffff;
	_ =	sdelay $0x1  }
0x431: {  	v30 =	vld [tilespmem:s1+$0x220];
	_ =	sdelay $0x1  }
0x432: {  	v31 =	vor.u32 v5, v9  }
0x433: {  	v32 =	vor.u32 s25, v6;
	v8 =	vmul.f32 $8.000000000e+00, v8;
	_ =	sdelay $0x1  }
0x434: {  	v8 =	vadd.f32 v30, v8;
	_ =	sdelay $0x1  }
0x435: {  	[tilespmem:v31+s24+$0x0] =	vst.idx.msk $0xffff, v8  }
0x436: {  	v8 =	vld.idx.msk [tilespmem:v32+s18+$0x0], $0xffff;
	_ =	sdelay $0x1  }
0x437: {  	v33 =	vld [tilespmem:s1+$0x230];
	_ =	sdelay $0x1  }
0x438: {  	v9 =	vor.u32 v7, v9  }
0x439: {  	v8 =	vmul.f32 $8.000000000e+00, v8;
	_ =	sdelay $0x1  }
0x43a: {  	v8 =	vadd.f32 v33, v8;
	_ =	sdelay $0x1  }
0x43b: {  	[tilespmem:v9+s24+$0x0] =	vst.idx.msk $0xffff, v8  }
0x43c: {  	v8 =	vld @!p0 [tilespmem:s4+$0x0];
	_ =	sdelay $0x4  }
0x43d: {  	(v2sf) =	vpush @!p0 v8, $0x4;
	_ =	sdelay $0xe  }
0x43e: {  	s5 =	spop @!p0 (v2sf)  }
0x43f: {  	s25 =	sand.u32 $0x7F, s8;
	s5 =	sand.u32 @!p0 $0xFFFFF80, s5  }
0x440: {  	s7 =	simm.s32 @!p0 $0x10100;
	v8 =	vor.u32 s25, v0;
	s5 =	sadd.s32 @!p0 s0, s5  }
0x441: {  	[tilespmem:s7], [sflag:$0x5] =	stream.strided.gather @!p0 [hbm4b:s5+s10], $0x2000, s11, s10, $0x38;
	[tilespmem:$0x18100] =	vst v63  }
0x442: {  	_ =	swait.ge [sflag:s30], $0x2000  }
0x443: {  	[sflag:s30] =	ssyncset.done $0x0  }
0x444: {  	s8 =	sadd.s32 $0xFFFFFFFE, s9;
	[sflag:s30] =	ssyncadd.s32 $0xFFFFE000  }
0x445: {  	v34 =	vmov s8;
	v8 =	vld.idx.msk [tilespmem:v8+s19+$0x0], $0xffff  }
0x446: {  	v35 =	vshll.u32 v34, $0x3  }
0x447: {  	v10 =	vand.u32 $0x400, v35;
	v9 =	vand.u32 $0x7D, v34;
	v36 =	vld [tilespmem:s1+$0x280]  }
0x448: {  	v9 =	vor.u32 v9, v10  }
0x449: {  	v10 =	vor.u32 v1, v9  }
0x44a: {  	v37 =	vor.u32 s25, v2;
	v8 =	vmul.f32 $8.000000000e+00, v8;
	_ =	sdelay $0x1  }
0x44b: {  	v8 =	vadd.f32 v36, v8;
	_ =	sdelay $0x1  }
0x44c: {  	[tilespmem:v10+s24+$0x0] =	vst.idx.msk $0xffff, v8  }
0x44d: {  	v8 =	vld.idx.msk [tilespmem:v37+s19+$0x0], $0xffff;
	_ =	sdelay $0x1  }
0x44e: {  	v10 =	vld [tilespmem:s1+$0x290];
	_ =	sdelay $0x1  }
0x44f: {  	v38 =	vor.u32 v3, v9  }
0x450: {  	v39 =	vor.u32 s25, v4;
	v8 =	vmul.f32 $8.000000000e+00, v8;
	_ =	sdelay $0x1  }
0x451: {  	v8 =	vadd.f32 v10, v8;
	_ =	sdelay $0x1  }
0x452: {  	[tilespmem:v38+s24+$0x0] =	vst.idx.msk $0xffff, v8  }
0x453: {  	v8 =	vld.idx.msk [tilespmem:v39+s19+$0x0], $0xffff;
	_ =	sdelay $0x1  }
0x454: {  	v40 =	vld [tilespmem:s1+$0x2A0];
	_ =	sdelay $0x1  }
0x455: {  	v41 =	vor.u32 v5, v9  }
0x456: {  	v42 =	vor.u32 s25, v6;
	v8 =	vmul.f32 $8.000000000e+00, v8;
	_ =	sdelay $0x1  }
0x457: {  	v8 =	vadd.f32 v40, v8;
	_ =	sdelay $0x1  }
0x458: {  	[tilespmem:v41+s24+$0x0] =	vst.idx.msk $0xffff, v8  }
0x459: {  	v8 =	vld.idx.msk [tilespmem:v42+s19+$0x0], $0xffff;
	_ =	sdelay $0x1  }
0x45a: {  	v43 =	vld [tilespmem:s1+$0x2B0];
	_ =	sdelay $0x1  }
0x45b: {  	v9 =	vor.u32 v7, v9  }
0x45c: {  	v8 =	vmul.f32 $8.000000000e+00, v8;
	_ =	sdelay $0x1  }
0x45d: {  	v8 =	vadd.f32 v43, v8;
	_ =	sdelay $0x1  }
0x45e: {  	[tilespmem:v9+s24+$0x0] =	vst.idx.msk $0xffff, v8  }
0x45f: {  	v8 =	vld @!p0 [tilespmem:s4+$0x0];
	_ =	sdelay $0x4  }
0x460: {  	(v2sf) =	vpush @!p0 v8, $0x5;
	_ =	sdelay $0xe  }
0x461: {  	s5 =	spop @!p0 (v2sf)  }
0x462: {  	s23 =	sand.u32 $0x7F, s22;
	s5 =	sand.u32 @!p0 $0xFFFFF80, s5  }
0x463: {  	s7 =	simm.s32 @!p0 $0x12100;
	v8 =	vor.u32 s23, v0;
	s5 =	sadd.s32 @!p0 s0, s5  }
0x464: {  	[tilespmem:s7], [sflag:$0x6] =	stream.strided.gather @!p0 [hbm4b:s5+s10], $0x2000, s11, s10, $0x38;
	[tilespmem:$0x18100] =	vst v63  }
0x465: {  	_ =	swait.ge [sflag:s31], $0x2000  }
0x466: {  	[sflag:s31] =	ssyncset.done $0x0  }
0x467: {  	s25 =	sadd.s32 $0xFFFFFFFF, s9;
	[sflag:s31] =	ssyncadd.s32 $0xFFFFE000  }
0x468: {  	v44 =	vmov s25;
	v8 =	vld.idx.msk [tilespmem:v8+s20+$0x0], $0xffff  }
0x469: {  	v45 =	vshll.u32 v44, $0x3  }
0x46a: {  	v10 =	vand.u32 $0x400, v45;
	v9 =	vand.u32 $0x7E, v44;
	v46 =	vld [tilespmem:s1+$0x300]  }
0x46b: {  	v9 =	vor.u32 v9, v10  }
0x46c: {  	v10 =	vor.u32 v1, v9  }
0x46d: {  	v47 =	vor.u32 s23, v2;
	v8 =	vmul.f32 $8.000000000e+00, v8;
	_ =	sdelay $0x1  }
0x46e: {  	v8 =	vadd.f32 v46, v8;
	_ =	sdelay $0x1  }
0x46f: {  	[tilespmem:v10+s24+$0x0] =	vst.idx.msk $0xffff, v8  }
0x470: {  	v8 =	vld.idx.msk [tilespmem:v47+s20+$0x0], $0xffff;
	_ =	sdelay $0x1  }
0x471: {  	v10 =	vld [tilespmem:s1+$0x310];
	_ =	sdelay $0x1  }
0x472: {  	v48 =	vor.u32 v3, v9  }
0x473: {  	v49 =	vor.u32 s23, v4;
	v8 =	vmul.f32 $8.000000000e+00, v8;
	_ =	sdelay $0x1  }
0x474: {  	v8 =	vadd.f32 v10, v8;
	_ =	sdelay $0x1  }
0x475: {  	[tilespmem:v48+s24+$0x0] =	vst.idx.msk $0xffff, v8  }
0x476: {  	v8 =	vld.idx.msk [tilespmem:v49+s20+$0x0], $0xffff;
	_ =	sdelay $0x1  }
0x477: {  	v50 =	vld [tilespmem:s1+$0x320];
	_ =	sdelay $0x1  }
0x478: {  	v51 =	vor.u32 v5, v9  }
0x479: {  	v52 =	vor.u32 s23, v6;
	v8 =	vmul.f32 $8.000000000e+00, v8;
	_ =	sdelay $0x1  }
0x47a: {  	v8 =	vadd.f32 v50, v8;
	_ =	sdelay $0x1  }
0x47b: {  	[tilespmem:v51+s24+$0x0] =	vst.idx.msk $0xffff, v8  }
0x47c: {  	v8 =	vld.idx.msk [tilespmem:v52+s20+$0x0], $0xffff;
	_ =	sdelay $0x1  }
0x47d: {  	v53 =	vld [tilespmem:s1+$0x330];
	_ =	sdelay $0x1  }
0x47e: {  	v9 =	vor.u32 v7, v9  }
0x47f: {  	v8 =	vmul.f32 $8.000000000e+00, v8;
	_ =	sdelay $0x1  }
0x480: {  	v8 =	vadd.f32 v53, v8;
	_ =	sdelay $0x1  }
0x481: {  	[tilespmem:v9+s24+$0x0] =	vst.idx.msk $0xffff, v8  }
0x482: {  	v8 =	vld @!p0 [tilespmem:s4+$0x0];
	_ =	sdelay $0x4  }
0x483: {  	(v2sf) =	vpush @!p0 v8, $0x6;
	_ =	sdelay $0xe  }
0x484: {  	s5 =	spop @!p0 (v2sf)  }
0x485: {  	s3 =	sand.u32 $0x7F, s3;
	s5 =	sand.u32 @!p0 $0xFFFFF80, s5  }
0x486: {  	s6 =	simm.s32 @!p0 $0x14100;
	v8 =	vor.u32 s3, v0;
	s5 =	sadd.s32 @!p0 s0, s5  }
0x487: {  	[tilespmem:s6], [sflag:$0x7] =	stream.strided.gather @!p0 [hbm4b:s5+s10], $0x2000, s11, s10, $0x38;
	[tilespmem:$0x18100] =	vst v63  }
0x488: {  	_ =	swait.ge [sflag:s2], $0x2000  }
0x489: {  	[sflag:s2] =	ssyncset.done $0x0  }
0x48a: {  	[sflag:s2] =	ssyncadd.s32 $0xFFFFE000  }
0x48b: {  	v54 =	vmov s9;
	v8 =	vld.idx.msk [tilespmem:v8+s21+$0x0], $0xffff  }
0x48c: {  	v55 =	vshll.u32 v54, $0x3  }
0x48d: {  	v10 =	vand.u32 $0x400, v55;
	v9 =	vand.u32 $0x7F, v54;
	v56 =	vld [tilespmem:s1+$0x380]  }
0x48e: {  	v9 =	vor.u32 v9, v10  }
0x48f: {  	v10 =	vor.u32 v1, v9  }
0x490: {  	v57 =	vor.u32 s3, v2;
	v8 =	vmul.f32 $8.000000000e+00, v8;
	_ =	sdelay $0x1  }
0x491: {  	v8 =	vadd.f32 v56, v8;
	_ =	sdelay $0x1  }
0x492: {  	[tilespmem:v10+s24+$0x0] =	vst.idx.msk $0xffff, v8  }
0x493: {  	v8 =	vld.idx.msk [tilespmem:v57+s21+$0x0], $0xffff;
	_ =	sdelay $0x1  }
0x494: {  	v10 =	vld [tilespmem:s1+$0x390];
	_ =	sdelay $0x1  }
0x495: {  	v58 =	vor.u32 v3, v9  }
0x496: {  	v59 =	vor.u32 s3, v4;
	v8 =	vmul.f32 $8.000000000e+00, v8;
	_ =	sdelay $0x1  }
0x497: {  	v8 =	vadd.f32 v10, v8;
	_ =	sdelay $0x1  }
0x498: {  	[tilespmem:v58+s24+$0x0] =	vst.idx.msk $0xffff, v8  }
0x499: {  	v8 =	vld.idx.msk [tilespmem:v59+s21+$0x0], $0xffff;
	_ =	sdelay $0x1  }
0x49a: {  	v60 =	vld [tilespmem:s1+$0x3A0];
	_ =	sdelay $0x1  }
0x49b: {  	v61 =	vor.u32 v5, v9  }
0x49c: {  	v62 =	vor.u32 s3, v6;
	v8 =	vmul.f32 $8.000000000e+00, v8;
	_ =	sdelay $0x1  }
0x49d: {  	v8 =	vadd.f32 v60, v8;
	_ =	sdelay $0x1  }
0x49e: {  	[tilespmem:v61+s24+$0x0] =	vst.idx.msk $0xffff, v8  }
0x49f: {  	v8 =	vld.idx.msk [tilespmem:v62+s21+$0x0], $0xffff;
	_ =	sdelay $0x1  }
0x4a0: {  	v63 =	vld [tilespmem:s1+$0x3B0];
	_ =	sdelay $0x1  }
0x4a1: {  	v9 =	vor.u32 v7, v9  }
.Ltmp3:
0x4a2: {  	v8 =	vmul.f32 $8.000000000e+00, v8;
	(pc) =	sbr.rel @p0 .LBB2_6-.Ltmp3, $3  }
0x4a3: {  	_ = 	snop  }
0x4a4: {  	v8 =	vadd.f32 v63, v8;
	_ =	sdelay $0x1  }
0x4a5: {  	[tilespmem:v9+s24+$0x0] =	vst.idx.msk $0xffff, v8  }
0x4a6: {  	v8 =	vld [tilespmem:s4+$0x0];
	_ =	sdelay $0x4  }
0x4a7: {  	(v2sf) =	vpush v8, $0x7;
	_ =	sdelay $0xd  }
.Ltmp4:
0x4a8: {  	_ = 	snop;
	(pc) =	sbr.rel .LBB2_4-.Ltmp4, $4  }
0x4a9: {  	s1 =	sadd.s32 $0x800, s1;
	s3 =	spop (v2sf)  }
0x4aa: {  	s9 =	sadd.s32 $0x10, s9;
	s4 =	sadd.s32 $0x10, s4;
	s3 =	sand.u32 $0xFFFFF80, s3  }
0x4ab: {  	s5 =	simm.s32 $0x1;
	s23 =	simm.s32 $0x3;
	s3 =	sadd.s32 s0, s3  }
0x4ac: {  	[tilespmem:s21], [sflag:$0x8] =	stream.strided.gather [hbm4b:s3+s12], $0x2000, s13, s12, $0x38;
	[tilespmem:$0x18100] =	vst v63  }
.LBB2_7:
0x4ad: {  	_ =	sfence.sel $0x180000  }
0x4ae: {  	[bflag:$0x0] =	sbarrier.arrive $0xFFFF  }
0x4af: {  	_ =	strace $0x90000047  }
0x4b0: {  	s0 =	stileid.u32;
	[bflag:$0x2] =	sbarrier.arrive $0xFFFF  }
0x4b1: {  	p0 =	sne.s32 s0, $0x0;
	s0 =	rddreg [dreg:$0x4]  }
0x4b2: {  	s0 =	sadd.s32 @!p0 $0x100000, s0  }
0x4b3: {  	[sflag:s0] =	ssyncadd.tile.s32 @!p0 $0x1;
	_ =	shalt  }
.Lfunc_end2:
_tile_overlayer_lowered:
.L_overlay_start_2:
0x4b4: {  	(tag) =	ssettag $0x2  }
0x4b5: {  	s0 =	rddreg [dreg:$0x0];
	s2 =	stileid.u32  }
0x4b6: {  	s1 =	rddreg [dreg:$0x1];
	p0 =	sne.s32 s2, $0x0  }
0x4b7: {  	s3 =	rddreg [dreg:$0x2];
	[bflag:$0x3] =	sbarrier.arrive $0xFFFF;
	s2 =	simm.s32 @!p0 $0x1C09  }
0x4b8: {  	[timem:s3], [sflag:s2] =	dma.local @!p0 [hbm:s0], s1  }
0x4b9: {  	s0 =	simm.s32 @!p0 $0x9  }
0x4ba: {  	_ =	swait.ge @!p0 [sflag:s0], s1  }
0x4bb: {  	s1 =	ssub.s32 @!p0 $0x0, s1;
	[sflag:s0] =	ssyncset.done @!p0 $0x0  }
0x4bc: {  	[sflag:s0] =	ssyncadd.s32 @!p0 s1  }
0x4bd: {  	[bflag:$0x3] =	sbarrier.arrive $0xFFFF  }
0x4be: {  	_ =	shalt  }

</sc_bundles>
